<compile_context>
chip_gen: v7x
topology: tpu7x:2x2x1
jax: 0.10.2.dev20260603
libtpu: 0.0.44.dev20260713+nightly
codegen_flags: <defaults>
</compile_context>

<pallas_src>
import functools

import jax
import jax.numpy as jnp
from jax import lax
from jax.experimental import pallas as pl
from jax.experimental.pallas import tpu as pltpu
from jax.experimental.pallas import tpu_sc as plsc

N = 10000
E = 320000
C = 128
STEP = 10

NP = 10240
NCORE = 2
NSUB = 16
KCH = 79
B = 128
EP = NCORE * NSUB * KCH * B
ROWS_PER_TILE = NP // NSUB
ZROWS = 64
DW = 8

_mesh = plsc.VectorSubcoreMesh(core_axis_name="c", subcore_axis_name="s")


@functools.partial(
    pl.kernel,
    out_type=jax.ShapeDtypeStruct((NCORE, NP, C), jnp.float32),
    mesh=_mesh,
    scratch_types=[
        pltpu.VMEM((KCH, B), jnp.int32),
        pltpu.VMEM((KCH, B), jnp.int32),
        pltpu.VMEM((B, C), jnp.float32),
        pltpu.VMEM((ZROWS, C), jnp.float32),
        pltpu.VMEM_SHARED((NP, C), jnp.float32),
        pltpu.SemaphoreType.DMA,
    ],
)
def _sc_hop(g_hbm, row_hbm, col_hbm, out_hbm, row_v, col_v, buf, zbuf, acc, sem):
    cid = lax.axis_index("c")
    sid = lax.axis_index("s")

    pltpu.sync_copy(row_hbm.at[cid, sid], row_v)
    pltpu.sync_copy(col_hbm.at[cid, sid], col_v)

    def zero_row(i, _):
        for k in range(C // 16):
            zbuf[i, pl.ds(k * 16, 16)] = jnp.zeros((16,), jnp.float32)
        return 0
    lax.fori_loop(0, ZROWS, zero_row, 0)

    def zero_acc(j, _):
        pltpu.sync_copy(zbuf, acc.at[pl.ds(sid * ROWS_PER_TILE + j * ZROWS, ZROWS)])
        return 0
    lax.fori_loop(0, ROWS_PER_TILE // ZROWS, zero_acc, 0)
    plsc.subcore_barrier()

    def edge_chunk(j, _):
        pltpu.async_copy(g_hbm.at[row_v.at[j]], buf, sem).wait()
        pltpu.sync_copy(buf, acc.at[col_v.at[j]], add=True)
        return 0
    lax.fori_loop(0, KCH, edge_chunk, 0)
    plsc.subcore_barrier()

    pltpu.sync_copy(
        acc.at[pl.ds(sid * ROWS_PER_TILE, ROWS_PER_TILE)],
        out_hbm.at[cid, pl.ds(sid * ROWS_PER_TILE, ROWS_PER_TILE)],
    )


def _softmax_body(t_ref, o_ref):
    t = t_ref[...]
    m = jnp.max(t, axis=0, keepdims=True)
    e = jnp.exp(t - m)
    o_ref[...] = e / jnp.sum(e, axis=0, keepdims=True)


def _tc_softmax(t):
    return pl.pallas_call(
        _softmax_body,
        out_shape=jax.ShapeDtypeStruct((STEP, C), jnp.float32),
    )(t)


_RB = 1024


def _init_body(p_ref, x_ref, tn0_ref, dis_ref, g_ref, y_ref):
    deg = p_ref[0, :, 0:1] + p_ref[1, :, 0:1] + 1.0
    dis = jnp.broadcast_to(lax.rsqrt(deg), (_RB, C))
    x = x_ref[...]
    dis_ref[...] = dis
    g_ref[...] = dis * x
    y_ref[...] = tn0_ref[...] * x


def _tc_init(degp, xp, tn0):
    grid = NP // _RB
    return pl.pallas_call(
        _init_body,
        grid=(grid,),
        in_specs=[
            pl.BlockSpec((NCORE, _RB, DW), lambda i: (0, i, 0)),
            pl.BlockSpec((_RB, C), lambda i: (i, 0)),
            pl.BlockSpec((1, C), lambda i: (0, 0)),
        ],
        out_specs=[
            pl.BlockSpec((_RB, C), lambda i: (i, 0)),
            pl.BlockSpec((_RB, C), lambda i: (i, 0)),
            pl.BlockSpec((_RB, C), lambda i: (i, 0)),
        ],
        out_shape=[
            jax.ShapeDtypeStruct((NP, C), jnp.float32),
            jax.ShapeDtypeStruct((NP, C), jnp.float32),
            jax.ShapeDtypeStruct((NP, C), jnp.float32),
        ],
    )(degp, xp, tn0)


def _hop_body(p_ref, g_ref, dis_ref, y_ref, tn_ref, go_ref, yo_ref):
    dis = dis_ref[...]
    h = dis * (p_ref[0] + p_ref[1] + g_ref[...])
    yo_ref[...] = y_ref[...] + tn_ref[...] * h
    go_ref[...] = dis * h


def _tc_hop(p, g, dis, y, tni):
    grid = NP // _RB
    return pl.pallas_call(
        _hop_body,
        grid=(grid,),
        in_specs=[
            pl.BlockSpec((NCORE, _RB, C), lambda i: (0, i, 0)),
            pl.BlockSpec((_RB, C), lambda i: (i, 0)),
            pl.BlockSpec((_RB, C), lambda i: (i, 0)),
            pl.BlockSpec((_RB, C), lambda i: (i, 0)),
            pl.BlockSpec((1, C), lambda i: (0, 0)),
        ],
        out_specs=[
            pl.BlockSpec((_RB, C), lambda i: (i, 0)),
            pl.BlockSpec((_RB, C), lambda i: (i, 0)),
        ],
        out_shape=[
            jax.ShapeDtypeStruct((NP, C), jnp.float32),
            jax.ShapeDtypeStruct((NP, C), jnp.float32),
        ],
    )(p, g, dis, y, tni)


_FB = 1000


def _final_body(p_ref, g_ref, dis_ref, y_ref, tn_ref, w_ref, b_ref, o_ref):
    h = dis_ref[...] * (p_ref[0] + p_ref[1] + g_ref[...])
    y = y_ref[...] + tn_ref[...] * h
    o_ref[...] = lax.dot_general(
        y, w_ref[...], (((1,), (1,)), ((), ())),
        preferred_element_type=jnp.float32,
    ) + b_ref[...]


def _tc_final(p, g, dis, y, tn9, W, b2):
    grid = N // _FB
    return pl.pallas_call(
        _final_body,
        grid=(grid,),
        in_specs=[
            pl.BlockSpec((NCORE, _FB, C), lambda i: (0, i, 0)),
            pl.BlockSpec((_FB, C), lambda i: (i, 0)),
            pl.BlockSpec((_FB, C), lambda i: (i, 0)),
            pl.BlockSpec((_FB, C), lambda i: (i, 0)),
            pl.BlockSpec((1, C), lambda i: (0, 0)),
            pl.BlockSpec((C, C), lambda i: (0, 0)),
            pl.BlockSpec((1, C), lambda i: (0, 0)),
        ],
        out_specs=pl.BlockSpec((_FB, C), lambda i: (i, 0)),
        out_shape=jax.ShapeDtypeStruct((N, C), jnp.float32),
    )(p, g, dis, y, tn9, W, b2)


def kernel(x, edge_index, t, W, b):
    row = edge_index[0]
    col = edge_index[1]
    pad = EP - E
    dummy = jnp.full((pad,), N, jnp.int32)
    rowp = jnp.concatenate([row, dummy]).reshape(NCORE, NSUB, KCH, B)
    colp = jnp.concatenate([col, dummy]).reshape(NCORE, NSUB, KCH, B)
    xp = jnp.pad(x, ((0, NP - N), (0, 0)))
    ones_g = jnp.pad(jnp.ones((N, C), jnp.float32), ((0, NP - N), (0, 0)))

    degp = _sc_hop(ones_g, rowp, colp)[:, :, :DW]
    tn = _tc_softmax(t)
    dis, g, y = _tc_init(degp, xp, tn[0:1])
    for i in range(1, STEP - 1):
        p = _sc_hop(g, rowp, colp)
        g, y = _tc_hop(p, g, dis, y, tn[i:i + 1])
    p = _sc_hop(g, rowp, colp)
    return _tc_final(p, g, dis, y, tn[STEP - 1:STEP], W, b.reshape(1, C))

# --- scband reference (transcript-rebuilt; emitter-appended) ---
"""Pipeline reference for scband-gcnplus-conv-27419071218304 (READ-ONLY COPY).

The authoritative reference and input builder live on the scoring server;
editing this copy changes nothing except your own understanding.
"""

import jax, jax.numpy as jnp
import numpy as np

N = 10000
E = 320000
C_IN = 128
C_OUT = 128
STEP = 10


def setup_inputs(seed: int = 0) -> dict:
    key = jax.random.key(seed)
    k1, k2, k3, k4 = jax.random.split(key, 4)
    x = jax.random.normal(k1, (N, C_IN), dtype=jnp.float32)
    edge_index = jax.random.randint(k2, (2, E), 0, N, dtype=jnp.int32)
    # learned parameters: diffusion temperature t (step, in_channels), linear W, b
    t = jax.random.normal(k3, (STEP, C_IN), dtype=jnp.float32)
    W = jax.random.normal(k4, (C_OUT, C_IN), dtype=jnp.float32) * 0.05
    b = jnp.zeros((C_OUT,), dtype=jnp.float32)
    return {"x": x, "edge_index": edge_index, "t": t, "W": W, "b": b}


def reference(x, edge_index, t, W, b):
    n = x.shape[0]
    # add self loops
    loops = jnp.arange(n, dtype=edge_index.dtype)
    ei = jnp.concatenate([edge_index, jnp.stack([loops, loops], axis=0)], axis=1)
    row, col = ei[0], ei[1]
    # symmetric normalization: deg over dst (col)
    deg = jax.ops.segment_sum(jnp.ones((ei.shape[1],), dtype=x.dtype), col, num_segments=n)
    deg_inv_sqrt = jnp.power(deg, -0.5)
    norm = deg_inv_sqrt[row] * deg_inv_sqrt[col]
    # softmax over diffusion steps
    t_norm = jax.nn.softmax(t, axis=0)  # (STEP, C_IN)
    # diffusion: x_list[i] = propagate(x_list[i-1]) with message norm * x_j, aggr='add'
    h = x
    y = t_norm[0] * x
    for i in range(1, STEP):
        msg = norm[:, None] * h[row]
        h = jax.ops.segment_sum(msg, col, num_segments=n)
        y = y + t_norm[i] * h
    # linear layer
    return y @ W.T + b

if __name__ == "__main__":
    import jax
    _d = setup_inputs()
    print(jax.jit(kernel)(*tuple(_d.values())))

</pallas_src>

<mosaic_0001>
#map = affine_map<(d0, d1) -> (0, 0)>
#map1 = affine_map<(d0, d1) -> (0, 0, 0, 0)>
#map2 = affine_map<(d0, d1) -> (0, 0, 0)>
module attributes {stable_mosaic.version = 14 : i64} {
  func.func @_sc_hop(%arg0: i32, %arg1: i32, %arg2: memref<10240x128xf32, #tpu.memory_space<hbm>>, %arg3: memref<2x16x79x128xi32, #tpu.memory_space<hbm>>, %arg4: memref<2x16x79x128xi32, #tpu.memory_space<hbm>>, %arg5: memref<2x10240x128xf32, #tpu.memory_space<hbm>>, %arg6: memref<79x128xi32, #tpu.memory_space<vmem>>, %arg7: memref<79x128xi32, #tpu.memory_space<vmem>>, %arg8: memref<128x128xf32, #tpu.memory_space<vmem>>, %arg9: memref<64x128xf32, #tpu.memory_space<vmem>>, %arg10: memref<10240x128xf32, #tpu.memory_space<vmem_shared>>, %arg11: memref<!tpu.dma_semaphore, #tpu.memory_space<semaphore_mem>>) attributes {dimension_semantics = [#tpu.dimension_semantics<core_parallel>, #tpu.dimension_semantics<subcore_parallel>], iteration_bounds = array<i64: 2, 16>, scalar_prefetch = 0 : i64, scratch_operands = 6 : i64, tpu.core_type = #tpu.core_type<sc_vector_subcore>, window_params = [{transform_indices = #map}, {transform_indices = #map1}, {transform_indices = #map1}, {transform_indices = #map2}]} {
    "tpu.region"() ({
      %run_scoped3A = tpu.sem_alloc : memref<!tpu.dma_semaphore, #tpu.memory_space<semaphore_mem>>
      %dma_start3A = arith.constant 0 : i32
      %dma_start3A_24 = arith.constant 0 : i32
      %dma_start3A_25 = tpu.memref_slice %arg3[%arg0, %arg1, %dma_start3A, %dma_start3A_24] : memref<2x16x79x128xi32, #tpu.memory_space<hbm>> -> memref<1x1x79x128xi32, #tpu.memory_space<hbm>>
      %dma_start3A_26 = tpu.memref_squeeze %dma_start3A_25 : memref<1x1x79x128xi32, #tpu.memory_space<hbm>> -> memref<79x128xi32, #tpu.memory_space<hbm>>
      %dma_start3A_27 = arith.constant 0 : i32
      %dma_start3A_28 = arith.constant 0 : i32
      %dma_start3A_29 = tpu.memref_slice %arg3[%arg0, %arg1, %dma_start3A_27, %dma_start3A_28] : memref<2x16x79x128xi32, #tpu.memory_space<hbm>> -> memref<1x1x79x128xi32, #tpu.memory_space<hbm>>
      %dma_start3A_30 = tpu.memref_squeeze %dma_start3A_29 : memref<1x1x79x128xi32, #tpu.memory_space<hbm>> -> memref<79x128xi32, #tpu.memory_space<hbm>>
      tpu.enqueue_dma source(%dma_start3A_30 : memref<79x128xi32, #tpu.memory_space<hbm>>) target(%arg6 : memref<79x128xi32, #tpu.memory_space<vmem>>) target_semaphore(%run_scoped3A : memref<!tpu.dma_semaphore, #tpu.memory_space<semaphore_mem>>)
      %dma_wait3A = arith.constant 0 : i32
      %dma_wait3A_31 = arith.constant 0 : i32
      %dma_wait3A_32 = tpu.memref_slice %arg3[%arg0, %arg1, %dma_wait3A, %dma_wait3A_31] : memref<2x16x79x128xi32, #tpu.memory_space<hbm>> -> memref<1x1x79x128xi32, #tpu.memory_space<hbm>>
      %dma_wait3A_33 = tpu.memref_squeeze %dma_wait3A_32 : memref<1x1x79x128xi32, #tpu.memory_space<hbm>> -> memref<79x128xi32, #tpu.memory_space<hbm>>
      %dma_wait3A_34 = arith.constant 0 : i32
      %dma_wait3A_35 = arith.constant 0 : i32
      %dma_wait3A_36 = tpu.memref_slice %arg3[%arg0, %arg1, %dma_wait3A_34, %dma_wait3A_35] : memref<2x16x79x128xi32, #tpu.memory_space<hbm>> -> memref<1x1x79x128xi32, #tpu.memory_space<hbm>>
      %dma_wait3A_37 = tpu.memref_squeeze %dma_wait3A_36 : memref<1x1x79x128xi32, #tpu.memory_space<hbm>> -> memref<79x128xi32, #tpu.memory_space<hbm>>
      tpu.wait_dma2 semaphore(%run_scoped3A : memref<!tpu.dma_semaphore, #tpu.memory_space<semaphore_mem>>) src(%dma_wait3A_37 : memref<79x128xi32, #tpu.memory_space<hbm>>) dst(%arg6 : memref<79x128xi32, #tpu.memory_space<vmem>>)
      tpu.yield
    }) : () -> ()
    "tpu.region"() ({
      %run_scoped3A = tpu.sem_alloc : memref<!tpu.dma_semaphore, #tpu.memory_space<semaphore_mem>>
      %dma_start3A = arith.constant 0 : i32
      %dma_start3A_24 = arith.constant 0 : i32
      %dma_start3A_25 = tpu.memref_slice %arg4[%arg0, %arg1, %dma_start3A, %dma_start3A_24] : memref<2x16x79x128xi32, #tpu.memory_space<hbm>> -> memref<1x1x79x128xi32, #tpu.memory_space<hbm>>
      %dma_start3A_26 = tpu.memref_squeeze %dma_start3A_25 : memref<1x1x79x128xi32, #tpu.memory_space<hbm>> -> memref<79x128xi32, #tpu.memory_space<hbm>>
      %dma_start3A_27 = arith.constant 0 : i32
      %dma_start3A_28 = arith.constant 0 : i32
      %dma_start3A_29 = tpu.memref_slice %arg4[%arg0, %arg1, %dma_start3A_27, %dma_start3A_28] : memref<2x16x79x128xi32, #tpu.memory_space<hbm>> -> memref<1x1x79x128xi32, #tpu.memory_space<hbm>>
      %dma_start3A_30 = tpu.memref_squeeze %dma_start3A_29 : memref<1x1x79x128xi32, #tpu.memory_space<hbm>> -> memref<79x128xi32, #tpu.memory_space<hbm>>
      tpu.enqueue_dma source(%dma_start3A_30 : memref<79x128xi32, #tpu.memory_space<hbm>>) target(%arg7 : memref<79x128xi32, #tpu.memory_space<vmem>>) target_semaphore(%run_scoped3A : memref<!tpu.dma_semaphore, #tpu.memory_space<semaphore_mem>>)
      %dma_wait3A = arith.constant 0 : i32
      %dma_wait3A_31 = arith.constant 0 : i32
      %dma_wait3A_32 = tpu.memref_slice %arg4[%arg0, %arg1, %dma_wait3A, %dma_wait3A_31] : memref<2x16x79x128xi32, #tpu.memory_space<hbm>> -> memref<1x1x79x128xi32, #tpu.memory_space<hbm>>
      %dma_wait3A_33 = tpu.memref_squeeze %dma_wait3A_32 : memref<1x1x79x128xi32, #tpu.memory_space<hbm>> -> memref<79x128xi32, #tpu.memory_space<hbm>>
      %dma_wait3A_34 = arith.constant 0 : i32
      %dma_wait3A_35 = arith.constant 0 : i32
      %dma_wait3A_36 = tpu.memref_slice %arg4[%arg0, %arg1, %dma_wait3A_34, %dma_wait3A_35] : memref<2x16x79x128xi32, #tpu.memory_space<hbm>> -> memref<1x1x79x128xi32, #tpu.memory_space<hbm>>
      %dma_wait3A_37 = tpu.memref_squeeze %dma_wait3A_36 : memref<1x1x79x128xi32, #tpu.memory_space<hbm>> -> memref<79x128xi32, #tpu.memory_space<hbm>>
      tpu.wait_dma2 semaphore(%run_scoped3A : memref<!tpu.dma_semaphore, #tpu.memory_space<semaphore_mem>>) src(%dma_wait3A_37 : memref<79x128xi32, #tpu.memory_space<hbm>>) dst(%arg7 : memref<79x128xi32, #tpu.memory_space<vmem>>)
      tpu.yield
    }) : () -> ()
    %scan3A = arith.constant 0 : i32
    %scan3A_0 = arith.constant 0 : i32
    %scan3A_1 = arith.constant 64 : i32
    %scan3A_2 = arith.addi %scan3A_0, %scan3A_1 : i32
    %scan3A_3 = arith.constant 1 : i32
    %scan3A_4 = scf.for %scan3A_24 = %scan3A_0 to %scan3A_2 step %scan3A_3 iter_args(%scan3A_25 = %scan3A) -> (i32)  : i32 {
      %broadcast_in_dim3A = arith.constant 0.000000e+00 : f32
      %broadcast_in_dim3A_26 = vector.broadcast %broadcast_in_dim3A : f32 to vector<16xf32>
      %swap3A = arith.index_cast %scan3A_24 : i32 to index
      %swap3A_27 = arith.constant 0 : index
      %swap3A_28 = tpu.vector_load %arg9[%swap3A, %swap3A_27] {strides = array<i32>} : memref<64x128xf32, #tpu.memory_space<vmem>>, vector<1x16xf32>,
      %swap3A_29 = vector.shape_cast %swap3A_28 : vector<1x16xf32> to vector<16xf32>
      %swap3A_30 = vector.shape_cast %broadcast_in_dim3A_26 : vector<16xf32> to vector<1x16xf32>
      tpu.vector_store %arg9[%swap3A, %swap3A_27], %swap3A_30 {strides = array<i32>} : memref<64x128xf32, #tpu.memory_space<vmem>>, vector<1x16xf32>,
      %broadcast_in_dim3A_31 = arith.constant 0.000000e+00 : f32
      %broadcast_in_dim3A_32 = vector.broadcast %broadcast_in_dim3A_31 : f32 to vector<16xf32>
      %swap3A_33 = arith.index_cast %scan3A_24 : i32 to index
      %swap3A_34 = arith.constant 16 : index
      %swap3A_35 = tpu.vector_load %arg9[%swap3A_33, %swap3A_34] {strides = array<i32>} : memref<64x128xf32, #tpu.memory_space<vmem>>, vector<1x16xf32>,
      %swap3A_36 = vector.shape_cast %swap3A_35 : vector<1x16xf32> to vector<16xf32>
      %swap3A_37 = vector.shape_cast %broadcast_in_dim3A_32 : vector<16xf32> to vector<1x16xf32>
      tpu.vector_store %arg9[%swap3A_33, %swap3A_34], %swap3A_37 {strides = array<i32>} : memref<64x128xf32, #tpu.memory_space<vmem>>, vector<1x16xf32>,
      %broadcast_in_dim3A_38 = arith.constant 0.000000e+00 : f32
      %broadcast_in_dim3A_39 = vector.broadcast %broadcast_in_dim3A_38 : f32 to vector<16xf32>
      %swap3A_40 = arith.index_cast %scan3A_24 : i32 to index
      %swap3A_41 = arith.constant 32 : index
      %swap3A_42 = tpu.vector_load %arg9[%swap3A_40, %swap3A_41] {strides = array<i32>} : memref<64x128xf32, #tpu.memory_space<vmem>>, vector<1x16xf32>,
      %swap3A_43 = vector.shape_cast %swap3A_42 : vector<1x16xf32> to vector<16xf32>
      %swap3A_44 = vector.shape_cast %broadcast_in_dim3A_39 : vector<16xf32> to vector<1x16xf32>
      tpu.vector_store %arg9[%swap3A_40, %swap3A_41], %swap3A_44 {strides = array<i32>} : memref<64x128xf32, #tpu.memory_space<vmem>>, vector<1x16xf32>,
      %broadcast_in_dim3A_45 = arith.constant 0.000000e+00 : f32
      %broadcast_in_dim3A_46 = vector.broadcast %broadcast_in_dim3A_45 : f32 to vector<16xf32>
      %swap3A_47 = arith.index_cast %scan3A_24 : i32 to index
      %swap3A_48 = arith.constant 48 : index
      %swap3A_49 = tpu.vector_load %arg9[%swap3A_47, %swap3A_48] {strides = array<i32>} : memref<64x128xf32, #tpu.memory_space<vmem>>, vector<1x16xf32>,
      %swap3A_50 = vector.shape_cast %swap3A_49 : vector<1x16xf32> to vector<16xf32>
      %swap3A_51 = vector.shape_cast %broadcast_in_dim3A_46 : vector<16xf32> to vector<1x16xf32>
      tpu.vector_store %arg9[%swap3A_47, %swap3A_48], %swap3A_51 {strides = array<i32>} : memref<64x128xf32, #tpu.memory_space<vmem>>, vector<1x16xf32>,
      %broadcast_in_dim3A_52 = arith.constant 0.000000e+00 : f32
      %broadcast_in_dim3A_53 = vector.broadcast %broadcast_in_dim3A_52 : f32 to vector<16xf32>
      %swap3A_54 = arith.index_cast %scan3A_24 : i32 to index
      %swap3A_55 = arith.constant 64 : index
      %swap3A_56 = tpu.vector_load %arg9[%swap3A_54, %swap3A_55] {strides = array<i32>} : memref<64x128xf32, #tpu.memory_space<vmem>>, vector<1x16xf32>,
      %swap3A_57 = vector.shape_cast %swap3A_56 : vector<1x16xf32> to vector<16xf32>
      %swap3A_58 = vector.shape_cast %broadcast_in_dim3A_53 : vector<16xf32> to vector<1x16xf32>
      tpu.vector_store %arg9[%swap3A_54, %swap3A_55], %swap3A_58 {strides = array<i32>} : memref<64x128xf32, #tpu.memory_space<vmem>>, vector<1x16xf32>,
      %broadcast_in_dim3A_59 = arith.constant 0.000000e+00 : f32
      %broadcast_in_dim3A_60 = vector.broadcast %broadcast_in_dim3A_59 : f32 to vector<16xf32>
      %swap3A_61 = arith.index_cast %scan3A_24 : i32 to index
      %swap3A_62 = arith.constant 80 : index
      %swap3A_63 = tpu.vector_load %arg9[%swap3A_61, %swap3A_62] {strides = array<i32>} : memref<64x128xf32, #tpu.memory_space<vmem>>, vector<1x16xf32>,
      %swap3A_64 = vector.shape_cast %swap3A_63 : vector<1x16xf32> to vector<16xf32>
      %swap3A_65 = vector.shape_cast %broadcast_in_dim3A_60 : vector<16xf32> to vector<1x16xf32>
      tpu.vector_store %arg9[%swap3A_61, %swap3A_62], %swap3A_65 {strides = array<i32>} : memref<64x128xf32, #tpu.memory_space<vmem>>, vector<1x16xf32>,
      %broadcast_in_dim3A_66 = arith.constant 0.000000e+00 : f32
      %broadcast_in_dim3A_67 = vector.broadcast %broadcast_in_dim3A_66 : f32 to vector<16xf32>
      %swap3A_68 = arith.index_cast %scan3A_24 : i32 to index
      %swap3A_69 = arith.constant 96 : index
      %swap3A_70 = tpu.vector_load %arg9[%swap3A_68, %swap3A_69] {strides = array<i32>} : memref<64x128xf32, #tpu.memory_space<vmem>>, vector<1x16xf32>,
      %swap3A_71 = vector.shape_cast %swap3A_70 : vector<1x16xf32> to vector<16xf32>
      %swap3A_72 = vector.shape_cast %broadcast_in_dim3A_67 : vector<16xf32> to vector<1x16xf32>
      tpu.vector_store %arg9[%swap3A_68, %swap3A_69], %swap3A_72 {strides = array<i32>} : memref<64x128xf32, #tpu.memory_space<vmem>>, vector<1x16xf32>,
      %broadcast_in_dim3A_73 = arith.constant 0.000000e+00 : f32
      %broadcast_in_dim3A_74 = vector.broadcast %broadcast_in_dim3A_73 : f32 to vector<16xf32>
      %swap3A_75 = arith.index_cast %scan3A_24 : i32 to index
      %swap3A_76 = arith.constant 112 : index
      %swap3A_77 = tpu.vector_load %arg9[%swap3A_75, %swap3A_76] {strides = array<i32>} : memref<64x128xf32, #tpu.memory_space<vmem>>, vector<1x16xf32>,
      %swap3A_78 = vector.shape_cast %swap3A_77 : vector<1x16xf32> to vector<16xf32>
      %swap3A_79 = vector.shape_cast %broadcast_in_dim3A_74 : vector<16xf32> to vector<1x16xf32>
      tpu.vector_store %arg9[%swap3A_75, %swap3A_76], %swap3A_79 {strides = array<i32>} : memref<64x128xf32, #tpu.memory_space<vmem>>, vector<1x16xf32>,
      %scan3A_80 = arith.constant 0 : i32
      scf.yield %scan3A_80 : i32
    }
    %scan3A_5 = arith.constant 64 : i32
    %scan3A_6 = arith.constant 0 : i32
    %scan3A_7 = arith.constant 0 : i32
    %scan3A_8 = arith.constant 10 : i32
    %scan3A_9 = arith.addi %scan3A_7, %scan3A_8 : i32
    %scan3A_10 = arith.constant 1 : i32
    %scan3A_11 = scf.for %scan3A_24 = %scan3A_7 to %scan3A_9 step %scan3A_10 iter_args(%scan3A_25 = %scan3A_6) -> (i32)  : i32 {
      %mul3A_26 = arith.constant 640 : i32
      %mul3A_27 = arith.muli %arg1, %mul3A_26 : i32
      %mul3A_28 = arith.constant 64 : i32
      %mul3A_29 = arith.muli %scan3A_24, %mul3A_28 : i32
      %add3A = arith.addi %mul3A_27, %mul3A_29 : i32
      "tpu.region"() ({
        %run_scoped3A = tpu.sem_alloc : memref<!tpu.dma_semaphore, #tpu.memory_space<semaphore_mem>>
        %dma_start3A = arith.constant 0 : i32
        %dma_start3A_31 = tpu.memref_slice %arg10[%add3A, %dma_start3A] : memref<10240x128xf32, #tpu.memory_space<vmem_shared>> -> memref<64x128xf32, #tpu.memory_space<vmem_shared>>
        %dma_start3A_32 = arith.constant 0 : i32
        %dma_start3A_33 = tpu.memref_slice %arg10[%add3A, %dma_start3A_32] : memref<10240x128xf32, #tpu.memory_space<vmem_shared>> -> memref<64x128xf32, #tpu.memory_space<vmem_shared>>
        tpu.enqueue_dma source(%arg9 : memref<64x128xf32, #tpu.memory_space<vmem>>) target(%dma_start3A_33 : memref<64x128xf32, #tpu.memory_space<vmem_shared>>) target_semaphore(%run_scoped3A : memref<!tpu.dma_semaphore, #tpu.memory_space<semaphore_mem>>)
        %dma_wait3A = arith.constant 0 : i32
        %dma_wait3A_34 = tpu.memref_slice %arg10[%add3A, %dma_wait3A] : memref<10240x128xf32, #tpu.memory_space<vmem_shared>> -> memref<64x128xf32, #tpu.memory_space<vmem_shared>>
        %dma_wait3A_35 = arith.constant 0 : i32
        %dma_wait3A_36 = tpu.memref_slice %arg10[%add3A, %dma_wait3A_35] : memref<10240x128xf32, #tpu.memory_space<vmem_shared>> -> memref<64x128xf32, #tpu.memory_space<vmem_shared>>
        tpu.wait_dma2 semaphore(%run_scoped3A : memref<!tpu.dma_semaphore, #tpu.memory_space<semaphore_mem>>) src(%arg9 : memref<64x128xf32, #tpu.memory_space<vmem>>) dst(%dma_wait3A_36 : memref<64x128xf32, #tpu.memory_space<vmem_shared>>)
        tpu.yield
      }) : () -> ()
      %scan3A_30 = arith.constant 0 : i32
      scf.yield %scan3A_30 : i32
    }
    %scan3A_12 = arith.constant 10 : i32
    %barrier3A = arith.constant 0 : index
    tpu.barrier barrier_id(%barrier3A)
    %scan3A_13 = arith.constant 0 : i32
    %scan3A_14 = arith.constant 0 : i32
    %scan3A_15 = arith.constant 79 : i32
    %scan3A_16 = arith.addi %scan3A_14, %scan3A_15 : i32
    %scan3A_17 = arith.constant 1 : i32
    %scan3A_18 = scf.for %scan3A_24 = %scan3A_14 to %scan3A_16 step %scan3A_17 iter_args(%scan3A_25 = %scan3A_13) -> (i32)  : i32 {
      %dma_start3A = arith.constant 0 : i32
      %dma_start3A_26 = tpu.memref_slice %arg6[%scan3A_24, %dma_start3A] : memref<79x128xi32, #tpu.memory_space<vmem>> -> memref<1x128xi32, #tpu.memory_space<vmem>>
      %dma_start3A_27 = tpu.memref_squeeze %dma_start3A_26 : memref<1x128xi32, #tpu.memory_space<vmem>> -> memref<128xi32, #tpu.memory_space<vmem>>
      %dma_start3A_28 = arith.constant 0 : i32
      %dma_start3A_29 = arith.constant 0 : i32
      %dma_start3A_30 = tpu.memref_slice %arg2[%dma_start3A_28, %dma_start3A_29] : memref<10240x128xf32, #tpu.memory_space<hbm>> -> memref<10240x128xf32, #tpu.memory_space<hbm>>
      tpu.enqueue_indirect_dma source(%dma_start3A_30 : memref<10240x128xf32, #tpu.memory_space<hbm>>) target(%arg8 : memref<128x128xf32, #tpu.memory_space<vmem>>) offsets(%dma_start3A_27 : memref<128xi32, #tpu.memory_space<vmem>>) semaphore(%arg11 : memref<!tpu.dma_semaphore, #tpu.memory_space<semaphore_mem>>)
      %dma_wait3A = arith.constant 0 : i32
      %dma_wait3A_31 = tpu.memref_slice %arg6[%scan3A_24, %dma_wait3A] : memref<79x128xi32, #tpu.memory_space<vmem>> -> memref<1x128xi32, #tpu.memory_space<vmem>>
      %dma_wait3A_32 = tpu.memref_squeeze %dma_wait3A_31 : memref<1x128xi32, #tpu.memory_space<vmem>> -> memref<128xi32, #tpu.memory_space<vmem>>
      %dma_wait3A_33 = arith.constant 0 : i32
      %dma_wait3A_34 = arith.constant 0 : i32
      %dma_wait3A_35 = tpu.memref_slice %arg2[%dma_wait3A_33, %dma_wait3A_34] : memref<10240x128xf32, #tpu.memory_space<hbm>> -> memref<10240x128xf32, #tpu.memory_space<hbm>>
      tpu.wait_indirect_dma semaphore(%arg11 : memref<!tpu.dma_semaphore, #tpu.memory_space<semaphore_mem>>) src(%dma_wait3A_35 : memref<10240x128xf32, #tpu.memory_space<hbm>>) dst(%arg8 : memref<128x128xf32, #tpu.memory_space<vmem>>)
      "tpu.region"() ({
        %run_scoped3A = tpu.sem_alloc : memref<!tpu.dma_semaphore, #tpu.memory_space<semaphore_mem>>
        %dma_start3A_37 = arith.constant 0 : i32
        %dma_start3A_38 = tpu.memref_slice %arg7[%scan3A_24, %dma_start3A_37] : memref<79x128xi32, #tpu.memory_space<vmem>> -> memref<1x128xi32, #tpu.memory_space<vmem>>
        %dma_start3A_39 = tpu.memref_squeeze %dma_start3A_38 : memref<1x128xi32, #tpu.memory_space<vmem>> -> memref<128xi32, #tpu.memory_space<vmem>>
        %dma_start3A_40 = arith.constant 0 : i32
        %dma_start3A_41 = arith.constant 0 : i32
        %dma_start3A_42 = tpu.memref_slice %arg10[%dma_start3A_40, %dma_start3A_41] : memref<10240x128xf32, #tpu.memory_space<vmem_shared>> -> memref<10240x128xf32, #tpu.memory_space<vmem_shared>>
        tpu.enqueue_indirect_dma source(%arg8 : memref<128x128xf32, #tpu.memory_space<vmem>>) target(%dma_start3A_42 : memref<10240x128xf32, #tpu.memory_space<vmem_shared>>) offsets(%dma_start3A_39 : memref<128xi32, #tpu.memory_space<vmem>>) semaphore(%run_scoped3A : memref<!tpu.dma_semaphore, #tpu.memory_space<semaphore_mem>>) {add = true}
        %dma_wait3A_43 = arith.constant 0 : i32
        %dma_wait3A_44 = tpu.memref_slice %arg7[%scan3A_24, %dma_wait3A_43] : memref<79x128xi32, #tpu.memory_space<vmem>> -> memref<1x128xi32, #tpu.memory_space<vmem>>
        %dma_wait3A_45 = tpu.memref_squeeze %dma_wait3A_44 : memref<1x128xi32, #tpu.memory_space<vmem>> -> memref<128xi32, #tpu.memory_space<vmem>>
        %dma_wait3A_46 = arith.constant 0 : i32
        %dma_wait3A_47 = arith.constant 0 : i32
        %dma_wait3A_48 = tpu.memref_slice %arg10[%dma_wait3A_46, %dma_wait3A_47] : memref<10240x128xf32, #tpu.memory_space<vmem_shared>> -> memref<10240x128xf32, #tpu.memory_space<vmem_shared>>
        tpu.wait_indirect_dma semaphore(%run_scoped3A : memref<!tpu.dma_semaphore, #tpu.memory_space<semaphore_mem>>) src(%arg8 : memref<128x128xf32, #tpu.memory_space<vmem>>) dst(%dma_wait3A_48 : memref<10240x128xf32, #tpu.memory_space<vmem_shared>>)
        tpu.yield
      }) : () -> ()
      %scan3A_36 = arith.constant 0 : i32
      scf.yield %scan3A_36 : i32
    }
    %scan3A_19 = arith.constant 79 : i32
    %barrier3A_20 = arith.constant 0 : index
    tpu.barrier barrier_id(%barrier3A_20)
    %mul3A = arith.constant 640 : i32
    %mul3A_21 = arith.muli %arg1, %mul3A : i32
    %mul3A_22 = arith.constant 640 : i32
    %mul3A_23 = arith.muli %arg1, %mul3A_22 : i32
    "tpu.region"() ({
      %run_scoped3A = tpu.sem_alloc : memref<!tpu.dma_semaphore, #tpu.memory_space<semaphore_mem>>
      %dma_start3A = arith.constant 0 : i32
      %dma_start3A_24 = tpu.memref_slice %arg5[%arg0, %mul3A_23, %dma_start3A] : memref<2x10240x128xf32, #tpu.memory_space<hbm>> -> memref<1x640x128xf32, #tpu.memory_space<hbm>>
      %dma_start3A_25 = tpu.memref_squeeze %dma_start3A_24 : memref<1x640x128xf32, #tpu.memory_space<hbm>> -> memref<640x128xf32, #tpu.memory_space<hbm>>
      %dma_start3A_26 = arith.constant 0 : i32
      %dma_start3A_27 = tpu.memref_slice %arg10[%mul3A_21, %dma_start3A_26] : memref<10240x128xf32, #tpu.memory_space<vmem_shared>> -> memref<640x128xf32, #tpu.memory_space<vmem_shared>>
      tpu.enqueue_dma source(%dma_start3A_27 : memref<640x128xf32, #tpu.memory_space<vmem_shared>>) target(%dma_start3A_25 : memref<640x128xf32, #tpu.memory_space<hbm>>) target_semaphore(%run_scoped3A : memref<!tpu.dma_semaphore, #tpu.memory_space<semaphore_mem>>)
      %dma_wait3A = arith.constant 0 : i32
      %dma_wait3A_28 = tpu.memref_slice %arg5[%arg0, %mul3A_23, %dma_wait3A] : memref<2x10240x128xf32, #tpu.memory_space<hbm>> -> memref<1x640x128xf32, #tpu.memory_space<hbm>>
      %dma_wait3A_29 = tpu.memref_squeeze %dma_wait3A_28 : memref<1x640x128xf32, #tpu.memory_space<hbm>> -> memref<640x128xf32, #tpu.memory_space<hbm>>
      %dma_wait3A_30 = arith.constant 0 : i32
      %dma_wait3A_31 = tpu.memref_slice %arg10[%mul3A_21, %dma_wait3A_30] : memref<10240x128xf32, #tpu.memory_space<vmem_shared>> -> memref<640x128xf32, #tpu.memory_space<vmem_shared>>
      tpu.wait_dma2 semaphore(%run_scoped3A : memref<!tpu.dma_semaphore, #tpu.memory_space<semaphore_mem>>) src(%dma_wait3A_31 : memref<640x128xf32, #tpu.memory_space<vmem_shared>>) dst(%dma_wait3A_29 : memref<640x128xf32, #tpu.memory_space<hbm>>)
      tpu.yield
    }) : () -> ()
    return
  }
}

#map = affine_map<(d0, d1) -> (0, 0)>
#map1 = affine_map<(d0, d1) -> (0, 0, 0, 0)>
#map2 = affine_map<(d0, d1) -> (0, 0, 0)>
module attributes {stable_mosaic.version = 14 : i64} {
  func.func @_sc_hop(%arg0: i32, %arg1: i32, %arg2: memref<10240x128xf32, #tpu.memory_space<hbm>>, %arg3: memref<2x16x79x128xi32, #tpu.memory_space<hbm>>, %arg4: memref<2x16x79x128xi32, #tpu.memory_space<hbm>>, %arg5: memref<2x10240x128xf32, #tpu.memory_space<hbm>>, %arg6: memref<79x128xi32, #tpu.memory_space<vmem>>, %arg7: memref<79x128xi32, #tpu.memory_space<vmem>>, %arg8: memref<128x128xf32, #tpu.memory_space<vmem>>, %arg9: memref<64x128xf32, #tpu.memory_space<vmem>>, %arg10: memref<10240x128xf32, #tpu.memory_space<vmem_shared>>, %arg11: memref<!tpu.dma_semaphore, #tpu.memory_space<semaphore_mem>>) attributes {dimension_semantics = [#tpu.dimension_semantics<core_parallel>, #tpu.dimension_semantics<subcore_parallel>], iteration_bounds = array<i64: 2, 16>, scalar_prefetch = 0 : i64, scratch_operands = 6 : i64, tpu.core_type = #tpu.core_type<sc_vector_subcore>, window_params = [{transform_indices = #map}, {transform_indices = #map1}, {transform_indices = #map1}, {transform_indices = #map2}]} {
    "tpu.region"() ({
      %run_scoped3A = tpu.sem_alloc : memref<!tpu.dma_semaphore, #tpu.memory_space<semaphore_mem>>
      %dma_start3A = arith.constant 0 : i32
      %dma_start3A_24 = arith.constant 0 : i32
      %dma_start3A_25 = tpu.memref_slice %arg3[%arg0, %arg1, %dma_start3A, %dma_start3A_24] : memref<2x16x79x128xi32, #tpu.memory_space<hbm>> -> memref<1x1x79x128xi32, #tpu.memory_space<hbm>>
      %dma_start3A_26 = tpu.memref_squeeze %dma_start3A_25 : memref<1x1x79x128xi32, #tpu.memory_space<hbm>> -> memref<79x128xi32, #tpu.memory_space<hbm>>
      %dma_start3A_27 = arith.constant 0 : i32
      %dma_start3A_28 = arith.constant 0 : i32
      %dma_start3A_29 = tpu.memref_slice %arg3[%arg0, %arg1, %dma_start3A_27, %dma_start3A_28] : memref<2x16x79x128xi32, #tpu.memory_space<hbm>> -> memref<1x1x79x128xi32, #tpu.memory_space<hbm>>
      %dma_start3A_30 = tpu.memref_squeeze %dma_start3A_29 : memref<1x1x79x128xi32, #tpu.memory_space<hbm>> -> memref<79x128xi32, #tpu.memory_space<hbm>>
      tpu.enqueue_dma source(%dma_start3A_30 : memref<79x128xi32, #tpu.memory_space<hbm>>) target(%arg6 : memref<79x128xi32, #tpu.memory_space<vmem>>) target_semaphore(%run_scoped3A : memref<!tpu.dma_semaphore, #tpu.memory_space<semaphore_mem>>)
      %dma_wait3A = arith.constant 0 : i32
      %dma_wait3A_31 = arith.constant 0 : i32
      %dma_wait3A_32 = tpu.memref_slice %arg3[%arg0, %arg1, %dma_wait3A, %dma_wait3A_31] : memref<2x16x79x128xi32, #tpu.memory_space<hbm>> -> memref<1x1x79x128xi32, #tpu.memory_space<hbm>>
      %dma_wait3A_33 = tpu.memref_squeeze %dma_wait3A_32 : memref<1x1x79x128xi32, #tpu.memory_space<hbm>> -> memref<79x128xi32, #tpu.memory_space<hbm>>
      %dma_wait3A_34 = arith.constant 0 : i32
      %dma_wait3A_35 = arith.constant 0 : i32
      %dma_wait3A_36 = tpu.memref_slice %arg3[%arg0, %arg1, %dma_wait3A_34, %dma_wait3A_35] : memref<2x16x79x128xi32, #tpu.memory_space<hbm>> -> memref<1x1x79x128xi32, #tpu.memory_space<hbm>>
      %dma_wait3A_37 = tpu.memref_squeeze %dma_wait3A_36 : memref<1x1x79x128xi32, #tpu.memory_space<hbm>> -> memref<79x128xi32, #tpu.memory_space<hbm>>
      tpu.wait_dma2 semaphore(%run_scoped3A : memref<!tpu.dma_semaphore, #tpu.memory_space<semaphore_mem>>) src(%dma_wait3A_37 : memref<79x128xi32, #tpu.memory_space<hbm>>) dst(%arg6 : memref<79x128xi32, #tpu.memory_space<vmem>>)
      tpu.yield
    }) : () -> ()
    "tpu.region"() ({
      %run_scoped3A = tpu.sem_alloc : memref<!tpu.dma_semaphore, #tpu.memory_space<semaphore_mem>>
      %dma_start3A = arith.constant 0 : i32
      %dma_start3A_24 = arith.constant 0 : i32
      %dma_start3A_25 = tpu.memref_slice %arg4[%arg0, %arg1, %dma_start3A, %dma_start3A_24] : memref<2x16x79x128xi32, #tpu.memory_space<hbm>> -> memref<1x1x79x128xi32, #tpu.memory_space<hbm>>
      %dma_start3A_26 = tpu.memref_squeeze %dma_start3A_25 : memref<1x1x79x128xi32, #tpu.memory_space<hbm>> -> memref<79x128xi32, #tpu.memory_space<hbm>>
      %dma_start3A_27 = arith.constant 0 : i32
      %dma_start3A_28 = arith.constant 0 : i32
      %dma_start3A_29 = tpu.memref_slice %arg4[%arg0, %arg1, %dma_start3A_27, %dma_start3A_28] : memref<2x16x79x128xi32, #tpu.memory_space<hbm>> -> memref<1x1x79x128xi32, #tpu.memory_space<hbm>>
      %dma_start3A_30 = tpu.memref_squeeze %dma_start3A_29 : memref<1x1x79x128xi32, #tpu.memory_space<hbm>> -> memref<79x128xi32, #tpu.memory_space<hbm>>
      tpu.enqueue_dma source(%dma_start3A_30 : memref<79x128xi32, #tpu.memory_space<hbm>>) target(%arg7 : memref<79x128xi32, #tpu.memory_space<vmem>>) target_semaphore(%run_scoped3A : memref<!tpu.dma_semaphore, #tpu.memory_space<semaphore_mem>>)
      %dma_wait3A = arith.constant 0 : i32
      %dma_wait3A_31 = arith.constant 0 : i32
      %dma_wait3A_32 = tpu.memref_slice %arg4[%arg0, %arg1, %dma_wait3A, %dma_wait3A_31] : memref<2x16x79x128xi32, #tpu.memory_space<hbm>> -> memref<1x1x79x128xi32, #tpu.memory_space<hbm>>
      %dma_wait3A_33 = tpu.memref_squeeze %dma_wait3A_32 : memref<1x1x79x128xi32, #tpu.memory_space<hbm>> -> memref<79x128xi32, #tpu.memory_space<hbm>>
      %dma_wait3A_34 = arith.constant 0 : i32
      %dma_wait3A_35 = arith.constant 0 : i32
      %dma_wait3A_36 = tpu.memref_slice %arg4[%arg0, %arg1, %dma_wait3A_34, %dma_wait3A_35] : memref<2x16x79x128xi32, #tpu.memory_space<hbm>> -> memref<1x1x79x128xi32, #tpu.memory_space<hbm>>
      %dma_wait3A_37 = tpu.memref_squeeze %dma_wait3A_36 : memref<1x1x79x128xi32, #tpu.memory_space<hbm>> -> memref<79x128xi32, #tpu.memory_space<hbm>>
      tpu.wait_dma2 semaphore(%run_scoped3A : memref<!tpu.dma_semaphore, #tpu.memory_space<semaphore_mem>>) src(%dma_wait3A_37 : memref<79x128xi32, #tpu.memory_space<hbm>>) dst(%arg7 : memref<79x128xi32, #tpu.memory_space<vmem>>)
      tpu.yield
    }) : () -> ()
    %scan3A = arith.constant 0 : i32
    %scan3A_0 = arith.constant 0 : i32
    %scan3A_1 = arith.constant 64 : i32
    %scan3A_2 = arith.addi %scan3A_0, %scan3A_1 : i32
    %scan3A_3 = arith.constant 1 : i32
    %scan3A_4 = scf.for %scan3A_24 = %scan3A_0 to %scan3A_2 step %scan3A_3 iter_args(%scan3A_25 = %scan3A) -> (i32)  : i32 {
      %broadcast_in_dim3A = arith.constant 0.000000e+00 : f32
      %broadcast_in_dim3A_26 = vector.broadcast %broadcast_in_dim3A : f32 to vector<16xf32>
      %swap3A = arith.index_cast %scan3A_24 : i32 to index
      %swap3A_27 = arith.constant 0 : index
      %swap3A_28 = tpu.vector_load %arg9[%swap3A, %swap3A_27] {strides = array<i32>} : memref<64x128xf32, #tpu.memory_space<vmem>>, vector<1x16xf32>,
      %swap3A_29 = vector.shape_cast %swap3A_28 : vector<1x16xf32> to vector<16xf32>
      %swap3A_30 = vector.shape_cast %broadcast_in_dim3A_26 : vector<16xf32> to vector<1x16xf32>
      tpu.vector_store %arg9[%swap3A, %swap3A_27], %swap3A_30 {strides = array<i32>} : memref<64x128xf32, #tpu.memory_space<vmem>>, vector<1x16xf32>,
      %broadcast_in_dim3A_31 = arith.constant 0.000000e+00 : f32
      %broadcast_in_dim3A_32 = vector.broadcast %broadcast_in_dim3A_31 : f32 to vector<16xf32>
      %swap3A_33 = arith.index_cast %scan3A_24 : i32 to index
      %swap3A_34 = arith.constant 16 : index
      %swap3A_35 = tpu.vector_load %arg9[%swap3A_33, %swap3A_34] {strides = array<i32>} : memref<64x128xf32, #tpu.memory_space<vmem>>, vector<1x16xf32>,
      %swap3A_36 = vector.shape_cast %swap3A_35 : vector<1x16xf32> to vector<16xf32>
      %swap3A_37 = vector.shape_cast %broadcast_in_dim3A_32 : vector<16xf32> to vector<1x16xf32>
      tpu.vector_store %arg9[%swap3A_33, %swap3A_34], %swap3A_37 {strides = array<i32>} : memref<64x128xf32, #tpu.memory_space<vmem>>, vector<1x16xf32>,
      %broadcast_in_dim3A_38 = arith.constant 0.000000e+00 : f32
      %broadcast_in_dim3A_39 = vector.broadcast %broadcast_in_dim3A_38 : f32 to vector<16xf32>
      %swap3A_40 = arith.index_cast %scan3A_24 : i32 to index
      %swap3A_41 = arith.constant 32 : index
      %swap3A_42 = tpu.vector_load %arg9[%swap3A_40, %swap3A_41] {strides = array<i32>} : memref<64x128xf32, #tpu.memory_space<vmem>>, vector<1x16xf32>,
      %swap3A_43 = vector.shape_cast %swap3A_42 : vector<1x16xf32> to vector<16xf32>
      %swap3A_44 = vector.shape_cast %broadcast_in_dim3A_39 : vector<16xf32> to vector<1x16xf32>
      tpu.vector_store %arg9[%swap3A_40, %swap3A_41], %swap3A_44 {strides = array<i32>} : memref<64x128xf32, #tpu.memory_space<vmem>>, vector<1x16xf32>,
      %broadcast_in_dim3A_45 = arith.constant 0.000000e+00 : f32
      %broadcast_in_dim3A_46 = vector.broadcast %broadcast_in_dim3A_45 : f32 to vector<16xf32>
      %swap3A_47 = arith.index_cast %scan3A_24 : i32 to index
      %swap3A_48 = arith.constant 48 : index
      %swap3A_49 = tpu.vector_load %arg9[%swap3A_47, %swap3A_48] {strides = array<i32>} : memref<64x128xf32, #tpu.memory_space<vmem>>, vector<1x16xf32>,
      %swap3A_50 = vector.shape_cast %swap3A_49 : vector<1x16xf32> to vector<16xf32>
      %swap3A_51 = vector.shape_cast %broadcast_in_dim3A_46 : vector<16xf32> to vector<1x16xf32>
      tpu.vector_store %arg9[%swap3A_47, %swap3A_48], %swap3A_51 {strides = array<i32>} : memref<64x128xf32, #tpu.memory_space<vmem>>, vector<1x16xf32>,
      %broadcast_in_dim3A_52 = arith.constant 0.000000e+00 : f32
      %broadcast_in_dim3A_53 = vector.broadcast %broadcast_in_dim3A_52 : f32 to vector<16xf32>
      %swap3A_54 = arith.index_cast %scan3A_24 : i32 to index
      %swap3A_55 = arith.constant 64 : index
      %swap3A_56 = tpu.vector_load %arg9[%swap3A_54, %swap3A_55] {strides = array<i32>} : memref<64x128xf32, #tpu.memory_space<vmem>>, vector<1x16xf32>,
      %swap3A_57 = vector.shape_cast %swap3A_56 : vector<1x16xf32> to vector<16xf32>
      %swap3A_58 = vector.shape_cast %broadcast_in_dim3A_53 : vector<16xf32> to vector<1x16xf32>
      tpu.vector_store %arg9[%swap3A_54, %swap3A_55], %swap3A_58 {strides = array<i32>} : memref<64x128xf32, #tpu.memory_space<vmem>>, vector<1x16xf32>,
      %broadcast_in_dim3A_59 = arith.constant 0.000000e+00 : f32
      %broadcast_in_dim3A_60 = vector.broadcast %broadcast_in_dim3A_59 : f32 to vector<16xf32>
      %swap3A_61 = arith.index_cast %scan3A_24 : i32 to index
      %swap3A_62 = arith.constant 80 : index
      %swap3A_63 = tpu.vector_load %arg9[%swap3A_61, %swap3A_62] {strides = array<i32>} : memref<64x128xf32, #tpu.memory_space<vmem>>, vector<1x16xf32>,
      %swap3A_64 = vector.shape_cast %swap3A_63 : vector<1x16xf32> to vector<16xf32>
      %swap3A_65 = vector.shape_cast %broadcast_in_dim3A_60 : vector<16xf32> to vector<1x16xf32>
      tpu.vector_store %arg9[%swap3A_61, %swap3A_62], %swap3A_65 {strides = array<i32>} : memref<64x128xf32, #tpu.memory_space<vmem>>, vector<1x16xf32>,
      %broadcast_in_dim3A_66 = arith.constant 0.000000e+00 : f32
      %broadcast_in_dim3A_67 = vector.broadcast %broadcast_in_dim3A_66 : f32 to vector<16xf32>
      %swap3A_68 = arith.index_cast %scan3A_24 : i32 to index
      %swap3A_69 = arith.constant 96 : index
      %swap3A_70 = tpu.vector_load %arg9[%swap3A_68, %swap3A_69] {strides = array<i32>} : memref<64x128xf32, #tpu.memory_space<vmem>>, vector<1x16xf32>,
      %swap3A_71 = vector.shape_cast %swap3A_70 : vector<1x16xf32> to vector<16xf32>
      %swap3A_72 = vector.shape_cast %broadcast_in_dim3A_67 : vector<16xf32> to vector<1x16xf32>
      tpu.vector_store %arg9[%swap3A_68, %swap3A_69], %swap3A_72 {strides = array<i32>} : memref<64x128xf32, #tpu.memory_space<vmem>>, vector<1x16xf32>,
      %broadcast_in_dim3A_73 = arith.constant 0.000000e+00 : f32
      %broadcast_in_dim3A_74 = vector.broadcast %broadcast_in_dim3A_73 : f32 to vector<16xf32>
      %swap3A_75 = arith.index_cast %scan3A_24 : i32 to index
      %swap3A_76 = arith.constant 112 : index
      %swap3A_77 = tpu.vector_load %arg9[%swap3A_75, %swap3A_76] {strides = array<i32>} : memref<64x128xf32, #tpu.memory_space<vmem>>, vector<1x16xf32>,
      %swap3A_78 = vector.shape_cast %swap3A_77 : vector<1x16xf32> to vector<16xf32>
      %swap3A_79 = vector.shape_cast %broadcast_in_dim3A_74 : vector<16xf32> to vector<1x16xf32>
      tpu.vector_store %arg9[%swap3A_75, %swap3A_76], %swap3A_79 {strides = array<i32>} : memref<64x128xf32, #tpu.memory_space<vmem>>, vector<1x16xf32>,
      %scan3A_80 = arith.constant 0 : i32
      scf.yield %scan3A_80 : i32
    }
    %scan3A_5 = arith.constant 64 : i32
    %scan3A_6 = arith.constant 0 : i32
    %scan3A_7 = arith.constant 0 : i32
    %scan3A_8 = arith.constant 10 : i32
    %scan3A_9 = arith.addi %scan3A_7, %scan3A_8 : i32
    %scan3A_10 = arith.constant 1 : i32
    %scan3A_11 = scf.for %scan3A_24 = %scan3A_7 to %scan3A_9 step %scan3A_10 iter_args(%scan3A_25 = %scan3A_6) -> (i32)  : i32 {
      %mul3A_26 = arith.constant 640 : i32
      %mul3A_27 = arith.muli %arg1, %mul3A_26 : i32
      %mul3A_28 = arith.constant 64 : i32
      %mul3A_29 = arith.muli %scan3A_24, %mul3A_28 : i32
      %add3A = arith.addi %mul3A_27, %mul3A_29 : i32
      "tpu.region"() ({
        %run_scoped3A = tpu.sem_alloc : memref<!tpu.dma_semaphore, #tpu.memory_space<semaphore_mem>>
        %dma_start3A = arith.constant 0 : i32
        %dma_start3A_31 = tpu.memref_slice %arg10[%add3A, %dma_start3A] : memref<10240x128xf32, #tpu.memory_space<vmem_shared>> -> memref<64x128xf32, #tpu.memory_space<vmem_shared>>
        %dma_start3A_32 = arith.constant 0 : i32
        %dma_start3A_33 = tpu.memref_slice %arg10[%add3A, %dma_start3A_32] : memref<10240x128xf32, #tpu.memory_space<vmem_shared>> -> memref<64x128xf32, #tpu.memory_space<vmem_shared>>
        tpu.enqueue_dma source(%arg9 : memref<64x128xf32, #tpu.memory_space<vmem>>) target(%dma_start3A_33 : memref<64x128xf32, #tpu.memory_space<vmem_shared>>) target_semaphore(%run_scoped3A : memref<!tpu.dma_semaphore, #tpu.memory_space<semaphore_mem>>)
        %dma_wait3A = arith.constant 0 : i32
        %dma_wait3A_34 = tpu.memref_slice %arg10[%add3A, %dma_wait3A] : memref<10240x128xf32, #tpu.memory_space<vmem_shared>> -> memref<64x128xf32, #tpu.memory_space<vmem_shared>>
        %dma_wait3A_35 = arith.constant 0 : i32
        %dma_wait3A_36 = tpu.memref_slice %arg10[%add3A, %dma_wait3A_35] : memref<10240x128xf32, #tpu.memory_space<vmem_shared>> -> memref<64x128xf32, #tpu.memory_space<vmem_shared>>
        tpu.wait_dma2 semaphore(%run_scoped3A : memref<!tpu.dma_semaphore, #tpu.memory_space<semaphore_mem>>) src(%arg9 : memref<64x128xf32, #tpu.memory_space<vmem>>) dst(%dma_wait3A_36 : memref<64x128xf32, #tpu.memory_space<vmem_shared>>)
        tpu.yield
      }) : () -> ()
      %scan3A_30 = arith.constant 0 : i32
      scf.yield %scan3A_30 : i32
    }
    %scan3A_12 = arith.constant 10 : i32
    %barrier3A = arith.constant 0 : index
    tpu.barrier barrier_id(%barrier3A)
    %scan3A_13 = arith.constant 0 : i32
    %scan3A_14 = arith.constant 0 : i32
    %scan3A_15 = arith.constant 79 : i32
    %scan3A_16 = arith.addi %scan3A_14, %scan3A_15 : i32
    %scan3A_17 = arith.constant 1 : i32
    %scan3A_18 = scf.for %scan3A_24 = %scan3A_14 to %scan3A_16 step %scan3A_17 iter_args(%scan3A_25 = %scan3A_13) -> (i32)  : i32 {
      %dma_start3A = arith.constant 0 : i32
      %dma_start3A_26 = tpu.memref_slice %arg6[%scan3A_24, %dma_start3A] : memref<79x128xi32, #tpu.memory_space<vmem>> -> memref<1x128xi32, #tpu.memory_space<vmem>>
      %dma_start3A_27 = tpu.memref_squeeze %dma_start3A_26 : memref<1x128xi32, #tpu.memory_space<vmem>> -> memref<128xi32, #tpu.memory_space<vmem>>
      %dma_start3A_28 = arith.constant 0 : i32
      %dma_start3A_29 = arith.constant 0 : i32
      %dma_start3A_30 = tpu.memref_slice %arg2[%dma_start3A_28, %dma_start3A_29] : memref<10240x128xf32, #tpu.memory_space<hbm>> -> memref<10240x128xf32, #tpu.memory_space<hbm>>
      tpu.enqueue_indirect_dma source(%dma_start3A_30 : memref<10240x128xf32, #tpu.memory_space<hbm>>) target(%arg8 : memref<128x128xf32, #tpu.memory_space<vmem>>) offsets(%dma_start3A_27 : memref<128xi32, #tpu.memory_space<vmem>>) semaphore(%arg11 : memref<!tpu.dma_semaphore, #tpu.memory_space<semaphore_mem>>)
      %dma_wait3A = arith.constant 0 : i32
      %dma_wait3A_31 = tpu.memref_slice %arg6[%scan3A_24, %dma_wait3A] : memref<79x128xi32, #tpu.memory_space<vmem>> -> memref<1x128xi32, #tpu.memory_space<vmem>>
      %dma_wait3A_32 = tpu.memref_squeeze %dma_wait3A_31 : memref<1x128xi32, #tpu.memory_space<vmem>> -> memref<128xi32, #tpu.memory_space<vmem>>
      %dma_wait3A_33 = arith.constant 0 : i32
      %dma_wait3A_34 = arith.constant 0 : i32
      %dma_wait3A_35 = tpu.memref_slice %arg2[%dma_wait3A_33, %dma_wait3A_34] : memref<10240x128xf32, #tpu.memory_space<hbm>> -> memref<10240x128xf32, #tpu.memory_space<hbm>>
      tpu.wait_indirect_dma semaphore(%arg11 : memref<!tpu.dma_semaphore, #tpu.memory_space<semaphore_mem>>) src(%dma_wait3A_35 : memref<10240x128xf32, #tpu.memory_space<hbm>>) dst(%arg8 : memref<128x128xf32, #tpu.memory_space<vmem>>)
      "tpu.region"() ({
        %run_scoped3A = tpu.sem_alloc : memref<!tpu.dma_semaphore, #tpu.memory_space<semaphore_mem>>
        %dma_start3A_37 = arith.constant 0 : i32
        %dma_start3A_38 = tpu.memref_slice %arg7[%scan3A_24, %dma_start3A_37] : memref<79x128xi32, #tpu.memory_space<vmem>> -> memref<1x128xi32, #tpu.memory_space<vmem>>
        %dma_start3A_39 = tpu.memref_squeeze %dma_start3A_38 : memref<1x128xi32, #tpu.memory_space<vmem>> -> memref<128xi32, #tpu.memory_space<vmem>>
        %dma_start3A_40 = arith.constant 0 : i32
        %dma_start3A_41 = arith.constant 0 : i32
        %dma_start3A_42 = tpu.memref_slice %arg10[%dma_start3A_40, %dma_start3A_41] : memref<10240x128xf32, #tpu.memory_space<vmem_shared>> -> memref<10240x128xf32, #tpu.memory_space<vmem_shared>>
        tpu.enqueue_indirect_dma source(%arg8 : memref<128x128xf32, #tpu.memory_space<vmem>>) target(%dma_start3A_42 : memref<10240x128xf32, #tpu.memory_space<vmem_shared>>) offsets(%dma_start3A_39 : memref<128xi32, #tpu.memory_space<vmem>>) semaphore(%run_scoped3A : memref<!tpu.dma_semaphore, #tpu.memory_space<semaphore_mem>>) {add = true}
        %dma_wait3A_43 = arith.constant 0 : i32
        %dma_wait3A_44 = tpu.memref_slice %arg7[%scan3A_24, %dma_wait3A_43] : memref<79x128xi32, #tpu.memory_space<vmem>> -> memref<1x128xi32, #tpu.memory_space<vmem>>
        %dma_wait3A_45 = tpu.memref_squeeze %dma_wait3A_44 : memref<1x128xi32, #tpu.memory_space<vmem>> -> memref<128xi32, #tpu.memory_space<vmem>>
        %dma_wait3A_46 = arith.constant 0 : i32
        %dma_wait3A_47 = arith.constant 0 : i32
        %dma_wait3A_48 = tpu.memref_slice %arg10[%dma_wait3A_46, %dma_wait3A_47] : memref<10240x128xf32, #tpu.memory_space<vmem_shared>> -> memref<10240x128xf32, #tpu.memory_space<vmem_shared>>
        tpu.wait_indirect_dma semaphore(%run_scoped3A : memref<!tpu.dma_semaphore, #tpu.memory_space<semaphore_mem>>) src(%arg8 : memref<128x128xf32, #tpu.memory_space<vmem>>) dst(%dma_wait3A_48 : memref<10240x128xf32, #tpu.memory_space<vmem_shared>>)
        tpu.yield
      }) : () -> ()
      %scan3A_36 = arith.constant 0 : i32
      scf.yield %scan3A_36 : i32
    }
    %scan3A_19 = arith.constant 79 : i32
    %barrier3A_20 = arith.constant 0 : index
    tpu.barrier barrier_id(%barrier3A_20)
    %mul3A = arith.constant 640 : i32
    %mul3A_21 = arith.muli %arg1, %mul3A : i32
    %mul3A_22 = arith.constant 640 : i32
    %mul3A_23 = arith.muli %arg1, %mul3A_22 : i32
    "tpu.region"() ({
      %run_scoped3A = tpu.sem_alloc : memref<!tpu.dma_semaphore, #tpu.memory_space<semaphore_mem>>
      %dma_start3A = arith.constant 0 : i32
      %dma_start3A_24 = tpu.memref_slice %arg5[%arg0, %mul3A_23, %dma_start3A] : memref<2x10240x128xf32, #tpu.memory_space<hbm>> -> memref<1x640x128xf32, #tpu.memory_space<hbm>>
      %dma_start3A_25 = tpu.memref_squeeze %dma_start3A_24 : memref<1x640x128xf32, #tpu.memory_space<hbm>> -> memref<640x128xf32, #tpu.memory_space<hbm>>
      %dma_start3A_26 = arith.constant 0 : i32
      %dma_start3A_27 = tpu.memref_slice %arg10[%mul3A_21, %dma_start3A_26] : memref<10240x128xf32, #tpu.memory_space<vmem_shared>> -> memref<640x128xf32, #tpu.memory_space<vmem_shared>>
      tpu.enqueue_dma source(%dma_start3A_27 : memref<640x128xf32, #tpu.memory_space<vmem_shared>>) target(%dma_start3A_25 : memref<640x128xf32, #tpu.memory_space<hbm>>) target_semaphore(%run_scoped3A : memref<!tpu.dma_semaphore, #tpu.memory_space<semaphore_mem>>)
      %dma_wait3A = arith.constant 0 : i32
      %dma_wait3A_28 = tpu.memref_slice %arg5[%arg0, %mul3A_23, %dma_wait3A] : memref<2x10240x128xf32, #tpu.memory_space<hbm>> -> memref<1x640x128xf32, #tpu.memory_space<hbm>>
      %dma_wait3A_29 = tpu.memref_squeeze %dma_wait3A_28 : memref<1x640x128xf32, #tpu.memory_space<hbm>> -> memref<640x128xf32, #tpu.memory_space<hbm>>
      %dma_wait3A_30 = arith.constant 0 : i32
      %dma_wait3A_31 = tpu.memref_slice %arg10[%mul3A_21, %dma_wait3A_30] : memref<10240x128xf32, #tpu.memory_space<vmem_shared>> -> memref<640x128xf32, #tpu.memory_space<vmem_shared>>
      tpu.wait_dma2 semaphore(%run_scoped3A : memref<!tpu.dma_semaphore, #tpu.memory_space<semaphore_mem>>) src(%dma_wait3A_31 : memref<640x128xf32, #tpu.memory_space<vmem_shared>>) dst(%dma_wait3A_29 : memref<640x128xf32, #tpu.memory_space<hbm>>)
      tpu.yield
    }) : () -> ()
    return
  }
}

#map = affine_map<(d0, d1) -> (0, 0)>
#map1 = affine_map<(d0, d1) -> (0, 0, 0, 0)>
#map2 = affine_map<(d0, d1) -> (0, 0, 0)>
module attributes {stable_mosaic.version = 14 : i64} {
  func.func @_sc_hop(%arg0: i32, %arg1: i32, %arg2: memref<10240x128xf32, #tpu.memory_space<hbm>>, %arg3: memref<2x16x79x128xi32, #tpu.memory_space<hbm>>, %arg4: memref<2x16x79x128xi32, #tpu.memory_space<hbm>>, %arg5: memref<2x10240x128xf32, #tpu.memory_space<hbm>>, %arg6: memref<79x128xi32, #tpu.memory_space<vmem>>, %arg7: memref<79x128xi32, #tpu.memory_space<vmem>>, %arg8: memref<128x128xf32, #tpu.memory_space<vmem>>, %arg9: memref<64x128xf32, #tpu.memory_space<vmem>>, %arg10: memref<10240x128xf32, #tpu.memory_space<vmem_shared>>, %arg11: memref<!tpu.dma_semaphore, #tpu.memory_space<semaphore_mem>>) attributes {dimension_semantics = [#tpu.dimension_semantics<core_parallel>, #tpu.dimension_semantics<subcore_parallel>], iteration_bounds = array<i64: 2, 16>, scalar_prefetch = 0 : i64, scratch_operands = 6 : i64, tpu.core_type = #tpu.core_type<sc_vector_subcore>, window_params = [{transform_indices = #map}, {transform_indices = #map1}, {transform_indices = #map1}, {transform_indices = #map2}]} {
    "tpu.region"() ({
      %run_scoped3A = tpu.sem_alloc : memref<!tpu.dma_semaphore, #tpu.memory_space<semaphore_mem>>
      %dma_start3A = arith.constant 0 : i32
      %dma_start3A_24 = arith.constant 0 : i32
      %dma_start3A_25 = tpu.memref_slice %arg3[%arg0, %arg1, %dma_start3A, %dma_start3A_24] : memref<2x16x79x128xi32, #tpu.memory_space<hbm>> -> memref<1x1x79x128xi32, #tpu.memory_space<hbm>>
      %dma_start3A_26 = tpu.memref_squeeze %dma_start3A_25 : memref<1x1x79x128xi32, #tpu.memory_space<hbm>> -> memref<79x128xi32, #tpu.memory_space<hbm>>
      %dma_start3A_27 = arith.constant 0 : i32
      %dma_start3A_28 = arith.constant 0 : i32
      %dma_start3A_29 = tpu.memref_slice %arg3[%arg0, %arg1, %dma_start3A_27, %dma_start3A_28] : memref<2x16x79x128xi32, #tpu.memory_space<hbm>> -> memref<1x1x79x128xi32, #tpu.memory_space<hbm>>
      %dma_start3A_30 = tpu.memref_squeeze %dma_start3A_29 : memref<1x1x79x128xi32, #tpu.memory_space<hbm>> -> memref<79x128xi32, #tpu.memory_space<hbm>>
      tpu.enqueue_dma source(%dma_start3A_30 : memref<79x128xi32, #tpu.memory_space<hbm>>) target(%arg6 : memref<79x128xi32, #tpu.memory_space<vmem>>) target_semaphore(%run_scoped3A : memref<!tpu.dma_semaphore, #tpu.memory_space<semaphore_mem>>)
      %dma_wait3A = arith.constant 0 : i32
      %dma_wait3A_31 = arith.constant 0 : i32
      %dma_wait3A_32 = tpu.memref_slice %arg3[%arg0, %arg1, %dma_wait3A, %dma_wait3A_31] : memref<2x16x79x128xi32, #tpu.memory_space<hbm>> -> memref<1x1x79x128xi32, #tpu.memory_space<hbm>>
      %dma_wait3A_33 = tpu.memref_squeeze %dma_wait3A_32 : memref<1x1x79x128xi32, #tpu.memory_space<hbm>> -> memref<79x128xi32, #tpu.memory_space<hbm>>
      %dma_wait3A_34 = arith.constant 0 : i32
      %dma_wait3A_35 = arith.constant 0 : i32
      %dma_wait3A_36 = tpu.memref_slice %arg3[%arg0, %arg1, %dma_wait3A_34, %dma_wait3A_35] : memref<2x16x79x128xi32, #tpu.memory_space<hbm>> -> memref<1x1x79x128xi32, #tpu.memory_space<hbm>>
      %dma_wait3A_37 = tpu.memref_squeeze %dma_wait3A_36 : memref<1x1x79x128xi32, #tpu.memory_space<hbm>> -> memref<79x128xi32, #tpu.memory_space<hbm>>
      tpu.wait_dma2 semaphore(%run_scoped3A : memref<!tpu.dma_semaphore, #tpu.memory_space<semaphore_mem>>) src(%dma_wait3A_37 : memref<79x128xi32, #tpu.memory_space<hbm>>) dst(%arg6 : memref<79x128xi32, #tpu.memory_space<vmem>>)
      tpu.yield
    }) : () -> ()
    "tpu.region"() ({
      %run_scoped3A = tpu.sem_alloc : memref<!tpu.dma_semaphore, #tpu.memory_space<semaphore_mem>>
      %dma_start3A = arith.constant 0 : i32
      %dma_start3A_24 = arith.constant 0 : i32
      %dma_start3A_25 = tpu.memref_slice %arg4[%arg0, %arg1, %dma_start3A, %dma_start3A_24] : memref<2x16x79x128xi32, #tpu.memory_space<hbm>> -> memref<1x1x79x128xi32, #tpu.memory_space<hbm>>
      %dma_start3A_26 = tpu.memref_squeeze %dma_start3A_25 : memref<1x1x79x128xi32, #tpu.memory_space<hbm>> -> memref<79x128xi32, #tpu.memory_space<hbm>>
      %dma_start3A_27 = arith.constant 0 : i32
      %dma_start3A_28 = arith.constant 0 : i32
      %dma_start3A_29 = tpu.memref_slice %arg4[%arg0, %arg1, %dma_start3A_27, %dma_start3A_28] : memref<2x16x79x128xi32, #tpu.memory_space<hbm>> -> memref<1x1x79x128xi32, #tpu.memory_space<hbm>>
      %dma_start3A_30 = tpu.memref_squeeze %dma_start3A_29 : memref<1x1x79x128xi32, #tpu.memory_space<hbm>> -> memref<79x128xi32, #tpu.memory_space<hbm>>
      tpu.enqueue_dma source(%dma_start3A_30 : memref<79x128xi32, #tpu.memory_space<hbm>>) target(%arg7 : memref<79x128xi32, #tpu.memory_space<vmem>>) target_semaphore(%run_scoped3A : memref<!tpu.dma_semaphore, #tpu.memory_space<semaphore_mem>>)
      %dma_wait3A = arith.constant 0 : i32
      %dma_wait3A_31 = arith.constant 0 : i32
      %dma_wait3A_32 = tpu.memref_slice %arg4[%arg0, %arg1, %dma_wait3A, %dma_wait3A_31] : memref<2x16x79x128xi32, #tpu.memory_space<hbm>> -> memref<1x1x79x128xi32, #tpu.memory_space<hbm>>
      %dma_wait3A_33 = tpu.memref_squeeze %dma_wait3A_32 : memref<1x1x79x128xi32, #tpu.memory_space<hbm>> -> memref<79x128xi32, #tpu.memory_space<hbm>>
      %dma_wait3A_34 = arith.constant 0 : i32
      %dma_wait3A_35 = arith.constant 0 : i32
      %dma_wait3A_36 = tpu.memref_slice %arg4[%arg0, %arg1, %dma_wait3A_34, %dma_wait3A_35] : memref<2x16x79x128xi32, #tpu.memory_space<hbm>> -> memref<1x1x79x128xi32, #tpu.memory_space<hbm>>
      %dma_wait3A_37 = tpu.memref_squeeze %dma_wait3A_36 : memref<1x1x79x128xi32, #tpu.memory_space<hbm>> -> memref<79x128xi32, #tpu.memory_space<hbm>>
      tpu.wait_dma2 semaphore(%run_scoped3A : memref<!tpu.dma_semaphore, #tpu.memory_space<semaphore_mem>>) src(%dma_wait3A_37 : memref<79x128xi32, #tpu.memory_space<hbm>>) dst(%arg7 : memref<79x128xi32, #tpu.memory_space<vmem>>)
      tpu.yield
    }) : () -> ()
    %scan3A = arith.constant 0 : i32
    %scan3A_0 = arith.constant 0 : i32
    %scan3A_1 = arith.constant 64 : i32
    %scan3A_2 = arith.addi %scan3A_0, %scan3A_1 : i32
    %scan3A_3 = arith.constant 1 : i32
    %scan3A_4 = scf.for %scan3A_24 = %scan3A_0 to %scan3A_2 step %scan3A_3 iter_args(%scan3A_25 = %scan3A) -> (i32)  : i32 {
      %broadcast_in_dim3A = arith.constant 0.000000e+00 : f32
      %broadcast_in_dim3A_26 = vector.broadcast %broadcast_in_dim3A : f32 to vector<16xf32>
      %swap3A = arith.index_cast %scan3A_24 : i32 to index
      %swap3A_27 = arith.constant 0 : index
      %swap3A_28 = tpu.vector_load %arg9[%swap3A, %swap3A_27] {strides = array<i32>} : memref<64x128xf32, #tpu.memory_space<vmem>>, vector<1x16xf32>,
      %swap3A_29 = vector.shape_cast %swap3A_28 : vector<1x16xf32> to vector<16xf32>
      %swap3A_30 = vector.shape_cast %broadcast_in_dim3A_26 : vector<16xf32> to vector<1x16xf32>
      tpu.vector_store %arg9[%swap3A, %swap3A_27], %swap3A_30 {strides = array<i32>} : memref<64x128xf32, #tpu.memory_space<vmem>>, vector<1x16xf32>,
      %broadcast_in_dim3A_31 = arith.constant 0.000000e+00 : f32
      %broadcast_in_dim3A_32 = vector.broadcast %broadcast_in_dim3A_31 : f32 to vector<16xf32>
      %swap3A_33 = arith.index_cast %scan3A_24 : i32 to index
      %swap3A_34 = arith.constant 16 : index
      %swap3A_35 = tpu.vector_load %arg9[%swap3A_33, %swap3A_34] {strides = array<i32>} : memref<64x128xf32, #tpu.memory_space<vmem>>, vector<1x16xf32>,
      %swap3A_36 = vector.shape_cast %swap3A_35 : vector<1x16xf32> to vector<16xf32>
      %swap3A_37 = vector.shape_cast %broadcast_in_dim3A_32 : vector<16xf32> to vector<1x16xf32>
      tpu.vector_store %arg9[%swap3A_33, %swap3A_34], %swap3A_37 {strides = array<i32>} : memref<64x128xf32, #tpu.memory_space<vmem>>, vector<1x16xf32>,
      %broadcast_in_dim3A_38 = arith.constant 0.000000e+00 : f32
      %broadcast_in_dim3A_39 = vector.broadcast %broadcast_in_dim3A_38 : f32 to vector<16xf32>
      %swap3A_40 = arith.index_cast %scan3A_24 : i32 to index
      %swap3A_41 = arith.constant 32 : index
      %swap3A_42 = tpu.vector_load %arg9[%swap3A_40, %swap3A_41] {strides = array<i32>} : memref<64x128xf32, #tpu.memory_space<vmem>>, vector<1x16xf32>,
      %swap3A_43 = vector.shape_cast %swap3A_42 : vector<1x16xf32> to vector<16xf32>
      %swap3A_44 = vector.shape_cast %broadcast_in_dim3A_39 : vector<16xf32> to vector<1x16xf32>
      tpu.vector_store %arg9[%swap3A_40, %swap3A_41], %swap3A_44 {strides = array<i32>} : memref<64x128xf32, #tpu.memory_space<vmem>>, vector<1x16xf32>,
      %broadcast_in_dim3A_45 = arith.constant 0.000000e+00 : f32
      %broadcast_in_dim3A_46 = vector.broadcast %broadcast_in_dim3A_45 : f32 to vector<16xf32>
      %swap3A_47 = arith.index_cast %scan3A_24 : i32 to index
      %swap3A_48 = arith.constant 48 : index
      %swap3A_49 = tpu.vector_load %arg9[%swap3A_47, %swap3A_48] {strides = array<i32>} : memref<64x128xf32, #tpu.memory_space<vmem>>, vector<1x16xf32>,
      %swap3A_50 = vector.shape_cast %swap3A_49 : vector<1x16xf32> to vector<16xf32>
      %swap3A_51 = vector.shape_cast %broadcast_in_dim3A_46 : vector<16xf32> to vector<1x16xf32>
      tpu.vector_store %arg9[%swap3A_47, %swap3A_48], %swap3A_51 {strides = array<i32>} : memref<64x128xf32, #tpu.memory_space<vmem>>, vector<1x16xf32>,
      %broadcast_in_dim3A_52 = arith.constant 0.000000e+00 : f32
      %broadcast_in_dim3A_53 = vector.broadcast %broadcast_in_dim3A_52 : f32 to vector<16xf32>
      %swap3A_54 = arith.index_cast %scan3A_24 : i32 to index
      %swap3A_55 = arith.constant 64 : index
      %swap3A_56 = tpu.vector_load %arg9[%swap3A_54, %swap3A_55] {strides = array<i32>} : memref<64x128xf32, #tpu.memory_space<vmem>>, vector<1x16xf32>,
      %swap3A_57 = vector.shape_cast %swap3A_56 : vector<1x16xf32> to vector<16xf32>
      %swap3A_58 = vector.shape_cast %broadcast_in_dim3A_53 : vector<16xf32> to vector<1x16xf32>
      tpu.vector_store %arg9[%swap3A_54, %swap3A_55], %swap3A_58 {strides = array<i32>} : memref<64x128xf32, #tpu.memory_space<vmem>>, vector<1x16xf32>,
      %broadcast_in_dim3A_59 = arith.constant 0.000000e+00 : f32
      %broadcast_in_dim3A_60 = vector.broadcast %broadcast_in_dim3A_59 : f32 to vector<16xf32>
      %swap3A_61 = arith.index_cast %scan3A_24 : i32 to index
      %swap3A_62 = arith.constant 80 : index
      %swap3A_63 = tpu.vector_load %arg9[%swap3A_61, %swap3A_62] {strides = array<i32>} : memref<64x128xf32, #tpu.memory_space<vmem>>, vector<1x16xf32>,
      %swap3A_64 = vector.shape_cast %swap3A_63 : vector<1x16xf32> to vector<16xf32>
      %swap3A_65 = vector.shape_cast %broadcast_in_dim3A_60 : vector<16xf32> to vector<1x16xf32>
      tpu.vector_store %arg9[%swap3A_61, %swap3A_62], %swap3A_65 {strides = array<i32>} : memref<64x128xf32, #tpu.memory_space<vmem>>, vector<1x16xf32>,
      %broadcast_in_dim3A_66 = arith.constant 0.000000e+00 : f32
      %broadcast_in_dim3A_67 = vector.broadcast %broadcast_in_dim3A_66 : f32 to vector<16xf32>
      %swap3A_68 = arith.index_cast %scan3A_24 : i32 to index
      %swap3A_69 = arith.constant 96 : index
      %swap3A_70 = tpu.vector_load %arg9[%swap3A_68, %swap3A_69] {strides = array<i32>} : memref<64x128xf32, #tpu.memory_space<vmem>>, vector<1x16xf32>,
      %swap3A_71 = vector.shape_cast %swap3A_70 : vector<1x16xf32> to vector<16xf32>
      %swap3A_72 = vector.shape_cast %broadcast_in_dim3A_67 : vector<16xf32> to vector<1x16xf32>
      tpu.vector_store %arg9[%swap3A_68, %swap3A_69], %swap3A_72 {strides = array<i32>} : memref<64x128xf32, #tpu.memory_space<vmem>>, vector<1x16xf32>,
      %broadcast_in_dim3A_73 = arith.constant 0.000000e+00 : f32
      %broadcast_in_dim3A_74 = vector.broadcast %broadcast_in_dim3A_73 : f32 to vector<16xf32>
      %swap3A_75 = arith.index_cast %scan3A_24 : i32 to index
      %swap3A_76 = arith.constant 112 : index
      %swap3A_77 = tpu.vector_load %arg9[%swap3A_75, %swap3A_76] {strides = array<i32>} : memref<64x128xf32, #tpu.memory_space<vmem>>, vector<1x16xf32>,
      %swap3A_78 = vector.shape_cast %swap3A_77 : vector<1x16xf32> to vector<16xf32>
      %swap3A_79 = vector.shape_cast %broadcast_in_dim3A_74 : vector<16xf32> to vector<1x16xf32>
      tpu.vector_store %arg9[%swap3A_75, %swap3A_76], %swap3A_79 {strides = array<i32>} : memref<64x128xf32, #tpu.memory_space<vmem>>, vector<1x16xf32>,
      %scan3A_80 = arith.constant 0 : i32
      scf.yield %scan3A_80 : i32
    }
    %scan3A_5 = arith.constant 64 : i32
    %scan3A_6 = arith.constant 0 : i32
    %scan3A_7 = arith.constant 0 : i32
    %scan3A_8 = arith.constant 10 : i32
    %scan3A_9 = arith.addi %scan3A_7, %scan3A_8 : i32
    %scan3A_10 = arith.constant 1 : i32
    %scan3A_11 = scf.for %scan3A_24 = %scan3A_7 to %scan3A_9 step %scan3A_10 iter_args(%scan3A_25 = %scan3A_6) -> (i32)  : i32 {
      %mul3A_26 = arith.constant 640 : i32
      %mul3A_27 = arith.muli %arg1, %mul3A_26 : i32
      %mul3A_28 = arith.constant 64 : i32
      %mul3A_29 = arith.muli %scan3A_24, %mul3A_28 : i32
      %add3A = arith.addi %mul3A_27, %mul3A_29 : i32
      "tpu.region"() ({
        %run_scoped3A = tpu.sem_alloc : memref<!tpu.dma_semaphore, #tpu.memory_space<semaphore_mem>>
        %dma_start3A = arith.constant 0 : i32
        %dma_start3A_31 = tpu.memref_slice %arg10[%add3A, %dma_start3A] : memref<10240x128xf32, #tpu.memory_space<vmem_shared>> -> memref<64x128xf32, #tpu.memory_space<vmem_shared>>
        %dma_start3A_32 = arith.constant 0 : i32
        %dma_start3A_33 = tpu.memref_slice %arg10[%add3A, %dma_start3A_32] : memref<10240x128xf32, #tpu.memory_space<vmem_shared>> -> memref<64x128xf32, #tpu.memory_space<vmem_shared>>
        tpu.enqueue_dma source(%arg9 : memref<64x128xf32, #tpu.memory_space<vmem>>) target(%dma_start3A_33 : memref<64x128xf32, #tpu.memory_space<vmem_shared>>) target_semaphore(%run_scoped3A : memref<!tpu.dma_semaphore, #tpu.memory_space<semaphore_mem>>)
        %dma_wait3A = arith.constant 0 : i32
        %dma_wait3A_34 = tpu.memref_slice %arg10[%add3A, %dma_wait3A] : memref<10240x128xf32, #tpu.memory_space<vmem_shared>> -> memref<64x128xf32, #tpu.memory_space<vmem_shared>>
        %dma_wait3A_35 = arith.constant 0 : i32
        %dma_wait3A_36 = tpu.memref_slice %arg10[%add3A, %dma_wait3A_35] : memref<10240x128xf32, #tpu.memory_space<vmem_shared>> -> memref<64x128xf32, #tpu.memory_space<vmem_shared>>
        tpu.wait_dma2 semaphore(%run_scoped3A : memref<!tpu.dma_semaphore, #tpu.memory_space<semaphore_mem>>) src(%arg9 : memref<64x128xf32, #tpu.memory_space<vmem>>) dst(%dma_wait3A_36 : memref<64x128xf32, #tpu.memory_space<vmem_shared>>)
        tpu.yield
      }) : () -> ()
      %scan3A_30 = arith.constant 0 : i32
      scf.yield %scan3A_30 : i32
    }
    %scan3A_12 = arith.constant 10 : i32
    %barrier3A = arith.constant 0 : index
    tpu.barrier barrier_id(%barrier3A)
    %scan3A_13 = arith.constant 0 : i32
    %scan3A_14 = arith.constant 0 : i32
    %scan3A_15 = arith.constant 79 : i32
    %scan3A_16 = arith.addi %scan3A_14, %scan3A_15 : i32
    %scan3A_17 = arith.constant 1 : i32
    %scan3A_18 = scf.for %scan3A_24 = %scan3A_14 to %scan3A_16 step %scan3A_17 iter_args(%scan3A_25 = %scan3A_13) -> (i32)  : i32 {
      %dma_start3A = arith.constant 0 : i32
      %dma_start3A_26 = tpu.memref_slice %arg6[%scan3A_24, %dma_start3A] : memref<79x128xi32, #tpu.memory_space<vmem>> -> memref<1x128xi32, #tpu.memory_space<vmem>>
      %dma_start3A_27 = tpu.memref_squeeze %dma_start3A_26 : memref<1x128xi32, #tpu.memory_space<vmem>> -> memref<128xi32, #tpu.memory_space<vmem>>
      %dma_start3A_28 = arith.constant 0 : i32
      %dma_start3A_29 = arith.constant 0 : i32
      %dma_start3A_30 = tpu.memref_slice %arg2[%dma_start3A_28, %dma_start3A_29] : memref<10240x128xf32, #tpu.memory_space<hbm>> -> memref<10240x128xf32, #tpu.memory_space<hbm>>
      tpu.enqueue_indirect_dma source(%dma_start3A_30 : memref<10240x128xf32, #tpu.memory_space<hbm>>) target(%arg8 : memref<128x128xf32, #tpu.memory_space<vmem>>) offsets(%dma_start3A_27 : memref<128xi32, #tpu.memory_space<vmem>>) semaphore(%arg11 : memref<!tpu.dma_semaphore, #tpu.memory_space<semaphore_mem>>)
      %dma_wait3A = arith.constant 0 : i32
      %dma_wait3A_31 = tpu.memref_slice %arg6[%scan3A_24, %dma_wait3A] : memref<79x128xi32, #tpu.memory_space<vmem>> -> memref<1x128xi32, #tpu.memory_space<vmem>>
      %dma_wait3A_32 = tpu.memref_squeeze %dma_wait3A_31 : memref<1x128xi32, #tpu.memory_space<vmem>> -> memref<128xi32, #tpu.memory_space<vmem>>
      %dma_wait3A_33 = arith.constant 0 : i32
      %dma_wait3A_34 = arith.constant 0 : i32
      %dma_wait3A_35 = tpu.memref_slice %arg2[%dma_wait3A_33, %dma_wait3A_34] : memref<10240x128xf32, #tpu.memory_space<hbm>> -> memref<10240x128xf32, #tpu.memory_space<hbm>>
      tpu.wait_indirect_dma semaphore(%arg11 : memref<!tpu.dma_semaphore, #tpu.memory_space<semaphore_mem>>) src(%dma_wait3A_35 : memref<10240x128xf32, #tpu.memory_space<hbm>>) dst(%arg8 : memref<128x128xf32, #tpu.memory_space<vmem>>)
      "tpu.region"() ({
        %run_scoped3A = tpu.sem_alloc : memref<!tpu.dma_semaphore, #tpu.memory_space<semaphore_mem>>
        %dma_start3A_37 = arith.constant 0 : i32
        %dma_start3A_38 = tpu.memref_slice %arg7[%scan3A_24, %dma_start3A_37] : memref<79x128xi32, #tpu.memory_space<vmem>> -> memref<1x128xi32, #tpu.memory_space<vmem>>
        %dma_start3A_39 = tpu.memref_squeeze %dma_start3A_38 : memref<1x128xi32, #tpu.memory_space<vmem>> -> memref<128xi32, #tpu.memory_space<vmem>>
        %dma_start3A_40 = arith.constant 0 : i32
        %dma_start3A_41 = arith.constant 0 : i32
        %dma_start3A_42 = tpu.memref_slice %arg10[%dma_start3A_40, %dma_start3A_41] : memref<10240x128xf32, #tpu.memory_space<vmem_shared>> -> memref<10240x128xf32, #tpu.memory_space<vmem_shared>>
        tpu.enqueue_indirect_dma source(%arg8 : memref<128x128xf32, #tpu.memory_space<vmem>>) target(%dma_start3A_42 : memref<10240x128xf32, #tpu.memory_space<vmem_shared>>) offsets(%dma_start3A_39 : memref<128xi32, #tpu.memory_space<vmem>>) semaphore(%run_scoped3A : memref<!tpu.dma_semaphore, #tpu.memory_space<semaphore_mem>>) {add = true}
        %dma_wait3A_43 = arith.constant 0 : i32
        %dma_wait3A_44 = tpu.memref_slice %arg7[%scan3A_24, %dma_wait3A_43] : memref<79x128xi32, #tpu.memory_space<vmem>> -> memref<1x128xi32, #tpu.memory_space<vmem>>
        %dma_wait3A_45 = tpu.memref_squeeze %dma_wait3A_44 : memref<1x128xi32, #tpu.memory_space<vmem>> -> memref<128xi32, #tpu.memory_space<vmem>>
        %dma_wait3A_46 = arith.constant 0 : i32
        %dma_wait3A_47 = arith.constant 0 : i32
        %dma_wait3A_48 = tpu.memref_slice %arg10[%dma_wait3A_46, %dma_wait3A_47] : memref<10240x128xf32, #tpu.memory_space<vmem_shared>> -> memref<10240x128xf32, #tpu.memory_space<vmem_shared>>
        tpu.wait_indirect_dma semaphore(%run_scoped3A : memref<!tpu.dma_semaphore, #tpu.memory_space<semaphore_mem>>) src(%arg8 : memref<128x128xf32, #tpu.memory_space<vmem>>) dst(%dma_wait3A_48 : memref<10240x128xf32, #tpu.memory_space<vmem_shared>>)
        tpu.yield
      }) : () -> ()
      %scan3A_36 = arith.constant 0 : i32
      scf.yield %scan3A_36 : i32
    }
    %scan3A_19 = arith.constant 79 : i32
    %barrier3A_20 = arith.constant 0 : index
    tpu.barrier barrier_id(%barrier3A_20)
    %mul3A = arith.constant 640 : i32
    %mul3A_21 = arith.muli %arg1, %mul3A : i32
    %mul3A_22 = arith.constant 640 : i32
    %mul3A_23 = arith.muli %arg1, %mul3A_22 : i32
    "tpu.region"() ({
      %run_scoped3A = tpu.sem_alloc : memref<!tpu.dma_semaphore, #tpu.memory_space<semaphore_mem>>
      %dma_start3A = arith.constant 0 : i32
      %dma_start3A_24 = tpu.memref_slice %arg5[%arg0, %mul3A_23, %dma_start3A] : memref<2x10240x128xf32, #tpu.memory_space<hbm>> -> memref<1x640x128xf32, #tpu.memory_space<hbm>>
      %dma_start3A_25 = tpu.memref_squeeze %dma_start3A_24 : memref<1x640x128xf32, #tpu.memory_space<hbm>> -> memref<640x128xf32, #tpu.memory_space<hbm>>
      %dma_start3A_26 = arith.constant 0 : i32
      %dma_start3A_27 = tpu.memref_slice %arg10[%mul3A_21, %dma_start3A_26] : memref<10240x128xf32, #tpu.memory_space<vmem_shared>> -> memref<640x128xf32, #tpu.memory_space<vmem_shared>>
      tpu.enqueue_dma source(%dma_start3A_27 : memref<640x128xf32, #tpu.memory_space<vmem_shared>>) target(%dma_start3A_25 : memref<640x128xf32, #tpu.memory_space<hbm>>) target_semaphore(%run_scoped3A : memref<!tpu.dma_semaphore, #tpu.memory_space<semaphore_mem>>)
      %dma_wait3A = arith.constant 0 : i32
      %dma_wait3A_28 = tpu.memref_slice %arg5[%arg0, %mul3A_23, %dma_wait3A] : memref<2x10240x128xf32, #tpu.memory_space<hbm>> -> memref<1x640x128xf32, #tpu.memory_space<hbm>>
      %dma_wait3A_29 = tpu.memref_squeeze %dma_wait3A_28 : memref<1x640x128xf32, #tpu.memory_space<hbm>> -> memref<640x128xf32, #tpu.memory_space<hbm>>
      %dma_wait3A_30 = arith.constant 0 : i32
      %dma_wait3A_31 = tpu.memref_slice %arg10[%mul3A_21, %dma_wait3A_30] : memref<10240x128xf32, #tpu.memory_space<vmem_shared>> -> memref<640x128xf32, #tpu.memory_space<vmem_shared>>
      tpu.wait_dma2 semaphore(%run_scoped3A : memref<!tpu.dma_semaphore, #tpu.memory_space<semaphore_mem>>) src(%dma_wait3A_31 : memref<640x128xf32, #tpu.memory_space<vmem_shared>>) dst(%dma_wait3A_29 : memref<640x128xf32, #tpu.memory_space<hbm>>)
      tpu.yield
    }) : () -> ()
    return
  }
}

#map = affine_map<(d0, d1) -> (0, 0)>
#map1 = affine_map<(d0, d1) -> (0, 0, 0, 0)>
#map2 = affine_map<(d0, d1) -> (0, 0, 0)>
module attributes {stable_mosaic.version = 14 : i64} {
  func.func @_sc_hop(%arg0: i32, %arg1: i32, %arg2: memref<10240x128xf32, #tpu.memory_space<hbm>>, %arg3: memref<2x16x79x128xi32, #tpu.memory_space<hbm>>, %arg4: memref<2x16x79x128xi32, #tpu.memory_space<hbm>>, %arg5: memref<2x10240x128xf32, #tpu.memory_space<hbm>>, %arg6: memref<79x128xi32, #tpu.memory_space<vmem>>, %arg7: memref<79x128xi32, #tpu.memory_space<vmem>>, %arg8: memref<128x128xf32, #tpu.memory_space<vmem>>, %arg9: memref<64x128xf32, #tpu.memory_space<vmem>>, %arg10: memref<10240x128xf32, #tpu.memory_space<vmem_shared>>, %arg11: memref<!tpu.dma_semaphore, #tpu.memory_space<semaphore_mem>>) attributes {dimension_semantics = [#tpu.dimension_semantics<core_parallel>, #tpu.dimension_semantics<subcore_parallel>], iteration_bounds = array<i64: 2, 16>, scalar_prefetch = 0 : i64, scratch_operands = 6 : i64, tpu.core_type = #tpu.core_type<sc_vector_subcore>, window_params = [{transform_indices = #map}, {transform_indices = #map1}, {transform_indices = #map1}, {transform_indices = #map2}]} {
    "tpu.region"() ({
      %run_scoped3A = tpu.sem_alloc : memref<!tpu.dma_semaphore, #tpu.memory_space<semaphore_mem>>
      %dma_start3A = arith.constant 0 : i32
      %dma_start3A_24 = arith.constant 0 : i32
      %dma_start3A_25 = tpu.memref_slice %arg3[%arg0, %arg1, %dma_start3A, %dma_start3A_24] : memref<2x16x79x128xi32, #tpu.memory_space<hbm>> -> memref<1x1x79x128xi32, #tpu.memory_space<hbm>>
      %dma_start3A_26 = tpu.memref_squeeze %dma_start3A_25 : memref<1x1x79x128xi32, #tpu.memory_space<hbm>> -> memref<79x128xi32, #tpu.memory_space<hbm>>
      %dma_start3A_27 = arith.constant 0 : i32
      %dma_start3A_28 = arith.constant 0 : i32
      %dma_start3A_29 = tpu.memref_slice %arg3[%arg0, %arg1, %dma_start3A_27, %dma_start3A_28] : memref<2x16x79x128xi32, #tpu.memory_space<hbm>> -> memref<1x1x79x128xi32, #tpu.memory_space<hbm>>
      %dma_start3A_30 = tpu.memref_squeeze %dma_start3A_29 : memref<1x1x79x128xi32, #tpu.memory_space<hbm>> -> memref<79x128xi32, #tpu.memory_space<hbm>>
      tpu.enqueue_dma source(%dma_start3A_30 : memref<79x128xi32, #tpu.memory_space<hbm>>) target(%arg6 : memref<79x128xi32, #tpu.memory_space<vmem>>) target_semaphore(%run_scoped3A : memref<!tpu.dma_semaphore, #tpu.memory_space<semaphore_mem>>)
      %dma_wait3A = arith.constant 0 : i32
      %dma_wait3A_31 = arith.constant 0 : i32
      %dma_wait3A_32 = tpu.memref_slice %arg3[%arg0, %arg1, %dma_wait3A, %dma_wait3A_31] : memref<2x16x79x128xi32, #tpu.memory_space<hbm>> -> memref<1x1x79x128xi32, #tpu.memory_space<hbm>>
      %dma_wait3A_33 = tpu.memref_squeeze %dma_wait3A_32 : memref<1x1x79x128xi32, #tpu.memory_space<hbm>> -> memref<79x128xi32, #tpu.memory_space<hbm>>
      %dma_wait3A_34 = arith.constant 0 : i32
      %dma_wait3A_35 = arith.constant 0 : i32
      %dma_wait3A_36 = tpu.memref_slice %arg3[%arg0, %arg1, %dma_wait3A_34, %dma_wait3A_35] : memref<2x16x79x128xi32, #tpu.memory_space<hbm>> -> memref<1x1x79x128xi32, #tpu.memory_space<hbm>>
      %dma_wait3A_37 = tpu.memref_squeeze %dma_wait3A_36 : memref<1x1x79x128xi32, #tpu.memory_space<hbm>> -> memref<79x128xi32, #tpu.memory_space<hbm>>
      tpu.wait_dma2 semaphore(%run_scoped3A : memref<!tpu.dma_semaphore, #tpu.memory_space<semaphore_mem>>) src(%dma_wait3A_37 : memref<79x128xi32, #tpu.memory_space<hbm>>) dst(%arg6 : memref<79x128xi32, #tpu.memory_space<vmem>>)
      tpu.yield
    }) : () -> ()
    "tpu.region"() ({
      %run_scoped3A = tpu.sem_alloc : memref<!tpu.dma_semaphore, #tpu.memory_space<semaphore_mem>>
      %dma_start3A = arith.constant 0 : i32
      %dma_start3A_24 = arith.constant 0 : i32
      %dma_start3A_25 = tpu.memref_slice %arg4[%arg0, %arg1, %dma_start3A, %dma_start3A_24] : memref<2x16x79x128xi32, #tpu.memory_space<hbm>> -> memref<1x1x79x128xi32, #tpu.memory_space<hbm>>
      %dma_start3A_26 = tpu.memref_squeeze %dma_start3A_25 : memref<1x1x79x128xi32, #tpu.memory_space<hbm>> -> memref<79x128xi32, #tpu.memory_space<hbm>>
      %dma_start3A_27 = arith.constant 0 : i32
      %dma_start3A_28 = arith.constant 0 : i32
      %dma_start3A_29 = tpu.memref_slice %arg4[%arg0, %arg1, %dma_start3A_27, %dma_start3A_28] : memref<2x16x79x128xi32, #tpu.memory_space<hbm>> -> memref<1x1x79x128xi32, #tpu.memory_space<hbm>>
      %dma_start3A_30 = tpu.memref_squeeze %dma_start3A_29 : memref<1x1x79x128xi32, #tpu.memory_space<hbm>> -> memref<79x128xi32, #tpu.memory_space<hbm>>
      tpu.enqueue_dma source(%dma_start3A_30 : memref<79x128xi32, #tpu.memory_space<hbm>>) target(%arg7 : memref<79x128xi32, #tpu.memory_space<vmem>>) target_semaphore(%run_scoped3A : memref<!tpu.dma_semaphore, #tpu.memory_space<semaphore_mem>>)
      %dma_wait3A = arith.constant 0 : i32
      %dma_wait3A_31 = arith.constant 0 : i32
      %dma_wait3A_32 = tpu.memref_slice %arg4[%arg0, %arg1, %dma_wait3A, %dma_wait3A_31] : memref<2x16x79x128xi32, #tpu.memory_space<hbm>> -> memref<1x1x79x128xi32, #tpu.memory_space<hbm>>
      %dma_wait3A_33 = tpu.memref_squeeze %dma_wait3A_32 : memref<1x1x79x128xi32, #tpu.memory_space<hbm>> -> memref<79x128xi32, #tpu.memory_space<hbm>>
      %dma_wait3A_34 = arith.constant 0 : i32
      %dma_wait3A_35 = arith.constant 0 : i32
      %dma_wait3A_36 = tpu.memref_slice %arg4[%arg0, %arg1, %dma_wait3A_34, %dma_wait3A_35] : memref<2x16x79x128xi32, #tpu.memory_space<hbm>> -> memref<1x1x79x128xi32, #tpu.memory_space<hbm>>
      %dma_wait3A_37 = tpu.memref_squeeze %dma_wait3A_36 : memref<1x1x79x128xi32, #tpu.memory_space<hbm>> -> memref<79x128xi32, #tpu.memory_space<hbm>>
      tpu.wait_dma2 semaphore(%run_scoped3A : memref<!tpu.dma_semaphore, #tpu.memory_space<semaphore_mem>>) src(%dma_wait3A_37 : memref<79x128xi32, #tpu.memory_space<hbm>>) dst(%arg7 : memref<79x128xi32, #tpu.memory_space<vmem>>)
      tpu.yield
    }) : () -> ()
    %scan3A = arith.constant 0 : i32
    %scan3A_0 = arith.constant 0 : i32
    %scan3A_1 = arith.constant 64 : i32
    %scan3A_2 = arith.addi %scan3A_0, %scan3A_1 : i32
    %scan3A_3 = arith.constant 1 : i32
    %scan3A_4 = scf.for %scan3A_24 = %scan3A_0 to %scan3A_2 step %scan3A_3 iter_args(%scan3A_25 = %scan3A) -> (i32)  : i32 {
      %broadcast_in_dim3A = arith.constant 0.000000e+00 : f32
      %broadcast_in_dim3A_26 = vector.broadcast %broadcast_in_dim3A : f32 to vector<16xf32>
      %swap3A = arith.index_cast %scan3A_24 : i32 to index
      %swap3A_27 = arith.constant 0 : index
      %swap3A_28 = tpu.vector_load %arg9[%swap3A, %swap3A_27] {strides = array<i32>} : memref<64x128xf32, #tpu.memory_space<vmem>>, vector<1x16xf32>,
      %swap3A_29 = vector.shape_cast %swap3A_28 : vector<1x16xf32> to vector<16xf32>
      %swap3A_30 = vector.shape_cast %broadcast_in_dim3A_26 : vector<16xf32> to vector<1x16xf32>
      tpu.vector_store %arg9[%swap3A, %swap3A_27], %swap3A_30 {strides = array<i32>} : memref<64x128xf32, #tpu.memory_space<vmem>>, vector<1x16xf32>,
      %broadcast_in_dim3A_31 = arith.constant 0.000000e+00 : f32
      %broadcast_in_dim3A_32 = vector.broadcast %broadcast_in_dim3A_31 : f32 to vector<16xf32>
      %swap3A_33 = arith.index_cast %scan3A_24 : i32 to index
      %swap3A_34 = arith.constant 16 : index
      %swap3A_35 = tpu.vector_load %arg9[%swap3A_33, %swap3A_34] {strides = array<i32>} : memref<64x128xf32, #tpu.memory_space<vmem>>, vector<1x16xf32>,
      %swap3A_36 = vector.shape_cast %swap3A_35 : vector<1x16xf32> to vector<16xf32>
      %swap3A_37 = vector.shape_cast %broadcast_in_dim3A_32 : vector<16xf32> to vector<1x16xf32>
      tpu.vector_store %arg9[%swap3A_33, %swap3A_34], %swap3A_37 {strides = array<i32>} : memref<64x128xf32, #tpu.memory_space<vmem>>, vector<1x16xf32>,
      %broadcast_in_dim3A_38 = arith.constant 0.000000e+00 : f32
      %broadcast_in_dim3A_39 = vector.broadcast %broadcast_in_dim3A_38 : f32 to vector<16xf32>
      %swap3A_40 = arith.index_cast %scan3A_24 : i32 to index
      %swap3A_41 = arith.constant 32 : index
      %swap3A_42 = tpu.vector_load %arg9[%swap3A_40, %swap3A_41] {strides = array<i32>} : memref<64x128xf32, #tpu.memory_space<vmem>>, vector<1x16xf32>,
      %swap3A_43 = vector.shape_cast %swap3A_42 : vector<1x16xf32> to vector<16xf32>
      %swap3A_44 = vector.shape_cast %broadcast_in_dim3A_39 : vector<16xf32> to vector<1x16xf32>
      tpu.vector_store %arg9[%swap3A_40, %swap3A_41], %swap3A_44 {strides = array<i32>} : memref<64x128xf32, #tpu.memory_space<vmem>>, vector<1x16xf32>,
      %broadcast_in_dim3A_45 = arith.constant 0.000000e+00 : f32
      %broadcast_in_dim3A_46 = vector.broadcast %broadcast_in_dim3A_45 : f32 to vector<16xf32>
      %swap3A_47 = arith.index_cast %scan3A_24 : i32 to index
      %swap3A_48 = arith.constant 48 : index
      %swap3A_49 = tpu.vector_load %arg9[%swap3A_47, %swap3A_48] {strides = array<i32>} : memref<64x128xf32, #tpu.memory_space<vmem>>, vector<1x16xf32>,
      %swap3A_50 = vector.shape_cast %swap3A_49 : vector<1x16xf32> to vector<16xf32>
      %swap3A_51 = vector.shape_cast %broadcast_in_dim3A_46 : vector<16xf32> to vector<1x16xf32>
      tpu.vector_store %arg9[%swap3A_47, %swap3A_48], %swap3A_51 {strides = array<i32>} : memref<64x128xf32, #tpu.memory_space<vmem>>, vector<1x16xf32>,
      %broadcast_in_dim3A_52 = arith.constant 0.000000e+00 : f32
      %broadcast_in_dim3A_53 = vector.broadcast %broadcast_in_dim3A_52 : f32 to vector<16xf32>
      %swap3A_54 = arith.index_cast %scan3A_24 : i32 to index
      %swap3A_55 = arith.constant 64 : index
      %swap3A_56 = tpu.vector_load %arg9[%swap3A_54, %swap3A_55] {strides = array<i32>} : memref<64x128xf32, #tpu.memory_space<vmem>>, vector<1x16xf32>,
      %swap3A_57 = vector.shape_cast %swap3A_56 : vector<1x16xf32> to vector<16xf32>
      %swap3A_58 = vector.shape_cast %broadcast_in_dim3A_53 : vector<16xf32> to vector<1x16xf32>
      tpu.vector_store %arg9[%swap3A_54, %swap3A_55], %swap3A_58 {strides = array<i32>} : memref<64x128xf32, #tpu.memory_space<vmem>>, vector<1x16xf32>,
      %broadcast_in_dim3A_59 = arith.constant 0.000000e+00 : f32
      %broadcast_in_dim3A_60 = vector.broadcast %broadcast_in_dim3A_59 : f32 to vector<16xf32>
      %swap3A_61 = arith.index_cast %scan3A_24 : i32 to index
      %swap3A_62 = arith.constant 80 : index
      %swap3A_63 = tpu.vector_load %arg9[%swap3A_61, %swap3A_62] {strides = array<i32>} : memref<64x128xf32, #tpu.memory_space<vmem>>, vector<1x16xf32>,
      %swap3A_64 = vector.shape_cast %swap3A_63 : vector<1x16xf32> to vector<16xf32>
      %swap3A_65 = vector.shape_cast %broadcast_in_dim3A_60 : vector<16xf32> to vector<1x16xf32>
      tpu.vector_store %arg9[%swap3A_61, %swap3A_62], %swap3A_65 {strides = array<i32>} : memref<64x128xf32, #tpu.memory_space<vmem>>, vector<1x16xf32>,
      %broadcast_in_dim3A_66 = arith.constant 0.000000e+00 : f32
      %broadcast_in_dim3A_67 = vector.broadcast %broadcast_in_dim3A_66 : f32 to vector<16xf32>
      %swap3A_68 = arith.index_cast %scan3A_24 : i32 to index
      %swap3A_69 = arith.constant 96 : index
      %swap3A_70 = tpu.vector_load %arg9[%swap3A_68, %swap3A_69] {strides = array<i32>} : memref<64x128xf32, #tpu.memory_space<vmem>>, vector<1x16xf32>,
      %swap3A_71 = vector.shape_cast %swap3A_70 : vector<1x16xf32> to vector<16xf32>
      %swap3A_72 = vector.shape_cast %broadcast_in_dim3A_67 : vector<16xf32> to vector<1x16xf32>
      tpu.vector_store %arg9[%swap3A_68, %swap3A_69], %swap3A_72 {strides = array<i32>} : memref<64x128xf32, #tpu.memory_space<vmem>>, vector<1x16xf32>,
      %broadcast_in_dim3A_73 = arith.constant 0.000000e+00 : f32
      %broadcast_in_dim3A_74 = vector.broadcast %broadcast_in_dim3A_73 : f32 to vector<16xf32>
      %swap3A_75 = arith.index_cast %scan3A_24 : i32 to index
      %swap3A_76 = arith.constant 112 : index
      %swap3A_77 = tpu.vector_load %arg9[%swap3A_75, %swap3A_76] {strides = array<i32>} : memref<64x128xf32, #tpu.memory_space<vmem>>, vector<1x16xf32>,
      %swap3A_78 = vector.shape_cast %swap3A_77 : vector<1x16xf32> to vector<16xf32>
      %swap3A_79 = vector.shape_cast %broadcast_in_dim3A_74 : vector<16xf32> to vector<1x16xf32>
      tpu.vector_store %arg9[%swap3A_75, %swap3A_76], %swap3A_79 {strides = array<i32>} : memref<64x128xf32, #tpu.memory_space<vmem>>, vector<1x16xf32>,
      %scan3A_80 = arith.constant 0 : i32
      scf.yield %scan3A_80 : i32
    }
    %scan3A_5 = arith.constant 64 : i32
    %scan3A_6 = arith.constant 0 : i32
    %scan3A_7 = arith.constant 0 : i32
    %scan3A_8 = arith.constant 10 : i32
    %scan3A_9 = arith.addi %scan3A_7, %scan3A_8 : i32
    %scan3A_10 = arith.constant 1 : i32
    %scan3A_11 = scf.for %scan3A_24 = %scan3A_7 to %scan3A_9 step %scan3A_10 iter_args(%scan3A_25 = %scan3A_6) -> (i32)  : i32 {
      %mul3A_26 = arith.constant 640 : i32
      %mul3A_27 = arith.muli %arg1, %mul3A_26 : i32
      %mul3A_28 = arith.constant 64 : i32
      %mul3A_29 = arith.muli %scan3A_24, %mul3A_28 : i32
      %add3A = arith.addi %mul3A_27, %mul3A_29 : i32
      "tpu.region"() ({
        %run_scoped3A = tpu.sem_alloc : memref<!tpu.dma_semaphore, #tpu.memory_space<semaphore_mem>>
        %dma_start3A = arith.constant 0 : i32
        %dma_start3A_31 = tpu.memref_slice %arg10[%add3A, %dma_start3A] : memref<10240x128xf32, #tpu.memory_space<vmem_shared>> -> memref<64x128xf32, #tpu.memory_space<vmem_shared>>
        %dma_start3A_32 = arith.constant 0 : i32
        %dma_start3A_33 = tpu.memref_slice %arg10[%add3A, %dma_start3A_32] : memref<10240x128xf32, #tpu.memory_space<vmem_shared>> -> memref<64x128xf32, #tpu.memory_space<vmem_shared>>
        tpu.enqueue_dma source(%arg9 : memref<64x128xf32, #tpu.memory_space<vmem>>) target(%dma_start3A_33 : memref<64x128xf32, #tpu.memory_space<vmem_shared>>) target_semaphore(%run_scoped3A : memref<!tpu.dma_semaphore, #tpu.memory_space<semaphore_mem>>)
        %dma_wait3A = arith.constant 0 : i32
        %dma_wait3A_34 = tpu.memref_slice %arg10[%add3A, %dma_wait3A] : memref<10240x128xf32, #tpu.memory_space<vmem_shared>> -> memref<64x128xf32, #tpu.memory_space<vmem_shared>>
        %dma_wait3A_35 = arith.constant 0 : i32
        %dma_wait3A_36 = tpu.memref_slice %arg10[%add3A, %dma_wait3A_35] : memref<10240x128xf32, #tpu.memory_space<vmem_shared>> -> memref<64x128xf32, #tpu.memory_space<vmem_shared>>
        tpu.wait_dma2 semaphore(%run_scoped3A : memref<!tpu.dma_semaphore, #tpu.memory_space<semaphore_mem>>) src(%arg9 : memref<64x128xf32, #tpu.memory_space<vmem>>) dst(%dma_wait3A_36 : memref<64x128xf32, #tpu.memory_space<vmem_shared>>)
        tpu.yield
      }) : () -> ()
      %scan3A_30 = arith.constant 0 : i32
      scf.yield %scan3A_30 : i32
    }
    %scan3A_12 = arith.constant 10 : i32
    %barrier3A = arith.constant 0 : index
    tpu.barrier barrier_id(%barrier3A)
    %scan3A_13 = arith.constant 0 : i32
    %scan3A_14 = arith.constant 0 : i32
    %scan3A_15 = arith.constant 79 : i32
    %scan3A_16 = arith.addi %scan3A_14, %scan3A_15 : i32
    %scan3A_17 = arith.constant 1 : i32
    %scan3A_18 = scf.for %scan3A_24 = %scan3A_14 to %scan3A_16 step %scan3A_17 iter_args(%scan3A_25 = %scan3A_13) -> (i32)  : i32 {
      %dma_start3A = arith.constant 0 : i32
      %dma_start3A_26 = tpu.memref_slice %arg6[%scan3A_24, %dma_start3A] : memref<79x128xi32, #tpu.memory_space<vmem>> -> memref<1x128xi32, #tpu.memory_space<vmem>>
      %dma_start3A_27 = tpu.memref_squeeze %dma_start3A_26 : memref<1x128xi32, #tpu.memory_space<vmem>> -> memref<128xi32, #tpu.memory_space<vmem>>
      %dma_start3A_28 = arith.constant 0 : i32
      %dma_start3A_29 = arith.constant 0 : i32
      %dma_start3A_30 = tpu.memref_slice %arg2[%dma_start3A_28, %dma_start3A_29] : memref<10240x128xf32, #tpu.memory_space<hbm>> -> memref<10240x128xf32, #tpu.memory_space<hbm>>
      tpu.enqueue_indirect_dma source(%dma_start3A_30 : memref<10240x128xf32, #tpu.memory_space<hbm>>) target(%arg8 : memref<128x128xf32, #tpu.memory_space<vmem>>) offsets(%dma_start3A_27 : memref<128xi32, #tpu.memory_space<vmem>>) semaphore(%arg11 : memref<!tpu.dma_semaphore, #tpu.memory_space<semaphore_mem>>)
      %dma_wait3A = arith.constant 0 : i32
      %dma_wait3A_31 = tpu.memref_slice %arg6[%scan3A_24, %dma_wait3A] : memref<79x128xi32, #tpu.memory_space<vmem>> -> memref<1x128xi32, #tpu.memory_space<vmem>>
      %dma_wait3A_32 = tpu.memref_squeeze %dma_wait3A_31 : memref<1x128xi32, #tpu.memory_space<vmem>> -> memref<128xi32, #tpu.memory_space<vmem>>
      %dma_wait3A_33 = arith.constant 0 : i32
      %dma_wait3A_34 = arith.constant 0 : i32
      %dma_wait3A_35 = tpu.memref_slice %arg2[%dma_wait3A_33, %dma_wait3A_34] : memref<10240x128xf32, #tpu.memory_space<hbm>> -> memref<10240x128xf32, #tpu.memory_space<hbm>>
      tpu.wait_indirect_dma semaphore(%arg11 : memref<!tpu.dma_semaphore, #tpu.memory_space<semaphore_mem>>) src(%dma_wait3A_35 : memref<10240x128xf32, #tpu.memory_space<hbm>>) dst(%arg8 : memref<128x128xf32, #tpu.memory_space<vmem>>)
      "tpu.region"() ({
        %run_scoped3A = tpu.sem_alloc : memref<!tpu.dma_semaphore, #tpu.memory_space<semaphore_mem>>
        %dma_start3A_37 = arith.constant 0 : i32
        %dma_start3A_38 = tpu.memref_slice %arg7[%scan3A_24, %dma_start3A_37] : memref<79x128xi32, #tpu.memory_space<vmem>> -> memref<1x128xi32, #tpu.memory_space<vmem>>
        %dma_start3A_39 = tpu.memref_squeeze %dma_start3A_38 : memref<1x128xi32, #tpu.memory_space<vmem>> -> memref<128xi32, #tpu.memory_space<vmem>>
        %dma_start3A_40 = arith.constant 0 : i32
        %dma_start3A_41 = arith.constant 0 : i32
        %dma_start3A_42 = tpu.memref_slice %arg10[%dma_start3A_40, %dma_start3A_41] : memref<10240x128xf32, #tpu.memory_space<vmem_shared>> -> memref<10240x128xf32, #tpu.memory_space<vmem_shared>>
        tpu.enqueue_indirect_dma source(%arg8 : memref<128x128xf32, #tpu.memory_space<vmem>>) target(%dma_start3A_42 : memref<10240x128xf32, #tpu.memory_space<vmem_shared>>) offsets(%dma_start3A_39 : memref<128xi32, #tpu.memory_space<vmem>>) semaphore(%run_scoped3A : memref<!tpu.dma_semaphore, #tpu.memory_space<semaphore_mem>>) {add = true}
        %dma_wait3A_43 = arith.constant 0 : i32
        %dma_wait3A_44 = tpu.memref_slice %arg7[%scan3A_24, %dma_wait3A_43] : memref<79x128xi32, #tpu.memory_space<vmem>> -> memref<1x128xi32, #tpu.memory_space<vmem>>
        %dma_wait3A_45 = tpu.memref_squeeze %dma_wait3A_44 : memref<1x128xi32, #tpu.memory_space<vmem>> -> memref<128xi32, #tpu.memory_space<vmem>>
        %dma_wait3A_46 = arith.constant 0 : i32
        %dma_wait3A_47 = arith.constant 0 : i32
        %dma_wait3A_48 = tpu.memref_slice %arg10[%dma_wait3A_46, %dma_wait3A_47] : memref<10240x128xf32, #tpu.memory_space<vmem_shared>> -> memref<10240x128xf32, #tpu.memory_space<vmem_shared>>
        tpu.wait_indirect_dma semaphore(%run_scoped3A : memref<!tpu.dma_semaphore, #tpu.memory_space<semaphore_mem>>) src(%arg8 : memref<128x128xf32, #tpu.memory_space<vmem>>) dst(%dma_wait3A_48 : memref<10240x128xf32, #tpu.memory_space<vmem_shared>>)
        tpu.yield
      }) : () -> ()
      %scan3A_36 = arith.constant 0 : i32
      scf.yield %scan3A_36 : i32
    }
    %scan3A_19 = arith.constant 79 : i32
    %barrier3A_20 = arith.constant 0 : index
    tpu.barrier barrier_id(%barrier3A_20)
    %mul3A = arith.constant 640 : i32
    %mul3A_21 = arith.muli %arg1, %mul3A : i32
    %mul3A_22 = arith.constant 640 : i32
    %mul3A_23 = arith.muli %arg1, %mul3A_22 : i32
    "tpu.region"() ({
      %run_scoped3A = tpu.sem_alloc : memref<!tpu.dma_semaphore, #tpu.memory_space<semaphore_mem>>
      %dma_start3A = arith.constant 0 : i32
      %dma_start3A_24 = tpu.memref_slice %arg5[%arg0, %mul3A_23, %dma_start3A] : memref<2x10240x128xf32, #tpu.memory_space<hbm>> -> memref<1x640x128xf32, #tpu.memory_space<hbm>>
      %dma_start3A_25 = tpu.memref_squeeze %dma_start3A_24 : memref<1x640x128xf32, #tpu.memory_space<hbm>> -> memref<640x128xf32, #tpu.memory_space<hbm>>
      %dma_start3A_26 = arith.constant 0 : i32
      %dma_start3A_27 = tpu.memref_slice %arg10[%mul3A_21, %dma_start3A_26] : memref<10240x128xf32, #tpu.memory_space<vmem_shared>> -> memref<640x128xf32, #tpu.memory_space<vmem_shared>>
      tpu.enqueue_dma source(%dma_start3A_27 : memref<640x128xf32, #tpu.memory_space<vmem_shared>>) target(%dma_start3A_25 : memref<640x128xf32, #tpu.memory_space<hbm>>) target_semaphore(%run_scoped3A : memref<!tpu.dma_semaphore, #tpu.memory_space<semaphore_mem>>)
      %dma_wait3A = arith.constant 0 : i32
      %dma_wait3A_28 = tpu.memref_slice %arg5[%arg0, %mul3A_23, %dma_wait3A] : memref<2x10240x128xf32, #tpu.memory_space<hbm>> -> memref<1x640x128xf32, #tpu.memory_space<hbm>>
      %dma_wait3A_29 = tpu.memref_squeeze %dma_wait3A_28 : memref<1x640x128xf32, #tpu.memory_space<hbm>> -> memref<640x128xf32, #tpu.memory_space<hbm>>
      %dma_wait3A_30 = arith.constant 0 : i32
      %dma_wait3A_31 = tpu.memref_slice %arg10[%mul3A_21, %dma_wait3A_30] : memref<10240x128xf32, #tpu.memory_space<vmem_shared>> -> memref<640x128xf32, #tpu.memory_space<vmem_shared>>
      tpu.wait_dma2 semaphore(%run_scoped3A : memref<!tpu.dma_semaphore, #tpu.memory_space<semaphore_mem>>) src(%dma_wait3A_31 : memref<640x128xf32, #tpu.memory_space<vmem_shared>>) dst(%dma_wait3A_29 : memref<640x128xf32, #tpu.memory_space<hbm>>)
      tpu.yield
    }) : () -> ()
    return
  }
}

#map = affine_map<(d0, d1) -> (0, 0)>
#map1 = affine_map<(d0, d1) -> (0, 0, 0, 0)>
#map2 = affine_map<(d0, d1) -> (0, 0, 0)>
module attributes {stable_mosaic.version = 14 : i64} {
  func.func @_sc_hop(%arg0: i32, %arg1: i32, %arg2: memref<10240x128xf32, #tpu.memory_space<hbm>>, %arg3: memref<2x16x79x128xi32, #tpu.memory_space<hbm>>, %arg4: memref<2x16x79x128xi32, #tpu.memory_space<hbm>>, %arg5: memref<2x10240x128xf32, #tpu.memory_space<hbm>>, %arg6: memref<79x128xi32, #tpu.memory_space<vmem>>, %arg7: memref<79x128xi32, #tpu.memory_space<vmem>>, %arg8: memref<128x128xf32, #tpu.memory_space<vmem>>, %arg9: memref<64x128xf32, #tpu.memory_space<vmem>>, %arg10: memref<10240x128xf32, #tpu.memory_space<vmem_shared>>, %arg11: memref<!tpu.dma_semaphore, #tpu.memory_space<semaphore_mem>>) attributes {dimension_semantics = [#tpu.dimension_semantics<core_parallel>, #tpu.dimension_semantics<subcore_parallel>], iteration_bounds = array<i64: 2, 16>, scalar_prefetch = 0 : i64, scratch_operands = 6 : i64, tpu.core_type = #tpu.core_type<sc_vector_subcore>, window_params = [{transform_indices = #map}, {transform_indices = #map1}, {transform_indices = #map1}, {transform_indices = #map2}]} {
    "tpu.region"() ({
      %run_scoped3A = tpu.sem_alloc : memref<!tpu.dma_semaphore, #tpu.memory_space<semaphore_mem>>
      %dma_start3A = arith.constant 0 : i32
      %dma_start3A_24 = arith.constant 0 : i32
      %dma_start3A_25 = tpu.memref_slice %arg3[%arg0, %arg1, %dma_start3A, %dma_start3A_24] : memref<2x16x79x128xi32, #tpu.memory_space<hbm>> -> memref<1x1x79x128xi32, #tpu.memory_space<hbm>>
      %dma_start3A_26 = tpu.memref_squeeze %dma_start3A_25 : memref<1x1x79x128xi32, #tpu.memory_space<hbm>> -> memref<79x128xi32, #tpu.memory_space<hbm>>
      %dma_start3A_27 = arith.constant 0 : i32
      %dma_start3A_28 = arith.constant 0 : i32
      %dma_start3A_29 = tpu.memref_slice %arg3[%arg0, %arg1, %dma_start3A_27, %dma_start3A_28] : memref<2x16x79x128xi32, #tpu.memory_space<hbm>> -> memref<1x1x79x128xi32, #tpu.memory_space<hbm>>
      %dma_start3A_30 = tpu.memref_squeeze %dma_start3A_29 : memref<1x1x79x128xi32, #tpu.memory_space<hbm>> -> memref<79x128xi32, #tpu.memory_space<hbm>>
      tpu.enqueue_dma source(%dma_start3A_30 : memref<79x128xi32, #tpu.memory_space<hbm>>) target(%arg6 : memref<79x128xi32, #tpu.memory_space<vmem>>) target_semaphore(%run_scoped3A : memref<!tpu.dma_semaphore, #tpu.memory_space<semaphore_mem>>)
      %dma_wait3A = arith.constant 0 : i32
      %dma_wait3A_31 = arith.constant 0 : i32
      %dma_wait3A_32 = tpu.memref_slice %arg3[%arg0, %arg1, %dma_wait3A, %dma_wait3A_31] : memref<2x16x79x128xi32, #tpu.memory_space<hbm>> -> memref<1x1x79x128xi32, #tpu.memory_space<hbm>>
      %dma_wait3A_33 = tpu.memref_squeeze %dma_wait3A_32 : memref<1x1x79x128xi32, #tpu.memory_space<hbm>> -> memref<79x128xi32, #tpu.memory_space<hbm>>
      %dma_wait3A_34 = arith.constant 0 : i32
      %dma_wait3A_35 = arith.constant 0 : i32
      %dma_wait3A_36 = tpu.memref_slice %arg3[%arg0, %arg1, %dma_wait3A_34, %dma_wait3A_35] : memref<2x16x79x128xi32, #tpu.memory_space<hbm>> -> memref<1x1x79x128xi32, #tpu.memory_space<hbm>>
      %dma_wait3A_37 = tpu.memref_squeeze %dma_wait3A_36 : memref<1x1x79x128xi32, #tpu.memory_space<hbm>> -> memref<79x128xi32, #tpu.memory_space<hbm>>
      tpu.wait_dma2 semaphore(%run_scoped3A : memref<!tpu.dma_semaphore, #tpu.memory_space<semaphore_mem>>) src(%dma_wait3A_37 : memref<79x128xi32, #tpu.memory_space<hbm>>) dst(%arg6 : memref<79x128xi32, #tpu.memory_space<vmem>>)
      tpu.yield
    }) : () -> ()
    "tpu.region"() ({
      %run_scoped3A = tpu.sem_alloc : memref<!tpu.dma_semaphore, #tpu.memory_space<semaphore_mem>>
      %dma_start3A = arith.constant 0 : i32
      %dma_start3A_24 = arith.constant 0 : i32
      %dma_start3A_25 = tpu.memref_slice %arg4[%arg0, %arg1, %dma_start3A, %dma_start3A_24] : memref<2x16x79x128xi32, #tpu.memory_space<hbm>> -> memref<1x1x79x128xi32, #tpu.memory_space<hbm>>
      %dma_start3A_26 = tpu.memref_squeeze %dma_start3A_25 : memref<1x1x79x128xi32, #tpu.memory_space<hbm>> -> memref<79x128xi32, #tpu.memory_space<hbm>>
      %dma_start3A_27 = arith.constant 0 : i32
      %dma_start3A_28 = arith.constant 0 : i32
      %dma_start3A_29 = tpu.memref_slice %arg4[%arg0, %arg1, %dma_start3A_27, %dma_start3A_28] : memref<2x16x79x128xi32, #tpu.memory_space<hbm>> -> memref<1x1x79x128xi32, #tpu.memory_space<hbm>>
      %dma_start3A_30 = tpu.memref_squeeze %dma_start3A_29 : memref<1x1x79x128xi32, #tpu.memory_space<hbm>> -> memref<79x128xi32, #tpu.memory_space<hbm>>
      tpu.enqueue_dma source(%dma_start3A_30 : memref<79x128xi32, #tpu.memory_space<hbm>>) target(%arg7 : memref<79x128xi32, #tpu.memory_space<vmem>>) target_semaphore(%run_scoped3A : memref<!tpu.dma_semaphore, #tpu.memory_space<semaphore_mem>>)
      %dma_wait3A = arith.constant 0 : i32
      %dma_wait3A_31 = arith.constant 0 : i32
      %dma_wait3A_32 = tpu.memref_slice %arg4[%arg0, %arg1, %dma_wait3A, %dma_wait3A_31] : memref<2x16x79x128xi32, #tpu.memory_space<hbm>> -> memref<1x1x79x128xi32, #tpu.memory_space<hbm>>
      %dma_wait3A_33 = tpu.memref_squeeze %dma_wait3A_32 : memref<1x1x79x128xi32, #tpu.memory_space<hbm>> -> memref<79x128xi32, #tpu.memory_space<hbm>>
      %dma_wait3A_34 = arith.constant 0 : i32
      %dma_wait3A_35 = arith.constant 0 : i32
      %dma_wait3A_36 = tpu.memref_slice %arg4[%arg0, %arg1, %dma_wait3A_34, %dma_wait3A_35] : memref<2x16x79x128xi32, #tpu.memory_space<hbm>> -> memref<1x1x79x128xi32, #tpu.memory_space<hbm>>
      %dma_wait3A_37 = tpu.memref_squeeze %dma_wait3A_36 : memref<1x1x79x128xi32, #tpu.memory_space<hbm>> -> memref<79x128xi32, #tpu.memory_space<hbm>>
      tpu.wait_dma2 semaphore(%run_scoped3A : memref<!tpu.dma_semaphore, #tpu.memory_space<semaphore_mem>>) src(%dma_wait3A_37 : memref<79x128xi32, #tpu.memory_space<hbm>>) dst(%arg7 : memref<79x128xi32, #tpu.memory_space<vmem>>)
      tpu.yield
    }) : () -> ()
    %scan3A = arith.constant 0 : i32
    %scan3A_0 = arith.constant 0 : i32
    %scan3A_1 = arith.constant 64 : i32
    %scan3A_2 = arith.addi %scan3A_0, %scan3A_1 : i32
    %scan3A_3 = arith.constant 1 : i32
    %scan3A_4 = scf.for %scan3A_24 = %scan3A_0 to %scan3A_2 step %scan3A_3 iter_args(%scan3A_25 = %scan3A) -> (i32)  : i32 {
      %broadcast_in_dim3A = arith.constant 0.000000e+00 : f32
      %broadcast_in_dim3A_26 = vector.broadcast %broadcast_in_dim3A : f32 to vector<16xf32>
      %swap3A = arith.index_cast %scan3A_24 : i32 to index
      %swap3A_27 = arith.constant 0 : index
      %swap3A_28 = tpu.vector_load %arg9[%swap3A, %swap3A_27] {strides = array<i32>} : memref<64x128xf32, #tpu.memory_space<vmem>>, vector<1x16xf32>,
      %swap3A_29 = vector.shape_cast %swap3A_28 : vector<1x16xf32> to vector<16xf32>
      %swap3A_30 = vector.shape_cast %broadcast_in_dim3A_26 : vector<16xf32> to vector<1x16xf32>
      tpu.vector_store %arg9[%swap3A, %swap3A_27], %swap3A_30 {strides = array<i32>} : memref<64x128xf32, #tpu.memory_space<vmem>>, vector<1x16xf32>,
      %broadcast_in_dim3A_31 = arith.constant 0.000000e+00 : f32
      %broadcast_in_dim3A_32 = vector.broadcast %broadcast_in_dim3A_31 : f32 to vector<16xf32>
      %swap3A_33 = arith.index_cast %scan3A_24 : i32 to index
      %swap3A_34 = arith.constant 16 : index
      %swap3A_35 = tpu.vector_load %arg9[%swap3A_33, %swap3A_34] {strides = array<i32>} : memref<64x128xf32, #tpu.memory_space<vmem>>, vector<1x16xf32>,
      %swap3A_36 = vector.shape_cast %swap3A_35 : vector<1x16xf32> to vector<16xf32>
      %swap3A_37 = vector.shape_cast %broadcast_in_dim3A_32 : vector<16xf32> to vector<1x16xf32>
      tpu.vector_store %arg9[%swap3A_33, %swap3A_34], %swap3A_37 {strides = array<i32>} : memref<64x128xf32, #tpu.memory_space<vmem>>, vector<1x16xf32>,
      %broadcast_in_dim3A_38 = arith.constant 0.000000e+00 : f32
      %broadcast_in_dim3A_39 = vector.broadcast %broadcast_in_dim3A_38 : f32 to vector<16xf32>
      %swap3A_40 = arith.index_cast %scan3A_24 : i32 to index
      %swap3A_41 = arith.constant 32 : index
      %swap3A_42 = tpu.vector_load %arg9[%swap3A_40, %swap3A_41] {strides = array<i32>} : memref<64x128xf32, #tpu.memory_space<vmem>>, vector<1x16xf32>,
      %swap3A_43 = vector.shape_cast %swap3A_42 : vector<1x16xf32> to vector<16xf32>
      %swap3A_44 = vector.shape_cast %broadcast_in_dim3A_39 : vector<16xf32> to vector<1x16xf32>
      tpu.vector_store %arg9[%swap3A_40, %swap3A_41], %swap3A_44 {strides = array<i32>} : memref<64x128xf32, #tpu.memory_space<vmem>>, vector<1x16xf32>,
      %broadcast_in_dim3A_45 = arith.constant 0.000000e+00 : f32
      %broadcast_in_dim3A_46 = vector.broadcast %broadcast_in_dim3A_45 : f32 to vector<16xf32>
      %swap3A_47 = arith.index_cast %scan3A_24 : i32 to index
      %swap3A_48 = arith.constant 48 : index
      %swap3A_49 = tpu.vector_load %arg9[%swap3A_47, %swap3A_48] {strides = array<i32>} : memref<64x128xf32, #tpu.memory_space<vmem>>, vector<1x16xf32>,
      %swap3A_50 = vector.shape_cast %swap3A_49 : vector<1x16xf32> to vector<16xf32>
      %swap3A_51 = vector.shape_cast %broadcast_in_dim3A_46 : vector<16xf32> to vector<1x16xf32>
      tpu.vector_store %arg9[%swap3A_47, %swap3A_48], %swap3A_51 {strides = array<i32>} : memref<64x128xf32, #tpu.memory_space<vmem>>, vector<1x16xf32>,
      %broadcast_in_dim3A_52 = arith.constant 0.000000e+00 : f32
      %broadcast_in_dim3A_53 = vector.broadcast %broadcast_in_dim3A_52 : f32 to vector<16xf32>
      %swap3A_54 = arith.index_cast %scan3A_24 : i32 to index
      %swap3A_55 = arith.constant 64 : index
      %swap3A_56 = tpu.vector_load %arg9[%swap3A_54, %swap3A_55] {strides = array<i32>} : memref<64x128xf32, #tpu.memory_space<vmem>>, vector<1x16xf32>,
      %swap3A_57 = vector.shape_cast %swap3A_56 : vector<1x16xf32> to vector<16xf32>
      %swap3A_58 = vector.shape_cast %broadcast_in_dim3A_53 : vector<16xf32> to vector<1x16xf32>
      tpu.vector_store %arg9[%swap3A_54, %swap3A_55], %swap3A_58 {strides = array<i32>} : memref<64x128xf32, #tpu.memory_space<vmem>>, vector<1x16xf32>,
      %broadcast_in_dim3A_59 = arith.constant 0.000000e+00 : f32
      %broadcast_in_dim3A_60 = vector.broadcast %broadcast_in_dim3A_59 : f32 to vector<16xf32>
      %swap3A_61 = arith.index_cast %scan3A_24 : i32 to index
      %swap3A_62 = arith.constant 80 : index
      %swap3A_63 = tpu.vector_load %arg9[%swap3A_61, %swap3A_62] {strides = array<i32>} : memref<64x128xf32, #tpu.memory_space<vmem>>, vector<1x16xf32>,
      %swap3A_64 = vector.shape_cast %swap3A_63 : vector<1x16xf32> to vector<16xf32>
      %swap3A_65 = vector.shape_cast %broadcast_in_dim3A_60 : vector<16xf32> to vector<1x16xf32>
      tpu.vector_store %arg9[%swap3A_61, %swap3A_62], %swap3A_65 {strides = array<i32>} : memref<64x128xf32, #tpu.memory_space<vmem>>, vector<1x16xf32>,
      %broadcast_in_dim3A_66 = arith.constant 0.000000e+00 : f32
      %broadcast_in_dim3A_67 = vector.broadcast %broadcast_in_dim3A_66 : f32 to vector<16xf32>
      %swap3A_68 = arith.index_cast %scan3A_24 : i32 to index
      %swap3A_69 = arith.constant 96 : index
      %swap3A_70 = tpu.vector_load %arg9[%swap3A_68, %swap3A_69] {strides = array<i32>} : memref<64x128xf32, #tpu.memory_space<vmem>>, vector<1x16xf32>,
      %swap3A_71 = vector.shape_cast %swap3A_70 : vector<1x16xf32> to vector<16xf32>
      %swap3A_72 = vector.shape_cast %broadcast_in_dim3A_67 : vector<16xf32> to vector<1x16xf32>
      tpu.vector_store %arg9[%swap3A_68, %swap3A_69], %swap3A_72 {strides = array<i32>} : memref<64x128xf32, #tpu.memory_space<vmem>>, vector<1x16xf32>,
      %broadcast_in_dim3A_73 = arith.constant 0.000000e+00 : f32
      %broadcast_in_dim3A_74 = vector.broadcast %broadcast_in_dim3A_73 : f32 to vector<16xf32>
      %swap3A_75 = arith.index_cast %scan3A_24 : i32 to index
      %swap3A_76 = arith.constant 112 : index
      %swap3A_77 = tpu.vector_load %arg9[%swap3A_75, %swap3A_76] {strides = array<i32>} : memref<64x128xf32, #tpu.memory_space<vmem>>, vector<1x16xf32>,
      %swap3A_78 = vector.shape_cast %swap3A_77 : vector<1x16xf32> to vector<16xf32>
      %swap3A_79 = vector.shape_cast %broadcast_in_dim3A_74 : vector<16xf32> to vector<1x16xf32>
      tpu.vector_store %arg9[%swap3A_75, %swap3A_76], %swap3A_79 {strides = array<i32>} : memref<64x128xf32, #tpu.memory_space<vmem>>, vector<1x16xf32>,
      %scan3A_80 = arith.constant 0 : i32
      scf.yield %scan3A_80 : i32
    }
    %scan3A_5 = arith.constant 64 : i32
    %scan3A_6 = arith.constant 0 : i32
    %scan3A_7 = arith.constant 0 : i32
    %scan3A_8 = arith.constant 10 : i32
    %scan3A_9 = arith.addi %scan3A_7, %scan3A_8 : i32
    %scan3A_10 = arith.constant 1 : i32
    %scan3A_11 = scf.for %scan3A_24 = %scan3A_7 to %scan3A_9 step %scan3A_10 iter_args(%scan3A_25 = %scan3A_6) -> (i32)  : i32 {
      %mul3A_26 = arith.constant 640 : i32
      %mul3A_27 = arith.muli %arg1, %mul3A_26 : i32
      %mul3A_28 = arith.constant 64 : i32
      %mul3A_29 = arith.muli %scan3A_24, %mul3A_28 : i32
      %add3A = arith.addi %mul3A_27, %mul3A_29 : i32
      "tpu.region"() ({
        %run_scoped3A = tpu.sem_alloc : memref<!tpu.dma_semaphore, #tpu.memory_space<semaphore_mem>>
        %dma_start3A = arith.constant 0 : i32
        %dma_start3A_31 = tpu.memref_slice %arg10[%add3A, %dma_start3A] : memref<10240x128xf32, #tpu.memory_space<vmem_shared>> -> memref<64x128xf32, #tpu.memory_space<vmem_shared>>
        %dma_start3A_32 = arith.constant 0 : i32
        %dma_start3A_33 = tpu.memref_slice %arg10[%add3A, %dma_start3A_32] : memref<10240x128xf32, #tpu.memory_space<vmem_shared>> -> memref<64x128xf32, #tpu.memory_space<vmem_shared>>
        tpu.enqueue_dma source(%arg9 : memref<64x128xf32, #tpu.memory_space<vmem>>) target(%dma_start3A_33 : memref<64x128xf32, #tpu.memory_space<vmem_shared>>) target_semaphore(%run_scoped3A : memref<!tpu.dma_semaphore, #tpu.memory_space<semaphore_mem>>)
        %dma_wait3A = arith.constant 0 : i32
        %dma_wait3A_34 = tpu.memref_slice %arg10[%add3A, %dma_wait3A] : memref<10240x128xf32, #tpu.memory_space<vmem_shared>> -> memref<64x128xf32, #tpu.memory_space<vmem_shared>>
        %dma_wait3A_35 = arith.constant 0 : i32
        %dma_wait3A_36 = tpu.memref_slice %arg10[%add3A, %dma_wait3A_35] : memref<10240x128xf32, #tpu.memory_space<vmem_shared>> -> memref<64x128xf32, #tpu.memory_space<vmem_shared>>
        tpu.wait_dma2 semaphore(%run_scoped3A : memref<!tpu.dma_semaphore, #tpu.memory_space<semaphore_mem>>) src(%arg9 : memref<64x128xf32, #tpu.memory_space<vmem>>) dst(%dma_wait3A_36 : memref<64x128xf32, #tpu.memory_space<vmem_shared>>)
        tpu.yield
      }) : () -> ()
      %scan3A_30 = arith.constant 0 : i32
      scf.yield %scan3A_30 : i32
    }
    %scan3A_12 = arith.constant 10 : i32
    %barrier3A = arith.constant 0 : index
    tpu.barrier barrier_id(%barrier3A)
    %scan3A_13 = arith.constant 0 : i32
    %scan3A_14 = arith.constant 0 : i32
    %scan3A_15 = arith.constant 79 : i32
    %scan3A_16 = arith.addi %scan3A_14, %scan3A_15 : i32
    %scan3A_17 = arith.constant 1 : i32
    %scan3A_18 = scf.for %scan3A_24 = %scan3A_14 to %scan3A_16 step %scan3A_17 iter_args(%scan3A_25 = %scan3A_13) -> (i32)  : i32 {
      %dma_start3A = arith.constant 0 : i32
      %dma_start3A_26 = tpu.memref_slice %arg6[%scan3A_24, %dma_start3A] : memref<79x128xi32, #tpu.memory_space<vmem>> -> memref<1x128xi32, #tpu.memory_space<vmem>>
      %dma_start3A_27 = tpu.memref_squeeze %dma_start3A_26 : memref<1x128xi32, #tpu.memory_space<vmem>> -> memref<128xi32, #tpu.memory_space<vmem>>
      %dma_start3A_28 = arith.constant 0 : i32
      %dma_start3A_29 = arith.constant 0 : i32
      %dma_start3A_30 = tpu.memref_slice %arg2[%dma_start3A_28, %dma_start3A_29] : memref<10240x128xf32, #tpu.memory_space<hbm>> -> memref<10240x128xf32, #tpu.memory_space<hbm>>
      tpu.enqueue_indirect_dma source(%dma_start3A_30 : memref<10240x128xf32, #tpu.memory_space<hbm>>) target(%arg8 : memref<128x128xf32, #tpu.memory_space<vmem>>) offsets(%dma_start3A_27 : memref<128xi32, #tpu.memory_space<vmem>>) semaphore(%arg11 : memref<!tpu.dma_semaphore, #tpu.memory_space<semaphore_mem>>)
      %dma_wait3A = arith.constant 0 : i32
      %dma_wait3A_31 = tpu.memref_slice %arg6[%scan3A_24, %dma_wait3A] : memref<79x128xi32, #tpu.memory_space<vmem>> -> memref<1x128xi32, #tpu.memory_space<vmem>>
      %dma_wait3A_32 = tpu.memref_squeeze %dma_wait3A_31 : memref<1x128xi32, #tpu.memory_space<vmem>> -> memref<128xi32, #tpu.memory_space<vmem>>
      %dma_wait3A_33 = arith.constant 0 : i32
      %dma_wait3A_34 = arith.constant 0 : i32
      %dma_wait3A_35 = tpu.memref_slice %arg2[%dma_wait3A_33, %dma_wait3A_34] : memref<10240x128xf32, #tpu.memory_space<hbm>> -> memref<10240x128xf32, #tpu.memory_space<hbm>>
      tpu.wait_indirect_dma semaphore(%arg11 : memref<!tpu.dma_semaphore, #tpu.memory_space<semaphore_mem>>) src(%dma_wait3A_35 : memref<10240x128xf32, #tpu.memory_space<hbm>>) dst(%arg8 : memref<128x128xf32, #tpu.memory_space<vmem>>)
      "tpu.region"() ({
        %run_scoped3A = tpu.sem_alloc : memref<!tpu.dma_semaphore, #tpu.memory_space<semaphore_mem>>
        %dma_start3A_37 = arith.constant 0 : i32
        %dma_start3A_38 = tpu.memref_slice %arg7[%scan3A_24, %dma_start3A_37] : memref<79x128xi32, #tpu.memory_space<vmem>> -> memref<1x128xi32, #tpu.memory_space<vmem>>
        %dma_start3A_39 = tpu.memref_squeeze %dma_start3A_38 : memref<1x128xi32, #tpu.memory_space<vmem>> -> memref<128xi32, #tpu.memory_space<vmem>>
        %dma_start3A_40 = arith.constant 0 : i32
        %dma_start3A_41 = arith.constant 0 : i32
        %dma_start3A_42 = tpu.memref_slice %arg10[%dma_start3A_40, %dma_start3A_41] : memref<10240x128xf32, #tpu.memory_space<vmem_shared>> -> memref<10240x128xf32, #tpu.memory_space<vmem_shared>>
        tpu.enqueue_indirect_dma source(%arg8 : memref<128x128xf32, #tpu.memory_space<vmem>>) target(%dma_start3A_42 : memref<10240x128xf32, #tpu.memory_space<vmem_shared>>) offsets(%dma_start3A_39 : memref<128xi32, #tpu.memory_space<vmem>>) semaphore(%run_scoped3A : memref<!tpu.dma_semaphore, #tpu.memory_space<semaphore_mem>>) {add = true}
        %dma_wait3A_43 = arith.constant 0 : i32
        %dma_wait3A_44 = tpu.memref_slice %arg7[%scan3A_24, %dma_wait3A_43] : memref<79x128xi32, #tpu.memory_space<vmem>> -> memref<1x128xi32, #tpu.memory_space<vmem>>
        %dma_wait3A_45 = tpu.memref_squeeze %dma_wait3A_44 : memref<1x128xi32, #tpu.memory_space<vmem>> -> memref<128xi32, #tpu.memory_space<vmem>>
        %dma_wait3A_46 = arith.constant 0 : i32
        %dma_wait3A_47 = arith.constant 0 : i32
        %dma_wait3A_48 = tpu.memref_slice %arg10[%dma_wait3A_46, %dma_wait3A_47] : memref<10240x128xf32, #tpu.memory_space<vmem_shared>> -> memref<10240x128xf32, #tpu.memory_space<vmem_shared>>
        tpu.wait_indirect_dma semaphore(%run_scoped3A : memref<!tpu.dma_semaphore, #tpu.memory_space<semaphore_mem>>) src(%arg8 : memref<128x128xf32, #tpu.memory_space<vmem>>) dst(%dma_wait3A_48 : memref<10240x128xf32, #tpu.memory_space<vmem_shared>>)
        tpu.yield
      }) : () -> ()
      %scan3A_36 = arith.constant 0 : i32
      scf.yield %scan3A_36 : i32
    }
    %scan3A_19 = arith.constant 79 : i32
    %barrier3A_20 = arith.constant 0 : index
    tpu.barrier barrier_id(%barrier3A_20)
    %mul3A = arith.constant 640 : i32
    %mul3A_21 = arith.muli %arg1, %mul3A : i32
    %mul3A_22 = arith.constant 640 : i32
    %mul3A_23 = arith.muli %arg1, %mul3A_22 : i32
    "tpu.region"() ({
      %run_scoped3A = tpu.sem_alloc : memref<!tpu.dma_semaphore, #tpu.memory_space<semaphore_mem>>
      %dma_start3A = arith.constant 0 : i32
      %dma_start3A_24 = tpu.memref_slice %arg5[%arg0, %mul3A_23, %dma_start3A] : memref<2x10240x128xf32, #tpu.memory_space<hbm>> -> memref<1x640x128xf32, #tpu.memory_space<hbm>>
      %dma_start3A_25 = tpu.memref_squeeze %dma_start3A_24 : memref<1x640x128xf32, #tpu.memory_space<hbm>> -> memref<640x128xf32, #tpu.memory_space<hbm>>
      %dma_start3A_26 = arith.constant 0 : i32
      %dma_start3A_27 = tpu.memref_slice %arg10[%mul3A_21, %dma_start3A_26] : memref<10240x128xf32, #tpu.memory_space<vmem_shared>> -> memref<640x128xf32, #tpu.memory_space<vmem_shared>>
      tpu.enqueue_dma source(%dma_start3A_27 : memref<640x128xf32, #tpu.memory_space<vmem_shared>>) target(%dma_start3A_25 : memref<640x128xf32, #tpu.memory_space<hbm>>) target_semaphore(%run_scoped3A : memref<!tpu.dma_semaphore, #tpu.memory_space<semaphore_mem>>)
      %dma_wait3A = arith.constant 0 : i32
      %dma_wait3A_28 = tpu.memref_slice %arg5[%arg0, %mul3A_23, %dma_wait3A] : memref<2x10240x128xf32, #tpu.memory_space<hbm>> -> memref<1x640x128xf32, #tpu.memory_space<hbm>>
      %dma_wait3A_29 = tpu.memref_squeeze %dma_wait3A_28 : memref<1x640x128xf32, #tpu.memory_space<hbm>> -> memref<640x128xf32, #tpu.memory_space<hbm>>
      %dma_wait3A_30 = arith.constant 0 : i32
      %dma_wait3A_31 = tpu.memref_slice %arg10[%mul3A_21, %dma_wait3A_30] : memref<10240x128xf32, #tpu.memory_space<vmem_shared>> -> memref<640x128xf32, #tpu.memory_space<vmem_shared>>
      tpu.wait_dma2 semaphore(%run_scoped3A : memref<!tpu.dma_semaphore, #tpu.memory_space<semaphore_mem>>) src(%dma_wait3A_31 : memref<640x128xf32, #tpu.memory_space<vmem_shared>>) dst(%dma_wait3A_29 : memref<640x128xf32, #tpu.memory_space<hbm>>)
      tpu.yield
    }) : () -> ()
    return
  }
}

#map = affine_map<(d0, d1) -> (0, 0)>
#map1 = affine_map<(d0, d1) -> (0, 0, 0, 0)>
#map2 = affine_map<(d0, d1) -> (0, 0, 0)>
module attributes {stable_mosaic.version = 14 : i64} {
  func.func @_sc_hop(%arg0: i32, %arg1: i32, %arg2: memref<10240x128xf32, #tpu.memory_space<hbm>>, %arg3: memref<2x16x79x128xi32, #tpu.memory_space<hbm>>, %arg4: memref<2x16x79x128xi32, #tpu.memory_space<hbm>>, %arg5: memref<2x10240x128xf32, #tpu.memory_space<hbm>>, %arg6: memref<79x128xi32, #tpu.memory_space<vmem>>, %arg7: memref<79x128xi32, #tpu.memory_space<vmem>>, %arg8: memref<128x128xf32, #tpu.memory_space<vmem>>, %arg9: memref<64x128xf32, #tpu.memory_space<vmem>>, %arg10: memref<10240x128xf32, #tpu.memory_space<vmem_shared>>, %arg11: memref<!tpu.dma_semaphore, #tpu.memory_space<semaphore_mem>>) attributes {dimension_semantics = [#tpu.dimension_semantics<core_parallel>, #tpu.dimension_semantics<subcore_parallel>], iteration_bounds = array<i64: 2, 16>, scalar_prefetch = 0 : i64, scratch_operands = 6 : i64, tpu.core_type = #tpu.core_type<sc_vector_subcore>, window_params = [{transform_indices = #map}, {transform_indices = #map1}, {transform_indices = #map1}, {transform_indices = #map2}]} {
    "tpu.region"() ({
      %run_scoped3A = tpu.sem_alloc : memref<!tpu.dma_semaphore, #tpu.memory_space<semaphore_mem>>
      %dma_start3A = arith.constant 0 : i32
      %dma_start3A_24 = arith.constant 0 : i32
      %dma_start3A_25 = tpu.memref_slice %arg3[%arg0, %arg1, %dma_start3A, %dma_start3A_24] : memref<2x16x79x128xi32, #tpu.memory_space<hbm>> -> memref<1x1x79x128xi32, #tpu.memory_space<hbm>>
      %dma_start3A_26 = tpu.memref_squeeze %dma_start3A_25 : memref<1x1x79x128xi32, #tpu.memory_space<hbm>> -> memref<79x128xi32, #tpu.memory_space<hbm>>
      %dma_start3A_27 = arith.constant 0 : i32
      %dma_start3A_28 = arith.constant 0 : i32
      %dma_start3A_29 = tpu.memref_slice %arg3[%arg0, %arg1, %dma_start3A_27, %dma_start3A_28] : memref<2x16x79x128xi32, #tpu.memory_space<hbm>> -> memref<1x1x79x128xi32, #tpu.memory_space<hbm>>
      %dma_start3A_30 = tpu.memref_squeeze %dma_start3A_29 : memref<1x1x79x128xi32, #tpu.memory_space<hbm>> -> memref<79x128xi32, #tpu.memory_space<hbm>>
      tpu.enqueue_dma source(%dma_start3A_30 : memref<79x128xi32, #tpu.memory_space<hbm>>) target(%arg6 : memref<79x128xi32, #tpu.memory_space<vmem>>) target_semaphore(%run_scoped3A : memref<!tpu.dma_semaphore, #tpu.memory_space<semaphore_mem>>)
      %dma_wait3A = arith.constant 0 : i32
      %dma_wait3A_31 = arith.constant 0 : i32
      %dma_wait3A_32 = tpu.memref_slice %arg3[%arg0, %arg1, %dma_wait3A, %dma_wait3A_31] : memref<2x16x79x128xi32, #tpu.memory_space<hbm>> -> memref<1x1x79x128xi32, #tpu.memory_space<hbm>>
      %dma_wait3A_33 = tpu.memref_squeeze %dma_wait3A_32 : memref<1x1x79x128xi32, #tpu.memory_space<hbm>> -> memref<79x128xi32, #tpu.memory_space<hbm>>
      %dma_wait3A_34 = arith.constant 0 : i32
      %dma_wait3A_35 = arith.constant 0 : i32
      %dma_wait3A_36 = tpu.memref_slice %arg3[%arg0, %arg1, %dma_wait3A_34, %dma_wait3A_35] : memref<2x16x79x128xi32, #tpu.memory_space<hbm>> -> memref<1x1x79x128xi32, #tpu.memory_space<hbm>>
      %dma_wait3A_37 = tpu.memref_squeeze %dma_wait3A_36 : memref<1x1x79x128xi32, #tpu.memory_space<hbm>> -> memref<79x128xi32, #tpu.memory_space<hbm>>
      tpu.wait_dma2 semaphore(%run_scoped3A : memref<!tpu.dma_semaphore, #tpu.memory_space<semaphore_mem>>) src(%dma_wait3A_37 : memref<79x128xi32, #tpu.memory_space<hbm>>) dst(%arg6 : memref<79x128xi32, #tpu.memory_space<vmem>>)
      tpu.yield
    }) : () -> ()
    "tpu.region"() ({
      %run_scoped3A = tpu.sem_alloc : memref<!tpu.dma_semaphore, #tpu.memory_space<semaphore_mem>>
      %dma_start3A = arith.constant 0 : i32
      %dma_start3A_24 = arith.constant 0 : i32
      %dma_start3A_25 = tpu.memref_slice %arg4[%arg0, %arg1, %dma_start3A, %dma_start3A_24] : memref<2x16x79x128xi32, #tpu.memory_space<hbm>> -> memref<1x1x79x128xi32, #tpu.memory_space<hbm>>
      %dma_start3A_26 = tpu.memref_squeeze %dma_start3A_25 : memref<1x1x79x128xi32, #tpu.memory_space<hbm>> -> memref<79x128xi32, #tpu.memory_space<hbm>>
      %dma_start3A_27 = arith.constant 0 : i32
      %dma_start3A_28 = arith.constant 0 : i32
      %dma_start3A_29 = tpu.memref_slice %arg4[%arg0, %arg1, %dma_start3A_27, %dma_start3A_28] : memref<2x16x79x128xi32, #tpu.memory_space<hbm>> -> memref<1x1x79x128xi32, #tpu.memory_space<hbm>>
      %dma_start3A_30 = tpu.memref_squeeze %dma_start3A_29 : memref<1x1x79x128xi32, #tpu.memory_space<hbm>> -> memref<79x128xi32, #tpu.memory_space<hbm>>
      tpu.enqueue_dma source(%dma_start3A_30 : memref<79x128xi32, #tpu.memory_space<hbm>>) target(%arg7 : memref<79x128xi32, #tpu.memory_space<vmem>>) target_semaphore(%run_scoped3A : memref<!tpu.dma_semaphore, #tpu.memory_space<semaphore_mem>>)
      %dma_wait3A = arith.constant 0 : i32
      %dma_wait3A_31 = arith.constant 0 : i32
      %dma_wait3A_32 = tpu.memref_slice %arg4[%arg0, %arg1, %dma_wait3A, %dma_wait3A_31] : memref<2x16x79x128xi32, #tpu.memory_space<hbm>> -> memref<1x1x79x128xi32, #tpu.memory_space<hbm>>
      %dma_wait3A_33 = tpu.memref_squeeze %dma_wait3A_32 : memref<1x1x79x128xi32, #tpu.memory_space<hbm>> -> memref<79x128xi32, #tpu.memory_space<hbm>>
      %dma_wait3A_34 = arith.constant 0 : i32
      %dma_wait3A_35 = arith.constant 0 : i32
      %dma_wait3A_36 = tpu.memref_slice %arg4[%arg0, %arg1, %dma_wait3A_34, %dma_wait3A_35] : memref<2x16x79x128xi32, #tpu.memory_space<hbm>> -> memref<1x1x79x128xi32, #tpu.memory_space<hbm>>
      %dma_wait3A_37 = tpu.memref_squeeze %dma_wait3A_36 : memref<1x1x79x128xi32, #tpu.memory_space<hbm>> -> memref<79x128xi32, #tpu.memory_space<hbm>>
      tpu.wait_dma2 semaphore(%run_scoped3A : memref<!tpu.dma_semaphore, #tpu.memory_space<semaphore_mem>>) src(%dma_wait3A_37 : memref<79x128xi32, #tpu.memory_space<hbm>>) dst(%arg7 : memref<79x128xi32, #tpu.memory_space<vmem>>)
      tpu.yield
    }) : () -> ()
    %scan3A = arith.constant 0 : i32
    %scan3A_0 = arith.constant 0 : i32
    %scan3A_1 = arith.constant 64 : i32
    %scan3A_2 = arith.addi %scan3A_0, %scan3A_1 : i32
    %scan3A_3 = arith.constant 1 : i32
    %scan3A_4 = scf.for %scan3A_24 = %scan3A_0 to %scan3A_2 step %scan3A_3 iter_args(%scan3A_25 = %scan3A) -> (i32)  : i32 {
      %broadcast_in_dim3A = arith.constant 0.000000e+00 : f32
      %broadcast_in_dim3A_26 = vector.broadcast %broadcast_in_dim3A : f32 to vector<16xf32>
      %swap3A = arith.index_cast %scan3A_24 : i32 to index
      %swap3A_27 = arith.constant 0 : index
      %swap3A_28 = tpu.vector_load %arg9[%swap3A, %swap3A_27] {strides = array<i32>} : memref<64x128xf32, #tpu.memory_space<vmem>>, vector<1x16xf32>,
      %swap3A_29 = vector.shape_cast %swap3A_28 : vector<1x16xf32> to vector<16xf32>
      %swap3A_30 = vector.shape_cast %broadcast_in_dim3A_26 : vector<16xf32> to vector<1x16xf32>
      tpu.vector_store %arg9[%swap3A, %swap3A_27], %swap3A_30 {strides = array<i32>} : memref<64x128xf32, #tpu.memory_space<vmem>>, vector<1x16xf32>,
      %broadcast_in_dim3A_31 = arith.constant 0.000000e+00 : f32
      %broadcast_in_dim3A_32 = vector.broadcast %broadcast_in_dim3A_31 : f32 to vector<16xf32>
      %swap3A_33 = arith.index_cast %scan3A_24 : i32 to index
      %swap3A_34 = arith.constant 16 : index
      %swap3A_35 = tpu.vector_load %arg9[%swap3A_33, %swap3A_34] {strides = array<i32>} : memref<64x128xf32, #tpu.memory_space<vmem>>, vector<1x16xf32>,
      %swap3A_36 = vector.shape_cast %swap3A_35 : vector<1x16xf32> to vector<16xf32>
      %swap3A_37 = vector.shape_cast %broadcast_in_dim3A_32 : vector<16xf32> to vector<1x16xf32>
      tpu.vector_store %arg9[%swap3A_33, %swap3A_34], %swap3A_37 {strides = array<i32>} : memref<64x128xf32, #tpu.memory_space<vmem>>, vector<1x16xf32>,
      %broadcast_in_dim3A_38 = arith.constant 0.000000e+00 : f32
      %broadcast_in_dim3A_39 = vector.broadcast %broadcast_in_dim3A_38 : f32 to vector<16xf32>
      %swap3A_40 = arith.index_cast %scan3A_24 : i32 to index
      %swap3A_41 = arith.constant 32 : index
      %swap3A_42 = tpu.vector_load %arg9[%swap3A_40, %swap3A_41] {strides = array<i32>} : memref<64x128xf32, #tpu.memory_space<vmem>>, vector<1x16xf32>,
      %swap3A_43 = vector.shape_cast %swap3A_42 : vector<1x16xf32> to vector<16xf32>
      %swap3A_44 = vector.shape_cast %broadcast_in_dim3A_39 : vector<16xf32> to vector<1x16xf32>
      tpu.vector_store %arg9[%swap3A_40, %swap3A_41], %swap3A_44 {strides = array<i32>} : memref<64x128xf32, #tpu.memory_space<vmem>>, vector<1x16xf32>,
      %broadcast_in_dim3A_45 = arith.constant 0.000000e+00 : f32
      %broadcast_in_dim3A_46 = vector.broadcast %broadcast_in_dim3A_45 : f32 to vector<16xf32>
      %swap3A_47 = arith.index_cast %scan3A_24 : i32 to index
      %swap3A_48 = arith.constant 48 : index
      %swap3A_49 = tpu.vector_load %arg9[%swap3A_47, %swap3A_48] {strides = array<i32>} : memref<64x128xf32, #tpu.memory_space<vmem>>, vector<1x16xf32>,
      %swap3A_50 = vector.shape_cast %swap3A_49 : vector<1x16xf32> to vector<16xf32>
      %swap3A_51 = vector.shape_cast %broadcast_in_dim3A_46 : vector<16xf32> to vector<1x16xf32>
      tpu.vector_store %arg9[%swap3A_47, %swap3A_48], %swap3A_51 {strides = array<i32>} : memref<64x128xf32, #tpu.memory_space<vmem>>, vector<1x16xf32>,
      %broadcast_in_dim3A_52 = arith.constant 0.000000e+00 : f32
      %broadcast_in_dim3A_53 = vector.broadcast %broadcast_in_dim3A_52 : f32 to vector<16xf32>
      %swap3A_54 = arith.index_cast %scan3A_24 : i32 to index
      %swap3A_55 = arith.constant 64 : index
      %swap3A_56 = tpu.vector_load %arg9[%swap3A_54, %swap3A_55] {strides = array<i32>} : memref<64x128xf32, #tpu.memory_space<vmem>>, vector<1x16xf32>,
      %swap3A_57 = vector.shape_cast %swap3A_56 : vector<1x16xf32> to vector<16xf32>
      %swap3A_58 = vector.shape_cast %broadcast_in_dim3A_53 : vector<16xf32> to vector<1x16xf32>
      tpu.vector_store %arg9[%swap3A_54, %swap3A_55], %swap3A_58 {strides = array<i32>} : memref<64x128xf32, #tpu.memory_space<vmem>>, vector<1x16xf32>,
      %broadcast_in_dim3A_59 = arith.constant 0.000000e+00 : f32
      %broadcast_in_dim3A_60 = vector.broadcast %broadcast_in_dim3A_59 : f32 to vector<16xf32>
      %swap3A_61 = arith.index_cast %scan3A_24 : i32 to index
      %swap3A_62 = arith.constant 80 : index
      %swap3A_63 = tpu.vector_load %arg9[%swap3A_61, %swap3A_62] {strides = array<i32>} : memref<64x128xf32, #tpu.memory_space<vmem>>, vector<1x16xf32>,
      %swap3A_64 = vector.shape_cast %swap3A_63 : vector<1x16xf32> to vector<16xf32>
      %swap3A_65 = vector.shape_cast %broadcast_in_dim3A_60 : vector<16xf32> to vector<1x16xf32>
      tpu.vector_store %arg9[%swap3A_61, %swap3A_62], %swap3A_65 {strides = array<i32>} : memref<64x128xf32, #tpu.memory_space<vmem>>, vector<1x16xf32>,
      %broadcast_in_dim3A_66 = arith.constant 0.000000e+00 : f32
      %broadcast_in_dim3A_67 = vector.broadcast %broadcast_in_dim3A_66 : f32 to vector<16xf32>
      %swap3A_68 = arith.index_cast %scan3A_24 : i32 to index
      %swap3A_69 = arith.constant 96 : index
      %swap3A_70 = tpu.vector_load %arg9[%swap3A_68, %swap3A_69] {strides = array<i32>} : memref<64x128xf32, #tpu.memory_space<vmem>>, vector<1x16xf32>,
      %swap3A_71 = vector.shape_cast %swap3A_70 : vector<1x16xf32> to vector<16xf32>
      %swap3A_72 = vector.shape_cast %broadcast_in_dim3A_67 : vector<16xf32> to vector<1x16xf32>
      tpu.vector_store %arg9[%swap3A_68, %swap3A_69], %swap3A_72 {strides = array<i32>} : memref<64x128xf32, #tpu.memory_space<vmem>>, vector<1x16xf32>,
      %broadcast_in_dim3A_73 = arith.constant 0.000000e+00 : f32
      %broadcast_in_dim3A_74 = vector.broadcast %broadcast_in_dim3A_73 : f32 to vector<16xf32>
      %swap3A_75 = arith.index_cast %scan3A_24 : i32 to index
      %swap3A_76 = arith.constant 112 : index
      %swap3A_77 = tpu.vector_load %arg9[%swap3A_75, %swap3A_76] {strides = array<i32>} : memref<64x128xf32, #tpu.memory_space<vmem>>, vector<1x16xf32>,
      %swap3A_78 = vector.shape_cast %swap3A_77 : vector<1x16xf32> to vector<16xf32>
      %swap3A_79 = vector.shape_cast %broadcast_in_dim3A_74 : vector<16xf32> to vector<1x16xf32>
      tpu.vector_store %arg9[%swap3A_75, %swap3A_76], %swap3A_79 {strides = array<i32>} : memref<64x128xf32, #tpu.memory_space<vmem>>, vector<1x16xf32>,
      %scan3A_80 = arith.constant 0 : i32
      scf.yield %scan3A_80 : i32
    }
    %scan3A_5 = arith.constant 64 : i32
    %scan3A_6 = arith.constant 0 : i32
    %scan3A_7 = arith.constant 0 : i32
    %scan3A_8 = arith.constant 10 : i32
    %scan3A_9 = arith.addi %scan3A_7, %scan3A_8 : i32
    %scan3A_10 = arith.constant 1 : i32
    %scan3A_11 = scf.for %scan3A_24 = %scan3A_7 to %scan3A_9 step %scan3A_10 iter_args(%scan3A_25 = %scan3A_6) -> (i32)  : i32 {
      %mul3A_26 = arith.constant 640 : i32
      %mul3A_27 = arith.muli %arg1, %mul3A_26 : i32
      %mul3A_28 = arith.constant 64 : i32
      %mul3A_29 = arith.muli %scan3A_24, %mul3A_28 : i32
      %add3A = arith.addi %mul3A_27, %mul3A_29 : i32
      "tpu.region"() ({
        %run_scoped3A = tpu.sem_alloc : memref<!tpu.dma_semaphore, #tpu.memory_space<semaphore_mem>>
        %dma_start3A = arith.constant 0 : i32
        %dma_start3A_31 = tpu.memref_slice %arg10[%add3A, %dma_start3A] : memref<10240x128xf32, #tpu.memory_space<vmem_shared>> -> memref<64x128xf32, #tpu.memory_space<vmem_shared>>
        %dma_start3A_32 = arith.constant 0 : i32
        %dma_start3A_33 = tpu.memref_slice %arg10[%add3A, %dma_start3A_32] : memref<10240x128xf32, #tpu.memory_space<vmem_shared>> -> memref<64x128xf32, #tpu.memory_space<vmem_shared>>
        tpu.enqueue_dma source(%arg9 : memref<64x128xf32, #tpu.memory_space<vmem>>) target(%dma_start3A_33 : memref<64x128xf32, #tpu.memory_space<vmem_shared>>) target_semaphore(%run_scoped3A : memref<!tpu.dma_semaphore, #tpu.memory_space<semaphore_mem>>)
        %dma_wait3A = arith.constant 0 : i32
        %dma_wait3A_34 = tpu.memref_slice %arg10[%add3A, %dma_wait3A] : memref<10240x128xf32, #tpu.memory_space<vmem_shared>> -> memref<64x128xf32, #tpu.memory_space<vmem_shared>>
        %dma_wait3A_35 = arith.constant 0 : i32
        %dma_wait3A_36 = tpu.memref_slice %arg10[%add3A, %dma_wait3A_35] : memref<10240x128xf32, #tpu.memory_space<vmem_shared>> -> memref<64x128xf32, #tpu.memory_space<vmem_shared>>
        tpu.wait_dma2 semaphore(%run_scoped3A : memref<!tpu.dma_semaphore, #tpu.memory_space<semaphore_mem>>) src(%arg9 : memref<64x128xf32, #tpu.memory_space<vmem>>) dst(%dma_wait3A_36 : memref<64x128xf32, #tpu.memory_space<vmem_shared>>)
        tpu.yield
      }) : () -> ()
      %scan3A_30 = arith.constant 0 : i32
      scf.yield %scan3A_30 : i32
    }
    %scan3A_12 = arith.constant 10 : i32
    %barrier3A = arith.constant 0 : index
    tpu.barrier barrier_id(%barrier3A)
    %scan3A_13 = arith.constant 0 : i32
    %scan3A_14 = arith.constant 0 : i32
    %scan3A_15 = arith.constant 79 : i32
    %scan3A_16 = arith.addi %scan3A_14, %scan3A_15 : i32
    %scan3A_17 = arith.constant 1 : i32
    %scan3A_18 = scf.for %scan3A_24 = %scan3A_14 to %scan3A_16 step %scan3A_17 iter_args(%scan3A_25 = %scan3A_13) -> (i32)  : i32 {
      %dma_start3A = arith.constant 0 : i32
      %dma_start3A_26 = tpu.memref_slice %arg6[%scan3A_24, %dma_start3A] : memref<79x128xi32, #tpu.memory_space<vmem>> -> memref<1x128xi32, #tpu.memory_space<vmem>>
      %dma_start3A_27 = tpu.memref_squeeze %dma_start3A_26 : memref<1x128xi32, #tpu.memory_space<vmem>> -> memref<128xi32, #tpu.memory_space<vmem>>
      %dma_start3A_28 = arith.constant 0 : i32
      %dma_start3A_29 = arith.constant 0 : i32
      %dma_start3A_30 = tpu.memref_slice %arg2[%dma_start3A_28, %dma_start3A_29] : memref<10240x128xf32, #tpu.memory_space<hbm>> -> memref<10240x128xf32, #tpu.memory_space<hbm>>
      tpu.enqueue_indirect_dma source(%dma_start3A_30 : memref<10240x128xf32, #tpu.memory_space<hbm>>) target(%arg8 : memref<128x128xf32, #tpu.memory_space<vmem>>) offsets(%dma_start3A_27 : memref<128xi32, #tpu.memory_space<vmem>>) semaphore(%arg11 : memref<!tpu.dma_semaphore, #tpu.memory_space<semaphore_mem>>)
      %dma_wait3A = arith.constant 0 : i32
      %dma_wait3A_31 = tpu.memref_slice %arg6[%scan3A_24, %dma_wait3A] : memref<79x128xi32, #tpu.memory_space<vmem>> -> memref<1x128xi32, #tpu.memory_space<vmem>>
      %dma_wait3A_32 = tpu.memref_squeeze %dma_wait3A_31 : memref<1x128xi32, #tpu.memory_space<vmem>> -> memref<128xi32, #tpu.memory_space<vmem>>
      %dma_wait3A_33 = arith.constant 0 : i32
      %dma_wait3A_34 = arith.constant 0 : i32
      %dma_wait3A_35 = tpu.memref_slice %arg2[%dma_wait3A_33, %dma_wait3A_34] : memref<10240x128xf32, #tpu.memory_space<hbm>> -> memref<10240x128xf32, #tpu.memory_space<hbm>>
      tpu.wait_indirect_dma semaphore(%arg11 : memref<!tpu.dma_semaphore, #tpu.memory_space<semaphore_mem>>) src(%dma_wait3A_35 : memref<10240x128xf32, #tpu.memory_space<hbm>>) dst(%arg8 : memref<128x128xf32, #tpu.memory_space<vmem>>)
      "tpu.region"() ({
        %run_scoped3A = tpu.sem_alloc : memref<!tpu.dma_semaphore, #tpu.memory_space<semaphore_mem>>
        %dma_start3A_37 = arith.constant 0 : i32
        %dma_start3A_38 = tpu.memref_slice %arg7[%scan3A_24, %dma_start3A_37] : memref<79x128xi32, #tpu.memory_space<vmem>> -> memref<1x128xi32, #tpu.memory_space<vmem>>
        %dma_start3A_39 = tpu.memref_squeeze %dma_start3A_38 : memref<1x128xi32, #tpu.memory_space<vmem>> -> memref<128xi32, #tpu.memory_space<vmem>>
        %dma_start3A_40 = arith.constant 0 : i32
        %dma_start3A_41 = arith.constant 0 : i32
        %dma_start3A_42 = tpu.memref_slice %arg10[%dma_start3A_40, %dma_start3A_41] : memref<10240x128xf32, #tpu.memory_space<vmem_shared>> -> memref<10240x128xf32, #tpu.memory_space<vmem_shared>>
        tpu.enqueue_indirect_dma source(%arg8 : memref<128x128xf32, #tpu.memory_space<vmem>>) target(%dma_start3A_42 : memref<10240x128xf32, #tpu.memory_space<vmem_shared>>) offsets(%dma_start3A_39 : memref<128xi32, #tpu.memory_space<vmem>>) semaphore(%run_scoped3A : memref<!tpu.dma_semaphore, #tpu.memory_space<semaphore_mem>>) {add = true}
        %dma_wait3A_43 = arith.constant 0 : i32
        %dma_wait3A_44 = tpu.memref_slice %arg7[%scan3A_24, %dma_wait3A_43] : memref<79x128xi32, #tpu.memory_space<vmem>> -> memref<1x128xi32, #tpu.memory_space<vmem>>
        %dma_wait3A_45 = tpu.memref_squeeze %dma_wait3A_44 : memref<1x128xi32, #tpu.memory_space<vmem>> -> memref<128xi32, #tpu.memory_space<vmem>>
        %dma_wait3A_46 = arith.constant 0 : i32
        %dma_wait3A_47 = arith.constant 0 : i32
        %dma_wait3A_48 = tpu.memref_slice %arg10[%dma_wait3A_46, %dma_wait3A_47] : memref<10240x128xf32, #tpu.memory_space<vmem_shared>> -> memref<10240x128xf32, #tpu.memory_space<vmem_shared>>
        tpu.wait_indirect_dma semaphore(%run_scoped3A : memref<!tpu.dma_semaphore, #tpu.memory_space<semaphore_mem>>) src(%arg8 : memref<128x128xf32, #tpu.memory_space<vmem>>) dst(%dma_wait3A_48 : memref<10240x128xf32, #tpu.memory_space<vmem_shared>>)
        tpu.yield
      }) : () -> ()
      %scan3A_36 = arith.constant 0 : i32
      scf.yield %scan3A_36 : i32
    }
    %scan3A_19 = arith.constant 79 : i32
    %barrier3A_20 = arith.constant 0 : index
    tpu.barrier barrier_id(%barrier3A_20)
    %mul3A = arith.constant 640 : i32
    %mul3A_21 = arith.muli %arg1, %mul3A : i32
    %mul3A_22 = arith.constant 640 : i32
    %mul3A_23 = arith.muli %arg1, %mul3A_22 : i32
    "tpu.region"() ({
      %run_scoped3A = tpu.sem_alloc : memref<!tpu.dma_semaphore, #tpu.memory_space<semaphore_mem>>
      %dma_start3A = arith.constant 0 : i32
      %dma_start3A_24 = tpu.memref_slice %arg5[%arg0, %mul3A_23, %dma_start3A] : memref<2x10240x128xf32, #tpu.memory_space<hbm>> -> memref<1x640x128xf32, #tpu.memory_space<hbm>>
      %dma_start3A_25 = tpu.memref_squeeze %dma_start3A_24 : memref<1x640x128xf32, #tpu.memory_space<hbm>> -> memref<640x128xf32, #tpu.memory_space<hbm>>
      %dma_start3A_26 = arith.constant 0 : i32
      %dma_start3A_27 = tpu.memref_slice %arg10[%mul3A_21, %dma_start3A_26] : memref<10240x128xf32, #tpu.memory_space<vmem_shared>> -> memref<640x128xf32, #tpu.memory_space<vmem_shared>>
      tpu.enqueue_dma source(%dma_start3A_27 : memref<640x128xf32, #tpu.memory_space<vmem_shared>>) target(%dma_start3A_25 : memref<640x128xf32, #tpu.memory_space<hbm>>) target_semaphore(%run_scoped3A : memref<!tpu.dma_semaphore, #tpu.memory_space<semaphore_mem>>)
      %dma_wait3A = arith.constant 0 : i32
      %dma_wait3A_28 = tpu.memref_slice %arg5[%arg0, %mul3A_23, %dma_wait3A] : memref<2x10240x128xf32, #tpu.memory_space<hbm>> -> memref<1x640x128xf32, #tpu.memory_space<hbm>>
      %dma_wait3A_29 = tpu.memref_squeeze %dma_wait3A_28 : memref<1x640x128xf32, #tpu.memory_space<hbm>> -> memref<640x128xf32, #tpu.memory_space<hbm>>
      %dma_wait3A_30 = arith.constant 0 : i32
      %dma_wait3A_31 = tpu.memref_slice %arg10[%mul3A_21, %dma_wait3A_30] : memref<10240x128xf32, #tpu.memory_space<vmem_shared>> -> memref<640x128xf32, #tpu.memory_space<vmem_shared>>
      tpu.wait_dma2 semaphore(%run_scoped3A : memref<!tpu.dma_semaphore, #tpu.memory_space<semaphore_mem>>) src(%dma_wait3A_31 : memref<640x128xf32, #tpu.memory_space<vmem_shared>>) dst(%dma_wait3A_29 : memref<640x128xf32, #tpu.memory_space<hbm>>)
      tpu.yield
    }) : () -> ()
    return
  }
}

#map = affine_map<(d0, d1) -> (0, 0)>
#map1 = affine_map<(d0, d1) -> (0, 0, 0, 0)>
#map2 = affine_map<(d0, d1) -> (0, 0, 0)>
module attributes {stable_mosaic.version = 14 : i64} {
  func.func @_sc_hop(%arg0: i32, %arg1: i32, %arg2: memref<10240x128xf32, #tpu.memory_space<hbm>>, %arg3: memref<2x16x79x128xi32, #tpu.memory_space<hbm>>, %arg4: memref<2x16x79x128xi32, #tpu.memory_space<hbm>>, %arg5: memref<2x10240x128xf32, #tpu.memory_space<hbm>>, %arg6: memref<79x128xi32, #tpu.memory_space<vmem>>, %arg7: memref<79x128xi32, #tpu.memory_space<vmem>>, %arg8: memref<128x128xf32, #tpu.memory_space<vmem>>, %arg9: memref<64x128xf32, #tpu.memory_space<vmem>>, %arg10: memref<10240x128xf32, #tpu.memory_space<vmem_shared>>, %arg11: memref<!tpu.dma_semaphore, #tpu.memory_space<semaphore_mem>>) attributes {dimension_semantics = [#tpu.dimension_semantics<core_parallel>, #tpu.dimension_semantics<subcore_parallel>], iteration_bounds = array<i64: 2, 16>, scalar_prefetch = 0 : i64, scratch_operands = 6 : i64, tpu.core_type = #tpu.core_type<sc_vector_subcore>, window_params = [{transform_indices = #map}, {transform_indices = #map1}, {transform_indices = #map1}, {transform_indices = #map2}]} {
    "tpu.region"() ({
      %run_scoped3A = tpu.sem_alloc : memref<!tpu.dma_semaphore, #tpu.memory_space<semaphore_mem>>
      %dma_start3A = arith.constant 0 : i32
      %dma_start3A_24 = arith.constant 0 : i32
      %dma_start3A_25 = tpu.memref_slice %arg3[%arg0, %arg1, %dma_start3A, %dma_start3A_24] : memref<2x16x79x128xi32, #tpu.memory_space<hbm>> -> memref<1x1x79x128xi32, #tpu.memory_space<hbm>>
      %dma_start3A_26 = tpu.memref_squeeze %dma_start3A_25 : memref<1x1x79x128xi32, #tpu.memory_space<hbm>> -> memref<79x128xi32, #tpu.memory_space<hbm>>
      %dma_start3A_27 = arith.constant 0 : i32
      %dma_start3A_28 = arith.constant 0 : i32
      %dma_start3A_29 = tpu.memref_slice %arg3[%arg0, %arg1, %dma_start3A_27, %dma_start3A_28] : memref<2x16x79x128xi32, #tpu.memory_space<hbm>> -> memref<1x1x79x128xi32, #tpu.memory_space<hbm>>
      %dma_start3A_30 = tpu.memref_squeeze %dma_start3A_29 : memref<1x1x79x128xi32, #tpu.memory_space<hbm>> -> memref<79x128xi32, #tpu.memory_space<hbm>>
      tpu.enqueue_dma source(%dma_start3A_30 : memref<79x128xi32, #tpu.memory_space<hbm>>) target(%arg6 : memref<79x128xi32, #tpu.memory_space<vmem>>) target_semaphore(%run_scoped3A : memref<!tpu.dma_semaphore, #tpu.memory_space<semaphore_mem>>)
      %dma_wait3A = arith.constant 0 : i32
      %dma_wait3A_31 = arith.constant 0 : i32
      %dma_wait3A_32 = tpu.memref_slice %arg3[%arg0, %arg1, %dma_wait3A, %dma_wait3A_31] : memref<2x16x79x128xi32, #tpu.memory_space<hbm>> -> memref<1x1x79x128xi32, #tpu.memory_space<hbm>>
      %dma_wait3A_33 = tpu.memref_squeeze %dma_wait3A_32 : memref<1x1x79x128xi32, #tpu.memory_space<hbm>> -> memref<79x128xi32, #tpu.memory_space<hbm>>
      %dma_wait3A_34 = arith.constant 0 : i32
      %dma_wait3A_35 = arith.constant 0 : i32
      %dma_wait3A_36 = tpu.memref_slice %arg3[%arg0, %arg1, %dma_wait3A_34, %dma_wait3A_35] : memref<2x16x79x128xi32, #tpu.memory_space<hbm>> -> memref<1x1x79x128xi32, #tpu.memory_space<hbm>>
      %dma_wait3A_37 = tpu.memref_squeeze %dma_wait3A_36 : memref<1x1x79x128xi32, #tpu.memory_space<hbm>> -> memref<79x128xi32, #tpu.memory_space<hbm>>
      tpu.wait_dma2 semaphore(%run_scoped3A : memref<!tpu.dma_semaphore, #tpu.memory_space<semaphore_mem>>) src(%dma_wait3A_37 : memref<79x128xi32, #tpu.memory_space<hbm>>) dst(%arg6 : memref<79x128xi32, #tpu.memory_space<vmem>>)
      tpu.yield
    }) : () -> ()
    "tpu.region"() ({
      %run_scoped3A = tpu.sem_alloc : memref<!tpu.dma_semaphore, #tpu.memory_space<semaphore_mem>>
      %dma_start3A = arith.constant 0 : i32
      %dma_start3A_24 = arith.constant 0 : i32
      %dma_start3A_25 = tpu.memref_slice %arg4[%arg0, %arg1, %dma_start3A, %dma_start3A_24] : memref<2x16x79x128xi32, #tpu.memory_space<hbm>> -> memref<1x1x79x128xi32, #tpu.memory_space<hbm>>
      %dma_start3A_26 = tpu.memref_squeeze %dma_start3A_25 : memref<1x1x79x128xi32, #tpu.memory_space<hbm>> -> memref<79x128xi32, #tpu.memory_space<hbm>>
      %dma_start3A_27 = arith.constant 0 : i32
      %dma_start3A_28 = arith.constant 0 : i32
      %dma_start3A_29 = tpu.memref_slice %arg4[%arg0, %arg1, %dma_start3A_27, %dma_start3A_28] : memref<2x16x79x128xi32, #tpu.memory_space<hbm>> -> memref<1x1x79x128xi32, #tpu.memory_space<hbm>>
      %dma_start3A_30 = tpu.memref_squeeze %dma_start3A_29 : memref<1x1x79x128xi32, #tpu.memory_space<hbm>> -> memref<79x128xi32, #tpu.memory_space<hbm>>
      tpu.enqueue_dma source(%dma_start3A_30 : memref<79x128xi32, #tpu.memory_space<hbm>>) target(%arg7 : memref<79x128xi32, #tpu.memory_space<vmem>>) target_semaphore(%run_scoped3A : memref<!tpu.dma_semaphore, #tpu.memory_space<semaphore_mem>>)
      %dma_wait3A = arith.constant 0 : i32
      %dma_wait3A_31 = arith.constant 0 : i32
      %dma_wait3A_32 = tpu.memref_slice %arg4[%arg0, %arg1, %dma_wait3A, %dma_wait3A_31] : memref<2x16x79x128xi32, #tpu.memory_space<hbm>> -> memref<1x1x79x128xi32, #tpu.memory_space<hbm>>
      %dma_wait3A_33 = tpu.memref_squeeze %dma_wait3A_32 : memref<1x1x79x128xi32, #tpu.memory_space<hbm>> -> memref<79x128xi32, #tpu.memory_space<hbm>>
      %dma_wait3A_34 = arith.constant 0 : i32
      %dma_wait3A_35 = arith.constant 0 : i32
      %dma_wait3A_36 = tpu.memref_slice %arg4[%arg0, %arg1, %dma_wait3A_34, %dma_wait3A_35] : memref<2x16x79x128xi32, #tpu.memory_space<hbm>> -> memref<1x1x79x128xi32, #tpu.memory_space<hbm>>
      %dma_wait3A_37 = tpu.memref_squeeze %dma_wait3A_36 : memref<1x1x79x128xi32, #tpu.memory_space<hbm>> -> memref<79x128xi32, #tpu.memory_space<hbm>>
      tpu.wait_dma2 semaphore(%run_scoped3A : memref<!tpu.dma_semaphore, #tpu.memory_space<semaphore_mem>>) src(%dma_wait3A_37 : memref<79x128xi32, #tpu.memory_space<hbm>>) dst(%arg7 : memref<79x128xi32, #tpu.memory_space<vmem>>)
      tpu.yield
    }) : () -> ()
    %scan3A = arith.constant 0 : i32
    %scan3A_0 = arith.constant 0 : i32
    %scan3A_1 = arith.constant 64 : i32
    %scan3A_2 = arith.addi %scan3A_0, %scan3A_1 : i32
    %scan3A_3 = arith.constant 1 : i32
    %scan3A_4 = scf.for %scan3A_24 = %scan3A_0 to %scan3A_2 step %scan3A_3 iter_args(%scan3A_25 = %scan3A) -> (i32)  : i32 {
      %broadcast_in_dim3A = arith.constant 0.000000e+00 : f32
      %broadcast_in_dim3A_26 = vector.broadcast %broadcast_in_dim3A : f32 to vector<16xf32>
      %swap3A = arith.index_cast %scan3A_24 : i32 to index
      %swap3A_27 = arith.constant 0 : index
      %swap3A_28 = tpu.vector_load %arg9[%swap3A, %swap3A_27] {strides = array<i32>} : memref<64x128xf32, #tpu.memory_space<vmem>>, vector<1x16xf32>,
      %swap3A_29 = vector.shape_cast %swap3A_28 : vector<1x16xf32> to vector<16xf32>
      %swap3A_30 = vector.shape_cast %broadcast_in_dim3A_26 : vector<16xf32> to vector<1x16xf32>
      tpu.vector_store %arg9[%swap3A, %swap3A_27], %swap3A_30 {strides = array<i32>} : memref<64x128xf32, #tpu.memory_space<vmem>>, vector<1x16xf32>,
      %broadcast_in_dim3A_31 = arith.constant 0.000000e+00 : f32
      %broadcast_in_dim3A_32 = vector.broadcast %broadcast_in_dim3A_31 : f32 to vector<16xf32>
      %swap3A_33 = arith.index_cast %scan3A_24 : i32 to index
      %swap3A_34 = arith.constant 16 : index
      %swap3A_35 = tpu.vector_load %arg9[%swap3A_33, %swap3A_34] {strides = array<i32>} : memref<64x128xf32, #tpu.memory_space<vmem>>, vector<1x16xf32>,
      %swap3A_36 = vector.shape_cast %swap3A_35 : vector<1x16xf32> to vector<16xf32>
      %swap3A_37 = vector.shape_cast %broadcast_in_dim3A_32 : vector<16xf32> to vector<1x16xf32>
      tpu.vector_store %arg9[%swap3A_33, %swap3A_34], %swap3A_37 {strides = array<i32>} : memref<64x128xf32, #tpu.memory_space<vmem>>, vector<1x16xf32>,
      %broadcast_in_dim3A_38 = arith.constant 0.000000e+00 : f32
      %broadcast_in_dim3A_39 = vector.broadcast %broadcast_in_dim3A_38 : f32 to vector<16xf32>
      %swap3A_40 = arith.index_cast %scan3A_24 : i32 to index
      %swap3A_41 = arith.constant 32 : index
      %swap3A_42 = tpu.vector_load %arg9[%swap3A_40, %swap3A_41] {strides = array<i32>} : memref<64x128xf32, #tpu.memory_space<vmem>>, vector<1x16xf32>,
      %swap3A_43 = vector.shape_cast %swap3A_42 : vector<1x16xf32> to vector<16xf32>
      %swap3A_44 = vector.shape_cast %broadcast_in_dim3A_39 : vector<16xf32> to vector<1x16xf32>
      tpu.vector_store %arg9[%swap3A_40, %swap3A_41], %swap3A_44 {strides = array<i32>} : memref<64x128xf32, #tpu.memory_space<vmem>>, vector<1x16xf32>,
      %broadcast_in_dim3A_45 = arith.constant 0.000000e+00 : f32
      %broadcast_in_dim3A_46 = vector.broadcast %broadcast_in_dim3A_45 : f32 to vector<16xf32>
      %swap3A_47 = arith.index_cast %scan3A_24 : i32 to index
      %swap3A_48 = arith.constant 48 : index
      %swap3A_49 = tpu.vector_load %arg9[%swap3A_47, %swap3A_48] {strides = array<i32>} : memref<64x128xf32, #tpu.memory_space<vmem>>, vector<1x16xf32>,
      %swap3A_50 = vector.shape_cast %swap3A_49 : vector<1x16xf32> to vector<16xf32>
      %swap3A_51 = vector.shape_cast %broadcast_in_dim3A_46 : vector<16xf32> to vector<1x16xf32>
      tpu.vector_store %arg9[%swap3A_47, %swap3A_48], %swap3A_51 {strides = array<i32>} : memref<64x128xf32, #tpu.memory_space<vmem>>, vector<1x16xf32>,
      %broadcast_in_dim3A_52 = arith.constant 0.000000e+00 : f32
      %broadcast_in_dim3A_53 = vector.broadcast %broadcast_in_dim3A_52 : f32 to vector<16xf32>
      %swap3A_54 = arith.index_cast %scan3A_24 : i32 to index
      %swap3A_55 = arith.constant 64 : index
      %swap3A_56 = tpu.vector_load %arg9[%swap3A_54, %swap3A_55] {strides = array<i32>} : memref<64x128xf32, #tpu.memory_space<vmem>>, vector<1x16xf32>,
      %swap3A_57 = vector.shape_cast %swap3A_56 : vector<1x16xf32> to vector<16xf32>
      %swap3A_58 = vector.shape_cast %broadcast_in_dim3A_53 : vector<16xf32> to vector<1x16xf32>
      tpu.vector_store %arg9[%swap3A_54, %swap3A_55], %swap3A_58 {strides = array<i32>} : memref<64x128xf32, #tpu.memory_space<vmem>>, vector<1x16xf32>,
      %broadcast_in_dim3A_59 = arith.constant 0.000000e+00 : f32
      %broadcast_in_dim3A_60 = vector.broadcast %broadcast_in_dim3A_59 : f32 to vector<16xf32>
      %swap3A_61 = arith.index_cast %scan3A_24 : i32 to index
      %swap3A_62 = arith.constant 80 : index
      %swap3A_63 = tpu.vector_load %arg9[%swap3A_61, %swap3A_62] {strides = array<i32>} : memref<64x128xf32, #tpu.memory_space<vmem>>, vector<1x16xf32>,
      %swap3A_64 = vector.shape_cast %swap3A_63 : vector<1x16xf32> to vector<16xf32>
      %swap3A_65 = vector.shape_cast %broadcast_in_dim3A_60 : vector<16xf32> to vector<1x16xf32>
      tpu.vector_store %arg9[%swap3A_61, %swap3A_62], %swap3A_65 {strides = array<i32>} : memref<64x128xf32, #tpu.memory_space<vmem>>, vector<1x16xf32>,
      %broadcast_in_dim3A_66 = arith.constant 0.000000e+00 : f32
      %broadcast_in_dim3A_67 = vector.broadcast %broadcast_in_dim3A_66 : f32 to vector<16xf32>
      %swap3A_68 = arith.index_cast %scan3A_24 : i32 to index
      %swap3A_69 = arith.constant 96 : index
      %swap3A_70 = tpu.vector_load %arg9[%swap3A_68, %swap3A_69] {strides = array<i32>} : memref<64x128xf32, #tpu.memory_space<vmem>>, vector<1x16xf32>,
      %swap3A_71 = vector.shape_cast %swap3A_70 : vector<1x16xf32> to vector<16xf32>
      %swap3A_72 = vector.shape_cast %broadcast_in_dim3A_67 : vector<16xf32> to vector<1x16xf32>
      tpu.vector_store %arg9[%swap3A_68, %swap3A_69], %swap3A_72 {strides = array<i32>} : memref<64x128xf32, #tpu.memory_space<vmem>>, vector<1x16xf32>,
      %broadcast_in_dim3A_73 = arith.constant 0.000000e+00 : f32
      %broadcast_in_dim3A_74 = vector.broadcast %broadcast_in_dim3A_73 : f32 to vector<16xf32>
      %swap3A_75 = arith.index_cast %scan3A_24 : i32 to index
      %swap3A_76 = arith.constant 112 : index
      %swap3A_77 = tpu.vector_load %arg9[%swap3A_75, %swap3A_76] {strides = array<i32>} : memref<64x128xf32, #tpu.memory_space<vmem>>, vector<1x16xf32>,
      %swap3A_78 = vector.shape_cast %swap3A_77 : vector<1x16xf32> to vector<16xf32>
      %swap3A_79 = vector.shape_cast %broadcast_in_dim3A_74 : vector<16xf32> to vector<1x16xf32>
      tpu.vector_store %arg9[%swap3A_75, %swap3A_76], %swap3A_79 {strides = array<i32>} : memref<64x128xf32, #tpu.memory_space<vmem>>, vector<1x16xf32>,
      %scan3A_80 = arith.constant 0 : i32
      scf.yield %scan3A_80 : i32
    }
    %scan3A_5 = arith.constant 64 : i32
    %scan3A_6 = arith.constant 0 : i32
    %scan3A_7 = arith.constant 0 : i32
    %scan3A_8 = arith.constant 10 : i32
    %scan3A_9 = arith.addi %scan3A_7, %scan3A_8 : i32
    %scan3A_10 = arith.constant 1 : i32
    %scan3A_11 = scf.for %scan3A_24 = %scan3A_7 to %scan3A_9 step %scan3A_10 iter_args(%scan3A_25 = %scan3A_6) -> (i32)  : i32 {
      %mul3A_26 = arith.constant 640 : i32
      %mul3A_27 = arith.muli %arg1, %mul3A_26 : i32
      %mul3A_28 = arith.constant 64 : i32
      %mul3A_29 = arith.muli %scan3A_24, %mul3A_28 : i32
      %add3A = arith.addi %mul3A_27, %mul3A_29 : i32
      "tpu.region"() ({
        %run_scoped3A = tpu.sem_alloc : memref<!tpu.dma_semaphore, #tpu.memory_space<semaphore_mem>>
        %dma_start3A = arith.constant 0 : i32
        %dma_start3A_31 = tpu.memref_slice %arg10[%add3A, %dma_start3A] : memref<10240x128xf32, #tpu.memory_space<vmem_shared>> -> memref<64x128xf32, #tpu.memory_space<vmem_shared>>
        %dma_start3A_32 = arith.constant 0 : i32
        %dma_start3A_33 = tpu.memref_slice %arg10[%add3A, %dma_start3A_32] : memref<10240x128xf32, #tpu.memory_space<vmem_shared>> -> memref<64x128xf32, #tpu.memory_space<vmem_shared>>
        tpu.enqueue_dma source(%arg9 : memref<64x128xf32, #tpu.memory_space<vmem>>) target(%dma_start3A_33 : memref<64x128xf32, #tpu.memory_space<vmem_shared>>) target_semaphore(%run_scoped3A : memref<!tpu.dma_semaphore, #tpu.memory_space<semaphore_mem>>)
        %dma_wait3A = arith.constant 0 : i32
        %dma_wait3A_34 = tpu.memref_slice %arg10[%add3A, %dma_wait3A] : memref<10240x128xf32, #tpu.memory_space<vmem_shared>> -> memref<64x128xf32, #tpu.memory_space<vmem_shared>>
        %dma_wait3A_35 = arith.constant 0 : i32
        %dma_wait3A_36 = tpu.memref_slice %arg10[%add3A, %dma_wait3A_35] : memref<10240x128xf32, #tpu.memory_space<vmem_shared>> -> memref<64x128xf32, #tpu.memory_space<vmem_shared>>
        tpu.wait_dma2 semaphore(%run_scoped3A : memref<!tpu.dma_semaphore, #tpu.memory_space<semaphore_mem>>) src(%arg9 : memref<64x128xf32, #tpu.memory_space<vmem>>) dst(%dma_wait3A_36 : memref<64x128xf32, #tpu.memory_space<vmem_shared>>)
        tpu.yield
      }) : () -> ()
      %scan3A_30 = arith.constant 0 : i32
      scf.yield %scan3A_30 : i32
    }
    %scan3A_12 = arith.constant 10 : i32
    %barrier3A = arith.constant 0 : index
    tpu.barrier barrier_id(%barrier3A)
    %scan3A_13 = arith.constant 0 : i32
    %scan3A_14 = arith.constant 0 : i32
    %scan3A_15 = arith.constant 79 : i32
    %scan3A_16 = arith.addi %scan3A_14, %scan3A_15 : i32
    %scan3A_17 = arith.constant 1 : i32
    %scan3A_18 = scf.for %scan3A_24 = %scan3A_14 to %scan3A_16 step %scan3A_17 iter_args(%scan3A_25 = %scan3A_13) -> (i32)  : i32 {
      %dma_start3A = arith.constant 0 : i32
      %dma_start3A_26 = tpu.memref_slice %arg6[%scan3A_24, %dma_start3A] : memref<79x128xi32, #tpu.memory_space<vmem>> -> memref<1x128xi32, #tpu.memory_space<vmem>>
      %dma_start3A_27 = tpu.memref_squeeze %dma_start3A_26 : memref<1x128xi32, #tpu.memory_space<vmem>> -> memref<128xi32, #tpu.memory_space<vmem>>
      %dma_start3A_28 = arith.constant 0 : i32
      %dma_start3A_29 = arith.constant 0 : i32
      %dma_start3A_30 = tpu.memref_slice %arg2[%dma_start3A_28, %dma_start3A_29] : memref<10240x128xf32, #tpu.memory_space<hbm>> -> memref<10240x128xf32, #tpu.memory_space<hbm>>
      tpu.enqueue_indirect_dma source(%dma_start3A_30 : memref<10240x128xf32, #tpu.memory_space<hbm>>) target(%arg8 : memref<128x128xf32, #tpu.memory_space<vmem>>) offsets(%dma_start3A_27 : memref<128xi32, #tpu.memory_space<vmem>>) semaphore(%arg11 : memref<!tpu.dma_semaphore, #tpu.memory_space<semaphore_mem>>)
      %dma_wait3A = arith.constant 0 : i32
      %dma_wait3A_31 = tpu.memref_slice %arg6[%scan3A_24, %dma_wait3A] : memref<79x128xi32, #tpu.memory_space<vmem>> -> memref<1x128xi32, #tpu.memory_space<vmem>>
      %dma_wait3A_32 = tpu.memref_squeeze %dma_wait3A_31 : memref<1x128xi32, #tpu.memory_space<vmem>> -> memref<128xi32, #tpu.memory_space<vmem>>
      %dma_wait3A_33 = arith.constant 0 : i32
      %dma_wait3A_34 = arith.constant 0 : i32
      %dma_wait3A_35 = tpu.memref_slice %arg2[%dma_wait3A_33, %dma_wait3A_34] : memref<10240x128xf32, #tpu.memory_space<hbm>> -> memref<10240x128xf32, #tpu.memory_space<hbm>>
      tpu.wait_indirect_dma semaphore(%arg11 : memref<!tpu.dma_semaphore, #tpu.memory_space<semaphore_mem>>) src(%dma_wait3A_35 : memref<10240x128xf32, #tpu.memory_space<hbm>>) dst(%arg8 : memref<128x128xf32, #tpu.memory_space<vmem>>)
      "tpu.region"() ({
        %run_scoped3A = tpu.sem_alloc : memref<!tpu.dma_semaphore, #tpu.memory_space<semaphore_mem>>
        %dma_start3A_37 = arith.constant 0 : i32
        %dma_start3A_38 = tpu.memref_slice %arg7[%scan3A_24, %dma_start3A_37] : memref<79x128xi32, #tpu.memory_space<vmem>> -> memref<1x128xi32, #tpu.memory_space<vmem>>
        %dma_start3A_39 = tpu.memref_squeeze %dma_start3A_38 : memref<1x128xi32, #tpu.memory_space<vmem>> -> memref<128xi32, #tpu.memory_space<vmem>>
        %dma_start3A_40 = arith.constant 0 : i32
        %dma_start3A_41 = arith.constant 0 : i32
        %dma_start3A_42 = tpu.memref_slice %arg10[%dma_start3A_40, %dma_start3A_41] : memref<10240x128xf32, #tpu.memory_space<vmem_shared>> -> memref<10240x128xf32, #tpu.memory_space<vmem_shared>>
        tpu.enqueue_indirect_dma source(%arg8 : memref<128x128xf32, #tpu.memory_space<vmem>>) target(%dma_start3A_42 : memref<10240x128xf32, #tpu.memory_space<vmem_shared>>) offsets(%dma_start3A_39 : memref<128xi32, #tpu.memory_space<vmem>>) semaphore(%run_scoped3A : memref<!tpu.dma_semaphore, #tpu.memory_space<semaphore_mem>>) {add = true}
        %dma_wait3A_43 = arith.constant 0 : i32
        %dma_wait3A_44 = tpu.memref_slice %arg7[%scan3A_24, %dma_wait3A_43] : memref<79x128xi32, #tpu.memory_space<vmem>> -> memref<1x128xi32, #tpu.memory_space<vmem>>
        %dma_wait3A_45 = tpu.memref_squeeze %dma_wait3A_44 : memref<1x128xi32, #tpu.memory_space<vmem>> -> memref<128xi32, #tpu.memory_space<vmem>>
        %dma_wait3A_46 = arith.constant 0 : i32
        %dma_wait3A_47 = arith.constant 0 : i32
        %dma_wait3A_48 = tpu.memref_slice %arg10[%dma_wait3A_46, %dma_wait3A_47] : memref<10240x128xf32, #tpu.memory_space<vmem_shared>> -> memref<10240x128xf32, #tpu.memory_space<vmem_shared>>
        tpu.wait_indirect_dma semaphore(%run_scoped3A : memref<!tpu.dma_semaphore, #tpu.memory_space<semaphore_mem>>) src(%arg8 : memref<128x128xf32, #tpu.memory_space<vmem>>) dst(%dma_wait3A_48 : memref<10240x128xf32, #tpu.memory_space<vmem_shared>>)
        tpu.yield
      }) : () -> ()
      %scan3A_36 = arith.constant 0 : i32
      scf.yield %scan3A_36 : i32
    }
    %scan3A_19 = arith.constant 79 : i32
    %barrier3A_20 = arith.constant 0 : index
    tpu.barrier barrier_id(%barrier3A_20)
    %mul3A = arith.constant 640 : i32
    %mul3A_21 = arith.muli %arg1, %mul3A : i32
    %mul3A_22 = arith.constant 640 : i32
    %mul3A_23 = arith.muli %arg1, %mul3A_22 : i32
    "tpu.region"() ({
      %run_scoped3A = tpu.sem_alloc : memref<!tpu.dma_semaphore, #tpu.memory_space<semaphore_mem>>
      %dma_start3A = arith.constant 0 : i32
      %dma_start3A_24 = tpu.memref_slice %arg5[%arg0, %mul3A_23, %dma_start3A] : memref<2x10240x128xf32, #tpu.memory_space<hbm>> -> memref<1x640x128xf32, #tpu.memory_space<hbm>>
      %dma_start3A_25 = tpu.memref_squeeze %dma_start3A_24 : memref<1x640x128xf32, #tpu.memory_space<hbm>> -> memref<640x128xf32, #tpu.memory_space<hbm>>
      %dma_start3A_26 = arith.constant 0 : i32
      %dma_start3A_27 = tpu.memref_slice %arg10[%mul3A_21, %dma_start3A_26] : memref<10240x128xf32, #tpu.memory_space<vmem_shared>> -> memref<640x128xf32, #tpu.memory_space<vmem_shared>>
      tpu.enqueue_dma source(%dma_start3A_27 : memref<640x128xf32, #tpu.memory_space<vmem_shared>>) target(%dma_start3A_25 : memref<640x128xf32, #tpu.memory_space<hbm>>) target_semaphore(%run_scoped3A : memref<!tpu.dma_semaphore, #tpu.memory_space<semaphore_mem>>)
      %dma_wait3A = arith.constant 0 : i32
      %dma_wait3A_28 = tpu.memref_slice %arg5[%arg0, %mul3A_23, %dma_wait3A] : memref<2x10240x128xf32, #tpu.memory_space<hbm>> -> memref<1x640x128xf32, #tpu.memory_space<hbm>>
      %dma_wait3A_29 = tpu.memref_squeeze %dma_wait3A_28 : memref<1x640x128xf32, #tpu.memory_space<hbm>> -> memref<640x128xf32, #tpu.memory_space<hbm>>
      %dma_wait3A_30 = arith.constant 0 : i32
      %dma_wait3A_31 = tpu.memref_slice %arg10[%mul3A_21, %dma_wait3A_30] : memref<10240x128xf32, #tpu.memory_space<vmem_shared>> -> memref<640x128xf32, #tpu.memory_space<vmem_shared>>
      tpu.wait_dma2 semaphore(%run_scoped3A : memref<!tpu.dma_semaphore, #tpu.memory_space<semaphore_mem>>) src(%dma_wait3A_31 : memref<640x128xf32, #tpu.memory_space<vmem_shared>>) dst(%dma_wait3A_29 : memref<640x128xf32, #tpu.memory_space<hbm>>)
      tpu.yield
    }) : () -> ()
    return
  }
}

#map = affine_map<(d0, d1) -> (0, 0)>
#map1 = affine_map<(d0, d1) -> (0, 0, 0, 0)>
#map2 = affine_map<(d0, d1) -> (0, 0, 0)>
module attributes {stable_mosaic.version = 14 : i64} {
  func.func @_sc_hop(%arg0: i32, %arg1: i32, %arg2: memref<10240x128xf32, #tpu.memory_space<hbm>>, %arg3: memref<2x16x79x128xi32, #tpu.memory_space<hbm>>, %arg4: memref<2x16x79x128xi32, #tpu.memory_space<hbm>>, %arg5: memref<2x10240x128xf32, #tpu.memory_space<hbm>>, %arg6: memref<79x128xi32, #tpu.memory_space<vmem>>, %arg7: memref<79x128xi32, #tpu.memory_space<vmem>>, %arg8: memref<128x128xf32, #tpu.memory_space<vmem>>, %arg9: memref<64x128xf32, #tpu.memory_space<vmem>>, %arg10: memref<10240x128xf32, #tpu.memory_space<vmem_shared>>, %arg11: memref<!tpu.dma_semaphore, #tpu.memory_space<semaphore_mem>>) attributes {dimension_semantics = [#tpu.dimension_semantics<core_parallel>, #tpu.dimension_semantics<subcore_parallel>], iteration_bounds = array<i64: 2, 16>, scalar_prefetch = 0 : i64, scratch_operands = 6 : i64, tpu.core_type = #tpu.core_type<sc_vector_subcore>, window_params = [{transform_indices = #map}, {transform_indices = #map1}, {transform_indices = #map1}, {transform_indices = #map2}]} {
    "tpu.region"() ({
      %run_scoped3A = tpu.sem_alloc : memref<!tpu.dma_semaphore, #tpu.memory_space<semaphore_mem>>
      %dma_start3A = arith.constant 0 : i32
      %dma_start3A_24 = arith.constant 0 : i32
      %dma_start3A_25 = tpu.memref_slice %arg3[%arg0, %arg1, %dma_start3A, %dma_start3A_24] : memref<2x16x79x128xi32, #tpu.memory_space<hbm>> -> memref<1x1x79x128xi32, #tpu.memory_space<hbm>>
      %dma_start3A_26 = tpu.memref_squeeze %dma_start3A_25 : memref<1x1x79x128xi32, #tpu.memory_space<hbm>> -> memref<79x128xi32, #tpu.memory_space<hbm>>
      %dma_start3A_27 = arith.constant 0 : i32
      %dma_start3A_28 = arith.constant 0 : i32
      %dma_start3A_29 = tpu.memref_slice %arg3[%arg0, %arg1, %dma_start3A_27, %dma_start3A_28] : memref<2x16x79x128xi32, #tpu.memory_space<hbm>> -> memref<1x1x79x128xi32, #tpu.memory_space<hbm>>
      %dma_start3A_30 = tpu.memref_squeeze %dma_start3A_29 : memref<1x1x79x128xi32, #tpu.memory_space<hbm>> -> memref<79x128xi32, #tpu.memory_space<hbm>>
      tpu.enqueue_dma source(%dma_start3A_30 : memref<79x128xi32, #tpu.memory_space<hbm>>) target(%arg6 : memref<79x128xi32, #tpu.memory_space<vmem>>) target_semaphore(%run_scoped3A : memref<!tpu.dma_semaphore, #tpu.memory_space<semaphore_mem>>)
      %dma_wait3A = arith.constant 0 : i32
      %dma_wait3A_31 = arith.constant 0 : i32
      %dma_wait3A_32 = tpu.memref_slice %arg3[%arg0, %arg1, %dma_wait3A, %dma_wait3A_31] : memref<2x16x79x128xi32, #tpu.memory_space<hbm>> -> memref<1x1x79x128xi32, #tpu.memory_space<hbm>>
      %dma_wait3A_33 = tpu.memref_squeeze %dma_wait3A_32 : memref<1x1x79x128xi32, #tpu.memory_space<hbm>> -> memref<79x128xi32, #tpu.memory_space<hbm>>
      %dma_wait3A_34 = arith.constant 0 : i32
      %dma_wait3A_35 = arith.constant 0 : i32
      %dma_wait3A_36 = tpu.memref_slice %arg3[%arg0, %arg1, %dma_wait3A_34, %dma_wait3A_35] : memref<2x16x79x128xi32, #tpu.memory_space<hbm>> -> memref<1x1x79x128xi32, #tpu.memory_space<hbm>>
      %dma_wait3A_37 = tpu.memref_squeeze %dma_wait3A_36 : memref<1x1x79x128xi32, #tpu.memory_space<hbm>> -> memref<79x128xi32, #tpu.memory_space<hbm>>
      tpu.wait_dma2 semaphore(%run_scoped3A : memref<!tpu.dma_semaphore, #tpu.memory_space<semaphore_mem>>) src(%dma_wait3A_37 : memref<79x128xi32, #tpu.memory_space<hbm>>) dst(%arg6 : memref<79x128xi32, #tpu.memory_space<vmem>>)
      tpu.yield
    }) : () -> ()
    "tpu.region"() ({
      %run_scoped3A = tpu.sem_alloc : memref<!tpu.dma_semaphore, #tpu.memory_space<semaphore_mem>>
      %dma_start3A = arith.constant 0 : i32
      %dma_start3A_24 = arith.constant 0 : i32
      %dma_start3A_25 = tpu.memref_slice %arg4[%arg0, %arg1, %dma_start3A, %dma_start3A_24] : memref<2x16x79x128xi32, #tpu.memory_space<hbm>> -> memref<1x1x79x128xi32, #tpu.memory_space<hbm>>
      %dma_start3A_26 = tpu.memref_squeeze %dma_start3A_25 : memref<1x1x79x128xi32, #tpu.memory_space<hbm>> -> memref<79x128xi32, #tpu.memory_space<hbm>>
      %dma_start3A_27 = arith.constant 0 : i32
      %dma_start3A_28 = arith.constant 0 : i32
      %dma_start3A_29 = tpu.memref_slice %arg4[%arg0, %arg1, %dma_start3A_27, %dma_start3A_28] : memref<2x16x79x128xi32, #tpu.memory_space<hbm>> -> memref<1x1x79x128xi32, #tpu.memory_space<hbm>>
      %dma_start3A_30 = tpu.memref_squeeze %dma_start3A_29 : memref<1x1x79x128xi32, #tpu.memory_space<hbm>> -> memref<79x128xi32, #tpu.memory_space<hbm>>
      tpu.enqueue_dma source(%dma_start3A_30 : memref<79x128xi32, #tpu.memory_space<hbm>>) target(%arg7 : memref<79x128xi32, #tpu.memory_space<vmem>>) target_semaphore(%run_scoped3A : memref<!tpu.dma_semaphore, #tpu.memory_space<semaphore_mem>>)
      %dma_wait3A = arith.constant 0 : i32
      %dma_wait3A_31 = arith.constant 0 : i32
      %dma_wait3A_32 = tpu.memref_slice %arg4[%arg0, %arg1, %dma_wait3A, %dma_wait3A_31] : memref<2x16x79x128xi32, #tpu.memory_space<hbm>> -> memref<1x1x79x128xi32, #tpu.memory_space<hbm>>
      %dma_wait3A_33 = tpu.memref_squeeze %dma_wait3A_32 : memref<1x1x79x128xi32, #tpu.memory_space<hbm>> -> memref<79x128xi32, #tpu.memory_space<hbm>>
      %dma_wait3A_34 = arith.constant 0 : i32
      %dma_wait3A_35 = arith.constant 0 : i32
      %dma_wait3A_36 = tpu.memref_slice %arg4[%arg0, %arg1, %dma_wait3A_34, %dma_wait3A_35] : memref<2x16x79x128xi32, #tpu.memory_space<hbm>> -> memref<1x1x79x128xi32, #tpu.memory_space<hbm>>
      %dma_wait3A_37 = tpu.memref_squeeze %dma_wait3A_36 : memref<1x1x79x128xi32, #tpu.memory_space<hbm>> -> memref<79x128xi32, #tpu.memory_space<hbm>>
      tpu.wait_dma2 semaphore(%run_scoped3A : memref<!tpu.dma_semaphore, #tpu.memory_space<semaphore_mem>>) src(%dma_wait3A_37 : memref<79x128xi32, #tpu.memory_space<hbm>>) dst(%arg7 : memref<79x128xi32, #tpu.memory_space<vmem>>)
      tpu.yield
    }) : () -> ()
    %scan3A = arith.constant 0 : i32
    %scan3A_0 = arith.constant 0 : i32
    %scan3A_1 = arith.constant 64 : i32
    %scan3A_2 = arith.addi %scan3A_0, %scan3A_1 : i32
    %scan3A_3 = arith.constant 1 : i32
    %scan3A_4 = scf.for %scan3A_24 = %scan3A_0 to %scan3A_2 step %scan3A_3 iter_args(%scan3A_25 = %scan3A) -> (i32)  : i32 {
      %broadcast_in_dim3A = arith.constant 0.000000e+00 : f32
      %broadcast_in_dim3A_26 = vector.broadcast %broadcast_in_dim3A : f32 to vector<16xf32>
      %swap3A = arith.index_cast %scan3A_24 : i32 to index
      %swap3A_27 = arith.constant 0 : index
      %swap3A_28 = tpu.vector_load %arg9[%swap3A, %swap3A_27] {strides = array<i32>} : memref<64x128xf32, #tpu.memory_space<vmem>>, vector<1x16xf32>,
      %swap3A_29 = vector.shape_cast %swap3A_28 : vector<1x16xf32> to vector<16xf32>
      %swap3A_30 = vector.shape_cast %broadcast_in_dim3A_26 : vector<16xf32> to vector<1x16xf32>
      tpu.vector_store %arg9[%swap3A, %swap3A_27], %swap3A_30 {strides = array<i32>} : memref<64x128xf32, #tpu.memory_space<vmem>>, vector<1x16xf32>,
      %broadcast_in_dim3A_31 = arith.constant 0.000000e+00 : f32
      %broadcast_in_dim3A_32 = vector.broadcast %broadcast_in_dim3A_31 : f32 to vector<16xf32>
      %swap3A_33 = arith.index_cast %scan3A_24 : i32 to index
      %swap3A_34 = arith.constant 16 : index
      %swap3A_35 = tpu.vector_load %arg9[%swap3A_33, %swap3A_34] {strides = array<i32>} : memref<64x128xf32, #tpu.memory_space<vmem>>, vector<1x16xf32>,
      %swap3A_36 = vector.shape_cast %swap3A_35 : vector<1x16xf32> to vector<16xf32>
      %swap3A_37 = vector.shape_cast %broadcast_in_dim3A_32 : vector<16xf32> to vector<1x16xf32>
      tpu.vector_store %arg9[%swap3A_33, %swap3A_34], %swap3A_37 {strides = array<i32>} : memref<64x128xf32, #tpu.memory_space<vmem>>, vector<1x16xf32>,
      %broadcast_in_dim3A_38 = arith.constant 0.000000e+00 : f32
      %broadcast_in_dim3A_39 = vector.broadcast %broadcast_in_dim3A_38 : f32 to vector<16xf32>
      %swap3A_40 = arith.index_cast %scan3A_24 : i32 to index
      %swap3A_41 = arith.constant 32 : index
      %swap3A_42 = tpu.vector_load %arg9[%swap3A_40, %swap3A_41] {strides = array<i32>} : memref<64x128xf32, #tpu.memory_space<vmem>>, vector<1x16xf32>,
      %swap3A_43 = vector.shape_cast %swap3A_42 : vector<1x16xf32> to vector<16xf32>
      %swap3A_44 = vector.shape_cast %broadcast_in_dim3A_39 : vector<16xf32> to vector<1x16xf32>
      tpu.vector_store %arg9[%swap3A_40, %swap3A_41], %swap3A_44 {strides = array<i32>} : memref<64x128xf32, #tpu.memory_space<vmem>>, vector<1x16xf32>,
      %broadcast_in_dim3A_45 = arith.constant 0.000000e+00 : f32
      %broadcast_in_dim3A_46 = vector.broadcast %broadcast_in_dim3A_45 : f32 to vector<16xf32>
      %swap3A_47 = arith.index_cast %scan3A_24 : i32 to index
      %swap3A_48 = arith.constant 48 : index
      %swap3A_49 = tpu.vector_load %arg9[%swap3A_47, %swap3A_48] {strides = array<i32>} : memref<64x128xf32, #tpu.memory_space<vmem>>, vector<1x16xf32>,
      %swap3A_50 = vector.shape_cast %swap3A_49 : vector<1x16xf32> to vector<16xf32>
      %swap3A_51 = vector.shape_cast %broadcast_in_dim3A_46 : vector<16xf32> to vector<1x16xf32>
      tpu.vector_store %arg9[%swap3A_47, %swap3A_48], %swap3A_51 {strides = array<i32>} : memref<64x128xf32, #tpu.memory_space<vmem>>, vector<1x16xf32>,
      %broadcast_in_dim3A_52 = arith.constant 0.000000e+00 : f32
      %broadcast_in_dim3A_53 = vector.broadcast %broadcast_in_dim3A_52 : f32 to vector<16xf32>
      %swap3A_54 = arith.index_cast %scan3A_24 : i32 to index
      %swap3A_55 = arith.constant 64 : index
      %swap3A_56 = tpu.vector_load %arg9[%swap3A_54, %swap3A_55] {strides = array<i32>} : memref<64x128xf32, #tpu.memory_space<vmem>>, vector<1x16xf32>,
      %swap3A_57 = vector.shape_cast %swap3A_56 : vector<1x16xf32> to vector<16xf32>
      %swap3A_58 = vector.shape_cast %broadcast_in_dim3A_53 : vector<16xf32> to vector<1x16xf32>
      tpu.vector_store %arg9[%swap3A_54, %swap3A_55], %swap3A_58 {strides = array<i32>} : memref<64x128xf32, #tpu.memory_space<vmem>>, vector<1x16xf32>,
      %broadcast_in_dim3A_59 = arith.constant 0.000000e+00 : f32
      %broadcast_in_dim3A_60 = vector.broadcast %broadcast_in_dim3A_59 : f32 to vector<16xf32>
      %swap3A_61 = arith.index_cast %scan3A_24 : i32 to index
      %swap3A_62 = arith.constant 80 : index
      %swap3A_63 = tpu.vector_load %arg9[%swap3A_61, %swap3A_62] {strides = array<i32>} : memref<64x128xf32, #tpu.memory_space<vmem>>, vector<1x16xf32>,
      %swap3A_64 = vector.shape_cast %swap3A_63 : vector<1x16xf32> to vector<16xf32>
      %swap3A_65 = vector.shape_cast %broadcast_in_dim3A_60 : vector<16xf32> to vector<1x16xf32>
      tpu.vector_store %arg9[%swap3A_61, %swap3A_62], %swap3A_65 {strides = array<i32>} : memref<64x128xf32, #tpu.memory_space<vmem>>, vector<1x16xf32>,
      %broadcast_in_dim3A_66 = arith.constant 0.000000e+00 : f32
      %broadcast_in_dim3A_67 = vector.broadcast %broadcast_in_dim3A_66 : f32 to vector<16xf32>
      %swap3A_68 = arith.index_cast %scan3A_24 : i32 to index
      %swap3A_69 = arith.constant 96 : index
      %swap3A_70 = tpu.vector_load %arg9[%swap3A_68, %swap3A_69] {strides = array<i32>} : memref<64x128xf32, #tpu.memory_space<vmem>>, vector<1x16xf32>,
      %swap3A_71 = vector.shape_cast %swap3A_70 : vector<1x16xf32> to vector<16xf32>
      %swap3A_72 = vector.shape_cast %broadcast_in_dim3A_67 : vector<16xf32> to vector<1x16xf32>
      tpu.vector_store %arg9[%swap3A_68, %swap3A_69], %swap3A_72 {strides = array<i32>} : memref<64x128xf32, #tpu.memory_space<vmem>>, vector<1x16xf32>,
      %broadcast_in_dim3A_73 = arith.constant 0.000000e+00 : f32
      %broadcast_in_dim3A_74 = vector.broadcast %broadcast_in_dim3A_73 : f32 to vector<16xf32>
      %swap3A_75 = arith.index_cast %scan3A_24 : i32 to index
      %swap3A_76 = arith.constant 112 : index
      %swap3A_77 = tpu.vector_load %arg9[%swap3A_75, %swap3A_76] {strides = array<i32>} : memref<64x128xf32, #tpu.memory_space<vmem>>, vector<1x16xf32>,
      %swap3A_78 = vector.shape_cast %swap3A_77 : vector<1x16xf32> to vector<16xf32>
      %swap3A_79 = vector.shape_cast %broadcast_in_dim3A_74 : vector<16xf32> to vector<1x16xf32>
      tpu.vector_store %arg9[%swap3A_75, %swap3A_76], %swap3A_79 {strides = array<i32>} : memref<64x128xf32, #tpu.memory_space<vmem>>, vector<1x16xf32>,
      %scan3A_80 = arith.constant 0 : i32
      scf.yield %scan3A_80 : i32
    }
    %scan3A_5 = arith.constant 64 : i32
    %scan3A_6 = arith.constant 0 : i32
    %scan3A_7 = arith.constant 0 : i32
    %scan3A_8 = arith.constant 10 : i32
    %scan3A_9 = arith.addi %scan3A_7, %scan3A_8 : i32
    %scan3A_10 = arith.constant 1 : i32
    %scan3A_11 = scf.for %scan3A_24 = %scan3A_7 to %scan3A_9 step %scan3A_10 iter_args(%scan3A_25 = %scan3A_6) -> (i32)  : i32 {
      %mul3A_26 = arith.constant 640 : i32
      %mul3A_27 = arith.muli %arg1, %mul3A_26 : i32
      %mul3A_28 = arith.constant 64 : i32
      %mul3A_29 = arith.muli %scan3A_24, %mul3A_28 : i32
      %add3A = arith.addi %mul3A_27, %mul3A_29 : i32
      "tpu.region"() ({
        %run_scoped3A = tpu.sem_alloc : memref<!tpu.dma_semaphore, #tpu.memory_space<semaphore_mem>>
        %dma_start3A = arith.constant 0 : i32
        %dma_start3A_31 = tpu.memref_slice %arg10[%add3A, %dma_start3A] : memref<10240x128xf32, #tpu.memory_space<vmem_shared>> -> memref<64x128xf32, #tpu.memory_space<vmem_shared>>
        %dma_start3A_32 = arith.constant 0 : i32
        %dma_start3A_33 = tpu.memref_slice %arg10[%add3A, %dma_start3A_32] : memref<10240x128xf32, #tpu.memory_space<vmem_shared>> -> memref<64x128xf32, #tpu.memory_space<vmem_shared>>
        tpu.enqueue_dma source(%arg9 : memref<64x128xf32, #tpu.memory_space<vmem>>) target(%dma_start3A_33 : memref<64x128xf32, #tpu.memory_space<vmem_shared>>) target_semaphore(%run_scoped3A : memref<!tpu.dma_semaphore, #tpu.memory_space<semaphore_mem>>)
        %dma_wait3A = arith.constant 0 : i32
        %dma_wait3A_34 = tpu.memref_slice %arg10[%add3A, %dma_wait3A] : memref<10240x128xf32, #tpu.memory_space<vmem_shared>> -> memref<64x128xf32, #tpu.memory_space<vmem_shared>>
        %dma_wait3A_35 = arith.constant 0 : i32
        %dma_wait3A_36 = tpu.memref_slice %arg10[%add3A, %dma_wait3A_35] : memref<10240x128xf32, #tpu.memory_space<vmem_shared>> -> memref<64x128xf32, #tpu.memory_space<vmem_shared>>
        tpu.wait_dma2 semaphore(%run_scoped3A : memref<!tpu.dma_semaphore, #tpu.memory_space<semaphore_mem>>) src(%arg9 : memref<64x128xf32, #tpu.memory_space<vmem>>) dst(%dma_wait3A_36 : memref<64x128xf32, #tpu.memory_space<vmem_shared>>)
        tpu.yield
      }) : () -> ()
      %scan3A_30 = arith.constant 0 : i32
      scf.yield %scan3A_30 : i32
    }
    %scan3A_12 = arith.constant 10 : i32
    %barrier3A = arith.constant 0 : index
    tpu.barrier barrier_id(%barrier3A)
    %scan3A_13 = arith.constant 0 : i32
    %scan3A_14 = arith.constant 0 : i32
    %scan3A_15 = arith.constant 79 : i32
    %scan3A_16 = arith.addi %scan3A_14, %scan3A_15 : i32
    %scan3A_17 = arith.constant 1 : i32
    %scan3A_18 = scf.for %scan3A_24 = %scan3A_14 to %scan3A_16 step %scan3A_17 iter_args(%scan3A_25 = %scan3A_13) -> (i32)  : i32 {
      %dma_start3A = arith.constant 0 : i32
      %dma_start3A_26 = tpu.memref_slice %arg6[%scan3A_24, %dma_start3A] : memref<79x128xi32, #tpu.memory_space<vmem>> -> memref<1x128xi32, #tpu.memory_space<vmem>>
      %dma_start3A_27 = tpu.memref_squeeze %dma_start3A_26 : memref<1x128xi32, #tpu.memory_space<vmem>> -> memref<128xi32, #tpu.memory_space<vmem>>
      %dma_start3A_28 = arith.constant 0 : i32
      %dma_start3A_29 = arith.constant 0 : i32
      %dma_start3A_30 = tpu.memref_slice %arg2[%dma_start3A_28, %dma_start3A_29] : memref<10240x128xf32, #tpu.memory_space<hbm>> -> memref<10240x128xf32, #tpu.memory_space<hbm>>
      tpu.enqueue_indirect_dma source(%dma_start3A_30 : memref<10240x128xf32, #tpu.memory_space<hbm>>) target(%arg8 : memref<128x128xf32, #tpu.memory_space<vmem>>) offsets(%dma_start3A_27 : memref<128xi32, #tpu.memory_space<vmem>>) semaphore(%arg11 : memref<!tpu.dma_semaphore, #tpu.memory_space<semaphore_mem>>)
      %dma_wait3A = arith.constant 0 : i32
      %dma_wait3A_31 = tpu.memref_slice %arg6[%scan3A_24, %dma_wait3A] : memref<79x128xi32, #tpu.memory_space<vmem>> -> memref<1x128xi32, #tpu.memory_space<vmem>>
      %dma_wait3A_32 = tpu.memref_squeeze %dma_wait3A_31 : memref<1x128xi32, #tpu.memory_space<vmem>> -> memref<128xi32, #tpu.memory_space<vmem>>
      %dma_wait3A_33 = arith.constant 0 : i32
      %dma_wait3A_34 = arith.constant 0 : i32
      %dma_wait3A_35 = tpu.memref_slice %arg2[%dma_wait3A_33, %dma_wait3A_34] : memref<10240x128xf32, #tpu.memory_space<hbm>> -> memref<10240x128xf32, #tpu.memory_space<hbm>>
      tpu.wait_indirect_dma semaphore(%arg11 : memref<!tpu.dma_semaphore, #tpu.memory_space<semaphore_mem>>) src(%dma_wait3A_35 : memref<10240x128xf32, #tpu.memory_space<hbm>>) dst(%arg8 : memref<128x128xf32, #tpu.memory_space<vmem>>)
      "tpu.region"() ({
        %run_scoped3A = tpu.sem_alloc : memref<!tpu.dma_semaphore, #tpu.memory_space<semaphore_mem>>
        %dma_start3A_37 = arith.constant 0 : i32
        %dma_start3A_38 = tpu.memref_slice %arg7[%scan3A_24, %dma_start3A_37] : memref<79x128xi32, #tpu.memory_space<vmem>> -> memref<1x128xi32, #tpu.memory_space<vmem>>
        %dma_start3A_39 = tpu.memref_squeeze %dma_start3A_38 : memref<1x128xi32, #tpu.memory_space<vmem>> -> memref<128xi32, #tpu.memory_space<vmem>>
        %dma_start3A_40 = arith.constant 0 : i32
        %dma_start3A_41 = arith.constant 0 : i32
        %dma_start3A_42 = tpu.memref_slice %arg10[%dma_start3A_40, %dma_start3A_41] : memref<10240x128xf32, #tpu.memory_space<vmem_shared>> -> memref<10240x128xf32, #tpu.memory_space<vmem_shared>>
        tpu.enqueue_indirect_dma source(%arg8 : memref<128x128xf32, #tpu.memory_space<vmem>>) target(%dma_start3A_42 : memref<10240x128xf32, #tpu.memory_space<vmem_shared>>) offsets(%dma_start3A_39 : memref<128xi32, #tpu.memory_space<vmem>>) semaphore(%run_scoped3A : memref<!tpu.dma_semaphore, #tpu.memory_space<semaphore_mem>>) {add = true}
        %dma_wait3A_43 = arith.constant 0 : i32
        %dma_wait3A_44 = tpu.memref_slice %arg7[%scan3A_24, %dma_wait3A_43] : memref<79x128xi32, #tpu.memory_space<vmem>> -> memref<1x128xi32, #tpu.memory_space<vmem>>
        %dma_wait3A_45 = tpu.memref_squeeze %dma_wait3A_44 : memref<1x128xi32, #tpu.memory_space<vmem>> -> memref<128xi32, #tpu.memory_space<vmem>>
        %dma_wait3A_46 = arith.constant 0 : i32
        %dma_wait3A_47 = arith.constant 0 : i32
        %dma_wait3A_48 = tpu.memref_slice %arg10[%dma_wait3A_46, %dma_wait3A_47] : memref<10240x128xf32, #tpu.memory_space<vmem_shared>> -> memref<10240x128xf32, #tpu.memory_space<vmem_shared>>
        tpu.wait_indirect_dma semaphore(%run_scoped3A : memref<!tpu.dma_semaphore, #tpu.memory_space<semaphore_mem>>) src(%arg8 : memref<128x128xf32, #tpu.memory_space<vmem>>) dst(%dma_wait3A_48 : memref<10240x128xf32, #tpu.memory_space<vmem_shared>>)
        tpu.yield
      }) : () -> ()
      %scan3A_36 = arith.constant 0 : i32
      scf.yield %scan3A_36 : i32
    }
    %scan3A_19 = arith.constant 79 : i32
    %barrier3A_20 = arith.constant 0 : index
    tpu.barrier barrier_id(%barrier3A_20)
    %mul3A = arith.constant 640 : i32
    %mul3A_21 = arith.muli %arg1, %mul3A : i32
    %mul3A_22 = arith.constant 640 : i32
    %mul3A_23 = arith.muli %arg1, %mul3A_22 : i32
    "tpu.region"() ({
      %run_scoped3A = tpu.sem_alloc : memref<!tpu.dma_semaphore, #tpu.memory_space<semaphore_mem>>
      %dma_start3A = arith.constant 0 : i32
      %dma_start3A_24 = tpu.memref_slice %arg5[%arg0, %mul3A_23, %dma_start3A] : memref<2x10240x128xf32, #tpu.memory_space<hbm>> -> memref<1x640x128xf32, #tpu.memory_space<hbm>>
      %dma_start3A_25 = tpu.memref_squeeze %dma_start3A_24 : memref<1x640x128xf32, #tpu.memory_space<hbm>> -> memref<640x128xf32, #tpu.memory_space<hbm>>
      %dma_start3A_26 = arith.constant 0 : i32
      %dma_start3A_27 = tpu.memref_slice %arg10[%mul3A_21, %dma_start3A_26] : memref<10240x128xf32, #tpu.memory_space<vmem_shared>> -> memref<640x128xf32, #tpu.memory_space<vmem_shared>>
      tpu.enqueue_dma source(%dma_start3A_27 : memref<640x128xf32, #tpu.memory_space<vmem_shared>>) target(%dma_start3A_25 : memref<640x128xf32, #tpu.memory_space<hbm>>) target_semaphore(%run_scoped3A : memref<!tpu.dma_semaphore, #tpu.memory_space<semaphore_mem>>)
      %dma_wait3A = arith.constant 0 : i32
      %dma_wait3A_28 = tpu.memref_slice %arg5[%arg0, %mul3A_23, %dma_wait3A] : memref<2x10240x128xf32, #tpu.memory_space<hbm>> -> memref<1x640x128xf32, #tpu.memory_space<hbm>>
      %dma_wait3A_29 = tpu.memref_squeeze %dma_wait3A_28 : memref<1x640x128xf32, #tpu.memory_space<hbm>> -> memref<640x128xf32, #tpu.memory_space<hbm>>
      %dma_wait3A_30 = arith.constant 0 : i32
      %dma_wait3A_31 = tpu.memref_slice %arg10[%mul3A_21, %dma_wait3A_30] : memref<10240x128xf32, #tpu.memory_space<vmem_shared>> -> memref<640x128xf32, #tpu.memory_space<vmem_shared>>
      tpu.wait_dma2 semaphore(%run_scoped3A : memref<!tpu.dma_semaphore, #tpu.memory_space<semaphore_mem>>) src(%dma_wait3A_31 : memref<640x128xf32, #tpu.memory_space<vmem_shared>>) dst(%dma_wait3A_29 : memref<640x128xf32, #tpu.memory_space<hbm>>)
      tpu.yield
    }) : () -> ()
    return
  }
}

#map = affine_map<(d0, d1) -> (0, 0)>
#map1 = affine_map<(d0, d1) -> (0, 0, 0, 0)>
#map2 = affine_map<(d0, d1) -> (0, 0, 0)>
module attributes {stable_mosaic.version = 14 : i64} {
  func.func @_sc_hop(%arg0: i32, %arg1: i32, %arg2: memref<10240x128xf32, #tpu.memory_space<hbm>>, %arg3: memref<2x16x79x128xi32, #tpu.memory_space<hbm>>, %arg4: memref<2x16x79x128xi32, #tpu.memory_space<hbm>>, %arg5: memref<2x10240x128xf32, #tpu.memory_space<hbm>>, %arg6: memref<79x128xi32, #tpu.memory_space<vmem>>, %arg7: memref<79x128xi32, #tpu.memory_space<vmem>>, %arg8: memref<128x128xf32, #tpu.memory_space<vmem>>, %arg9: memref<64x128xf32, #tpu.memory_space<vmem>>, %arg10: memref<10240x128xf32, #tpu.memory_space<vmem_shared>>, %arg11: memref<!tpu.dma_semaphore, #tpu.memory_space<semaphore_mem>>) attributes {dimension_semantics = [#tpu.dimension_semantics<core_parallel>, #tpu.dimension_semantics<subcore_parallel>], iteration_bounds = array<i64: 2, 16>, scalar_prefetch = 0 : i64, scratch_operands = 6 : i64, tpu.core_type = #tpu.core_type<sc_vector_subcore>, window_params = [{transform_indices = #map}, {transform_indices = #map1}, {transform_indices = #map1}, {transform_indices = #map2}]} {
    "tpu.region"() ({
      %run_scoped3A = tpu.sem_alloc : memref<!tpu.dma_semaphore, #tpu.memory_space<semaphore_mem>>
      %dma_start3A = arith.constant 0 : i32
      %dma_start3A_24 = arith.constant 0 : i32
      %dma_start3A_25 = tpu.memref_slice %arg3[%arg0, %arg1, %dma_start3A, %dma_start3A_24] : memref<2x16x79x128xi32, #tpu.memory_space<hbm>> -> memref<1x1x79x128xi32, #tpu.memory_space<hbm>>
      %dma_start3A_26 = tpu.memref_squeeze %dma_start3A_25 : memref<1x1x79x128xi32, #tpu.memory_space<hbm>> -> memref<79x128xi32, #tpu.memory_space<hbm>>
      %dma_start3A_27 = arith.constant 0 : i32
      %dma_start3A_28 = arith.constant 0 : i32
      %dma_start3A_29 = tpu.memref_slice %arg3[%arg0, %arg1, %dma_start3A_27, %dma_start3A_28] : memref<2x16x79x128xi32, #tpu.memory_space<hbm>> -> memref<1x1x79x128xi32, #tpu.memory_space<hbm>>
      %dma_start3A_30 = tpu.memref_squeeze %dma_start3A_29 : memref<1x1x79x128xi32, #tpu.memory_space<hbm>> -> memref<79x128xi32, #tpu.memory_space<hbm>>
      tpu.enqueue_dma source(%dma_start3A_30 : memref<79x128xi32, #tpu.memory_space<hbm>>) target(%arg6 : memref<79x128xi32, #tpu.memory_space<vmem>>) target_semaphore(%run_scoped3A : memref<!tpu.dma_semaphore, #tpu.memory_space<semaphore_mem>>)
      %dma_wait3A = arith.constant 0 : i32
      %dma_wait3A_31 = arith.constant 0 : i32
      %dma_wait3A_32 = tpu.memref_slice %arg3[%arg0, %arg1, %dma_wait3A, %dma_wait3A_31] : memref<2x16x79x128xi32, #tpu.memory_space<hbm>> -> memref<1x1x79x128xi32, #tpu.memory_space<hbm>>
      %dma_wait3A_33 = tpu.memref_squeeze %dma_wait3A_32 : memref<1x1x79x128xi32, #tpu.memory_space<hbm>> -> memref<79x128xi32, #tpu.memory_space<hbm>>
      %dma_wait3A_34 = arith.constant 0 : i32
      %dma_wait3A_35 = arith.constant 0 : i32
      %dma_wait3A_36 = tpu.memref_slice %arg3[%arg0, %arg1, %dma_wait3A_34, %dma_wait3A_35] : memref<2x16x79x128xi32, #tpu.memory_space<hbm>> -> memref<1x1x79x128xi32, #tpu.memory_space<hbm>>
      %dma_wait3A_37 = tpu.memref_squeeze %dma_wait3A_36 : memref<1x1x79x128xi32, #tpu.memory_space<hbm>> -> memref<79x128xi32, #tpu.memory_space<hbm>>
      tpu.wait_dma2 semaphore(%run_scoped3A : memref<!tpu.dma_semaphore, #tpu.memory_space<semaphore_mem>>) src(%dma_wait3A_37 : memref<79x128xi32, #tpu.memory_space<hbm>>) dst(%arg6 : memref<79x128xi32, #tpu.memory_space<vmem>>)
      tpu.yield
    }) : () -> ()
    "tpu.region"() ({
      %run_scoped3A = tpu.sem_alloc : memref<!tpu.dma_semaphore, #tpu.memory_space<semaphore_mem>>
      %dma_start3A = arith.constant 0 : i32
      %dma_start3A_24 = arith.constant 0 : i32
      %dma_start3A_25 = tpu.memref_slice %arg4[%arg0, %arg1, %dma_start3A, %dma_start3A_24] : memref<2x16x79x128xi32, #tpu.memory_space<hbm>> -> memref<1x1x79x128xi32, #tpu.memory_space<hbm>>
      %dma_start3A_26 = tpu.memref_squeeze %dma_start3A_25 : memref<1x1x79x128xi32, #tpu.memory_space<hbm>> -> memref<79x128xi32, #tpu.memory_space<hbm>>
      %dma_start3A_27 = arith.constant 0 : i32
      %dma_start3A_28 = arith.constant 0 : i32
      %dma_start3A_29 = tpu.memref_slice %arg4[%arg0, %arg1, %dma_start3A_27, %dma_start3A_28] : memref<2x16x79x128xi32, #tpu.memory_space<hbm>> -> memref<1x1x79x128xi32, #tpu.memory_space<hbm>>
      %dma_start3A_30 = tpu.memref_squeeze %dma_start3A_29 : memref<1x1x79x128xi32, #tpu.memory_space<hbm>> -> memref<79x128xi32, #tpu.memory_space<hbm>>
      tpu.enqueue_dma source(%dma_start3A_30 : memref<79x128xi32, #tpu.memory_space<hbm>>) target(%arg7 : memref<79x128xi32, #tpu.memory_space<vmem>>) target_semaphore(%run_scoped3A : memref<!tpu.dma_semaphore, #tpu.memory_space<semaphore_mem>>)
      %dma_wait3A = arith.constant 0 : i32
      %dma_wait3A_31 = arith.constant 0 : i32
      %dma_wait3A_32 = tpu.memref_slice %arg4[%arg0, %arg1, %dma_wait3A, %dma_wait3A_31] : memref<2x16x79x128xi32, #tpu.memory_space<hbm>> -> memref<1x1x79x128xi32, #tpu.memory_space<hbm>>
      %dma_wait3A_33 = tpu.memref_squeeze %dma_wait3A_32 : memref<1x1x79x128xi32, #tpu.memory_space<hbm>> -> memref<79x128xi32, #tpu.memory_space<hbm>>
      %dma_wait3A_34 = arith.constant 0 : i32
      %dma_wait3A_35 = arith.constant 0 : i32
      %dma_wait3A_36 = tpu.memref_slice %arg4[%arg0, %arg1, %dma_wait3A_34, %dma_wait3A_35] : memref<2x16x79x128xi32, #tpu.memory_space<hbm>> -> memref<1x1x79x128xi32, #tpu.memory_space<hbm>>
      %dma_wait3A_37 = tpu.memref_squeeze %dma_wait3A_36 : memref<1x1x79x128xi32, #tpu.memory_space<hbm>> -> memref<79x128xi32, #tpu.memory_space<hbm>>
      tpu.wait_dma2 semaphore(%run_scoped3A : memref<!tpu.dma_semaphore, #tpu.memory_space<semaphore_mem>>) src(%dma_wait3A_37 : memref<79x128xi32, #tpu.memory_space<hbm>>) dst(%arg7 : memref<79x128xi32, #tpu.memory_space<vmem>>)
      tpu.yield
    }) : () -> ()
    %scan3A = arith.constant 0 : i32
    %scan3A_0 = arith.constant 0 : i32
    %scan3A_1 = arith.constant 64 : i32
    %scan3A_2 = arith.addi %scan3A_0, %scan3A_1 : i32
    %scan3A_3 = arith.constant 1 : i32
    %scan3A_4 = scf.for %scan3A_24 = %scan3A_0 to %scan3A_2 step %scan3A_3 iter_args(%scan3A_25 = %scan3A) -> (i32)  : i32 {
      %broadcast_in_dim3A = arith.constant 0.000000e+00 : f32
      %broadcast_in_dim3A_26 = vector.broadcast %broadcast_in_dim3A : f32 to vector<16xf32>
      %swap3A = arith.index_cast %scan3A_24 : i32 to index
      %swap3A_27 = arith.constant 0 : index
      %swap3A_28 = tpu.vector_load %arg9[%swap3A, %swap3A_27] {strides = array<i32>} : memref<64x128xf32, #tpu.memory_space<vmem>>, vector<1x16xf32>,
      %swap3A_29 = vector.shape_cast %swap3A_28 : vector<1x16xf32> to vector<16xf32>
      %swap3A_30 = vector.shape_cast %broadcast_in_dim3A_26 : vector<16xf32> to vector<1x16xf32>
      tpu.vector_store %arg9[%swap3A, %swap3A_27], %swap3A_30 {strides = array<i32>} : memref<64x128xf32, #tpu.memory_space<vmem>>, vector<1x16xf32>,
      %broadcast_in_dim3A_31 = arith.constant 0.000000e+00 : f32
      %broadcast_in_dim3A_32 = vector.broadcast %broadcast_in_dim3A_31 : f32 to vector<16xf32>
      %swap3A_33 = arith.index_cast %scan3A_24 : i32 to index
      %swap3A_34 = arith.constant 16 : index
      %swap3A_35 = tpu.vector_load %arg9[%swap3A_33, %swap3A_34] {strides = array<i32>} : memref<64x128xf32, #tpu.memory_space<vmem>>, vector<1x16xf32>,
      %swap3A_36 = vector.shape_cast %swap3A_35 : vector<1x16xf32> to vector<16xf32>
      %swap3A_37 = vector.shape_cast %broadcast_in_dim3A_32 : vector<16xf32> to vector<1x16xf32>
      tpu.vector_store %arg9[%swap3A_33, %swap3A_34], %swap3A_37 {strides = array<i32>} : memref<64x128xf32, #tpu.memory_space<vmem>>, vector<1x16xf32>,
      %broadcast_in_dim3A_38 = arith.constant 0.000000e+00 : f32
      %broadcast_in_dim3A_39 = vector.broadcast %broadcast_in_dim3A_38 : f32 to vector<16xf32>
      %swap3A_40 = arith.index_cast %scan3A_24 : i32 to index
      %swap3A_41 = arith.constant 32 : index
      %swap3A_42 = tpu.vector_load %arg9[%swap3A_40, %swap3A_41] {strides = array<i32>} : memref<64x128xf32, #tpu.memory_space<vmem>>, vector<1x16xf32>,
      %swap3A_43 = vector.shape_cast %swap3A_42 : vector<1x16xf32> to vector<16xf32>
      %swap3A_44 = vector.shape_cast %broadcast_in_dim3A_39 : vector<16xf32> to vector<1x16xf32>
      tpu.vector_store %arg9[%swap3A_40, %swap3A_41], %swap3A_44 {strides = array<i32>} : memref<64x128xf32, #tpu.memory_space<vmem>>, vector<1x16xf32>,
      %broadcast_in_dim3A_45 = arith.constant 0.000000e+00 : f32
      %broadcast_in_dim3A_46 = vector.broadcast %broadcast_in_dim3A_45 : f32 to vector<16xf32>
      %swap3A_47 = arith.index_cast %scan3A_24 : i32 to index
      %swap3A_48 = arith.constant 48 : index
      %swap3A_49 = tpu.vector_load %arg9[%swap3A_47, %swap3A_48] {strides = array<i32>} : memref<64x128xf32, #tpu.memory_space<vmem>>, vector<1x16xf32>,
      %swap3A_50 = vector.shape_cast %swap3A_49 : vector<1x16xf32> to vector<16xf32>
      %swap3A_51 = vector.shape_cast %broadcast_in_dim3A_46 : vector<16xf32> to vector<1x16xf32>
      tpu.vector_store %arg9[%swap3A_47, %swap3A_48], %swap3A_51 {strides = array<i32>} : memref<64x128xf32, #tpu.memory_space<vmem>>, vector<1x16xf32>,
      %broadcast_in_dim3A_52 = arith.constant 0.000000e+00 : f32
      %broadcast_in_dim3A_53 = vector.broadcast %broadcast_in_dim3A_52 : f32 to vector<16xf32>
      %swap3A_54 = arith.index_cast %scan3A_24 : i32 to index
      %swap3A_55 = arith.constant 64 : index
      %swap3A_56 = tpu.vector_load %arg9[%swap3A_54, %swap3A_55] {strides = array<i32>} : memref<64x128xf32, #tpu.memory_space<vmem>>, vector<1x16xf32>,
      %swap3A_57 = vector.shape_cast %swap3A_56 : vector<1x16xf32> to vector<16xf32>
      %swap3A_58 = vector.shape_cast %broadcast_in_dim3A_53 : vector<16xf32> to vector<1x16xf32>
      tpu.vector_store %arg9[%swap3A_54, %swap3A_55], %swap3A_58 {strides = array<i32>} : memref<64x128xf32, #tpu.memory_space<vmem>>, vector<1x16xf32>,
      %broadcast_in_dim3A_59 = arith.constant 0.000000e+00 : f32
      %broadcast_in_dim3A_60 = vector.broadcast %broadcast_in_dim3A_59 : f32 to vector<16xf32>
      %swap3A_61 = arith.index_cast %scan3A_24 : i32 to index
      %swap3A_62 = arith.constant 80 : index
      %swap3A_63 = tpu.vector_load %arg9[%swap3A_61, %swap3A_62] {strides = array<i32>} : memref<64x128xf32, #tpu.memory_space<vmem>>, vector<1x16xf32>,
      %swap3A_64 = vector.shape_cast %swap3A_63 : vector<1x16xf32> to vector<16xf32>
      %swap3A_65 = vector.shape_cast %broadcast_in_dim3A_60 : vector<16xf32> to vector<1x16xf32>
      tpu.vector_store %arg9[%swap3A_61, %swap3A_62], %swap3A_65 {strides = array<i32>} : memref<64x128xf32, #tpu.memory_space<vmem>>, vector<1x16xf32>,
      %broadcast_in_dim3A_66 = arith.constant 0.000000e+00 : f32
      %broadcast_in_dim3A_67 = vector.broadcast %broadcast_in_dim3A_66 : f32 to vector<16xf32>
      %swap3A_68 = arith.index_cast %scan3A_24 : i32 to index
      %swap3A_69 = arith.constant 96 : index
      %swap3A_70 = tpu.vector_load %arg9[%swap3A_68, %swap3A_69] {strides = array<i32>} : memref<64x128xf32, #tpu.memory_space<vmem>>, vector<1x16xf32>,
      %swap3A_71 = vector.shape_cast %swap3A_70 : vector<1x16xf32> to vector<16xf32>
      %swap3A_72 = vector.shape_cast %broadcast_in_dim3A_67 : vector<16xf32> to vector<1x16xf32>
      tpu.vector_store %arg9[%swap3A_68, %swap3A_69], %swap3A_72 {strides = array<i32>} : memref<64x128xf32, #tpu.memory_space<vmem>>, vector<1x16xf32>,
      %broadcast_in_dim3A_73 = arith.constant 0.000000e+00 : f32
      %broadcast_in_dim3A_74 = vector.broadcast %broadcast_in_dim3A_73 : f32 to vector<16xf32>
      %swap3A_75 = arith.index_cast %scan3A_24 : i32 to index
      %swap3A_76 = arith.constant 112 : index
      %swap3A_77 = tpu.vector_load %arg9[%swap3A_75, %swap3A_76] {strides = array<i32>} : memref<64x128xf32, #tpu.memory_space<vmem>>, vector<1x16xf32>,
      %swap3A_78 = vector.shape_cast %swap3A_77 : vector<1x16xf32> to vector<16xf32>
      %swap3A_79 = vector.shape_cast %broadcast_in_dim3A_74 : vector<16xf32> to vector<1x16xf32>
      tpu.vector_store %arg9[%swap3A_75, %swap3A_76], %swap3A_79 {strides = array<i32>} : memref<64x128xf32, #tpu.memory_space<vmem>>, vector<1x16xf32>,
      %scan3A_80 = arith.constant 0 : i32
      scf.yield %scan3A_80 : i32
    }
    %scan3A_5 = arith.constant 64 : i32
    %scan3A_6 = arith.constant 0 : i32
    %scan3A_7 = arith.constant 0 : i32
    %scan3A_8 = arith.constant 10 : i32
    %scan3A_9 = arith.addi %scan3A_7, %scan3A_8 : i32
    %scan3A_10 = arith.constant 1 : i32
    %scan3A_11 = scf.for %scan3A_24 = %scan3A_7 to %scan3A_9 step %scan3A_10 iter_args(%scan3A_25 = %scan3A_6) -> (i32)  : i32 {
      %mul3A_26 = arith.constant 640 : i32
      %mul3A_27 = arith.muli %arg1, %mul3A_26 : i32
      %mul3A_28 = arith.constant 64 : i32
      %mul3A_29 = arith.muli %scan3A_24, %mul3A_28 : i32
      %add3A = arith.addi %mul3A_27, %mul3A_29 : i32
      "tpu.region"() ({
        %run_scoped3A = tpu.sem_alloc : memref<!tpu.dma_semaphore, #tpu.memory_space<semaphore_mem>>
        %dma_start3A = arith.constant 0 : i32
        %dma_start3A_31 = tpu.memref_slice %arg10[%add3A, %dma_start3A] : memref<10240x128xf32, #tpu.memory_space<vmem_shared>> -> memref<64x128xf32, #tpu.memory_space<vmem_shared>>
        %dma_start3A_32 = arith.constant 0 : i32
        %dma_start3A_33 = tpu.memref_slice %arg10[%add3A, %dma_start3A_32] : memref<10240x128xf32, #tpu.memory_space<vmem_shared>> -> memref<64x128xf32, #tpu.memory_space<vmem_shared>>
        tpu.enqueue_dma source(%arg9 : memref<64x128xf32, #tpu.memory_space<vmem>>) target(%dma_start3A_33 : memref<64x128xf32, #tpu.memory_space<vmem_shared>>) target_semaphore(%run_scoped3A : memref<!tpu.dma_semaphore, #tpu.memory_space<semaphore_mem>>)
        %dma_wait3A = arith.constant 0 : i32
        %dma_wait3A_34 = tpu.memref_slice %arg10[%add3A, %dma_wait3A] : memref<10240x128xf32, #tpu.memory_space<vmem_shared>> -> memref<64x128xf32, #tpu.memory_space<vmem_shared>>
        %dma_wait3A_35 = arith.constant 0 : i32
        %dma_wait3A_36 = tpu.memref_slice %arg10[%add3A, %dma_wait3A_35] : memref<10240x128xf32, #tpu.memory_space<vmem_shared>> -> memref<64x128xf32, #tpu.memory_space<vmem_shared>>
        tpu.wait_dma2 semaphore(%run_scoped3A : memref<!tpu.dma_semaphore, #tpu.memory_space<semaphore_mem>>) src(%arg9 : memref<64x128xf32, #tpu.memory_space<vmem>>) dst(%dma_wait3A_36 : memref<64x128xf32, #tpu.memory_space<vmem_shared>>)
        tpu.yield
      }) : () -> ()
      %scan3A_30 = arith.constant 0 : i32
      scf.yield %scan3A_30 : i32
    }
    %scan3A_12 = arith.constant 10 : i32
    %barrier3A = arith.constant 0 : index
    tpu.barrier barrier_id(%barrier3A)
    %scan3A_13 = arith.constant 0 : i32
    %scan3A_14 = arith.constant 0 : i32
    %scan3A_15 = arith.constant 79 : i32
    %scan3A_16 = arith.addi %scan3A_14, %scan3A_15 : i32
    %scan3A_17 = arith.constant 1 : i32
    %scan3A_18 = scf.for %scan3A_24 = %scan3A_14 to %scan3A_16 step %scan3A_17 iter_args(%scan3A_25 = %scan3A_13) -> (i32)  : i32 {
      %dma_start3A = arith.constant 0 : i32
      %dma_start3A_26 = tpu.memref_slice %arg6[%scan3A_24, %dma_start3A] : memref<79x128xi32, #tpu.memory_space<vmem>> -> memref<1x128xi32, #tpu.memory_space<vmem>>
      %dma_start3A_27 = tpu.memref_squeeze %dma_start3A_26 : memref<1x128xi32, #tpu.memory_space<vmem>> -> memref<128xi32, #tpu.memory_space<vmem>>
      %dma_start3A_28 = arith.constant 0 : i32
      %dma_start3A_29 = arith.constant 0 : i32
      %dma_start3A_30 = tpu.memref_slice %arg2[%dma_start3A_28, %dma_start3A_29] : memref<10240x128xf32, #tpu.memory_space<hbm>> -> memref<10240x128xf32, #tpu.memory_space<hbm>>
      tpu.enqueue_indirect_dma source(%dma_start3A_30 : memref<10240x128xf32, #tpu.memory_space<hbm>>) target(%arg8 : memref<128x128xf32, #tpu.memory_space<vmem>>) offsets(%dma_start3A_27 : memref<128xi32, #tpu.memory_space<vmem>>) semaphore(%arg11 : memref<!tpu.dma_semaphore, #tpu.memory_space<semaphore_mem>>)
      %dma_wait3A = arith.constant 0 : i32
      %dma_wait3A_31 = tpu.memref_slice %arg6[%scan3A_24, %dma_wait3A] : memref<79x128xi32, #tpu.memory_space<vmem>> -> memref<1x128xi32, #tpu.memory_space<vmem>>
      %dma_wait3A_32 = tpu.memref_squeeze %dma_wait3A_31 : memref<1x128xi32, #tpu.memory_space<vmem>> -> memref<128xi32, #tpu.memory_space<vmem>>
      %dma_wait3A_33 = arith.constant 0 : i32
      %dma_wait3A_34 = arith.constant 0 : i32
      %dma_wait3A_35 = tpu.memref_slice %arg2[%dma_wait3A_33, %dma_wait3A_34] : memref<10240x128xf32, #tpu.memory_space<hbm>> -> memref<10240x128xf32, #tpu.memory_space<hbm>>
      tpu.wait_indirect_dma semaphore(%arg11 : memref<!tpu.dma_semaphore, #tpu.memory_space<semaphore_mem>>) src(%dma_wait3A_35 : memref<10240x128xf32, #tpu.memory_space<hbm>>) dst(%arg8 : memref<128x128xf32, #tpu.memory_space<vmem>>)
      "tpu.region"() ({
        %run_scoped3A = tpu.sem_alloc : memref<!tpu.dma_semaphore, #tpu.memory_space<semaphore_mem>>
        %dma_start3A_37 = arith.constant 0 : i32
        %dma_start3A_38 = tpu.memref_slice %arg7[%scan3A_24, %dma_start3A_37] : memref<79x128xi32, #tpu.memory_space<vmem>> -> memref<1x128xi32, #tpu.memory_space<vmem>>
        %dma_start3A_39 = tpu.memref_squeeze %dma_start3A_38 : memref<1x128xi32, #tpu.memory_space<vmem>> -> memref<128xi32, #tpu.memory_space<vmem>>
        %dma_start3A_40 = arith.constant 0 : i32
        %dma_start3A_41 = arith.constant 0 : i32
        %dma_start3A_42 = tpu.memref_slice %arg10[%dma_start3A_40, %dma_start3A_41] : memref<10240x128xf32, #tpu.memory_space<vmem_shared>> -> memref<10240x128xf32, #tpu.memory_space<vmem_shared>>
        tpu.enqueue_indirect_dma source(%arg8 : memref<128x128xf32, #tpu.memory_space<vmem>>) target(%dma_start3A_42 : memref<10240x128xf32, #tpu.memory_space<vmem_shared>>) offsets(%dma_start3A_39 : memref<128xi32, #tpu.memory_space<vmem>>) semaphore(%run_scoped3A : memref<!tpu.dma_semaphore, #tpu.memory_space<semaphore_mem>>) {add = true}
        %dma_wait3A_43 = arith.constant 0 : i32
        %dma_wait3A_44 = tpu.memref_slice %arg7[%scan3A_24, %dma_wait3A_43] : memref<79x128xi32, #tpu.memory_space<vmem>> -> memref<1x128xi32, #tpu.memory_space<vmem>>
        %dma_wait3A_45 = tpu.memref_squeeze %dma_wait3A_44 : memref<1x128xi32, #tpu.memory_space<vmem>> -> memref<128xi32, #tpu.memory_space<vmem>>
        %dma_wait3A_46 = arith.constant 0 : i32
        %dma_wait3A_47 = arith.constant 0 : i32
        %dma_wait3A_48 = tpu.memref_slice %arg10[%dma_wait3A_46, %dma_wait3A_47] : memref<10240x128xf32, #tpu.memory_space<vmem_shared>> -> memref<10240x128xf32, #tpu.memory_space<vmem_shared>>
        tpu.wait_indirect_dma semaphore(%run_scoped3A : memref<!tpu.dma_semaphore, #tpu.memory_space<semaphore_mem>>) src(%arg8 : memref<128x128xf32, #tpu.memory_space<vmem>>) dst(%dma_wait3A_48 : memref<10240x128xf32, #tpu.memory_space<vmem_shared>>)
        tpu.yield
      }) : () -> ()
      %scan3A_36 = arith.constant 0 : i32
      scf.yield %scan3A_36 : i32
    }
    %scan3A_19 = arith.constant 79 : i32
    %barrier3A_20 = arith.constant 0 : index
    tpu.barrier barrier_id(%barrier3A_20)
    %mul3A = arith.constant 640 : i32
    %mul3A_21 = arith.muli %arg1, %mul3A : i32
    %mul3A_22 = arith.constant 640 : i32
    %mul3A_23 = arith.muli %arg1, %mul3A_22 : i32
    "tpu.region"() ({
      %run_scoped3A = tpu.sem_alloc : memref<!tpu.dma_semaphore, #tpu.memory_space<semaphore_mem>>
      %dma_start3A = arith.constant 0 : i32
      %dma_start3A_24 = tpu.memref_slice %arg5[%arg0, %mul3A_23, %dma_start3A] : memref<2x10240x128xf32, #tpu.memory_space<hbm>> -> memref<1x640x128xf32, #tpu.memory_space<hbm>>
      %dma_start3A_25 = tpu.memref_squeeze %dma_start3A_24 : memref<1x640x128xf32, #tpu.memory_space<hbm>> -> memref<640x128xf32, #tpu.memory_space<hbm>>
      %dma_start3A_26 = arith.constant 0 : i32
      %dma_start3A_27 = tpu.memref_slice %arg10[%mul3A_21, %dma_start3A_26] : memref<10240x128xf32, #tpu.memory_space<vmem_shared>> -> memref<640x128xf32, #tpu.memory_space<vmem_shared>>
      tpu.enqueue_dma source(%dma_start3A_27 : memref<640x128xf32, #tpu.memory_space<vmem_shared>>) target(%dma_start3A_25 : memref<640x128xf32, #tpu.memory_space<hbm>>) target_semaphore(%run_scoped3A : memref<!tpu.dma_semaphore, #tpu.memory_space<semaphore_mem>>)
      %dma_wait3A = arith.constant 0 : i32
      %dma_wait3A_28 = tpu.memref_slice %arg5[%arg0, %mul3A_23, %dma_wait3A] : memref<2x10240x128xf32, #tpu.memory_space<hbm>> -> memref<1x640x128xf32, #tpu.memory_space<hbm>>
      %dma_wait3A_29 = tpu.memref_squeeze %dma_wait3A_28 : memref<1x640x128xf32, #tpu.memory_space<hbm>> -> memref<640x128xf32, #tpu.memory_space<hbm>>
      %dma_wait3A_30 = arith.constant 0 : i32
      %dma_wait3A_31 = tpu.memref_slice %arg10[%mul3A_21, %dma_wait3A_30] : memref<10240x128xf32, #tpu.memory_space<vmem_shared>> -> memref<640x128xf32, #tpu.memory_space<vmem_shared>>
      tpu.wait_dma2 semaphore(%run_scoped3A : memref<!tpu.dma_semaphore, #tpu.memory_space<semaphore_mem>>) src(%dma_wait3A_31 : memref<640x128xf32, #tpu.memory_space<vmem_shared>>) dst(%dma_wait3A_29 : memref<640x128xf32, #tpu.memory_space<hbm>>)
      tpu.yield
    }) : () -> ()
    return
  }
}

#map = affine_map<(d0, d1) -> (0, 0)>
#map1 = affine_map<(d0, d1) -> (0, 0, 0, 0)>
#map2 = affine_map<(d0, d1) -> (0, 0, 0)>
module attributes {stable_mosaic.version = 14 : i64} {
  func.func @_sc_hop(%arg0: i32, %arg1: i32, %arg2: memref<10240x128xf32, #tpu.memory_space<hbm>>, %arg3: memref<2x16x79x128xi32, #tpu.memory_space<hbm>>, %arg4: memref<2x16x79x128xi32, #tpu.memory_space<hbm>>, %arg5: memref<2x10240x128xf32, #tpu.memory_space<hbm>>, %arg6: memref<79x128xi32, #tpu.memory_space<vmem>>, %arg7: memref<79x128xi32, #tpu.memory_space<vmem>>, %arg8: memref<128x128xf32, #tpu.memory_space<vmem>>, %arg9: memref<64x128xf32, #tpu.memory_space<vmem>>, %arg10: memref<10240x128xf32, #tpu.memory_space<vmem_shared>>, %arg11: memref<!tpu.dma_semaphore, #tpu.memory_space<semaphore_mem>>) attributes {dimension_semantics = [#tpu.dimension_semantics<core_parallel>, #tpu.dimension_semantics<subcore_parallel>], iteration_bounds = array<i64: 2, 16>, scalar_prefetch = 0 : i64, scratch_operands = 6 : i64, tpu.core_type = #tpu.core_type<sc_vector_subcore>, window_params = [{transform_indices = #map}, {transform_indices = #map1}, {transform_indices = #map1}, {transform_indices = #map2}]} {
    "tpu.region"() ({
      %run_scoped3A = tpu.sem_alloc : memref<!tpu.dma_semaphore, #tpu.memory_space<semaphore_mem>>
      %dma_start3A = arith.constant 0 : i32
      %dma_start3A_24 = arith.constant 0 : i32
      %dma_start3A_25 = tpu.memref_slice %arg3[%arg0, %arg1, %dma_start3A, %dma_start3A_24] : memref<2x16x79x128xi32, #tpu.memory_space<hbm>> -> memref<1x1x79x128xi32, #tpu.memory_space<hbm>>
      %dma_start3A_26 = tpu.memref_squeeze %dma_start3A_25 : memref<1x1x79x128xi32, #tpu.memory_space<hbm>> -> memref<79x128xi32, #tpu.memory_space<hbm>>
      %dma_start3A_27 = arith.constant 0 : i32
      %dma_start3A_28 = arith.constant 0 : i32
      %dma_start3A_29 = tpu.memref_slice %arg3[%arg0, %arg1, %dma_start3A_27, %dma_start3A_28] : memref<2x16x79x128xi32, #tpu.memory_space<hbm>> -> memref<1x1x79x128xi32, #tpu.memory_space<hbm>>
      %dma_start3A_30 = tpu.memref_squeeze %dma_start3A_29 : memref<1x1x79x128xi32, #tpu.memory_space<hbm>> -> memref<79x128xi32, #tpu.memory_space<hbm>>
      tpu.enqueue_dma source(%dma_start3A_30 : memref<79x128xi32, #tpu.memory_space<hbm>>) target(%arg6 : memref<79x128xi32, #tpu.memory_space<vmem>>) target_semaphore(%run_scoped3A : memref<!tpu.dma_semaphore, #tpu.memory_space<semaphore_mem>>)
      %dma_wait3A = arith.constant 0 : i32
      %dma_wait3A_31 = arith.constant 0 : i32
      %dma_wait3A_32 = tpu.memref_slice %arg3[%arg0, %arg1, %dma_wait3A, %dma_wait3A_31] : memref<2x16x79x128xi32, #tpu.memory_space<hbm>> -> memref<1x1x79x128xi32, #tpu.memory_space<hbm>>
      %dma_wait3A_33 = tpu.memref_squeeze %dma_wait3A_32 : memref<1x1x79x128xi32, #tpu.memory_space<hbm>> -> memref<79x128xi32, #tpu.memory_space<hbm>>
      %dma_wait3A_34 = arith.constant 0 : i32
      %dma_wait3A_35 = arith.constant 0 : i32
      %dma_wait3A_36 = tpu.memref_slice %arg3[%arg0, %arg1, %dma_wait3A_34, %dma_wait3A_35] : memref<2x16x79x128xi32, #tpu.memory_space<hbm>> -> memref<1x1x79x128xi32, #tpu.memory_space<hbm>>
      %dma_wait3A_37 = tpu.memref_squeeze %dma_wait3A_36 : memref<1x1x79x128xi32, #tpu.memory_space<hbm>> -> memref<79x128xi32, #tpu.memory_space<hbm>>
      tpu.wait_dma2 semaphore(%run_scoped3A : memref<!tpu.dma_semaphore, #tpu.memory_space<semaphore_mem>>) src(%dma_wait3A_37 : memref<79x128xi32, #tpu.memory_space<hbm>>) dst(%arg6 : memref<79x128xi32, #tpu.memory_space<vmem>>)
      tpu.yield
    }) : () -> ()
    "tpu.region"() ({
      %run_scoped3A = tpu.sem_alloc : memref<!tpu.dma_semaphore, #tpu.memory_space<semaphore_mem>>
      %dma_start3A = arith.constant 0 : i32
      %dma_start3A_24 = arith.constant 0 : i32
      %dma_start3A_25 = tpu.memref_slice %arg4[%arg0, %arg1, %dma_start3A, %dma_start3A_24] : memref<2x16x79x128xi32, #tpu.memory_space<hbm>> -> memref<1x1x79x128xi32, #tpu.memory_space<hbm>>
      %dma_start3A_26 = tpu.memref_squeeze %dma_start3A_25 : memref<1x1x79x128xi32, #tpu.memory_space<hbm>> -> memref<79x128xi32, #tpu.memory_space<hbm>>
      %dma_start3A_27 = arith.constant 0 : i32
      %dma_start3A_28 = arith.constant 0 : i32
      %dma_start3A_29 = tpu.memref_slice %arg4[%arg0, %arg1, %dma_start3A_27, %dma_start3A_28] : memref<2x16x79x128xi32, #tpu.memory_space<hbm>> -> memref<1x1x79x128xi32, #tpu.memory_space<hbm>>
      %dma_start3A_30 = tpu.memref_squeeze %dma_start3A_29 : memref<1x1x79x128xi32, #tpu.memory_space<hbm>> -> memref<79x128xi32, #tpu.memory_space<hbm>>
      tpu.enqueue_dma source(%dma_start3A_30 : memref<79x128xi32, #tpu.memory_space<hbm>>) target(%arg7 : memref<79x128xi32, #tpu.memory_space<vmem>>) target_semaphore(%run_scoped3A : memref<!tpu.dma_semaphore, #tpu.memory_space<semaphore_mem>>)
      %dma_wait3A = arith.constant 0 : i32
      %dma_wait3A_31 = arith.constant 0 : i32
      %dma_wait3A_32 = tpu.memref_slice %arg4[%arg0, %arg1, %dma_wait3A, %dma_wait3A_31] : memref<2x16x79x128xi32, #tpu.memory_space<hbm>> -> memref<1x1x79x128xi32, #tpu.memory_space<hbm>>
      %dma_wait3A_33 = tpu.memref_squeeze %dma_wait3A_32 : memref<1x1x79x128xi32, #tpu.memory_space<hbm>> -> memref<79x128xi32, #tpu.memory_space<hbm>>
      %dma_wait3A_34 = arith.constant 0 : i32
      %dma_wait3A_35 = arith.constant 0 : i32
      %dma_wait3A_36 = tpu.memref_slice %arg4[%arg0, %arg1, %dma_wait3A_34, %dma_wait3A_35] : memref<2x16x79x128xi32, #tpu.memory_space<hbm>> -> memref<1x1x79x128xi32, #tpu.memory_space<hbm>>
      %dma_wait3A_37 = tpu.memref_squeeze %dma_wait3A_36 : memref<1x1x79x128xi32, #tpu.memory_space<hbm>> -> memref<79x128xi32, #tpu.memory_space<hbm>>
      tpu.wait_dma2 semaphore(%run_scoped3A : memref<!tpu.dma_semaphore, #tpu.memory_space<semaphore_mem>>) src(%dma_wait3A_37 : memref<79x128xi32, #tpu.memory_space<hbm>>) dst(%arg7 : memref<79x128xi32, #tpu.memory_space<vmem>>)
      tpu.yield
    }) : () -> ()
    %scan3A = arith.constant 0 : i32
    %scan3A_0 = arith.constant 0 : i32
    %scan3A_1 = arith.constant 64 : i32
    %scan3A_2 = arith.addi %scan3A_0, %scan3A_1 : i32
    %scan3A_3 = arith.constant 1 : i32
    %scan3A_4 = scf.for %scan3A_24 = %scan3A_0 to %scan3A_2 step %scan3A_3 iter_args(%scan3A_25 = %scan3A) -> (i32)  : i32 {
      %broadcast_in_dim3A = arith.constant 0.000000e+00 : f32
      %broadcast_in_dim3A_26 = vector.broadcast %broadcast_in_dim3A : f32 to vector<16xf32>
      %swap3A = arith.index_cast %scan3A_24 : i32 to index
      %swap3A_27 = arith.constant 0 : index
      %swap3A_28 = tpu.vector_load %arg9[%swap3A, %swap3A_27] {strides = array<i32>} : memref<64x128xf32, #tpu.memory_space<vmem>>, vector<1x16xf32>,
      %swap3A_29 = vector.shape_cast %swap3A_28 : vector<1x16xf32> to vector<16xf32>
      %swap3A_30 = vector.shape_cast %broadcast_in_dim3A_26 : vector<16xf32> to vector<1x16xf32>
      tpu.vector_store %arg9[%swap3A, %swap3A_27], %swap3A_30 {strides = array<i32>} : memref<64x128xf32, #tpu.memory_space<vmem>>, vector<1x16xf32>,
      %broadcast_in_dim3A_31 = arith.constant 0.000000e+00 : f32
      %broadcast_in_dim3A_32 = vector.broadcast %broadcast_in_dim3A_31 : f32 to vector<16xf32>
      %swap3A_33 = arith.index_cast %scan3A_24 : i32 to index
      %swap3A_34 = arith.constant 16 : index
      %swap3A_35 = tpu.vector_load %arg9[%swap3A_33, %swap3A_34] {strides = array<i32>} : memref<64x128xf32, #tpu.memory_space<vmem>>, vector<1x16xf32>,
      %swap3A_36 = vector.shape_cast %swap3A_35 : vector<1x16xf32> to vector<16xf32>
      %swap3A_37 = vector.shape_cast %broadcast_in_dim3A_32 : vector<16xf32> to vector<1x16xf32>
      tpu.vector_store %arg9[%swap3A_33, %swap3A_34], %swap3A_37 {strides = array<i32>} : memref<64x128xf32, #tpu.memory_space<vmem>>, vector<1x16xf32>,
      %broadcast_in_dim3A_38 = arith.constant 0.000000e+00 : f32
      %broadcast_in_dim3A_39 = vector.broadcast %broadcast_in_dim3A_38 : f32 to vector<16xf32>
      %swap3A_40 = arith.index_cast %scan3A_24 : i32 to index
      %swap3A_41 = arith.constant 32 : index
      %swap3A_42 = tpu.vector_load %arg9[%swap3A_40, %swap3A_41] {strides = array<i32>} : memref<64x128xf32, #tpu.memory_space<vmem>>, vector<1x16xf32>,
      %swap3A_43 = vector.shape_cast %swap3A_42 : vector<1x16xf32> to vector<16xf32>
      %swap3A_44 = vector.shape_cast %broadcast_in_dim3A_39 : vector<16xf32> to vector<1x16xf32>
      tpu.vector_store %arg9[%swap3A_40, %swap3A_41], %swap3A_44 {strides = array<i32>} : memref<64x128xf32, #tpu.memory_space<vmem>>, vector<1x16xf32>,
      %broadcast_in_dim3A_45 = arith.constant 0.000000e+00 : f32
      %broadcast_in_dim3A_46 = vector.broadcast %broadcast_in_dim3A_45 : f32 to vector<16xf32>
      %swap3A_47 = arith.index_cast %scan3A_24 : i32 to index
      %swap3A_48 = arith.constant 48 : index
      %swap3A_49 = tpu.vector_load %arg9[%swap3A_47, %swap3A_48] {strides = array<i32>} : memref<64x128xf32, #tpu.memory_space<vmem>>, vector<1x16xf32>,
      %swap3A_50 = vector.shape_cast %swap3A_49 : vector<1x16xf32> to vector<16xf32>
      %swap3A_51 = vector.shape_cast %broadcast_in_dim3A_46 : vector<16xf32> to vector<1x16xf32>
      tpu.vector_store %arg9[%swap3A_47, %swap3A_48], %swap3A_51 {strides = array<i32>} : memref<64x128xf32, #tpu.memory_space<vmem>>, vector<1x16xf32>,
      %broadcast_in_dim3A_52 = arith.constant 0.000000e+00 : f32
      %broadcast_in_dim3A_53 = vector.broadcast %broadcast_in_dim3A_52 : f32 to vector<16xf32>
      %swap3A_54 = arith.index_cast %scan3A_24 : i32 to index
      %swap3A_55 = arith.constant 64 : index
      %swap3A_56 = tpu.vector_load %arg9[%swap3A_54, %swap3A_55] {strides = array<i32>} : memref<64x128xf32, #tpu.memory_space<vmem>>, vector<1x16xf32>,
      %swap3A_57 = vector.shape_cast %swap3A_56 : vector<1x16xf32> to vector<16xf32>
      %swap3A_58 = vector.shape_cast %broadcast_in_dim3A_53 : vector<16xf32> to vector<1x16xf32>
      tpu.vector_store %arg9[%swap3A_54, %swap3A_55], %swap3A_58 {strides = array<i32>} : memref<64x128xf32, #tpu.memory_space<vmem>>, vector<1x16xf32>,
      %broadcast_in_dim3A_59 = arith.constant 0.000000e+00 : f32
      %broadcast_in_dim3A_60 = vector.broadcast %broadcast_in_dim3A_59 : f32 to vector<16xf32>
      %swap3A_61 = arith.index_cast %scan3A_24 : i32 to index
      %swap3A_62 = arith.constant 80 : index
      %swap3A_63 = tpu.vector_load %arg9[%swap3A_61, %swap3A_62] {strides = array<i32>} : memref<64x128xf32, #tpu.memory_space<vmem>>, vector<1x16xf32>,
      %swap3A_64 = vector.shape_cast %swap3A_63 : vector<1x16xf32> to vector<16xf32>
      %swap3A_65 = vector.shape_cast %broadcast_in_dim3A_60 : vector<16xf32> to vector<1x16xf32>
      tpu.vector_store %arg9[%swap3A_61, %swap3A_62], %swap3A_65 {strides = array<i32>} : memref<64x128xf32, #tpu.memory_space<vmem>>, vector<1x16xf32>,
      %broadcast_in_dim3A_66 = arith.constant 0.000000e+00 : f32
      %broadcast_in_dim3A_67 = vector.broadcast %broadcast_in_dim3A_66 : f32 to vector<16xf32>
      %swap3A_68 = arith.index_cast %scan3A_24 : i32 to index
      %swap3A_69 = arith.constant 96 : index
      %swap3A_70 = tpu.vector_load %arg9[%swap3A_68, %swap3A_69] {strides = array<i32>} : memref<64x128xf32, #tpu.memory_space<vmem>>, vector<1x16xf32>,
      %swap3A_71 = vector.shape_cast %swap3A_70 : vector<1x16xf32> to vector<16xf32>
      %swap3A_72 = vector.shape_cast %broadcast_in_dim3A_67 : vector<16xf32> to vector<1x16xf32>
      tpu.vector_store %arg9[%swap3A_68, %swap3A_69], %swap3A_72 {strides = array<i32>} : memref<64x128xf32, #tpu.memory_space<vmem>>, vector<1x16xf32>,
      %broadcast_in_dim3A_73 = arith.constant 0.000000e+00 : f32
      %broadcast_in_dim3A_74 = vector.broadcast %broadcast_in_dim3A_73 : f32 to vector<16xf32>
      %swap3A_75 = arith.index_cast %scan3A_24 : i32 to index
      %swap3A_76 = arith.constant 112 : index
      %swap3A_77 = tpu.vector_load %arg9[%swap3A_75, %swap3A_76] {strides = array<i32>} : memref<64x128xf32, #tpu.memory_space<vmem>>, vector<1x16xf32>,
      %swap3A_78 = vector.shape_cast %swap3A_77 : vector<1x16xf32> to vector<16xf32>
      %swap3A_79 = vector.shape_cast %broadcast_in_dim3A_74 : vector<16xf32> to vector<1x16xf32>
      tpu.vector_store %arg9[%swap3A_75, %swap3A_76], %swap3A_79 {strides = array<i32>} : memref<64x128xf32, #tpu.memory_space<vmem>>, vector<1x16xf32>,
      %scan3A_80 = arith.constant 0 : i32
      scf.yield %scan3A_80 : i32
    }
    %scan3A_5 = arith.constant 64 : i32
    %scan3A_6 = arith.constant 0 : i32
    %scan3A_7 = arith.constant 0 : i32
    %scan3A_8 = arith.constant 10 : i32
    %scan3A_9 = arith.addi %scan3A_7, %scan3A_8 : i32
    %scan3A_10 = arith.constant 1 : i32
    %scan3A_11 = scf.for %scan3A_24 = %scan3A_7 to %scan3A_9 step %scan3A_10 iter_args(%scan3A_25 = %scan3A_6) -> (i32)  : i32 {
      %mul3A_26 = arith.constant 640 : i32
      %mul3A_27 = arith.muli %arg1, %mul3A_26 : i32
      %mul3A_28 = arith.constant 64 : i32
      %mul3A_29 = arith.muli %scan3A_24, %mul3A_28 : i32
      %add3A = arith.addi %mul3A_27, %mul3A_29 : i32
      "tpu.region"() ({
        %run_scoped3A = tpu.sem_alloc : memref<!tpu.dma_semaphore, #tpu.memory_space<semaphore_mem>>
        %dma_start3A = arith.constant 0 : i32
        %dma_start3A_31 = tpu.memref_slice %arg10[%add3A, %dma_start3A] : memref<10240x128xf32, #tpu.memory_space<vmem_shared>> -> memref<64x128xf32, #tpu.memory_space<vmem_shared>>
        %dma_start3A_32 = arith.constant 0 : i32
        %dma_start3A_33 = tpu.memref_slice %arg10[%add3A, %dma_start3A_32] : memref<10240x128xf32, #tpu.memory_space<vmem_shared>> -> memref<64x128xf32, #tpu.memory_space<vmem_shared>>
        tpu.enqueue_dma source(%arg9 : memref<64x128xf32, #tpu.memory_space<vmem>>) target(%dma_start3A_33 : memref<64x128xf32, #tpu.memory_space<vmem_shared>>) target_semaphore(%run_scoped3A : memref<!tpu.dma_semaphore, #tpu.memory_space<semaphore_mem>>)
        %dma_wait3A = arith.constant 0 : i32
        %dma_wait3A_34 = tpu.memref_slice %arg10[%add3A, %dma_wait3A] : memref<10240x128xf32, #tpu.memory_space<vmem_shared>> -> memref<64x128xf32, #tpu.memory_space<vmem_shared>>
        %dma_wait3A_35 = arith.constant 0 : i32
        %dma_wait3A_36 = tpu.memref_slice %arg10[%add3A, %dma_wait3A_35] : memref<10240x128xf32, #tpu.memory_space<vmem_shared>> -> memref<64x128xf32, #tpu.memory_space<vmem_shared>>
        tpu.wait_dma2 semaphore(%run_scoped3A : memref<!tpu.dma_semaphore, #tpu.memory_space<semaphore_mem>>) src(%arg9 : memref<64x128xf32, #tpu.memory_space<vmem>>) dst(%dma_wait3A_36 : memref<64x128xf32, #tpu.memory_space<vmem_shared>>)
        tpu.yield
      }) : () -> ()
      %scan3A_30 = arith.constant 0 : i32
      scf.yield %scan3A_30 : i32
    }
    %scan3A_12 = arith.constant 10 : i32
    %barrier3A = arith.constant 0 : index
    tpu.barrier barrier_id(%barrier3A)
    %scan3A_13 = arith.constant 0 : i32
    %scan3A_14 = arith.constant 0 : i32
    %scan3A_15 = arith.constant 79 : i32
    %scan3A_16 = arith.addi %scan3A_14, %scan3A_15 : i32
    %scan3A_17 = arith.constant 1 : i32
    %scan3A_18 = scf.for %scan3A_24 = %scan3A_14 to %scan3A_16 step %scan3A_17 iter_args(%scan3A_25 = %scan3A_13) -> (i32)  : i32 {
      %dma_start3A = arith.constant 0 : i32
      %dma_start3A_26 = tpu.memref_slice %arg6[%scan3A_24, %dma_start3A] : memref<79x128xi32, #tpu.memory_space<vmem>> -> memref<1x128xi32, #tpu.memory_space<vmem>>
      %dma_start3A_27 = tpu.memref_squeeze %dma_start3A_26 : memref<1x128xi32, #tpu.memory_space<vmem>> -> memref<128xi32, #tpu.memory_space<vmem>>
      %dma_start3A_28 = arith.constant 0 : i32
      %dma_start3A_29 = arith.constant 0 : i32
      %dma_start3A_30 = tpu.memref_slice %arg2[%dma_start3A_28, %dma_start3A_29] : memref<10240x128xf32, #tpu.memory_space<hbm>> -> memref<10240x128xf32, #tpu.memory_space<hbm>>
      tpu.enqueue_indirect_dma source(%dma_start3A_30 : memref<10240x128xf32, #tpu.memory_space<hbm>>) target(%arg8 : memref<128x128xf32, #tpu.memory_space<vmem>>) offsets(%dma_start3A_27 : memref<128xi32, #tpu.memory_space<vmem>>) semaphore(%arg11 : memref<!tpu.dma_semaphore, #tpu.memory_space<semaphore_mem>>)
      %dma_wait3A = arith.constant 0 : i32
      %dma_wait3A_31 = tpu.memref_slice %arg6[%scan3A_24, %dma_wait3A] : memref<79x128xi32, #tpu.memory_space<vmem>> -> memref<1x128xi32, #tpu.memory_space<vmem>>
      %dma_wait3A_32 = tpu.memref_squeeze %dma_wait3A_31 : memref<1x128xi32, #tpu.memory_space<vmem>> -> memref<128xi32, #tpu.memory_space<vmem>>
      %dma_wait3A_33 = arith.constant 0 : i32
      %dma_wait3A_34 = arith.constant 0 : i32
      %dma_wait3A_35 = tpu.memref_slice %arg2[%dma_wait3A_33, %dma_wait3A_34] : memref<10240x128xf32, #tpu.memory_space<hbm>> -> memref<10240x128xf32, #tpu.memory_space<hbm>>
      tpu.wait_indirect_dma semaphore(%arg11 : memref<!tpu.dma_semaphore, #tpu.memory_space<semaphore_mem>>) src(%dma_wait3A_35 : memref<10240x128xf32, #tpu.memory_space<hbm>>) dst(%arg8 : memref<128x128xf32, #tpu.memory_space<vmem>>)
      "tpu.region"() ({
        %run_scoped3A = tpu.sem_alloc : memref<!tpu.dma_semaphore, #tpu.memory_space<semaphore_mem>>
        %dma_start3A_37 = arith.constant 0 : i32
        %dma_start3A_38 = tpu.memref_slice %arg7[%scan3A_24, %dma_start3A_37] : memref<79x128xi32, #tpu.memory_space<vmem>> -> memref<1x128xi32, #tpu.memory_space<vmem>>
        %dma_start3A_39 = tpu.memref_squeeze %dma_start3A_38 : memref<1x128xi32, #tpu.memory_space<vmem>> -> memref<128xi32, #tpu.memory_space<vmem>>
        %dma_start3A_40 = arith.constant 0 : i32
        %dma_start3A_41 = arith.constant 0 : i32
        %dma_start3A_42 = tpu.memref_slice %arg10[%dma_start3A_40, %dma_start3A_41] : memref<10240x128xf32, #tpu.memory_space<vmem_shared>> -> memref<10240x128xf32, #tpu.memory_space<vmem_shared>>
        tpu.enqueue_indirect_dma source(%arg8 : memref<128x128xf32, #tpu.memory_space<vmem>>) target(%dma_start3A_42 : memref<10240x128xf32, #tpu.memory_space<vmem_shared>>) offsets(%dma_start3A_39 : memref<128xi32, #tpu.memory_space<vmem>>) semaphore(%run_scoped3A : memref<!tpu.dma_semaphore, #tpu.memory_space<semaphore_mem>>) {add = true}
        %dma_wait3A_43 = arith.constant 0 : i32
        %dma_wait3A_44 = tpu.memref_slice %arg7[%scan3A_24, %dma_wait3A_43] : memref<79x128xi32, #tpu.memory_space<vmem>> -> memref<1x128xi32, #tpu.memory_space<vmem>>
        %dma_wait3A_45 = tpu.memref_squeeze %dma_wait3A_44 : memref<1x128xi32, #tpu.memory_space<vmem>> -> memref<128xi32, #tpu.memory_space<vmem>>
        %dma_wait3A_46 = arith.constant 0 : i32
        %dma_wait3A_47 = arith.constant 0 : i32
        %dma_wait3A_48 = tpu.memref_slice %arg10[%dma_wait3A_46, %dma_wait3A_47] : memref<10240x128xf32, #tpu.memory_space<vmem_shared>> -> memref<10240x128xf32, #tpu.memory_space<vmem_shared>>
        tpu.wait_indirect_dma semaphore(%run_scoped3A : memref<!tpu.dma_semaphore, #tpu.memory_space<semaphore_mem>>) src(%arg8 : memref<128x128xf32, #tpu.memory_space<vmem>>) dst(%dma_wait3A_48 : memref<10240x128xf32, #tpu.memory_space<vmem_shared>>)
        tpu.yield
      }) : () -> ()
      %scan3A_36 = arith.constant 0 : i32
      scf.yield %scan3A_36 : i32
    }
    %scan3A_19 = arith.constant 79 : i32
    %barrier3A_20 = arith.constant 0 : index
    tpu.barrier barrier_id(%barrier3A_20)
    %mul3A = arith.constant 640 : i32
    %mul3A_21 = arith.muli %arg1, %mul3A : i32
    %mul3A_22 = arith.constant 640 : i32
    %mul3A_23 = arith.muli %arg1, %mul3A_22 : i32
    "tpu.region"() ({
      %run_scoped3A = tpu.sem_alloc : memref<!tpu.dma_semaphore, #tpu.memory_space<semaphore_mem>>
      %dma_start3A = arith.constant 0 : i32
      %dma_start3A_24 = tpu.memref_slice %arg5[%arg0, %mul3A_23, %dma_start3A] : memref<2x10240x128xf32, #tpu.memory_space<hbm>> -> memref<1x640x128xf32, #tpu.memory_space<hbm>>
      %dma_start3A_25 = tpu.memref_squeeze %dma_start3A_24 : memref<1x640x128xf32, #tpu.memory_space<hbm>> -> memref<640x128xf32, #tpu.memory_space<hbm>>
      %dma_start3A_26 = arith.constant 0 : i32
      %dma_start3A_27 = tpu.memref_slice %arg10[%mul3A_21, %dma_start3A_26] : memref<10240x128xf32, #tpu.memory_space<vmem_shared>> -> memref<640x128xf32, #tpu.memory_space<vmem_shared>>
      tpu.enqueue_dma source(%dma_start3A_27 : memref<640x128xf32, #tpu.memory_space<vmem_shared>>) target(%dma_start3A_25 : memref<640x128xf32, #tpu.memory_space<hbm>>) target_semaphore(%run_scoped3A : memref<!tpu.dma_semaphore, #tpu.memory_space<semaphore_mem>>)
      %dma_wait3A = arith.constant 0 : i32
      %dma_wait3A_28 = tpu.memref_slice %arg5[%arg0, %mul3A_23, %dma_wait3A] : memref<2x10240x128xf32, #tpu.memory_space<hbm>> -> memref<1x640x128xf32, #tpu.memory_space<hbm>>
      %dma_wait3A_29 = tpu.memref_squeeze %dma_wait3A_28 : memref<1x640x128xf32, #tpu.memory_space<hbm>> -> memref<640x128xf32, #tpu.memory_space<hbm>>
      %dma_wait3A_30 = arith.constant 0 : i32
      %dma_wait3A_31 = tpu.memref_slice %arg10[%mul3A_21, %dma_wait3A_30] : memref<10240x128xf32, #tpu.memory_space<vmem_shared>> -> memref<640x128xf32, #tpu.memory_space<vmem_shared>>
      tpu.wait_dma2 semaphore(%run_scoped3A : memref<!tpu.dma_semaphore, #tpu.memory_space<semaphore_mem>>) src(%dma_wait3A_31 : memref<640x128xf32, #tpu.memory_space<vmem_shared>>) dst(%dma_wait3A_29 : memref<640x128xf32, #tpu.memory_space<hbm>>)
      tpu.yield
    }) : () -> ()
    return
  }
}

module attributes {stable_mosaic.version = 14 : i64} {
  func.func @_softmax_body(%arg0: memref<10x128xf32, #tpu.memory_space<vmem>>, %arg1: memref<10x128xf32, #tpu.memory_space<vmem>>) attributes {dimension_semantics = [], scalar_prefetch = 0 : i64, scratch_operands = 0 : i64, tpu.core_type = #tpu.core_type<tc>} {
    %get3A = arith.constant 0 : index
    %get3A_0 = arith.constant 0 : index
    %get3A_1 = vector.load %arg0[%get3A, %get3A_0] : memref<10x128xf32, #tpu.memory_space<vmem>>, vector<10x128xf32>
    %reduce_max3A = arith.constant dense<0xFF800000> : vector<128xf32>
    %reduce_max3A_2 = vector.multi_reduction <maximumf>, %get3A_1, %reduce_max3A [0] : vector<10x128xf32> to vector<128xf32>
    %broadcast_in_dim3A = vector.shape_cast %reduce_max3A_2 : vector<128xf32> to vector<1x128xf32>
    %sub3A = vector.broadcast %broadcast_in_dim3A : vector<1x128xf32> to vector<10x128xf32>
    %sub3A_3 = arith.subf %get3A_1, %sub3A : vector<10x128xf32>
    %exp3A = math.exp %sub3A_3 : vector<10x128xf32>
    %reduce_sum3A = arith.constant dense<0.000000e+00> : vector<128xf32>
    %reduce_sum3A_4 = vector.multi_reduction <add>, %exp3A, %reduce_sum3A [0] : vector<10x128xf32> to vector<128xf32>
    %broadcast_in_dim3A_5 = vector.shape_cast %reduce_sum3A_4 : vector<128xf32> to vector<1x128xf32>
    %div3A = vector.broadcast %broadcast_in_dim3A_5 : vector<1x128xf32> to vector<10x128xf32>
    %div3A_6 = arith.divf %exp3A, %div3A : vector<10x128xf32>
    %swap3A = arith.constant 0 : index
    %swap3A_7 = arith.constant 0 : index
    %swap3A_8 = vector.load %arg1[%swap3A, %swap3A_7] : memref<10x128xf32, #tpu.memory_space<vmem>>, vector<10x128xf32>
    tpu.vector_store %arg1[%swap3A, %swap3A_7], %div3A_6 {strides = array<i32>} : memref<10x128xf32, #tpu.memory_space<vmem>>, vector<10x128xf32>,
    return
  }
}

module attributes {stable_mosaic.version = 14 : i64} {
  func.func @_init_body(%arg0: i32, %arg1: memref<2x1024x8xf32, #tpu.memory_space<vmem>>, %arg2: memref<1024x128xf32, #tpu.memory_space<vmem>>, %arg3: memref<1x128xf32, #tpu.memory_space<vmem>>, %arg4: memref<1024x128xf32, #tpu.memory_space<vmem>>, %arg5: memref<1024x128xf32, #tpu.memory_space<vmem>>, %arg6: memref<1024x128xf32, #tpu.memory_space<vmem>>) attributes {dimension_semantics = [#tpu.dimension_semantics<arbitrary>], iteration_bounds = array<i64: 10>, scalar_prefetch = 0 : i64, scratch_operands = 0 : i64, tpu.core_type = #tpu.core_type<tc>, window_params = [{transform_indices = @transform_0, window_bounds = array<i64: 2, 1024, 8>}, {transform_indices = @transform_1, window_bounds = array<i64: 1024, 128>}, {pipeline_mode = #tpu.pipeline_mode<synchronous>, transform_indices = @transform_2, window_bounds = array<i64: 1, 128>}, {transform_indices = @transform_3, window_bounds = array<i64: 1024, 128>}, {transform_indices = @transform_4, window_bounds = array<i64: 1024, 128>}, {transform_indices = @transform_5, window_bounds = array<i64: 1024, 128>}]} {
    %get3A = arith.constant 0 : index
    %get3A_0 = arith.constant 0 : index
    %get3A_1 = arith.constant 0 : index
    %get3A_2 = vector.load %arg1[%get3A, %get3A_0, %get3A_1] : memref<2x1024x8xf32, #tpu.memory_space<vmem>>, vector<1x1024x1xf32>
    %get3A_3 = vector.shape_cast %get3A_2 : vector<1x1024x1xf32> to vector<1024x1xf32>
    %get3A_4 = arith.constant 1 : index
    %get3A_5 = arith.constant 0 : index
    %get3A_6 = arith.constant 0 : index
    %get3A_7 = vector.load %arg1[%get3A_4, %get3A_5, %get3A_6] : memref<2x1024x8xf32, #tpu.memory_space<vmem>>, vector<1x1024x1xf32>
    %get3A_8 = vector.shape_cast %get3A_7 : vector<1x1024x1xf32> to vector<1024x1xf32>
    %add3A = arith.addf %get3A_3, %get3A_8 : vector<1024x1xf32>
    %add3A_9 = arith.constant 1.000000e+00 : f32
    %add3A_10 = vector.broadcast %add3A_9 : f32 to vector<1024x1xf32>
    %add3A_11 = arith.addf %add3A, %add3A_10 : vector<1024x1xf32>
    %rsqrt3A = math.rsqrt %add3A_11 : vector<1024x1xf32>
    %broadcast_in_dim3A = vector.shape_cast %rsqrt3A : vector<1024x1xf32> to vector<1024x1xf32>
    %broadcast_in_dim3A_12 = vector.broadcast %broadcast_in_dim3A : vector<1024x1xf32> to vector<1024x128xf32>
    %get3A_13 = arith.constant 0 : index
    %get3A_14 = arith.constant 0 : index
    %get3A_15 = vector.load %arg2[%get3A_13, %get3A_14] : memref<1024x128xf32, #tpu.memory_space<vmem>>, vector<1024x128xf32>
    %swap3A = arith.constant 0 : index
    %swap3A_16 = arith.constant 0 : index
    %swap3A_17 = vector.load %arg4[%swap3A, %swap3A_16] : memref<1024x128xf32, #tpu.memory_space<vmem>>, vector<1024x128xf32>
    tpu.vector_store %arg4[%swap3A, %swap3A_16], %broadcast_in_dim3A_12 {strides = array<i32>} : memref<1024x128xf32, #tpu.memory_space<vmem>>, vector<1024x128xf32>,
    %mul3A = arith.mulf %broadcast_in_dim3A_12, %get3A_15 : vector<1024x128xf32>
    %swap3A_18 = arith.constant 0 : index
    %swap3A_19 = arith.constant 0 : index
    %swap3A_20 = vector.load %arg5[%swap3A_18, %swap3A_19] : memref<1024x128xf32, #tpu.memory_space<vmem>>, vector<1024x128xf32>
    tpu.vector_store %arg5[%swap3A_18, %swap3A_19], %mul3A {strides = array<i32>} : memref<1024x128xf32, #tpu.memory_space<vmem>>, vector<1024x128xf32>,
    %get3A_21 = arith.constant 0 : index
    %get3A_22 = arith.constant 0 : index
    %get3A_23 = vector.load %arg3[%get3A_21, %get3A_22] : memref<1x128xf32, #tpu.memory_space<vmem>>, vector<1x128xf32>
    %mul3A_24 = vector.broadcast %get3A_23 : vector<1x128xf32> to vector<1024x128xf32>
    %mul3A_25 = arith.mulf %mul3A_24, %get3A_15 : vector<1024x128xf32>
    %swap3A_26 = arith.constant 0 : index
    %swap3A_27 = arith.constant 0 : index
    %swap3A_28 = vector.load %arg6[%swap3A_26, %swap3A_27] : memref<1024x128xf32, #tpu.memory_space<vmem>>, vector<1024x128xf32>
    tpu.vector_store %arg6[%swap3A_26, %swap3A_27], %mul3A_25 {strides = array<i32>} : memref<1024x128xf32, #tpu.memory_space<vmem>>, vector<1024x128xf32>,
    return
  }
  func.func @transform_0(%arg0: i32) -> (i32, i32, i32) {
    %c0_i32 = arith.constant 0 : i32
    %c0_i32_0 = arith.constant 0 : i32
    %c0_i32_1 = arith.constant 0 : i32
    return %c0_i32, %arg0, %c0_i32_0 : i32, i32, i32
  }
  func.func @transform_1(%arg0: i32) -> (i32, i32) {
    %c0_i32 = arith.constant 0 : i32
    %c0_i32_0 = arith.constant 0 : i32
    return %arg0, %c0_i32 : i32, i32
  }
  func.func @transform_2(%arg0: i32) -> (i32, i32) {
    %c0_i32 = arith.constant 0 : i32
    %c0_i32_0 = arith.constant 0 : i32
    %c0_i32_1 = arith.constant 0 : i32
    return %c0_i32, %c0_i32_0 : i32, i32
  }
  func.func @transform_3(%arg0: i32) -> (i32, i32) {
    %c0_i32 = arith.constant 0 : i32
    %c0_i32_0 = arith.constant 0 : i32
    return %arg0, %c0_i32 : i32, i32
  }
  func.func @transform_4(%arg0: i32) -> (i32, i32) {
    %c0_i32 = arith.constant 0 : i32
    %c0_i32_0 = arith.constant 0 : i32
    return %arg0, %c0_i32 : i32, i32
  }
  func.func @transform_5(%arg0: i32) -> (i32, i32) {
    %c0_i32 = arith.constant 0 : i32
    %c0_i32_0 = arith.constant 0 : i32
    return %arg0, %c0_i32 : i32, i32
  }
}

module attributes {stable_mosaic.version = 14 : i64} {
  func.func @_hop_body(%arg0: i32, %arg1: memref<2x1024x128xf32, #tpu.memory_space<vmem>>, %arg2: memref<1024x128xf32, #tpu.memory_space<vmem>>, %arg3: memref<1024x128xf32, #tpu.memory_space<vmem>>, %arg4: memref<1024x128xf32, #tpu.memory_space<vmem>>, %arg5: memref<1x128xf32, #tpu.memory_space<vmem>>, %arg6: memref<1024x128xf32, #tpu.memory_space<vmem>>, %arg7: memref<1024x128xf32, #tpu.memory_space<vmem>>) attributes {dimension_semantics = [#tpu.dimension_semantics<arbitrary>], iteration_bounds = array<i64: 10>, scalar_prefetch = 0 : i64, scratch_operands = 0 : i64, tpu.core_type = #tpu.core_type<tc>, window_params = [{transform_indices = @transform_0, window_bounds = array<i64: 2, 1024, 128>}, {transform_indices = @transform_1, window_bounds = array<i64: 1024, 128>}, {transform_indices = @transform_2, window_bounds = array<i64: 1024, 128>}, {transform_indices = @transform_3, window_bounds = array<i64: 1024, 128>}, {pipeline_mode = #tpu.pipeline_mode<synchronous>, transform_indices = @transform_4, window_bounds = array<i64: 1, 128>}, {transform_indices = @transform_5, window_bounds = array<i64: 1024, 128>}, {transform_indices = @transform_6, window_bounds = array<i64: 1024, 128>}]} {
    %get3A = arith.constant 0 : index
    %get3A_0 = arith.constant 0 : index
    %get3A_1 = vector.load %arg3[%get3A, %get3A_0] : memref<1024x128xf32, #tpu.memory_space<vmem>>, vector<1024x128xf32>
    %get3A_2 = arith.constant 0 : index
    %get3A_3 = arith.constant 0 : index
    %get3A_4 = arith.constant 0 : index
    %get3A_5 = vector.load %arg1[%get3A_2, %get3A_3, %get3A_4] : memref<2x1024x128xf32, #tpu.memory_space<vmem>>, vector<1x1024x128xf32>
    %get3A_6 = vector.shape_cast %get3A_5 : vector<1x1024x128xf32> to vector<1024x128xf32>
    %get3A_7 = arith.constant 1 : index
    %get3A_8 = arith.constant 0 : index
    %get3A_9 = arith.constant 0 : index
    %get3A_10 = vector.load %arg1[%get3A_7, %get3A_8, %get3A_9] : memref<2x1024x128xf32, #tpu.memory_space<vmem>>, vector<1x1024x128xf32>
    %get3A_11 = vector.shape_cast %get3A_10 : vector<1x1024x128xf32> to vector<1024x128xf32>
    %add3A = arith.addf %get3A_6, %get3A_11 : vector<1024x128xf32>
    %get3A_12 = arith.constant 0 : index
    %get3A_13 = arith.constant 0 : index
    %get3A_14 = vector.load %arg2[%get3A_12, %get3A_13] : memref<1024x128xf32, #tpu.memory_space<vmem>>, vector<1024x128xf32>
    %add3A_15 = arith.addf %add3A, %get3A_14 : vector<1024x128xf32>
    %mul3A = arith.mulf %get3A_1, %add3A_15 : vector<1024x128xf32>
    %get3A_16 = arith.constant 0 : index
    %get3A_17 = arith.constant 0 : index
    %get3A_18 = vector.load %arg4[%get3A_16, %get3A_17] : memref<1024x128xf32, #tpu.memory_space<vmem>>, vector<1024x128xf32>
    %get3A_19 = arith.constant 0 : index
    %get3A_20 = arith.constant 0 : index
    %get3A_21 = vector.load %arg5[%get3A_19, %get3A_20] : memref<1x128xf32, #tpu.memory_space<vmem>>, vector<1x128xf32>
    %mul3A_22 = vector.broadcast %get3A_21 : vector<1x128xf32> to vector<1024x128xf32>
    %mul3A_23 = arith.mulf %mul3A_22, %mul3A : vector<1024x128xf32>
    %add3A_24 = arith.addf %get3A_18, %mul3A_23 : vector<1024x128xf32>
    %swap3A = arith.constant 0 : index
    %swap3A_25 = arith.constant 0 : index
    %swap3A_26 = vector.load %arg7[%swap3A, %swap3A_25] : memref<1024x128xf32, #tpu.memory_space<vmem>>, vector<1024x128xf32>
    tpu.vector_store %arg7[%swap3A, %swap3A_25], %add3A_24 {strides = array<i32>} : memref<1024x128xf32, #tpu.memory_space<vmem>>, vector<1024x128xf32>,
    %mul3A_27 = arith.mulf %get3A_1, %mul3A : vector<1024x128xf32>
    %swap3A_28 = arith.constant 0 : index
    %swap3A_29 = arith.constant 0 : index
    %swap3A_30 = vector.load %arg6[%swap3A_28, %swap3A_29] : memref<1024x128xf32, #tpu.memory_space<vmem>>, vector<1024x128xf32>
    tpu.vector_store %arg6[%swap3A_28, %swap3A_29], %mul3A_27 {strides = array<i32>} : memref<1024x128xf32, #tpu.memory_space<vmem>>, vector<1024x128xf32>,
    return
  }
  func.func @transform_0(%arg0: i32) -> (i32, i32, i32) {
    %c0_i32 = arith.constant 0 : i32
    %c0_i32_0 = arith.constant 0 : i32
    %c0_i32_1 = arith.constant 0 : i32
    return %c0_i32, %arg0, %c0_i32_0 : i32, i32, i32
  }
  func.func @transform_1(%arg0: i32) -> (i32, i32) {
    %c0_i32 = arith.constant 0 : i32
    %c0_i32_0 = arith.constant 0 : i32
    return %arg0, %c0_i32 : i32, i32
  }
  func.func @transform_2(%arg0: i32) -> (i32, i32) {
    %c0_i32 = arith.constant 0 : i32
    %c0_i32_0 = arith.constant 0 : i32
    return %arg0, %c0_i32 : i32, i32
  }
  func.func @transform_3(%arg0: i32) -> (i32, i32) {
    %c0_i32 = arith.constant 0 : i32
    %c0_i32_0 = arith.constant 0 : i32
    return %arg0, %c0_i32 : i32, i32
  }
  func.func @transform_4(%arg0: i32) -> (i32, i32) {
    %c0_i32 = arith.constant 0 : i32
    %c0_i32_0 = arith.constant 0 : i32
    %c0_i32_1 = arith.constant 0 : i32
    return %c0_i32, %c0_i32_0 : i32, i32
  }
  func.func @transform_5(%arg0: i32) -> (i32, i32) {
    %c0_i32 = arith.constant 0 : i32
    %c0_i32_0 = arith.constant 0 : i32
    return %arg0, %c0_i32 : i32, i32
  }
  func.func @transform_6(%arg0: i32) -> (i32, i32) {
    %c0_i32 = arith.constant 0 : i32
    %c0_i32_0 = arith.constant 0 : i32
    return %arg0, %c0_i32 : i32, i32
  }
}

module attributes {stable_mosaic.version = 14 : i64} {
  func.func @_final_body(%arg0: i32, %arg1: memref<2x1000x128xf32, #tpu.memory_space<vmem>>, %arg2: memref<1000x128xf32, #tpu.memory_space<vmem>>, %arg3: memref<1000x128xf32, #tpu.memory_space<vmem>>, %arg4: memref<1000x128xf32, #tpu.memory_space<vmem>>, %arg5: memref<1x128xf32, #tpu.memory_space<vmem>>, %arg6: memref<128x128xf32, #tpu.memory_space<vmem>>, %arg7: memref<1x128xf32, #tpu.memory_space<vmem>>, %arg8: memref<1000x128xf32, #tpu.memory_space<vmem>>) attributes {dimension_semantics = [#tpu.dimension_semantics<arbitrary>], iteration_bounds = array<i64: 10>, scalar_prefetch = 0 : i64, scratch_operands = 0 : i64, tpu.core_type = #tpu.core_type<tc>, window_params = [{transform_indices = @transform_0, window_bounds = array<i64: 2, 1000, 128>}, {transform_indices = @transform_1, window_bounds = array<i64: 1000, 128>}, {transform_indices = @transform_2, window_bounds = array<i64: 1000, 128>}, {transform_indices = @transform_3, window_bounds = array<i64: 1000, 128>}, {pipeline_mode = #tpu.pipeline_mode<synchronous>, transform_indices = @transform_4, window_bounds = array<i64: 1, 128>}, {pipeline_mode = #tpu.pipeline_mode<synchronous>, transform_indices = @transform_5, window_bounds = array<i64: 128, 128>}, {pipeline_mode = #tpu.pipeline_mode<synchronous>, transform_indices = @transform_6, window_bounds = array<i64: 1, 128>}, {transform_indices = @transform_7, window_bounds = array<i64: 1000, 128>}]} {
    %get3A = arith.constant 0 : index
    %get3A_0 = arith.constant 0 : index
    %get3A_1 = vector.load %arg3[%get3A, %get3A_0] : memref<1000x128xf32, #tpu.memory_space<vmem>>, vector<1000x128xf32>
    %get3A_2 = arith.constant 0 : index
    %get3A_3 = arith.constant 0 : index
    %get3A_4 = arith.constant 0 : index
    %get3A_5 = vector.load %arg1[%get3A_2, %get3A_3, %get3A_4] : memref<2x1000x128xf32, #tpu.memory_space<vmem>>, vector<1x1000x128xf32>
    %get3A_6 = vector.shape_cast %get3A_5 : vector<1x1000x128xf32> to vector<1000x128xf32>
    %get3A_7 = arith.constant 1 : index
    %get3A_8 = arith.constant 0 : index
    %get3A_9 = arith.constant 0 : index
    %get3A_10 = vector.load %arg1[%get3A_7, %get3A_8, %get3A_9] : memref<2x1000x128xf32, #tpu.memory_space<vmem>>, vector<1x1000x128xf32>
    %get3A_11 = vector.shape_cast %get3A_10 : vector<1x1000x128xf32> to vector<1000x128xf32>
    %add3A = arith.addf %get3A_6, %get3A_11 : vector<1000x128xf32>
    %get3A_12 = arith.constant 0 : index
    %get3A_13 = arith.constant 0 : index
    %get3A_14 = vector.load %arg2[%get3A_12, %get3A_13] : memref<1000x128xf32, #tpu.memory_space<vmem>>, vector<1000x128xf32>
    %add3A_15 = arith.addf %add3A, %get3A_14 : vector<1000x128xf32>
    %mul3A = arith.mulf %get3A_1, %add3A_15 : vector<1000x128xf32>
    %get3A_16 = arith.constant 0 : index
    %get3A_17 = arith.constant 0 : index
    %get3A_18 = vector.load %arg4[%get3A_16, %get3A_17] : memref<1000x128xf32, #tpu.memory_space<vmem>>, vector<1000x128xf32>
    %get3A_19 = arith.constant 0 : index
    %get3A_20 = arith.constant 0 : index
    %get3A_21 = vector.load %arg5[%get3A_19, %get3A_20] : memref<1x128xf32, #tpu.memory_space<vmem>>, vector<1x128xf32>
    %mul3A_22 = vector.broadcast %get3A_21 : vector<1x128xf32> to vector<1000x128xf32>
    %mul3A_23 = arith.mulf %mul3A_22, %mul3A : vector<1000x128xf32>
    %add3A_24 = arith.addf %get3A_18, %mul3A_23 : vector<1000x128xf32>
    %get3A_25 = arith.constant 0 : index
    %get3A_26 = arith.constant 0 : index
    %get3A_27 = vector.load %arg6[%get3A_25, %get3A_26] : memref<128x128xf32, #tpu.memory_space<vmem>>, vector<128x128xf32>
    %dot_general3A = arith.constant dense<0.000000e+00> : vector<1000x128xf32>
    %dot_general3A_28 = tpu.matmul %add3A_24, %get3A_27, %dot_general3A {dimension_numbers = #tpu.dot_dimension_numbers<[1], [1], [0], [0], [0, 0, 1, 0], [], []>, transpose_lhs_hint = false} : vector<1000x128xf32>, vector<128x128xf32>, vector<1000x128xf32> -> vector<1000x128xf32>
    %get3A_29 = arith.constant 0 : index
    %get3A_30 = arith.constant 0 : index
    %get3A_31 = vector.load %arg7[%get3A_29, %get3A_30] : memref<1x128xf32, #tpu.memory_space<vmem>>, vector<1x128xf32>
    %add3A_32 = vector.broadcast %get3A_31 : vector<1x128xf32> to vector<1000x128xf32>
    %add3A_33 = arith.addf %dot_general3A_28, %add3A_32 : vector<1000x128xf32>
    %swap3A = arith.constant 0 : index
    %swap3A_34 = arith.constant 0 : index
    %swap3A_35 = vector.load %arg8[%swap3A, %swap3A_34] : memref<1000x128xf32, #tpu.memory_space<vmem>>, vector<1000x128xf32>
    tpu.vector_store %arg8[%swap3A, %swap3A_34], %add3A_33 {strides = array<i32>} : memref<1000x128xf32, #tpu.memory_space<vmem>>, vector<1000x128xf32>,
    return
  }
  func.func @transform_0(%arg0: i32) -> (i32, i32, i32) {
    %c0_i32 = arith.constant 0 : i32
    %c0_i32_0 = arith.constant 0 : i32
    %c0_i32_1 = arith.constant 0 : i32
    return %c0_i32, %arg0, %c0_i32_0 : i32, i32, i32
  }
  func.func @transform_1(%arg0: i32) -> (i32, i32) {
    %c0_i32 = arith.constant 0 : i32
    %c0_i32_0 = arith.constant 0 : i32
    return %arg0, %c0_i32 : i32, i32
  }
  func.func @transform_2(%arg0: i32) -> (i32, i32) {
    %c0_i32 = arith.constant 0 : i32
    %c0_i32_0 = arith.constant 0 : i32
    return %arg0, %c0_i32 : i32, i32
  }
  func.func @transform_3(%arg0: i32) -> (i32, i32) {
    %c0_i32 = arith.constant 0 : i32
    %c0_i32_0 = arith.constant 0 : i32
    return %arg0, %c0_i32 : i32, i32
  }
  func.func @transform_4(%arg0: i32) -> (i32, i32) {
    %c0_i32 = arith.constant 0 : i32
    %c0_i32_0 = arith.constant 0 : i32
    %c0_i32_1 = arith.constant 0 : i32
    return %c0_i32, %c0_i32_0 : i32, i32
  }
  func.func @transform_5(%arg0: i32) -> (i32, i32) {
    %c0_i32 = arith.constant 0 : i32
    %c0_i32_0 = arith.constant 0 : i32
    %c0_i32_1 = arith.constant 0 : i32
    return %c0_i32, %c0_i32_0 : i32, i32
  }
  func.func @transform_6(%arg0: i32) -> (i32, i32) {
    %c0_i32 = arith.constant 0 : i32
    %c0_i32_0 = arith.constant 0 : i32
    %c0_i32_1 = arith.constant 0 : i32
    return %c0_i32, %c0_i32_0 : i32, i32
  }
  func.func @transform_7(%arg0: i32) -> (i32, i32) {
    %c0_i32 = arith.constant 0 : i32
    %c0_i32_0 = arith.constant 0 : i32
    return %arg0, %c0_i32 : i32, i32
  }
}

</mosaic_0001>

<sc_bundles>
// kernel: kernel.23.cloned.1.call-start
scs
__scs_entry_jumppad:
0x0: {  	(pc) =	sbr.rel $0x88, $3  }
0x1: {  	(tag) =	ssettag $0x0;
	lr =	simm.s32 $0x1  }
0x2: {  	[smem:$0x3F9C] =	sst lr;
	_ =	strace $0xD0000000  }
0x3: {  	_ = 	snop  }
0x4: {  	_ = 	snop  }
0x5: {  	_ = 	snop  }
0x6: {  	_ = 	snop  }
0x7: {  	_ = 	snop  }
__scs_overlays_trampoline_lowered:
0x8: {  	[smem:$0x3FAB] =	sst s0  }
0x9: {  	[smem:$0x3FAC] =	sst s1  }
0xa: {  	[smem:$0x3FAD] =	sst s2  }
0xb: {  	[smem:$0x3FAE] =	sst s3  }
0xc: {  	[smem:$0x3FAF] =	sst s4  }
0xd: {  	[smem:$0x3FB0] =	sst s5  }
0xe: {  	[smem:$0x3FB1] =	sst s6  }
0xf: {  	[smem:$0x3FB2] =	sst s7  }
0x10: {  	[smem:$0x3FB3] =	sst s8  }
0x11: {  	[smem:$0x3FB4] =	sst s9;
	s0 =	simm.s32 @!p0 $0x0  }
0x12: {  	s1 =	sld [smem:$0x3F9A];
	s0 =	simm.s32 @p0 $0x1  }
0x13: {  	[smem:$0x3FB5] =	sst s0;
	s0 =	simm.s32 @!p1 $0x0  }
0x14: {  	s2 =	sld [smem:$0x3F99];
	s0 =	simm.s32 @p1 $0x1  }
0x15: {  	[smem:$0x3FB6] =	sst s0;
	s0 =	simm.s32 @!p2 $0x0  }
0x16: {  	s3 =	sld [smem:$0x3FDB];
	s0 =	simm.s32 @p2 $0x1  }
0x17: {  	s4 =	simm.s32 $0x1BF5;
	[smem:$0x3FB8] =	sst s0  }
0x18: {  	s0 =	sld [smem:$0x3F9B];
	_ =	swait.ge [sflag:s4], $0x0  }
0x19: {  	s7 =	sld [smem:$0x3F9C]  }
0x1a: {  	s8 =	sadd.s32 $0xFFFFE003, lr  }
0x1b: {  	s9 =	sadd.s32 $0xFFFFFEF7, lr;
	s5 =	simm.s32 $0xFFFFFFFF;
	p2 =	slt.u32 s8, $0xFFFFF086  }
0x1c: {  	p1 =	slt.u32 s9, $0xF7A;
	s5 =	simm.s32 @!p2 $0x0  }
0x1d: {  	s5 =	simm.s32 @p1 $0x1;
	p0 =	seq.s32 s7, s2  }
0x1e: {  	s7 =	smul.u32 @!p0 $0xF7A, s2;
	p2 =	seq.s32 @!p0 s5, $0x0  }
0x1f: {  	s9 =	smul.u32 $0xF7A, s1;
	s8 =	simm.s32 @!p0 $0x1BF5;
	p2 =	por !p2, p0  }
0x20: {  	[sflag:s8] =	ssyncset.s32 @!p0 $0xFFFFF086;
	s6 =	sadd.s32 @!p0 s3, s7;
	s7 =	simm.s32 @!p0 $0x108  }
0x21: {  	s3 =	sadd.s32 s3, s9;
	s6 =	sadd.s32 @!p0 $0x88, s6;
	s7 =	simm.s32 @p2 $0x1082  }
0x22: {  	[simem:s7], [sflag:s8] =	dma.local @!p0 [hbm:s6], $0xF7A  }
0x23: {  	s9 =	sor.u32 $0xD0000000, s2;
	s6 =	simm.s32 $0x108;
	_ =	swait.ge @!p0 [sflag:s8], $0x0  }
0x24: {  	s3 =	sadd.s32 $0x88, s3;
	s6 =	simm.s32 @!p1 $0x1082;
	[sflag:s4] =	ssyncset.s32 $0xFFFFF086  }
0x25: {  	[simem:s6], [sflag:s4] =	dma.local [hbm:s3], $0xF7A  }
0x26: {  	[smem:$0x3F9C] =	sst s1;
	(tag) =	ssettag s2;
	_ =	strace s9  }
0x27: {  	s1 =	sld [smem:$0x3FAC]  }
0x28: {  	s2 =	sld [smem:$0x3FAD]  }
0x29: {  	s4 =	sld [smem:$0x3FAF]  }
0x2a: {  	p0 =	seq.s32 s5, $0x0;
	s5 =	sld [smem:$0x3FB0]  }
0x2b: {  	s6 =	sld [smem:$0x3FB1]  }
0x2c: {  	s7 =	sld [smem:$0x3FB2]  }
0x2d: {  	s3 =	simm.s32 $0x108;
	s8 =	sld [smem:$0x3FB3]  }
0x2e: {  	s3 =	simm.s32 @!p0 $0x1082;
	s9 =	sld [smem:$0x3FB4]  }
0x2f: {  	lr =	sadd.s32 s0, s3;
	s0 =	sld [smem:$0x3FAB]  }
0x30: {  	s3 =	sld [smem:$0x3FAE]  }
0x31: {  	[smem:$0x3FB7] =	sst s10  }
0x32: {  	s10 =	sld [smem:$0x3FB5];
	_ =	sdelay $0x3  }
0x33: {  	p0 =	seq.s32 s10, $0x1;
	s10 =	sld [smem:$0x3FB7];
	_ =	sdelay $0x3  }
0x34: {  	[smem:$0x3FB7] =	sst s10  }
0x35: {  	s10 =	sld [smem:$0x3FB6];
	_ =	sdelay $0x3  }
0x36: {  	p1 =	seq.s32 s10, $0x1;
	s10 =	sld [smem:$0x3FB7];
	_ =	sdelay $0x3  }
0x37: {  	[smem:$0x3FB7] =	sst s10  }
0x38: {  	s10 =	sld [smem:$0x3FB8]  }
0x39: {  	_ = 	snop;
	(pc) =	sbr.ind lr, $3  }
0x3a: {  	_ = 	snop  }
0x3b: {  	_ = 	snop  }
0x3c: {  	p2 =	seq.s32 s10, $0x1;
	s10 =	sld [smem:$0x3FB7]  }
0x3d: {  	_ =	shalt  }
0x3e: {  	_ =	shalt  }
0x3f: {  	_ =	shalt  }
0x40: {  	_ =	shalt  }
0x41: {  	_ =	shalt  }
0x42: {  	_ =	shalt  }
0x43: {  	_ =	shalt  }
0x44: {  	_ =	shalt  }
0x45: {  	_ =	shalt  }
0x46: {  	_ =	shalt  }
0x47: {  	_ =	shalt  }
0x48: {  	_ =	shalt  }
0x49: {  	_ =	shalt  }
0x4a: {  	_ =	shalt  }
0x4b: {  	_ =	shalt  }
0x4c: {  	_ =	shalt  }
0x4d: {  	_ =	shalt  }
0x4e: {  	_ =	shalt  }
0x4f: {  	_ =	shalt  }
0x50: {  	_ =	shalt  }
0x51: {  	_ =	shalt  }
0x52: {  	_ =	shalt  }
0x53: {  	_ =	shalt  }
0x54: {  	_ =	shalt  }
0x55: {  	_ =	shalt  }
0x56: {  	_ =	shalt  }
0x57: {  	_ =	shalt  }
0x58: {  	_ =	shalt  }
0x59: {  	_ =	shalt  }
0x5a: {  	_ =	shalt  }
0x5b: {  	_ =	shalt  }
0x5c: {  	_ =	shalt  }
0x5d: {  	_ =	shalt  }
0x5e: {  	_ =	shalt  }
0x5f: {  	_ =	shalt  }
0x60: {  	_ =	shalt  }
0x61: {  	_ =	shalt  }
0x62: {  	_ =	shalt  }
0x63: {  	_ =	shalt  }
0x64: {  	_ =	shalt  }
0x65: {  	_ =	shalt  }
0x66: {  	_ =	shalt  }
0x67: {  	_ =	shalt  }
0x68: {  	_ =	shalt  }
0x69: {  	_ =	shalt  }
0x6a: {  	_ =	shalt  }
0x6b: {  	_ =	shalt  }
0x6c: {  	_ =	shalt  }
0x6d: {  	_ =	shalt  }
0x6e: {  	_ =	shalt  }
0x6f: {  	_ =	shalt  }
0x70: {  	_ =	shalt  }
0x71: {  	_ =	shalt  }
0x72: {  	_ =	shalt  }
0x73: {  	_ =	shalt  }
0x74: {  	_ =	shalt  }
0x75: {  	_ =	shalt  }
0x76: {  	_ =	shalt  }
0x77: {  	_ =	shalt  }
0x78: {  	_ =	shalt  }
0x79: {  	_ =	shalt  }
0x7a: {  	_ =	shalt  }
0x7b: {  	_ =	shalt  }
0x7c: {  	_ =	shalt  }
0x7d: {  	_ =	shalt  }
0x7e: {  	_ =	shalt  }
0x7f: {  	_ =	shalt  }
0x80: {  	_ =	shalt  }
0x81: {  	_ =	shalt  }
0x82: {  	_ =	shalt  }
0x83: {  	_ =	shalt  }
0x84: {  	_ =	shalt  }
0x85: {  	_ =	shalt  }
0x86: {  	_ =	shalt  }
0x87: {  	_ =	shalt  }
.Lfunc_end0:
.L_simem_size_0:
called_computation_lowered:
.L_overlay_start_0:
0x88: {  	s2 =	sld [smem:$0x3FD9]  }
0x89: {  	s3 =	sld [smem:$0x3FFE];
	_ =	sdelay $0x1  }
0x8a: {  	s1 =	srdreg.scid  }
0x8b: {  	s0 =	sand.u32 $0x1, s1  }
0x8c: {  	s17 =	sshll.u32 s0, $0xA;
	s2 =	sadd.s32 s3, s2  }
0x8d: {  	s2 =	sadd.s32 s2, s17  }
0x8e: {  	[smem:$0x3FC3] =	sst s2  }
0x8f: {  	_ = 	snop  }
0x90: {  	s2 =	sld [smem:$0x3FD0];
	(tm) =	ssettm $0x1  }
0x91: {  	s18 =	sld [smem:$0x3FFB];
	_ =	sdelay $0x3  }
0x92: {  	_ =	strace s18  }
0x93: {  	s3 =	sld [smem:$0x3FFC];
	_ =	sdelay $0x3  }
0x94: {  	_ =	strace s3  }
0x95: {  	s3 =	sld [smem:$0x3FFD];
	_ =	sdelay $0x3  }
0x96: {  	_ =	strace s3  }
0x97: {  	_ =	strace $0x8FFFFFFF  }
0x98: {  	s19 =	sld [smem:$0x3FDB];
	_ =	sdelay $0x1  }
0x99: {  	s4 =	simm.s32 $_scs_section_size  }
0x9a: {  	s5 =	simm.s32 $_size__tile_overlayer_lowered;
	s6 =	simm.s32 $_tile_overlayer_lowered  }
0x9b: {  	s22 =	simm.s32 $0x1BFF;
	s21 =	sshll.u32 s6, $0x1;
	s3 =	sadd.s32 s4, s19  }
0x9c: {  	s7 =	simm.s32 $0x0;
	s20 =	sshll.u32 s5, $0x1;
	s5 =	sadd.s32 s21, s3  }
0x9d: {  	[timem:s7], [sflag:s22] =	dma.local [hbm:s5], s20  }
0x9e: {  	_ =	swait.ge [sflag:s22], s20  }
0x9f: {  	s4 =	ssub.s32 $0x0, s20;
	[sflag:s22] =	ssyncset.done $0x0  }
0xa0: {  	[sflag:s22] =	ssyncadd.s32 s4;
	_ =	sdelay $0x1  }
0xa1: {  	s23 =	simm.s32 $0x1B8B  }
0xa2: {  	_ =	swait.ge [sflag:s23], $0x1  }
0xa3: {  	[sflag:s23] =	ssyncset.done $0x0  }
0xa4: {  	s25 =	simm.s32 $0x1B8E;
	s24 =	sld [smem:$0x3FFE];
	[sflag:s23] =	ssyncadd.s32 $0xFFFFFFFF  }
0xa5: {  	s26 =	simm.s32 $execute0_lowered;
	[smem:$0x3FD2] =	sst s25  }
0xa6: {  	s5 =	sshll.u32 s26, $0x1;
	_ =	strace $0x80000046;
	[dreg:$0x1] =	wrdreg $0xFFFFFFFF  }
0xa7: {  	s28 =	simm.s32 $_size_execute0_lowered;
	s3 =	sadd.s32 s3, s5;
	[dreg:$0x0] =	wrdreg $0x0  }
0xa8: {  	s5 =	sshll.u32 s28, $0x1;
	[dreg:$0x2] =	wrdreg s3  }
0xa9: {  	[dreg:$0x3] =	wrdreg s5  }
0xaa: {  	[dreg:$0x4] =	wrdreg $0xC0  }
0xab: {  	_ =	task [dreg:s7], $0x5FFFF  }
0xac: {  	[dreg:$0x1] =	wrdreg $0xFFFFFFFF  }
0xad: {  	[dreg:$0x0] =	wrdreg $0x60  }
0xae: {  	[dreg:$0x2] =	wrdreg s24  }
0xaf: {  	[dreg:$0x3] =	wrdreg s2  }
0xb0: {  	[dreg:$0x4] =	wrdreg $0xB0000  }
0xb1: {  	[dreg:$0x5] =	wrdreg $0x9  }
0xb2: {  	_ =	task.clear_ibuf [dreg:s7], $0x6FFFF;
	_ =	strace $0x90000046  }
0xb3: {  	s29 =	simm.s32 $0x9;
	_ =	strace $0x80000048  }
0xb4: {  	_ =	swait.ge [sflag:s29], $0x1  }
0xb5: {  	[sflag:s29] =	ssyncadd.s32 $0xFFFFFFFF  }
0xb6: {  	_ =	strace $0x90000048  }
0xb7: {  	_ =	sfence  }
0xb8: {  	s30 =	sld [smem:$0x0];
	_ =	sdelay $0x2  }
0xb9: {  	s31 =	sshll.u32 s1, $0xD;
	s1 =	sshrl.u32 s1, $0x2  }
0xba: {  	s3 =	sand.u32 $0x4000, s31;
	s1 =	sadd.s32 s1, s30  }
0xbb: {  	s0 =	sor.u32 s3, s0;
	s1 =	sshll.u32 s1, $0x11  }
0xbc: {  	s0 =	sor.u32 s1, s0  }
0xbd: {  	s0 =	sadd.s32 $0x8F2B, s0  }
0xbe: {  	[sflag:s0] =	ssyncadd.remote.s32 $0x1  }
0xbf: {  	_ =	sfence.sel $0xFFFF  }
0xc0: {  	[dreg:$0x0] =	wrdreg $0xFFFFFFFF;
	(pc) =	sbr.abs _section_cstart, $3  }
0xc1: {  	[dreg:$0x1] =	wrdreg $0xFFFFFFFF  }
0xc2: {  	_ =	task.clear_ibuf [dreg:s7], $0x2FFFF;
	_ =	strace $0x9FFFFFFF  }
0xc3: {  	(tm) =	ssettm $0x7FFFFFFF  }
tec
execute0_lowered:
.L_overlay_start_1:
0x0: {  	(tag) =	ssettag $0x1  }
0x1: {  	s5 =	rddreg [dreg:$0x0]  }
0x2: {  	s6 =	rddreg [dreg:$0x1]  }
0x3: {  	s2 =	rddreg [dreg:$0x2]  }
0x4: {  	s0 =	srdreg.scid;
	s1 =	rddreg [dreg:$0x3]  }
0x5: {  	s3 =	simm.s32 $0x0;
	s19 =	simm.s32 $0x2;
	s7 =	sand.u32 $0x1, s0  }
0x6: {  	s20 =	simm.s32 $0x2800;
	s0 =	stileid.u32;
	s4 =	smul.u32 $0x28000, s7  }
0x7: {  	s21 =	simm.s32 $0x9000;
	s22 =	simm.s32 $0x80;
	s8 =	smul.u32 $0x2800, s0  }
0x8: {  	s23 =	simm.s32 $0x5000;
	s24 =	simm.s32 $0x1;
	s9 =	smul.u32 $0x140000, s7  }
0x9: {  	s25 =	simm.s32 $0x0;
	[smem:$0x7FF] =	sst s3;
	s10 =	smul.u32 $0x14000, s0  }
0xa: {  	_ =	strace $0x80000047;
	s7 =	ssub.s32 $0x2, s7;
	s30 =	smul.u32 $0x50000, s0  }
0xb: {  	s12 =	sshrl.u32 s7, $0x1;
	s8 =	sadd.s32 s8, s4;
	s4 =	sadd.s32 $0x11E00, s5  }
0xc: {  	s9 =	sadd.s32 s10, s9;
	s12 =	ssub.s32 s7, s12;
	s31 =	sshrl.u32 s30, $0x2  }
0xd: {  	s8 =	sshrl.u32 s8, $0x3;
	s9 =	sshrl.u32 s9, $0x3;
	s7 =	sadd.s32 s31, s2  }
0xe: {  	s11 =	sadd.s32 s8, s5;
	s9 =	sadd.s32 s9, s5;
	s5 =	sadd.s32 s6, s8  }
0xf: {  	s10 =	sadd.s32 $0x2000, s7;
	s13 =	sadd.s32 $0x8000, s7;
	s14 =	sadd.s32 $0xA000, s7  }
0x10: {  	s15 =	sadd.s32 $0xC000, s7;
	s16 =	sadd.s32 $0xE000, s7;
	s17 =	sadd.s32 $0x10000, s7  }
0x11: {  	s18 =	sadd.s32 $0x12000, s7;
	s6 =	sadd.s32 $0x7E00, s11;
	s8 =	sadd.s32 $0x39E00, s9  }
0x12: {  	v0 =	vimm.f32 $0.0e+00;
	s9 =	smax.u32 s12, $0x1;
	s11 =	sadd.s32 $0x4000, s7;
	s12 =	sadd.s32 $0x6000, s7  }
.LBB2_1:
0x13: {  	[tilespmem:s3], [sflag:$0x2] =	stream.linear.gather [hbm4b:s5+s3], $0x2780, $0x38;
	[tilespmem:$0x1F000] =	vst v63  }
0x14: {  	_ =	swait.ge [sflag:s19], $0x2780  }
0x15: {  	[sflag:s19] =	ssyncset.done $0x0  }
0x16: {  	[sflag:s19] =	ssyncadd.s32 $0xFFFFD880  }
0x17: {  	[tilespmem:s20], [sflag:$0x2] =	stream.linear.gather [hbm4b:s6+s3], $0x2780, $0x38;
	[tilespmem:$0x1F000] =	vst v63  }
0x18: {  	_ =	swait.ge [sflag:s19], $0x2780  }
0x19: {  	[sflag:s19] =	ssyncset.done $0x0  }
0x1a: {  	s26 =	simm.s32 $0x0;
	s28 =	simm.s32 $0x200;
	[sflag:s19] =	ssyncadd.s32 $0xFFFFD880  }
.LBB2_2:
0x1b: {  	p0 =	sne.s32 s28, $0x7E00;
	[tilespmem:s26+$0x9070] =	vst v0  }
0x1c: {  	[tilespmem:s26+$0x9000] =	vst v0  }
0x1d: {  	[tilespmem:s26+$0x9010] =	vst v0  }
.Ltmp0:
0x1e: {  	[tilespmem:s26+$0x9020] =	vst v0;
	(pc) =	sbr.rel @p0 .LBB2_2-.Ltmp0, $4  }
0x1f: {  	[tilespmem:s26+$0x9030] =	vst v0  }
0x20: {  	[tilespmem:s26+$0x9040] =	vst v0  }
0x21: {  	[tilespmem:s26+$0x9050] =	vst v0  }
0x22: {  	[tilespmem:s26+$0x9060] =	vst v0;
	s26 =	sshra.s32 s28, $0x2;
	s28 =	sadd.s32 $0x200, s28  }
0x23: {  	[tilespmem:s26+$0x9070] =	vst v0  }
0x24: {  	[tilespmem:s26+$0x9000] =	vst v0  }
0x25: {  	[tilespmem:s26+$0x9010] =	vst v0  }
0x26: {  	[tilespmem:s26+$0x9020] =	vst v0  }
0x27: {  	[tilespmem:s26+$0x9030] =	vst v0  }
0x28: {  	[tilespmem:s26+$0x9040] =	vst v0  }
0x29: {  	[tilespmem:s26+$0x9050] =	vst v0  }
0x2a: {  	[tilespmem:s26+$0x9060] =	vst v0  }
0x2b: {  	[spmem:s7] =	stream.linear.scatter [tilespmem:s21], [sflag:$0x2], $0x2000, $0x38;
	[tilespmem:$0x1F000] =	vst v63  }
0x2c: {  	_ =	swait.ge [sflag:s19], $0x2000  }
0x2d: {  	[sflag:s19] =	ssyncset.done $0x0  }
0x2e: {  	[sflag:s19] =	ssyncadd.s32 $0xFFFFE000  }
0x2f: {  	[spmem:s10] =	stream.linear.scatter [tilespmem:s21], [sflag:$0x2], $0x2000, $0x38;
	[tilespmem:$0x1F000] =	vst v63  }
0x30: {  	_ =	swait.ge [sflag:s19], $0x2000  }
0x31: {  	[sflag:s19] =	ssyncset.done $0x0  }
0x32: {  	[sflag:s19] =	ssyncadd.s32 $0xFFFFE000  }
0x33: {  	[spmem:s11] =	stream.linear.scatter [tilespmem:s21], [sflag:$0x2], $0x2000, $0x38;
	[tilespmem:$0x1F000] =	vst v63  }
0x34: {  	_ =	swait.ge [sflag:s19], $0x2000  }
0x35: {  	[sflag:s19] =	ssyncset.done $0x0  }
0x36: {  	[sflag:s19] =	ssyncadd.s32 $0xFFFFE000  }
0x37: {  	[spmem:s12] =	stream.linear.scatter [tilespmem:s21], [sflag:$0x2], $0x2000, $0x38;
	[tilespmem:$0x1F000] =	vst v63  }
0x38: {  	_ =	swait.ge [sflag:s19], $0x2000  }
0x39: {  	[sflag:s19] =	ssyncset.done $0x0  }
0x3a: {  	[sflag:s19] =	ssyncadd.s32 $0xFFFFE000  }
0x3b: {  	[spmem:s13] =	stream.linear.scatter [tilespmem:s21], [sflag:$0x2], $0x2000, $0x38;
	[tilespmem:$0x1F000] =	vst v63  }
0x3c: {  	_ =	swait.ge [sflag:s19], $0x2000  }
0x3d: {  	[sflag:s19] =	ssyncset.done $0x0  }
0x3e: {  	[sflag:s19] =	ssyncadd.s32 $0xFFFFE000  }
0x3f: {  	[spmem:s14] =	stream.linear.scatter [tilespmem:s21], [sflag:$0x2], $0x2000, $0x38;
	[tilespmem:$0x1F000] =	vst v63  }
0x40: {  	_ =	swait.ge [sflag:s19], $0x2000  }
0x41: {  	[sflag:s19] =	ssyncset.done $0x0  }
0x42: {  	[sflag:s19] =	ssyncadd.s32 $0xFFFFE000  }
0x43: {  	[spmem:s15] =	stream.linear.scatter [tilespmem:s21], [sflag:$0x2], $0x2000, $0x38;
	[tilespmem:$0x1F000] =	vst v63  }
0x44: {  	_ =	swait.ge [sflag:s19], $0x2000  }
0x45: {  	[sflag:s19] =	ssyncset.done $0x0  }
0x46: {  	[sflag:s19] =	ssyncadd.s32 $0xFFFFE000  }
0x47: {  	[spmem:s16] =	stream.linear.scatter [tilespmem:s21], [sflag:$0x2], $0x2000, $0x38;
	[tilespmem:$0x1F000] =	vst v63  }
0x48: {  	_ =	swait.ge [sflag:s19], $0x2000  }
0x49: {  	[sflag:s19] =	ssyncset.done $0x0  }
0x4a: {  	[sflag:s19] =	ssyncadd.s32 $0xFFFFE000  }
0x4b: {  	[spmem:s17] =	stream.linear.scatter [tilespmem:s21], [sflag:$0x2], $0x2000, $0x38;
	[tilespmem:$0x1F000] =	vst v63  }
0x4c: {  	_ =	swait.ge [sflag:s19], $0x2000  }
0x4d: {  	[sflag:s19] =	ssyncset.done $0x0  }
0x4e: {  	[sflag:s19] =	ssyncadd.s32 $0xFFFFE000  }
0x4f: {  	[spmem:s18] =	stream.linear.scatter [tilespmem:s21], [sflag:$0x2], $0x2000, $0x38;
	[tilespmem:$0x1F000] =	vst v63  }
0x50: {  	_ =	swait.ge [sflag:s19], $0x2000  }
0x51: {  	[sflag:s19] =	ssyncset.done $0x0  }
0x52: {  	[sflag:s19] =	ssyncadd.s32 $0xFFFFE000  }
0x53: {  	s30 =	simm.s32 $0x0;
	[bflag:$0x0] =	sbarrier.arrive $0xFFFF  }
0x54: {  	[tilespmem:s23], [sflag:$0x1] =	stream.indirect.gather [hbm4b:s4+s22], $0x80, s30, s22, $0xb8;
	[tilespmem:$0x1F000] =	vst v63  }
0x55: {  	_ =	swait.ge [sflag:s24], $0x4000  }
0x56: {  	[sflag:s24] =	ssyncset.done $0x0  }
0x57: {  	s31 =	simm.s32 $0x2800;
	[sflag:s24] =	ssyncadd.s32 $0xFFFFC000  }
0x58: {  	[spmem:s2] =	stream.indirect.scatter.add.f32 [tilespmem:s23], [sflag:$0x2], $0x80, s31, s22, $0xb8;
	[tilespmem:$0x1F000] =	vst v63  }
0x59: {  	_ =	swait.ge [sflag:s19], $0x4000  }
0x5a: {  	s26 =	simm.s32 $0x200;
	s28 =	simm.s32 $0x400;
	[sflag:s19] =	ssyncset.done $0x0  }
.LBB2_4:
0x5b: {  	s29 =	sshra.s32 s26, $0x2  }
0x5c: {  	[sflag:s19] =	ssyncadd.s32 $0xFFFFC000;
	s26 =	smov.u32 s28;
	s30 =	sadd.s32 $0x200, s28  }
0x5d: {  	[tilespmem:s23], [sflag:$0x1] =	stream.indirect.gather [hbm4b:s4+s22], $0x80, s29, s22, $0xb8;
	[tilespmem:$0x1F000] =	vst v63  }
0x5e: {  	p0 =	sne.s32 s28, $0x9C00;
	_ =	swait.ge [sflag:s24], $0x4000  }
.Ltmp1:
0x5f: {  	[sflag:s24] =	ssyncset.done $0x0;
	(pc) =	sbr.rel @p0 .LBB2_4-.Ltmp1, $4  }
0x60: {  	s28 =	sadd.s32 $0x2800, s29;
	[sflag:s24] =	ssyncadd.s32 $0xFFFFC000  }
0x61: {  	[spmem:s2] =	stream.indirect.scatter.add.f32 [tilespmem:s23], [sflag:$0x2], $0x80, s28, s22, $0xb8;
	[tilespmem:$0x1F000] =	vst v63  }
0x62: {  	_ =	swait.ge [sflag:s19], $0x4000  }
0x63: {  	s28 =	smov.u32 s30;
	[sflag:s19] =	ssyncset.done $0x0  }
0x64: {  	s26 =	sshra.s32 s26, $0x2;
	[sflag:s19] =	ssyncadd.s32 $0xFFFFC000  }
0x65: {  	[tilespmem:s23], [sflag:$0x1] =	stream.indirect.gather [hbm4b:s4+s22], $0x80, s26, s22, $0xb8;
	[tilespmem:$0x1F000] =	vst v63  }
0x66: {  	_ =	swait.ge [sflag:s24], $0x4000  }
0x67: {  	[sflag:s24] =	ssyncset.done $0x0  }
0x68: {  	s26 =	sadd.s32 $0x2800, s26;
	[sflag:s24] =	ssyncadd.s32 $0xFFFFC000  }
0x69: {  	[spmem:s2] =	stream.indirect.scatter.add.f32 [tilespmem:s23], [sflag:$0x2], $0x80, s26, s22, $0xb8;
	[tilespmem:$0x1F000] =	vst v63  }
0x6a: {  	_ =	swait.ge [sflag:s19], $0x4000  }
0x6b: {  	s31 =	sshll.u32 s0, $0x6;
	s25 =	sadd.s32 $0x1, s25;
	[sflag:s19] =	ssyncset.done $0x0  }
0x6c: {  	s28 =	sshrl.u32 s7, $0x3;
	p0 =	sne.s32 s25, s9;
	[sflag:s19] =	ssyncadd.s32 $0xFFFFC000  }
.Ltmp2:
0x6d: {  	s26 =	sor.u32 $0x1C02, s31;
	[bflag:$0x0] =	sbarrier.arrive $0xFFFF;
	(pc) =	sbr.rel @p0 .LBB2_1-.Ltmp2, $4  }
0x6e: {  	[hbm:s8], [sflag:s26] =	dma.local [spmem:s28], $0x2800  }
0x6f: {  	_ =	swait.ge [sflag:s19], $0x2800  }
0x70: {  	[sflag:s19] =	ssyncset.done $0x0  }
0x71: {  	[sflag:s19] =	ssyncadd.s32 $0xFFFFD800  }
0x72: {  	_ =	sfence.sel $0x180000  }
0x73: {  	[bflag:$0x0] =	sbarrier.arrive $0xFFFF  }
0x74: {  	p0 =	sne.s32 s0, $0x0;
	_ =	strace $0x90000047  }
0x75: {  	s0 =	sadd.s32 @!p0 $0x100000, s1;
	[bflag:$0x2] =	sbarrier.arrive $0xFFFF  }
0x76: {  	[sflag:s0] =	ssyncadd.tile.s32 @!p0 $0x1;
	_ =	shalt  }
.Lfunc_end2:
_tile_overlayer_lowered:
.L_overlay_start_2:
0x77: {  	(tag) =	ssettag $0x2  }
0x78: {  	s0 =	rddreg [dreg:$0x0];
	s2 =	stileid.u32  }
0x79: {  	s1 =	rddreg [dreg:$0x1];
	p0 =	sne.s32 s2, $0x0  }
0x7a: {  	s3 =	rddreg [dreg:$0x2];
	[bflag:$0x3] =	sbarrier.arrive $0xFFFF;
	s2 =	simm.s32 @!p0 $0x1C02  }
0x7b: {  	[timem:s3], [sflag:s2] =	dma.local @!p0 [hbm:s0], s1  }
0x7c: {  	s0 =	simm.s32 @!p0 $0x2  }
0x7d: {  	_ =	swait.ge @!p0 [sflag:s0], s1  }
0x7e: {  	s1 =	ssub.s32 @!p0 $0x0, s1;
	[sflag:s0] =	ssyncset.done @!p0 $0x0  }
0x7f: {  	[sflag:s0] =	ssyncadd.s32 @!p0 s1  }
0x80: {  	[bflag:$0x3] =	sbarrier.arrive $0xFFFF  }
0x81: {  	_ =	shalt  }

// kernel: kernel.26.cloned.1.call-start
scs
__scs_entry_jumppad:
0x0: {  	(pc) =	sbr.rel $0x88, $3  }
0x1: {  	(tag) =	ssettag $0x0;
	lr =	simm.s32 $0x1  }
0x2: {  	[smem:$0x3F9C] =	sst lr;
	_ =	strace $0xD0000000  }
0x3: {  	_ = 	snop  }
0x4: {  	_ = 	snop  }
0x5: {  	_ = 	snop  }
0x6: {  	_ = 	snop  }
0x7: {  	_ = 	snop  }
__scs_overlays_trampoline_lowered:
0x8: {  	[smem:$0x3FAB] =	sst s0  }
0x9: {  	[smem:$0x3FAC] =	sst s1  }
0xa: {  	[smem:$0x3FAD] =	sst s2  }
0xb: {  	[smem:$0x3FAE] =	sst s3  }
0xc: {  	[smem:$0x3FAF] =	sst s4  }
0xd: {  	[smem:$0x3FB0] =	sst s5  }
0xe: {  	[smem:$0x3FB1] =	sst s6  }
0xf: {  	[smem:$0x3FB2] =	sst s7  }
0x10: {  	[smem:$0x3FB3] =	sst s8  }
0x11: {  	[smem:$0x3FB4] =	sst s9;
	s0 =	simm.s32 @!p0 $0x0  }
0x12: {  	s1 =	sld [smem:$0x3F9A];
	s0 =	simm.s32 @p0 $0x1  }
0x13: {  	[smem:$0x3FB5] =	sst s0;
	s0 =	simm.s32 @!p1 $0x0  }
0x14: {  	s2 =	sld [smem:$0x3F99];
	s0 =	simm.s32 @p1 $0x1  }
0x15: {  	[smem:$0x3FB6] =	sst s0;
	s0 =	simm.s32 @!p2 $0x0  }
0x16: {  	s3 =	sld [smem:$0x3FDB];
	s0 =	simm.s32 @p2 $0x1  }
0x17: {  	s4 =	simm.s32 $0x1BF5;
	[smem:$0x3FB8] =	sst s0  }
0x18: {  	s0 =	sld [smem:$0x3F9B];
	_ =	swait.ge [sflag:s4], $0x0  }
0x19: {  	s7 =	sld [smem:$0x3F9C]  }
0x1a: {  	s8 =	sadd.s32 $0xFFFFE003, lr  }
0x1b: {  	s9 =	sadd.s32 $0xFFFFFEF7, lr;
	s5 =	simm.s32 $0xFFFFFFFF;
	p2 =	slt.u32 s8, $0xFFFFF086  }
0x1c: {  	p1 =	slt.u32 s9, $0xF7A;
	s5 =	simm.s32 @!p2 $0x0  }
0x1d: {  	s5 =	simm.s32 @p1 $0x1;
	p0 =	seq.s32 s7, s2  }
0x1e: {  	s7 =	smul.u32 @!p0 $0xF7A, s2;
	p2 =	seq.s32 @!p0 s5, $0x0  }
0x1f: {  	s9 =	smul.u32 $0xF7A, s1;
	s8 =	simm.s32 @!p0 $0x1BF5;
	p2 =	por !p2, p0  }
0x20: {  	[sflag:s8] =	ssyncset.s32 @!p0 $0xFFFFF086;
	s6 =	sadd.s32 @!p0 s3, s7;
	s7 =	simm.s32 @!p0 $0x108  }
0x21: {  	s3 =	sadd.s32 s3, s9;
	s6 =	sadd.s32 @!p0 $0x88, s6;
	s7 =	simm.s32 @p2 $0x1082  }
0x22: {  	[simem:s7], [sflag:s8] =	dma.local @!p0 [hbm:s6], $0xF7A  }
0x23: {  	s9 =	sor.u32 $0xD0000000, s2;
	s6 =	simm.s32 $0x108;
	_ =	swait.ge @!p0 [sflag:s8], $0x0  }
0x24: {  	s3 =	sadd.s32 $0x88, s3;
	s6 =	simm.s32 @!p1 $0x1082;
	[sflag:s4] =	ssyncset.s32 $0xFFFFF086  }
0x25: {  	[simem:s6], [sflag:s4] =	dma.local [hbm:s3], $0xF7A  }
0x26: {  	[smem:$0x3F9C] =	sst s1;
	(tag) =	ssettag s2;
	_ =	strace s9  }
0x27: {  	s1 =	sld [smem:$0x3FAC]  }
0x28: {  	s2 =	sld [smem:$0x3FAD]  }
0x29: {  	s4 =	sld [smem:$0x3FAF]  }
0x2a: {  	p0 =	seq.s32 s5, $0x0;
	s5 =	sld [smem:$0x3FB0]  }
0x2b: {  	s6 =	sld [smem:$0x3FB1]  }
0x2c: {  	s7 =	sld [smem:$0x3FB2]  }
0x2d: {  	s3 =	simm.s32 $0x108;
	s8 =	sld [smem:$0x3FB3]  }
0x2e: {  	s3 =	simm.s32 @!p0 $0x1082;
	s9 =	sld [smem:$0x3FB4]  }
0x2f: {  	lr =	sadd.s32 s0, s3;
	s0 =	sld [smem:$0x3FAB]  }
0x30: {  	s3 =	sld [smem:$0x3FAE]  }
0x31: {  	[smem:$0x3FB7] =	sst s10  }
0x32: {  	s10 =	sld [smem:$0x3FB5];
	_ =	sdelay $0x3  }
0x33: {  	p0 =	seq.s32 s10, $0x1;
	s10 =	sld [smem:$0x3FB7];
	_ =	sdelay $0x3  }
0x34: {  	[smem:$0x3FB7] =	sst s10  }
0x35: {  	s10 =	sld [smem:$0x3FB6];
	_ =	sdelay $0x3  }
0x36: {  	p1 =	seq.s32 s10, $0x1;
	s10 =	sld [smem:$0x3FB7];
	_ =	sdelay $0x3  }
0x37: {  	[smem:$0x3FB7] =	sst s10  }
0x38: {  	s10 =	sld [smem:$0x3FB8]  }
0x39: {  	_ = 	snop;
	(pc) =	sbr.ind lr, $3  }
0x3a: {  	_ = 	snop  }
0x3b: {  	_ = 	snop  }
0x3c: {  	p2 =	seq.s32 s10, $0x1;
	s10 =	sld [smem:$0x3FB7]  }
0x3d: {  	_ =	shalt  }
0x3e: {  	_ =	shalt  }
0x3f: {  	_ =	shalt  }
0x40: {  	_ =	shalt  }
0x41: {  	_ =	shalt  }
0x42: {  	_ =	shalt  }
0x43: {  	_ =	shalt  }
0x44: {  	_ =	shalt  }
0x45: {  	_ =	shalt  }
0x46: {  	_ =	shalt  }
0x47: {  	_ =	shalt  }
0x48: {  	_ =	shalt  }
0x49: {  	_ =	shalt  }
0x4a: {  	_ =	shalt  }
0x4b: {  	_ =	shalt  }
0x4c: {  	_ =	shalt  }
0x4d: {  	_ =	shalt  }
0x4e: {  	_ =	shalt  }
0x4f: {  	_ =	shalt  }
0x50: {  	_ =	shalt  }
0x51: {  	_ =	shalt  }
0x52: {  	_ =	shalt  }
0x53: {  	_ =	shalt  }
0x54: {  	_ =	shalt  }
0x55: {  	_ =	shalt  }
0x56: {  	_ =	shalt  }
0x57: {  	_ =	shalt  }
0x58: {  	_ =	shalt  }
0x59: {  	_ =	shalt  }
0x5a: {  	_ =	shalt  }
0x5b: {  	_ =	shalt  }
0x5c: {  	_ =	shalt  }
0x5d: {  	_ =	shalt  }
0x5e: {  	_ =	shalt  }
0x5f: {  	_ =	shalt  }
0x60: {  	_ =	shalt  }
0x61: {  	_ =	shalt  }
0x62: {  	_ =	shalt  }
0x63: {  	_ =	shalt  }
0x64: {  	_ =	shalt  }
0x65: {  	_ =	shalt  }
0x66: {  	_ =	shalt  }
0x67: {  	_ =	shalt  }
0x68: {  	_ =	shalt  }
0x69: {  	_ =	shalt  }
0x6a: {  	_ =	shalt  }
0x6b: {  	_ =	shalt  }
0x6c: {  	_ =	shalt  }
0x6d: {  	_ =	shalt  }
0x6e: {  	_ =	shalt  }
0x6f: {  	_ =	shalt  }
0x70: {  	_ =	shalt  }
0x71: {  	_ =	shalt  }
0x72: {  	_ =	shalt  }
0x73: {  	_ =	shalt  }
0x74: {  	_ =	shalt  }
0x75: {  	_ =	shalt  }
0x76: {  	_ =	shalt  }
0x77: {  	_ =	shalt  }
0x78: {  	_ =	shalt  }
0x79: {  	_ =	shalt  }
0x7a: {  	_ =	shalt  }
0x7b: {  	_ =	shalt  }
0x7c: {  	_ =	shalt  }
0x7d: {  	_ =	shalt  }
0x7e: {  	_ =	shalt  }
0x7f: {  	_ =	shalt  }
0x80: {  	_ =	shalt  }
0x81: {  	_ =	shalt  }
0x82: {  	_ =	shalt  }
0x83: {  	_ =	shalt  }
0x84: {  	_ =	shalt  }
0x85: {  	_ =	shalt  }
0x86: {  	_ =	shalt  }
0x87: {  	_ =	shalt  }
.Lfunc_end0:
.L_simem_size_0:
called_computation.1_lowered:
.L_overlay_start_0:
0x88: {  	s2 =	sld [smem:$0x3FD9]  }
0x89: {  	s3 =	sld [smem:$0x3FFE];
	_ =	sdelay $0x1  }
0x8a: {  	s1 =	srdreg.scid  }
0x8b: {  	s0 =	sand.u32 $0x1, s1  }
0x8c: {  	s17 =	sshll.u32 s0, $0xA;
	s2 =	sadd.s32 s3, s2  }
0x8d: {  	s2 =	sadd.s32 s2, s17  }
0x8e: {  	[smem:$0x3FC3] =	sst s2  }
0x8f: {  	_ = 	snop  }
0x90: {  	s2 =	sld [smem:$0x3FD0];
	(tm) =	ssettm $0x1  }
0x91: {  	s18 =	sld [smem:$0x3FFB];
	_ =	sdelay $0x3  }
0x92: {  	_ =	strace s18  }
0x93: {  	s3 =	sld [smem:$0x3FFC];
	_ =	sdelay $0x3  }
0x94: {  	_ =	strace s3  }
0x95: {  	s3 =	sld [smem:$0x3FFD];
	_ =	sdelay $0x3  }
0x96: {  	_ =	strace s3  }
0x97: {  	_ =	strace $0x8FFFFFFF  }
0x98: {  	s19 =	sld [smem:$0x3FDB];
	_ =	sdelay $0x1  }
0x99: {  	s4 =	simm.s32 $_scs_section_size  }
0x9a: {  	s5 =	simm.s32 $_size__tile_overlayer_lowered;
	s6 =	simm.s32 $_tile_overlayer_lowered  }
0x9b: {  	s22 =	simm.s32 $0x1BFF;
	s21 =	sshll.u32 s6, $0x1;
	s3 =	sadd.s32 s4, s19  }
0x9c: {  	s7 =	simm.s32 $0x0;
	s20 =	sshll.u32 s5, $0x1;
	s5 =	sadd.s32 s21, s3  }
0x9d: {  	[timem:s7], [sflag:s22] =	dma.local [hbm:s5], s20  }
0x9e: {  	_ =	swait.ge [sflag:s22], s20  }
0x9f: {  	s4 =	ssub.s32 $0x0, s20;
	[sflag:s22] =	ssyncset.done $0x0  }
0xa0: {  	[sflag:s22] =	ssyncadd.s32 s4;
	_ =	sdelay $0x1  }
0xa1: {  	s23 =	simm.s32 $0x1B8B  }
0xa2: {  	_ =	swait.ge [sflag:s23], $0x1  }
0xa3: {  	[sflag:s23] =	ssyncset.done $0x0  }
0xa4: {  	s25 =	simm.s32 $0x1B8E;
	s24 =	sld [smem:$0x3FFE];
	[sflag:s23] =	ssyncadd.s32 $0xFFFFFFFF  }
0xa5: {  	s26 =	simm.s32 $execute0_lowered;
	[smem:$0x3FD2] =	sst s25  }
0xa6: {  	s5 =	sshll.u32 s26, $0x1;
	_ =	strace $0x80000049;
	[dreg:$0x1] =	wrdreg $0xFFFFFFFF  }
0xa7: {  	s28 =	simm.s32 $_size_execute0_lowered;
	s3 =	sadd.s32 s3, s5;
	[dreg:$0x0] =	wrdreg $0x0  }
0xa8: {  	s5 =	sshll.u32 s28, $0x1;
	[dreg:$0x2] =	wrdreg s3  }
0xa9: {  	[dreg:$0x3] =	wrdreg s5  }
0xaa: {  	[dreg:$0x4] =	wrdreg $0xC0  }
0xab: {  	_ =	task [dreg:s7], $0x5FFFF  }
0xac: {  	[dreg:$0x1] =	wrdreg $0xFFFFFFFF  }
0xad: {  	[dreg:$0x0] =	wrdreg $0x60  }
0xae: {  	[dreg:$0x2] =	wrdreg s24  }
0xaf: {  	[dreg:$0x3] =	wrdreg s2  }
0xb0: {  	[dreg:$0x4] =	wrdreg $0xB0000  }
0xb1: {  	[dreg:$0x5] =	wrdreg $0x9  }
0xb2: {  	_ =	task.clear_ibuf [dreg:s7], $0x6FFFF;
	_ =	strace $0x90000049  }
0xb3: {  	s29 =	simm.s32 $0x9;
	_ =	strace $0x8000004B  }
0xb4: {  	_ =	swait.ge [sflag:s29], $0x1  }
0xb5: {  	[sflag:s29] =	ssyncadd.s32 $0xFFFFFFFF  }
0xb6: {  	_ =	strace $0x9000004B  }
0xb7: {  	_ =	sfence  }
0xb8: {  	s30 =	sld [smem:$0x0];
	_ =	sdelay $0x2  }
0xb9: {  	s31 =	sshll.u32 s1, $0xD;
	s1 =	sshrl.u32 s1, $0x2  }
0xba: {  	s3 =	sand.u32 $0x4000, s31;
	s1 =	sadd.s32 s1, s30  }
0xbb: {  	s0 =	sor.u32 s3, s0;
	s1 =	sshll.u32 s1, $0x11  }
0xbc: {  	s0 =	sor.u32 s1, s0  }
0xbd: {  	s0 =	sadd.s32 $0x8F2B, s0  }
0xbe: {  	[sflag:s0] =	ssyncadd.remote.s32 $0x1  }
0xbf: {  	_ =	sfence.sel $0xFFFF  }
0xc0: {  	[dreg:$0x0] =	wrdreg $0xFFFFFFFF;
	(pc) =	sbr.abs _section_cstart, $3  }
0xc1: {  	[dreg:$0x1] =	wrdreg $0xFFFFFFFF  }
0xc2: {  	_ =	task.clear_ibuf [dreg:s7], $0x2FFFF;
	_ =	strace $0x9FFFFFFF  }
0xc3: {  	(tm) =	ssettm $0x7FFFFFFF  }
tec
execute0_lowered:
.L_overlay_start_1:
0x0: {  	(tag) =	ssettag $0x1  }
0x1: {  	s5 =	rddreg [dreg:$0x0]  }
0x2: {  	s6 =	rddreg [dreg:$0x1]  }
0x3: {  	s2 =	rddreg [dreg:$0x2]  }
0x4: {  	s0 =	srdreg.scid;
	s1 =	rddreg [dreg:$0x3]  }
0x5: {  	s3 =	simm.s32 $0x0;
	s19 =	simm.s32 $0x2;
	s7 =	sand.u32 $0x1, s0  }
0x6: {  	s20 =	simm.s32 $0x2800;
	s0 =	stileid.u32;
	s4 =	smul.u32 $0x28000, s7  }
0x7: {  	s21 =	simm.s32 $0x9000;
	s22 =	simm.s32 $0x80;
	s8 =	smul.u32 $0x2800, s0  }
0x8: {  	s23 =	simm.s32 $0x5000;
	s24 =	simm.s32 $0x1;
	s9 =	smul.u32 $0x140000, s7  }
0x9: {  	s25 =	simm.s32 $0x0;
	[smem:$0x7FF] =	sst s3;
	s10 =	smul.u32 $0x14000, s0  }
0xa: {  	_ =	strace $0x8000004A;
	s7 =	ssub.s32 $0x2, s7;
	s30 =	smul.u32 $0x50000, s0  }
0xb: {  	s12 =	sshrl.u32 s7, $0x1;
	s8 =	sadd.s32 s8, s4;
	s4 =	sadd.s32 $0x11E00, s5  }
0xc: {  	s9 =	sadd.s32 s10, s9;
	s12 =	ssub.s32 s7, s12;
	s31 =	sshrl.u32 s30, $0x2  }
0xd: {  	s8 =	sshrl.u32 s8, $0x3;
	s9 =	sshrl.u32 s9, $0x3;
	s7 =	sadd.s32 s31, s2  }
0xe: {  	s11 =	sadd.s32 s8, s5;
	s9 =	sadd.s32 s9, s5;
	s5 =	sadd.s32 s6, s8  }
0xf: {  	s10 =	sadd.s32 $0x2000, s7;
	s13 =	sadd.s32 $0x8000, s7;
	s14 =	sadd.s32 $0xA000, s7  }
0x10: {  	s15 =	sadd.s32 $0xC000, s7;
	s16 =	sadd.s32 $0xE000, s7;
	s17 =	sadd.s32 $0x10000, s7  }
0x11: {  	s18 =	sadd.s32 $0x12000, s7;
	s6 =	sadd.s32 $0x7E00, s11;
	s8 =	sadd.s32 $0x8A600, s9  }
0x12: {  	v0 =	vimm.f32 $0.0e+00;
	s9 =	smax.u32 s12, $0x1;
	s11 =	sadd.s32 $0x4000, s7;
	s12 =	sadd.s32 $0x6000, s7  }
.LBB2_1:
0x13: {  	[tilespmem:s3], [sflag:$0x2] =	stream.linear.gather [hbm4b:s5+s3], $0x2780, $0x38;
	[tilespmem:$0x1F000] =	vst v63  }
0x14: {  	_ =	swait.ge [sflag:s19], $0x2780  }
0x15: {  	[sflag:s19] =	ssyncset.done $0x0  }
0x16: {  	[sflag:s19] =	ssyncadd.s32 $0xFFFFD880  }
0x17: {  	[tilespmem:s20], [sflag:$0x2] =	stream.linear.gather [hbm4b:s6+s3], $0x2780, $0x38;
	[tilespmem:$0x1F000] =	vst v63  }
0x18: {  	_ =	swait.ge [sflag:s19], $0x2780  }
0x19: {  	[sflag:s19] =	ssyncset.done $0x0  }
0x1a: {  	s26 =	simm.s32 $0x0;
	s28 =	simm.s32 $0x200;
	[sflag:s19] =	ssyncadd.s32 $0xFFFFD880  }
.LBB2_2:
0x1b: {  	p0 =	sne.s32 s28, $0x7E00;
	[tilespmem:s26+$0x9070] =	vst v0  }
0x1c: {  	[tilespmem:s26+$0x9000] =	vst v0  }
0x1d: {  	[tilespmem:s26+$0x9010] =	vst v0  }
.Ltmp0:
0x1e: {  	[tilespmem:s26+$0x9020] =	vst v0;
	(pc) =	sbr.rel @p0 .LBB2_2-.Ltmp0, $4  }
0x1f: {  	[tilespmem:s26+$0x9030] =	vst v0  }
0x20: {  	[tilespmem:s26+$0x9040] =	vst v0  }
0x21: {  	[tilespmem:s26+$0x9050] =	vst v0  }
0x22: {  	[tilespmem:s26+$0x9060] =	vst v0;
	s26 =	sshra.s32 s28, $0x2;
	s28 =	sadd.s32 $0x200, s28  }
0x23: {  	[tilespmem:s26+$0x9070] =	vst v0  }
0x24: {  	[tilespmem:s26+$0x9000] =	vst v0  }
0x25: {  	[tilespmem:s26+$0x9010] =	vst v0  }
0x26: {  	[tilespmem:s26+$0x9020] =	vst v0  }
0x27: {  	[tilespmem:s26+$0x9030] =	vst v0  }
0x28: {  	[tilespmem:s26+$0x9040] =	vst v0  }
0x29: {  	[tilespmem:s26+$0x9050] =	vst v0  }
0x2a: {  	[tilespmem:s26+$0x9060] =	vst v0  }
0x2b: {  	[spmem:s7] =	stream.linear.scatter [tilespmem:s21], [sflag:$0x2], $0x2000, $0x38;
	[tilespmem:$0x1F000] =	vst v63  }
0x2c: {  	_ =	swait.ge [sflag:s19], $0x2000  }
0x2d: {  	[sflag:s19] =	ssyncset.done $0x0  }
0x2e: {  	[sflag:s19] =	ssyncadd.s32 $0xFFFFE000  }
0x2f: {  	[spmem:s10] =	stream.linear.scatter [tilespmem:s21], [sflag:$0x2], $0x2000, $0x38;
	[tilespmem:$0x1F000] =	vst v63  }
0x30: {  	_ =	swait.ge [sflag:s19], $0x2000  }
0x31: {  	[sflag:s19] =	ssyncset.done $0x0  }
0x32: {  	[sflag:s19] =	ssyncadd.s32 $0xFFFFE000  }
0x33: {  	[spmem:s11] =	stream.linear.scatter [tilespmem:s21], [sflag:$0x2], $0x2000, $0x38;
	[tilespmem:$0x1F000] =	vst v63  }
0x34: {  	_ =	swait.ge [sflag:s19], $0x2000  }
0x35: {  	[sflag:s19] =	ssyncset.done $0x0  }
0x36: {  	[sflag:s19] =	ssyncadd.s32 $0xFFFFE000  }
0x37: {  	[spmem:s12] =	stream.linear.scatter [tilespmem:s21], [sflag:$0x2], $0x2000, $0x38;
	[tilespmem:$0x1F000] =	vst v63  }
0x38: {  	_ =	swait.ge [sflag:s19], $0x2000  }
0x39: {  	[sflag:s19] =	ssyncset.done $0x0  }
0x3a: {  	[sflag:s19] =	ssyncadd.s32 $0xFFFFE000  }
0x3b: {  	[spmem:s13] =	stream.linear.scatter [tilespmem:s21], [sflag:$0x2], $0x2000, $0x38;
	[tilespmem:$0x1F000] =	vst v63  }
0x3c: {  	_ =	swait.ge [sflag:s19], $0x2000  }
0x3d: {  	[sflag:s19] =	ssyncset.done $0x0  }
0x3e: {  	[sflag:s19] =	ssyncadd.s32 $0xFFFFE000  }
0x3f: {  	[spmem:s14] =	stream.linear.scatter [tilespmem:s21], [sflag:$0x2], $0x2000, $0x38;
	[tilespmem:$0x1F000] =	vst v63  }
0x40: {  	_ =	swait.ge [sflag:s19], $0x2000  }
0x41: {  	[sflag:s19] =	ssyncset.done $0x0  }
0x42: {  	[sflag:s19] =	ssyncadd.s32 $0xFFFFE000  }
0x43: {  	[spmem:s15] =	stream.linear.scatter [tilespmem:s21], [sflag:$0x2], $0x2000, $0x38;
	[tilespmem:$0x1F000] =	vst v63  }
0x44: {  	_ =	swait.ge [sflag:s19], $0x2000  }
0x45: {  	[sflag:s19] =	ssyncset.done $0x0  }
0x46: {  	[sflag:s19] =	ssyncadd.s32 $0xFFFFE000  }
0x47: {  	[spmem:s16] =	stream.linear.scatter [tilespmem:s21], [sflag:$0x2], $0x2000, $0x38;
	[tilespmem:$0x1F000] =	vst v63  }
0x48: {  	_ =	swait.ge [sflag:s19], $0x2000  }
0x49: {  	[sflag:s19] =	ssyncset.done $0x0  }
0x4a: {  	[sflag:s19] =	ssyncadd.s32 $0xFFFFE000  }
0x4b: {  	[spmem:s17] =	stream.linear.scatter [tilespmem:s21], [sflag:$0x2], $0x2000, $0x38;
	[tilespmem:$0x1F000] =	vst v63  }
0x4c: {  	_ =	swait.ge [sflag:s19], $0x2000  }
0x4d: {  	[sflag:s19] =	ssyncset.done $0x0  }
0x4e: {  	[sflag:s19] =	ssyncadd.s32 $0xFFFFE000  }
0x4f: {  	[spmem:s18] =	stream.linear.scatter [tilespmem:s21], [sflag:$0x2], $0x2000, $0x38;
	[tilespmem:$0x1F000] =	vst v63  }
0x50: {  	_ =	swait.ge [sflag:s19], $0x2000  }
0x51: {  	[sflag:s19] =	ssyncset.done $0x0  }
0x52: {  	[sflag:s19] =	ssyncadd.s32 $0xFFFFE000  }
0x53: {  	s30 =	simm.s32 $0x0;
	[bflag:$0x0] =	sbarrier.arrive $0xFFFF  }
0x54: {  	[tilespmem:s23], [sflag:$0x1] =	stream.indirect.gather [hbm4b:s4+s22], $0x80, s30, s22, $0xb8;
	[tilespmem:$0x1F000] =	vst v63  }
0x55: {  	_ =	swait.ge [sflag:s24], $0x4000  }
0x56: {  	[sflag:s24] =	ssyncset.done $0x0  }
0x57: {  	s31 =	simm.s32 $0x2800;
	[sflag:s24] =	ssyncadd.s32 $0xFFFFC000  }
0x58: {  	[spmem:s2] =	stream.indirect.scatter.add.f32 [tilespmem:s23], [sflag:$0x2], $0x80, s31, s22, $0xb8;
	[tilespmem:$0x1F000] =	vst v63  }
0x59: {  	_ =	swait.ge [sflag:s19], $0x4000  }
0x5a: {  	s26 =	simm.s32 $0x200;
	s28 =	simm.s32 $0x400;
	[sflag:s19] =	ssyncset.done $0x0  }
.LBB2_4:
0x5b: {  	s29 =	sshra.s32 s26, $0x2  }
0x5c: {  	[sflag:s19] =	ssyncadd.s32 $0xFFFFC000;
	s26 =	smov.u32 s28;
	s30 =	sadd.s32 $0x200, s28  }
0x5d: {  	[tilespmem:s23], [sflag:$0x1] =	stream.indirect.gather [hbm4b:s4+s22], $0x80, s29, s22, $0xb8;
	[tilespmem:$0x1F000] =	vst v63  }
0x5e: {  	p0 =	sne.s32 s28, $0x9C00;
	_ =	swait.ge [sflag:s24], $0x4000  }
.Ltmp1:
0x5f: {  	[sflag:s24] =	ssyncset.done $0x0;
	(pc) =	sbr.rel @p0 .LBB2_4-.Ltmp1, $4  }
0x60: {  	s28 =	sadd.s32 $0x2800, s29;
	[sflag:s24] =	ssyncadd.s32 $0xFFFFC000  }
0x61: {  	[spmem:s2] =	stream.indirect.scatter.add.f32 [tilespmem:s23], [sflag:$0x2], $0x80, s28, s22, $0xb8;
	[tilespmem:$0x1F000] =	vst v63  }
0x62: {  	_ =	swait.ge [sflag:s19], $0x4000  }
0x63: {  	s28 =	smov.u32 s30;
	[sflag:s19] =	ssyncset.done $0x0  }
0x64: {  	s26 =	sshra.s32 s26, $0x2;
	[sflag:s19] =	ssyncadd.s32 $0xFFFFC000  }
0x65: {  	[tilespmem:s23], [sflag:$0x1] =	stream.indirect.gather [hbm4b:s4+s22], $0x80, s26, s22, $0xb8;
	[tilespmem:$0x1F000] =	vst v63  }
0x66: {  	_ =	swait.ge [sflag:s24], $0x4000  }
0x67: {  	[sflag:s24] =	ssyncset.done $0x0  }
0x68: {  	s26 =	sadd.s32 $0x2800, s26;
	[sflag:s24] =	ssyncadd.s32 $0xFFFFC000  }
0x69: {  	[spmem:s2] =	stream.indirect.scatter.add.f32 [tilespmem:s23], [sflag:$0x2], $0x80, s26, s22, $0xb8;
	[tilespmem:$0x1F000] =	vst v63  }
0x6a: {  	_ =	swait.ge [sflag:s19], $0x4000  }
0x6b: {  	s31 =	sshll.u32 s0, $0x6;
	s25 =	sadd.s32 $0x1, s25;
	[sflag:s19] =	ssyncset.done $0x0  }
0x6c: {  	s28 =	sshrl.u32 s7, $0x3;
	p0 =	sne.s32 s25, s9;
	[sflag:s19] =	ssyncadd.s32 $0xFFFFC000  }
.Ltmp2:
0x6d: {  	s26 =	sor.u32 $0x1C02, s31;
	[bflag:$0x0] =	sbarrier.arrive $0xFFFF;
	(pc) =	sbr.rel @p0 .LBB2_1-.Ltmp2, $4  }
0x6e: {  	[hbm:s8], [sflag:s26] =	dma.local [spmem:s28], $0x2800  }
0x6f: {  	_ =	swait.ge [sflag:s19], $0x2800  }
0x70: {  	[sflag:s19] =	ssyncset.done $0x0  }
0x71: {  	[sflag:s19] =	ssyncadd.s32 $0xFFFFD800  }
0x72: {  	_ =	sfence.sel $0x180000  }
0x73: {  	[bflag:$0x0] =	sbarrier.arrive $0xFFFF  }
0x74: {  	p0 =	sne.s32 s0, $0x0;
	_ =	strace $0x9000004A  }
0x75: {  	s0 =	sadd.s32 @!p0 $0x100000, s1;
	[bflag:$0x2] =	sbarrier.arrive $0xFFFF  }
0x76: {  	[sflag:s0] =	ssyncadd.tile.s32 @!p0 $0x1;
	_ =	shalt  }
.Lfunc_end2:
_tile_overlayer_lowered:
.L_overlay_start_2:
0x77: {  	(tag) =	ssettag $0x2  }
0x78: {  	s0 =	rddreg [dreg:$0x0];
	s2 =	stileid.u32  }
0x79: {  	s1 =	rddreg [dreg:$0x1];
	p0 =	sne.s32 s2, $0x0  }
0x7a: {  	s3 =	rddreg [dreg:$0x2];
	[bflag:$0x3] =	sbarrier.arrive $0xFFFF;
	s2 =	simm.s32 @!p0 $0x1C02  }
0x7b: {  	[timem:s3], [sflag:s2] =	dma.local @!p0 [hbm:s0], s1  }
0x7c: {  	s0 =	simm.s32 @!p0 $0x2  }
0x7d: {  	_ =	swait.ge @!p0 [sflag:s0], s1  }
0x7e: {  	s1 =	ssub.s32 @!p0 $0x0, s1;
	[sflag:s0] =	ssyncset.done @!p0 $0x0  }
0x7f: {  	[sflag:s0] =	ssyncadd.s32 @!p0 s1  }
0x80: {  	[bflag:$0x3] =	sbarrier.arrive $0xFFFF  }
0x81: {  	_ =	shalt  }

// kernel: kernel.29.cloned.1.call-start
scs
__scs_entry_jumppad:
0x0: {  	(pc) =	sbr.rel $0x88, $3  }
0x1: {  	(tag) =	ssettag $0x0;
	lr =	simm.s32 $0x1  }
0x2: {  	[smem:$0x3F9C] =	sst lr;
	_ =	strace $0xD0000000  }
0x3: {  	_ = 	snop  }
0x4: {  	_ = 	snop  }
0x5: {  	_ = 	snop  }
0x6: {  	_ = 	snop  }
0x7: {  	_ = 	snop  }
__scs_overlays_trampoline_lowered:
0x8: {  	[smem:$0x3FAB] =	sst s0  }
0x9: {  	[smem:$0x3FAC] =	sst s1  }
0xa: {  	[smem:$0x3FAD] =	sst s2  }
0xb: {  	[smem:$0x3FAE] =	sst s3  }
0xc: {  	[smem:$0x3FAF] =	sst s4  }
0xd: {  	[smem:$0x3FB0] =	sst s5  }
0xe: {  	[smem:$0x3FB1] =	sst s6  }
0xf: {  	[smem:$0x3FB2] =	sst s7  }
0x10: {  	[smem:$0x3FB3] =	sst s8  }
0x11: {  	[smem:$0x3FB4] =	sst s9;
	s0 =	simm.s32 @!p0 $0x0  }
0x12: {  	s1 =	sld [smem:$0x3F9A];
	s0 =	simm.s32 @p0 $0x1  }
0x13: {  	[smem:$0x3FB5] =	sst s0;
	s0 =	simm.s32 @!p1 $0x0  }
0x14: {  	s2 =	sld [smem:$0x3F99];
	s0 =	simm.s32 @p1 $0x1  }
0x15: {  	[smem:$0x3FB6] =	sst s0;
	s0 =	simm.s32 @!p2 $0x0  }
0x16: {  	s3 =	sld [smem:$0x3FDB];
	s0 =	simm.s32 @p2 $0x1  }
0x17: {  	s4 =	simm.s32 $0x1BF5;
	[smem:$0x3FB8] =	sst s0  }
0x18: {  	s0 =	sld [smem:$0x3F9B];
	_ =	swait.ge [sflag:s4], $0x0  }
0x19: {  	s7 =	sld [smem:$0x3F9C]  }
0x1a: {  	s8 =	sadd.s32 $0xFFFFE003, lr  }
0x1b: {  	s9 =	sadd.s32 $0xFFFFFEF7, lr;
	s5 =	simm.s32 $0xFFFFFFFF;
	p2 =	slt.u32 s8, $0xFFFFF086  }
0x1c: {  	p1 =	slt.u32 s9, $0xF7A;
	s5 =	simm.s32 @!p2 $0x0  }
0x1d: {  	s5 =	simm.s32 @p1 $0x1;
	p0 =	seq.s32 s7, s2  }
0x1e: {  	s7 =	smul.u32 @!p0 $0xF7A, s2;
	p2 =	seq.s32 @!p0 s5, $0x0  }
0x1f: {  	s9 =	smul.u32 $0xF7A, s1;
	s8 =	simm.s32 @!p0 $0x1BF5;
	p2 =	por !p2, p0  }
0x20: {  	[sflag:s8] =	ssyncset.s32 @!p0 $0xFFFFF086;
	s6 =	sadd.s32 @!p0 s3, s7;
	s7 =	simm.s32 @!p0 $0x108  }
0x21: {  	s3 =	sadd.s32 s3, s9;
	s6 =	sadd.s32 @!p0 $0x88, s6;
	s7 =	simm.s32 @p2 $0x1082  }
0x22: {  	[simem:s7], [sflag:s8] =	dma.local @!p0 [hbm:s6], $0xF7A  }
0x23: {  	s9 =	sor.u32 $0xD0000000, s2;
	s6 =	simm.s32 $0x108;
	_ =	swait.ge @!p0 [sflag:s8], $0x0  }
0x24: {  	s3 =	sadd.s32 $0x88, s3;
	s6 =	simm.s32 @!p1 $0x1082;
	[sflag:s4] =	ssyncset.s32 $0xFFFFF086  }
0x25: {  	[simem:s6], [sflag:s4] =	dma.local [hbm:s3], $0xF7A  }
0x26: {  	[smem:$0x3F9C] =	sst s1;
	(tag) =	ssettag s2;
	_ =	strace s9  }
0x27: {  	s1 =	sld [smem:$0x3FAC]  }
0x28: {  	s2 =	sld [smem:$0x3FAD]  }
0x29: {  	s4 =	sld [smem:$0x3FAF]  }
0x2a: {  	p0 =	seq.s32 s5, $0x0;
	s5 =	sld [smem:$0x3FB0]  }
0x2b: {  	s6 =	sld [smem:$0x3FB1]  }
0x2c: {  	s7 =	sld [smem:$0x3FB2]  }
0x2d: {  	s3 =	simm.s32 $0x108;
	s8 =	sld [smem:$0x3FB3]  }
0x2e: {  	s3 =	simm.s32 @!p0 $0x1082;
	s9 =	sld [smem:$0x3FB4]  }
0x2f: {  	lr =	sadd.s32 s0, s3;
	s0 =	sld [smem:$0x3FAB]  }
0x30: {  	s3 =	sld [smem:$0x3FAE]  }
0x31: {  	[smem:$0x3FB7] =	sst s10  }
0x32: {  	s10 =	sld [smem:$0x3FB5];
	_ =	sdelay $0x3  }
0x33: {  	p0 =	seq.s32 s10, $0x1;
	s10 =	sld [smem:$0x3FB7];
	_ =	sdelay $0x3  }
0x34: {  	[smem:$0x3FB7] =	sst s10  }
0x35: {  	s10 =	sld [smem:$0x3FB6];
	_ =	sdelay $0x3  }
0x36: {  	p1 =	seq.s32 s10, $0x1;
	s10 =	sld [smem:$0x3FB7];
	_ =	sdelay $0x3  }
0x37: {  	[smem:$0x3FB7] =	sst s10  }
0x38: {  	s10 =	sld [smem:$0x3FB8]  }
0x39: {  	_ = 	snop;
	(pc) =	sbr.ind lr, $3  }
0x3a: {  	_ = 	snop  }
0x3b: {  	_ = 	snop  }
0x3c: {  	p2 =	seq.s32 s10, $0x1;
	s10 =	sld [smem:$0x3FB7]  }
0x3d: {  	_ =	shalt  }
0x3e: {  	_ =	shalt  }
0x3f: {  	_ =	shalt  }
0x40: {  	_ =	shalt  }
0x41: {  	_ =	shalt  }
0x42: {  	_ =	shalt  }
0x43: {  	_ =	shalt  }
0x44: {  	_ =	shalt  }
0x45: {  	_ =	shalt  }
0x46: {  	_ =	shalt  }
0x47: {  	_ =	shalt  }
0x48: {  	_ =	shalt  }
0x49: {  	_ =	shalt  }
0x4a: {  	_ =	shalt  }
0x4b: {  	_ =	shalt  }
0x4c: {  	_ =	shalt  }
0x4d: {  	_ =	shalt  }
0x4e: {  	_ =	shalt  }
0x4f: {  	_ =	shalt  }
0x50: {  	_ =	shalt  }
0x51: {  	_ =	shalt  }
0x52: {  	_ =	shalt  }
0x53: {  	_ =	shalt  }
0x54: {  	_ =	shalt  }
0x55: {  	_ =	shalt  }
0x56: {  	_ =	shalt  }
0x57: {  	_ =	shalt  }
0x58: {  	_ =	shalt  }
0x59: {  	_ =	shalt  }
0x5a: {  	_ =	shalt  }
0x5b: {  	_ =	shalt  }
0x5c: {  	_ =	shalt  }
0x5d: {  	_ =	shalt  }
0x5e: {  	_ =	shalt  }
0x5f: {  	_ =	shalt  }
0x60: {  	_ =	shalt  }
0x61: {  	_ =	shalt  }
0x62: {  	_ =	shalt  }
0x63: {  	_ =	shalt  }
0x64: {  	_ =	shalt  }
0x65: {  	_ =	shalt  }
0x66: {  	_ =	shalt  }
0x67: {  	_ =	shalt  }
0x68: {  	_ =	shalt  }
0x69: {  	_ =	shalt  }
0x6a: {  	_ =	shalt  }
0x6b: {  	_ =	shalt  }
0x6c: {  	_ =	shalt  }
0x6d: {  	_ =	shalt  }
0x6e: {  	_ =	shalt  }
0x6f: {  	_ =	shalt  }
0x70: {  	_ =	shalt  }
0x71: {  	_ =	shalt  }
0x72: {  	_ =	shalt  }
0x73: {  	_ =	shalt  }
0x74: {  	_ =	shalt  }
0x75: {  	_ =	shalt  }
0x76: {  	_ =	shalt  }
0x77: {  	_ =	shalt  }
0x78: {  	_ =	shalt  }
0x79: {  	_ =	shalt  }
0x7a: {  	_ =	shalt  }
0x7b: {  	_ =	shalt  }
0x7c: {  	_ =	shalt  }
0x7d: {  	_ =	shalt  }
0x7e: {  	_ =	shalt  }
0x7f: {  	_ =	shalt  }
0x80: {  	_ =	shalt  }
0x81: {  	_ =	shalt  }
0x82: {  	_ =	shalt  }
0x83: {  	_ =	shalt  }
0x84: {  	_ =	shalt  }
0x85: {  	_ =	shalt  }
0x86: {  	_ =	shalt  }
0x87: {  	_ =	shalt  }
.Lfunc_end0:
.L_simem_size_0:
called_computation.2_lowered:
.L_overlay_start_0:
0x88: {  	s2 =	sld [smem:$0x3FD9]  }
0x89: {  	s3 =	sld [smem:$0x3FFE];
	_ =	sdelay $0x1  }
0x8a: {  	s1 =	srdreg.scid  }
0x8b: {  	s0 =	sand.u32 $0x1, s1  }
0x8c: {  	s17 =	sshll.u32 s0, $0xA;
	s2 =	sadd.s32 s3, s2  }
0x8d: {  	s2 =	sadd.s32 s2, s17  }
0x8e: {  	[smem:$0x3FC3] =	sst s2  }
0x8f: {  	_ = 	snop  }
0x90: {  	s2 =	sld [smem:$0x3FD0];
	(tm) =	ssettm $0x1  }
0x91: {  	s18 =	sld [smem:$0x3FFB];
	_ =	sdelay $0x3  }
0x92: {  	_ =	strace s18  }
0x93: {  	s3 =	sld [smem:$0x3FFC];
	_ =	sdelay $0x3  }
0x94: {  	_ =	strace s3  }
0x95: {  	s3 =	sld [smem:$0x3FFD];
	_ =	sdelay $0x3  }
0x96: {  	_ =	strace s3  }
0x97: {  	_ =	strace $0x8FFFFFFF  }
0x98: {  	s19 =	sld [smem:$0x3FDB];
	_ =	sdelay $0x1  }
0x99: {  	s4 =	simm.s32 $_scs_section_size  }
0x9a: {  	s5 =	simm.s32 $_size__tile_overlayer_lowered;
	s6 =	simm.s32 $_tile_overlayer_lowered  }
0x9b: {  	s22 =	simm.s32 $0x1BFF;
	s21 =	sshll.u32 s6, $0x1;
	s3 =	sadd.s32 s4, s19  }
0x9c: {  	s7 =	simm.s32 $0x0;
	s20 =	sshll.u32 s5, $0x1;
	s5 =	sadd.s32 s21, s3  }
0x9d: {  	[timem:s7], [sflag:s22] =	dma.local [hbm:s5], s20  }
0x9e: {  	_ =	swait.ge [sflag:s22], s20  }
0x9f: {  	s4 =	ssub.s32 $0x0, s20;
	[sflag:s22] =	ssyncset.done $0x0  }
0xa0: {  	[sflag:s22] =	ssyncadd.s32 s4;
	_ =	sdelay $0x1  }
0xa1: {  	s23 =	simm.s32 $0x1B8B  }
0xa2: {  	_ =	swait.ge [sflag:s23], $0x1  }
0xa3: {  	[sflag:s23] =	ssyncset.done $0x0  }
0xa4: {  	s25 =	simm.s32 $0x1B8E;
	s24 =	sld [smem:$0x3FFE];
	[sflag:s23] =	ssyncadd.s32 $0xFFFFFFFF  }
0xa5: {  	s26 =	simm.s32 $execute0_lowered;
	[smem:$0x3FD2] =	sst s25  }
0xa6: {  	s5 =	sshll.u32 s26, $0x1;
	_ =	strace $0x8000004C;
	[dreg:$0x1] =	wrdreg $0xFFFFFFFF  }
0xa7: {  	s28 =	simm.s32 $_size_execute0_lowered;
	s3 =	sadd.s32 s3, s5;
	[dreg:$0x0] =	wrdreg $0x0  }
0xa8: {  	s5 =	sshll.u32 s28, $0x1;
	[dreg:$0x2] =	wrdreg s3  }
0xa9: {  	[dreg:$0x3] =	wrdreg s5  }
0xaa: {  	[dreg:$0x4] =	wrdreg $0xC0  }
0xab: {  	_ =	task [dreg:s7], $0x5FFFF  }
0xac: {  	[dreg:$0x1] =	wrdreg $0xFFFFFFFF  }
0xad: {  	[dreg:$0x0] =	wrdreg $0x60  }
0xae: {  	[dreg:$0x2] =	wrdreg s24  }
0xaf: {  	[dreg:$0x3] =	wrdreg s2  }
0xb0: {  	[dreg:$0x4] =	wrdreg $0xB0000  }
0xb1: {  	[dreg:$0x5] =	wrdreg $0x9  }
0xb2: {  	_ =	task.clear_ibuf [dreg:s7], $0x6FFFF;
	_ =	strace $0x9000004C  }
0xb3: {  	s29 =	simm.s32 $0x9;
	_ =	strace $0x8000004E  }
0xb4: {  	_ =	swait.ge [sflag:s29], $0x1  }
0xb5: {  	[sflag:s29] =	ssyncadd.s32 $0xFFFFFFFF  }
0xb6: {  	_ =	strace $0x9000004E  }
0xb7: {  	_ =	sfence  }
0xb8: {  	s30 =	sld [smem:$0x0];
	_ =	sdelay $0x2  }
0xb9: {  	s31 =	sshll.u32 s1, $0xD;
	s1 =	sshrl.u32 s1, $0x2  }
0xba: {  	s3 =	sand.u32 $0x4000, s31;
	s1 =	sadd.s32 s1, s30  }
0xbb: {  	s0 =	sor.u32 s3, s0;
	s1 =	sshll.u32 s1, $0x11  }
0xbc: {  	s0 =	sor.u32 s1, s0  }
0xbd: {  	s0 =	sadd.s32 $0x8F2B, s0  }
0xbe: {  	[sflag:s0] =	ssyncadd.remote.s32 $0x1  }
0xbf: {  	_ =	sfence.sel $0xFFFF  }
0xc0: {  	[dreg:$0x0] =	wrdreg $0xFFFFFFFF;
	(pc) =	sbr.abs _section_cstart, $3  }
0xc1: {  	[dreg:$0x1] =	wrdreg $0xFFFFFFFF  }
0xc2: {  	_ =	task.clear_ibuf [dreg:s7], $0x2FFFF;
	_ =	strace $0x9FFFFFFF  }
0xc3: {  	(tm) =	ssettm $0x7FFFFFFF  }
tec
execute0_lowered:
.L_overlay_start_1:
0x0: {  	(tag) =	ssettag $0x1  }
0x1: {  	s5 =	rddreg [dreg:$0x0]  }
0x2: {  	s6 =	rddreg [dreg:$0x1]  }
0x3: {  	s2 =	rddreg [dreg:$0x2]  }
0x4: {  	s0 =	srdreg.scid;
	s1 =	rddreg [dreg:$0x3]  }
0x5: {  	s3 =	simm.s32 $0x0;
	s19 =	simm.s32 $0x2;
	s7 =	sand.u32 $0x1, s0  }
0x6: {  	s20 =	simm.s32 $0x2800;
	s0 =	stileid.u32;
	s4 =	smul.u32 $0x28000, s7  }
0x7: {  	s21 =	simm.s32 $0x9000;
	s22 =	simm.s32 $0x80;
	s8 =	smul.u32 $0x2800, s0  }
0x8: {  	s23 =	simm.s32 $0x5000;
	s24 =	simm.s32 $0x1;
	s9 =	smul.u32 $0x140000, s7  }
0x9: {  	s25 =	simm.s32 $0x0;
	[smem:$0x7FF] =	sst s3;
	s10 =	smul.u32 $0x14000, s0  }
0xa: {  	_ =	strace $0x8000004D;
	s7 =	ssub.s32 $0x2, s7;
	s30 =	smul.u32 $0x50000, s0  }
0xb: {  	s12 =	sshrl.u32 s7, $0x1;
	s8 =	sadd.s32 s8, s4;
	s4 =	sadd.s32 $0x11E00, s5  }
0xc: {  	s9 =	sadd.s32 s10, s9;
	s12 =	ssub.s32 s7, s12;
	s31 =	sshrl.u32 s30, $0x2  }
0xd: {  	s8 =	sshrl.u32 s8, $0x3;
	s9 =	sshrl.u32 s9, $0x3;
	s7 =	sadd.s32 s31, s2  }
0xe: {  	s11 =	sadd.s32 s8, s5;
	s9 =	sadd.s32 s9, s5;
	s5 =	sadd.s32 s6, s8  }
0xf: {  	s10 =	sadd.s32 $0x2000, s7;
	s13 =	sadd.s32 $0x8000, s7;
	s14 =	sadd.s32 $0xA000, s7  }
0x10: {  	s15 =	sadd.s32 $0xC000, s7;
	s16 =	sadd.s32 $0xE000, s7;
	s17 =	sadd.s32 $0x10000, s7  }
0x11: {  	s18 =	sadd.s32 $0x12000, s7;
	s6 =	sadd.s32 $0x7E00, s11;
	s8 =	sadd.s32 $0x8A600, s9  }
0x12: {  	v0 =	vimm.f32 $0.0e+00;
	s9 =	smax.u32 s12, $0x1;
	s11 =	sadd.s32 $0x4000, s7;
	s12 =	sadd.s32 $0x6000, s7  }
.LBB2_1:
0x13: {  	[tilespmem:s3], [sflag:$0x2] =	stream.linear.gather [hbm4b:s5+s3], $0x2780, $0x38;
	[tilespmem:$0x1F000] =	vst v63  }
0x14: {  	_ =	swait.ge [sflag:s19], $0x2780  }
0x15: {  	[sflag:s19] =	ssyncset.done $0x0  }
0x16: {  	[sflag:s19] =	ssyncadd.s32 $0xFFFFD880  }
0x17: {  	[tilespmem:s20], [sflag:$0x2] =	stream.linear.gather [hbm4b:s6+s3], $0x2780, $0x38;
	[tilespmem:$0x1F000] =	vst v63  }
0x18: {  	_ =	swait.ge [sflag:s19], $0x2780  }
0x19: {  	[sflag:s19] =	ssyncset.done $0x0  }
0x1a: {  	s26 =	simm.s32 $0x0;
	s28 =	simm.s32 $0x200;
	[sflag:s19] =	ssyncadd.s32 $0xFFFFD880  }
.LBB2_2:
0x1b: {  	p0 =	sne.s32 s28, $0x7E00;
	[tilespmem:s26+$0x9070] =	vst v0  }
0x1c: {  	[tilespmem:s26+$0x9000] =	vst v0  }
0x1d: {  	[tilespmem:s26+$0x9010] =	vst v0  }
.Ltmp0:
0x1e: {  	[tilespmem:s26+$0x9020] =	vst v0;
	(pc) =	sbr.rel @p0 .LBB2_2-.Ltmp0, $4  }
0x1f: {  	[tilespmem:s26+$0x9030] =	vst v0  }
0x20: {  	[tilespmem:s26+$0x9040] =	vst v0  }
0x21: {  	[tilespmem:s26+$0x9050] =	vst v0  }
0x22: {  	[tilespmem:s26+$0x9060] =	vst v0;
	s26 =	sshra.s32 s28, $0x2;
	s28 =	sadd.s32 $0x200, s28  }
0x23: {  	[tilespmem:s26+$0x9070] =	vst v0  }
0x24: {  	[tilespmem:s26+$0x9000] =	vst v0  }
0x25: {  	[tilespmem:s26+$0x9010] =	vst v0  }
0x26: {  	[tilespmem:s26+$0x9020] =	vst v0  }
0x27: {  	[tilespmem:s26+$0x9030] =	vst v0  }
0x28: {  	[tilespmem:s26+$0x9040] =	vst v0  }
0x29: {  	[tilespmem:s26+$0x9050] =	vst v0  }
0x2a: {  	[tilespmem:s26+$0x9060] =	vst v0  }
0x2b: {  	[spmem:s7] =	stream.linear.scatter [tilespmem:s21], [sflag:$0x2], $0x2000, $0x38;
	[tilespmem:$0x1F000] =	vst v63  }
0x2c: {  	_ =	swait.ge [sflag:s19], $0x2000  }
0x2d: {  	[sflag:s19] =	ssyncset.done $0x0  }
0x2e: {  	[sflag:s19] =	ssyncadd.s32 $0xFFFFE000  }
0x2f: {  	[spmem:s10] =	stream.linear.scatter [tilespmem:s21], [sflag:$0x2], $0x2000, $0x38;
	[tilespmem:$0x1F000] =	vst v63  }
0x30: {  	_ =	swait.ge [sflag:s19], $0x2000  }
0x31: {  	[sflag:s19] =	ssyncset.done $0x0  }
0x32: {  	[sflag:s19] =	ssyncadd.s32 $0xFFFFE000  }
0x33: {  	[spmem:s11] =	stream.linear.scatter [tilespmem:s21], [sflag:$0x2], $0x2000, $0x38;
	[tilespmem:$0x1F000] =	vst v63  }
0x34: {  	_ =	swait.ge [sflag:s19], $0x2000  }
0x35: {  	[sflag:s19] =	ssyncset.done $0x0  }
0x36: {  	[sflag:s19] =	ssyncadd.s32 $0xFFFFE000  }
0x37: {  	[spmem:s12] =	stream.linear.scatter [tilespmem:s21], [sflag:$0x2], $0x2000, $0x38;
	[tilespmem:$0x1F000] =	vst v63  }
0x38: {  	_ =	swait.ge [sflag:s19], $0x2000  }
0x39: {  	[sflag:s19] =	ssyncset.done $0x0  }
0x3a: {  	[sflag:s19] =	ssyncadd.s32 $0xFFFFE000  }
0x3b: {  	[spmem:s13] =	stream.linear.scatter [tilespmem:s21], [sflag:$0x2], $0x2000, $0x38;
	[tilespmem:$0x1F000] =	vst v63  }
0x3c: {  	_ =	swait.ge [sflag:s19], $0x2000  }
0x3d: {  	[sflag:s19] =	ssyncset.done $0x0  }
0x3e: {  	[sflag:s19] =	ssyncadd.s32 $0xFFFFE000  }
0x3f: {  	[spmem:s14] =	stream.linear.scatter [tilespmem:s21], [sflag:$0x2], $0x2000, $0x38;
	[tilespmem:$0x1F000] =	vst v63  }
0x40: {  	_ =	swait.ge [sflag:s19], $0x2000  }
0x41: {  	[sflag:s19] =	ssyncset.done $0x0  }
0x42: {  	[sflag:s19] =	ssyncadd.s32 $0xFFFFE000  }
0x43: {  	[spmem:s15] =	stream.linear.scatter [tilespmem:s21], [sflag:$0x2], $0x2000, $0x38;
	[tilespmem:$0x1F000] =	vst v63  }
0x44: {  	_ =	swait.ge [sflag:s19], $0x2000  }
0x45: {  	[sflag:s19] =	ssyncset.done $0x0  }
0x46: {  	[sflag:s19] =	ssyncadd.s32 $0xFFFFE000  }
0x47: {  	[spmem:s16] =	stream.linear.scatter [tilespmem:s21], [sflag:$0x2], $0x2000, $0x38;
	[tilespmem:$0x1F000] =	vst v63  }
0x48: {  	_ =	swait.ge [sflag:s19], $0x2000  }
0x49: {  	[sflag:s19] =	ssyncset.done $0x0  }
0x4a: {  	[sflag:s19] =	ssyncadd.s32 $0xFFFFE000  }
0x4b: {  	[spmem:s17] =	stream.linear.scatter [tilespmem:s21], [sflag:$0x2], $0x2000, $0x38;
	[tilespmem:$0x1F000] =	vst v63  }
0x4c: {  	_ =	swait.ge [sflag:s19], $0x2000  }
0x4d: {  	[sflag:s19] =	ssyncset.done $0x0  }
0x4e: {  	[sflag:s19] =	ssyncadd.s32 $0xFFFFE000  }
0x4f: {  	[spmem:s18] =	stream.linear.scatter [tilespmem:s21], [sflag:$0x2], $0x2000, $0x38;
	[tilespmem:$0x1F000] =	vst v63  }
0x50: {  	_ =	swait.ge [sflag:s19], $0x2000  }
0x51: {  	[sflag:s19] =	ssyncset.done $0x0  }
0x52: {  	[sflag:s19] =	ssyncadd.s32 $0xFFFFE000  }
0x53: {  	s30 =	simm.s32 $0x0;
	[bflag:$0x0] =	sbarrier.arrive $0xFFFF  }
0x54: {  	[tilespmem:s23], [sflag:$0x1] =	stream.indirect.gather [hbm4b:s4+s22], $0x80, s30, s22, $0xb8;
	[tilespmem:$0x1F000] =	vst v63  }
0x55: {  	_ =	swait.ge [sflag:s24], $0x4000  }
0x56: {  	[sflag:s24] =	ssyncset.done $0x0  }
0x57: {  	s31 =	simm.s32 $0x2800;
	[sflag:s24] =	ssyncadd.s32 $0xFFFFC000  }
0x58: {  	[spmem:s2] =	stream.indirect.scatter.add.f32 [tilespmem:s23], [sflag:$0x2], $0x80, s31, s22, $0xb8;
	[tilespmem:$0x1F000] =	vst v63  }
0x59: {  	_ =	swait.ge [sflag:s19], $0x4000  }
0x5a: {  	s26 =	simm.s32 $0x200;
	s28 =	simm.s32 $0x400;
	[sflag:s19] =	ssyncset.done $0x0  }
.LBB2_4:
0x5b: {  	s29 =	sshra.s32 s26, $0x2  }
0x5c: {  	[sflag:s19] =	ssyncadd.s32 $0xFFFFC000;
	s26 =	smov.u32 s28;
	s30 =	sadd.s32 $0x200, s28  }
0x5d: {  	[tilespmem:s23], [sflag:$0x1] =	stream.indirect.gather [hbm4b:s4+s22], $0x80, s29, s22, $0xb8;
	[tilespmem:$0x1F000] =	vst v63  }
0x5e: {  	p0 =	sne.s32 s28, $0x9C00;
	_ =	swait.ge [sflag:s24], $0x4000  }
.Ltmp1:
0x5f: {  	[sflag:s24] =	ssyncset.done $0x0;
	(pc) =	sbr.rel @p0 .LBB2_4-.Ltmp1, $4  }
0x60: {  	s28 =	sadd.s32 $0x2800, s29;
	[sflag:s24] =	ssyncadd.s32 $0xFFFFC000  }
0x61: {  	[spmem:s2] =	stream.indirect.scatter.add.f32 [tilespmem:s23], [sflag:$0x2], $0x80, s28, s22, $0xb8;
	[tilespmem:$0x1F000] =	vst v63  }
0x62: {  	_ =	swait.ge [sflag:s19], $0x4000  }
0x63: {  	s28 =	smov.u32 s30;
	[sflag:s19] =	ssyncset.done $0x0  }
0x64: {  	s26 =	sshra.s32 s26, $0x2;
	[sflag:s19] =	ssyncadd.s32 $0xFFFFC000  }
0x65: {  	[tilespmem:s23], [sflag:$0x1] =	stream.indirect.gather [hbm4b:s4+s22], $0x80, s26, s22, $0xb8;
	[tilespmem:$0x1F000] =	vst v63  }
0x66: {  	_ =	swait.ge [sflag:s24], $0x4000  }
0x67: {  	[sflag:s24] =	ssyncset.done $0x0  }
0x68: {  	s26 =	sadd.s32 $0x2800, s26;
	[sflag:s24] =	ssyncadd.s32 $0xFFFFC000  }
0x69: {  	[spmem:s2] =	stream.indirect.scatter.add.f32 [tilespmem:s23], [sflag:$0x2], $0x80, s26, s22, $0xb8;
	[tilespmem:$0x1F000] =	vst v63  }
0x6a: {  	_ =	swait.ge [sflag:s19], $0x4000  }
0x6b: {  	s31 =	sshll.u32 s0, $0x6;
	s25 =	sadd.s32 $0x1, s25;
	[sflag:s19] =	ssyncset.done $0x0  }
0x6c: {  	s28 =	sshrl.u32 s7, $0x3;
	p0 =	sne.s32 s25, s9;
	[sflag:s19] =	ssyncadd.s32 $0xFFFFC000  }
.Ltmp2:
0x6d: {  	s26 =	sor.u32 $0x1C02, s31;
	[bflag:$0x0] =	sbarrier.arrive $0xFFFF;
	(pc) =	sbr.rel @p0 .LBB2_1-.Ltmp2, $4  }
0x6e: {  	[hbm:s8], [sflag:s26] =	dma.local [spmem:s28], $0x2800  }
0x6f: {  	_ =	swait.ge [sflag:s19], $0x2800  }
0x70: {  	[sflag:s19] =	ssyncset.done $0x0  }
0x71: {  	[sflag:s19] =	ssyncadd.s32 $0xFFFFD800  }
0x72: {  	_ =	sfence.sel $0x180000  }
0x73: {  	[bflag:$0x0] =	sbarrier.arrive $0xFFFF  }
0x74: {  	p0 =	sne.s32 s0, $0x0;
	_ =	strace $0x9000004D  }
0x75: {  	s0 =	sadd.s32 @!p0 $0x100000, s1;
	[bflag:$0x2] =	sbarrier.arrive $0xFFFF  }
0x76: {  	[sflag:s0] =	ssyncadd.tile.s32 @!p0 $0x1;
	_ =	shalt  }
.Lfunc_end2:
_tile_overlayer_lowered:
.L_overlay_start_2:
0x77: {  	(tag) =	ssettag $0x2  }
0x78: {  	s0 =	rddreg [dreg:$0x0];
	s2 =	stileid.u32  }
0x79: {  	s1 =	rddreg [dreg:$0x1];
	p0 =	sne.s32 s2, $0x0  }
0x7a: {  	s3 =	rddreg [dreg:$0x2];
	[bflag:$0x3] =	sbarrier.arrive $0xFFFF;
	s2 =	simm.s32 @!p0 $0x1C02  }
0x7b: {  	[timem:s3], [sflag:s2] =	dma.local @!p0 [hbm:s0], s1  }
0x7c: {  	s0 =	simm.s32 @!p0 $0x2  }
0x7d: {  	_ =	swait.ge @!p0 [sflag:s0], s1  }
0x7e: {  	s1 =	ssub.s32 @!p0 $0x0, s1;
	[sflag:s0] =	ssyncset.done @!p0 $0x0  }
0x7f: {  	[sflag:s0] =	ssyncadd.s32 @!p0 s1  }
0x80: {  	[bflag:$0x3] =	sbarrier.arrive $0xFFFF  }
0x81: {  	_ =	shalt  }

// kernel: kernel.32.cloned.1.call-start
scs
__scs_entry_jumppad:
0x0: {  	(pc) =	sbr.rel $0x88, $3  }
0x1: {  	(tag) =	ssettag $0x0;
	lr =	simm.s32 $0x1  }
0x2: {  	[smem:$0x3F9C] =	sst lr;
	_ =	strace $0xD0000000  }
0x3: {  	_ = 	snop  }
0x4: {  	_ = 	snop  }
0x5: {  	_ = 	snop  }
0x6: {  	_ = 	snop  }
0x7: {  	_ = 	snop  }
__scs_overlays_trampoline_lowered:
0x8: {  	[smem:$0x3FAB] =	sst s0  }
0x9: {  	[smem:$0x3FAC] =	sst s1  }
0xa: {  	[smem:$0x3FAD] =	sst s2  }
0xb: {  	[smem:$0x3FAE] =	sst s3  }
0xc: {  	[smem:$0x3FAF] =	sst s4  }
0xd: {  	[smem:$0x3FB0] =	sst s5  }
0xe: {  	[smem:$0x3FB1] =	sst s6  }
0xf: {  	[smem:$0x3FB2] =	sst s7  }
0x10: {  	[smem:$0x3FB3] =	sst s8  }
0x11: {  	[smem:$0x3FB4] =	sst s9;
	s0 =	simm.s32 @!p0 $0x0  }
0x12: {  	s1 =	sld [smem:$0x3F9A];
	s0 =	simm.s32 @p0 $0x1  }
0x13: {  	[smem:$0x3FB5] =	sst s0;
	s0 =	simm.s32 @!p1 $0x0  }
0x14: {  	s2 =	sld [smem:$0x3F99];
	s0 =	simm.s32 @p1 $0x1  }
0x15: {  	[smem:$0x3FB6] =	sst s0;
	s0 =	simm.s32 @!p2 $0x0  }
0x16: {  	s3 =	sld [smem:$0x3FDB];
	s0 =	simm.s32 @p2 $0x1  }
0x17: {  	s4 =	simm.s32 $0x1BF5;
	[smem:$0x3FB8] =	sst s0  }
0x18: {  	s0 =	sld [smem:$0x3F9B];
	_ =	swait.ge [sflag:s4], $0x0  }
0x19: {  	s7 =	sld [smem:$0x3F9C]  }
0x1a: {  	s8 =	sadd.s32 $0xFFFFE003, lr  }
0x1b: {  	s9 =	sadd.s32 $0xFFFFFEF7, lr;
	s5 =	simm.s32 $0xFFFFFFFF;
	p2 =	slt.u32 s8, $0xFFFFF086  }
0x1c: {  	p1 =	slt.u32 s9, $0xF7A;
	s5 =	simm.s32 @!p2 $0x0  }
0x1d: {  	s5 =	simm.s32 @p1 $0x1;
	p0 =	seq.s32 s7, s2  }
0x1e: {  	s7 =	smul.u32 @!p0 $0xF7A, s2;
	p2 =	seq.s32 @!p0 s5, $0x0  }
0x1f: {  	s9 =	smul.u32 $0xF7A, s1;
	s8 =	simm.s32 @!p0 $0x1BF5;
	p2 =	por !p2, p0  }
0x20: {  	[sflag:s8] =	ssyncset.s32 @!p0 $0xFFFFF086;
	s6 =	sadd.s32 @!p0 s3, s7;
	s7 =	simm.s32 @!p0 $0x108  }
0x21: {  	s3 =	sadd.s32 s3, s9;
	s6 =	sadd.s32 @!p0 $0x88, s6;
	s7 =	simm.s32 @p2 $0x1082  }
0x22: {  	[simem:s7], [sflag:s8] =	dma.local @!p0 [hbm:s6], $0xF7A  }
0x23: {  	s9 =	sor.u32 $0xD0000000, s2;
	s6 =	simm.s32 $0x108;
	_ =	swait.ge @!p0 [sflag:s8], $0x0  }
0x24: {  	s3 =	sadd.s32 $0x88, s3;
	s6 =	simm.s32 @!p1 $0x1082;
	[sflag:s4] =	ssyncset.s32 $0xFFFFF086  }
0x25: {  	[simem:s6], [sflag:s4] =	dma.local [hbm:s3], $0xF7A  }
0x26: {  	[smem:$0x3F9C] =	sst s1;
	(tag) =	ssettag s2;
	_ =	strace s9  }
0x27: {  	s1 =	sld [smem:$0x3FAC]  }
0x28: {  	s2 =	sld [smem:$0x3FAD]  }
0x29: {  	s4 =	sld [smem:$0x3FAF]  }
0x2a: {  	p0 =	seq.s32 s5, $0x0;
	s5 =	sld [smem:$0x3FB0]  }
0x2b: {  	s6 =	sld [smem:$0x3FB1]  }
0x2c: {  	s7 =	sld [smem:$0x3FB2]  }
0x2d: {  	s3 =	simm.s32 $0x108;
	s8 =	sld [smem:$0x3FB3]  }
0x2e: {  	s3 =	simm.s32 @!p0 $0x1082;
	s9 =	sld [smem:$0x3FB4]  }
0x2f: {  	lr =	sadd.s32 s0, s3;
	s0 =	sld [smem:$0x3FAB]  }
0x30: {  	s3 =	sld [smem:$0x3FAE]  }
0x31: {  	[smem:$0x3FB7] =	sst s10  }
0x32: {  	s10 =	sld [smem:$0x3FB5];
	_ =	sdelay $0x3  }
0x33: {  	p0 =	seq.s32 s10, $0x1;
	s10 =	sld [smem:$0x3FB7];
	_ =	sdelay $0x3  }
0x34: {  	[smem:$0x3FB7] =	sst s10  }
0x35: {  	s10 =	sld [smem:$0x3FB6];
	_ =	sdelay $0x3  }
0x36: {  	p1 =	seq.s32 s10, $0x1;
	s10 =	sld [smem:$0x3FB7];
	_ =	sdelay $0x3  }
0x37: {  	[smem:$0x3FB7] =	sst s10  }
0x38: {  	s10 =	sld [smem:$0x3FB8]  }
0x39: {  	_ = 	snop;
	(pc) =	sbr.ind lr, $3  }
0x3a: {  	_ = 	snop  }
0x3b: {  	_ = 	snop  }
0x3c: {  	p2 =	seq.s32 s10, $0x1;
	s10 =	sld [smem:$0x3FB7]  }
0x3d: {  	_ =	shalt  }
0x3e: {  	_ =	shalt  }
0x3f: {  	_ =	shalt  }
0x40: {  	_ =	shalt  }
0x41: {  	_ =	shalt  }
0x42: {  	_ =	shalt  }
0x43: {  	_ =	shalt  }
0x44: {  	_ =	shalt  }
0x45: {  	_ =	shalt  }
0x46: {  	_ =	shalt  }
0x47: {  	_ =	shalt  }
0x48: {  	_ =	shalt  }
0x49: {  	_ =	shalt  }
0x4a: {  	_ =	shalt  }
0x4b: {  	_ =	shalt  }
0x4c: {  	_ =	shalt  }
0x4d: {  	_ =	shalt  }
0x4e: {  	_ =	shalt  }
0x4f: {  	_ =	shalt  }
0x50: {  	_ =	shalt  }
0x51: {  	_ =	shalt  }
0x52: {  	_ =	shalt  }
0x53: {  	_ =	shalt  }
0x54: {  	_ =	shalt  }
0x55: {  	_ =	shalt  }
0x56: {  	_ =	shalt  }
0x57: {  	_ =	shalt  }
0x58: {  	_ =	shalt  }
0x59: {  	_ =	shalt  }
0x5a: {  	_ =	shalt  }
0x5b: {  	_ =	shalt  }
0x5c: {  	_ =	shalt  }
0x5d: {  	_ =	shalt  }
0x5e: {  	_ =	shalt  }
0x5f: {  	_ =	shalt  }
0x60: {  	_ =	shalt  }
0x61: {  	_ =	shalt  }
0x62: {  	_ =	shalt  }
0x63: {  	_ =	shalt  }
0x64: {  	_ =	shalt  }
0x65: {  	_ =	shalt  }
0x66: {  	_ =	shalt  }
0x67: {  	_ =	shalt  }
0x68: {  	_ =	shalt  }
0x69: {  	_ =	shalt  }
0x6a: {  	_ =	shalt  }
0x6b: {  	_ =	shalt  }
0x6c: {  	_ =	shalt  }
0x6d: {  	_ =	shalt  }
0x6e: {  	_ =	shalt  }
0x6f: {  	_ =	shalt  }
0x70: {  	_ =	shalt  }
0x71: {  	_ =	shalt  }
0x72: {  	_ =	shalt  }
0x73: {  	_ =	shalt  }
0x74: {  	_ =	shalt  }
0x75: {  	_ =	shalt  }
0x76: {  	_ =	shalt  }
0x77: {  	_ =	shalt  }
0x78: {  	_ =	shalt  }
0x79: {  	_ =	shalt  }
0x7a: {  	_ =	shalt  }
0x7b: {  	_ =	shalt  }
0x7c: {  	_ =	shalt  }
0x7d: {  	_ =	shalt  }
0x7e: {  	_ =	shalt  }
0x7f: {  	_ =	shalt  }
0x80: {  	_ =	shalt  }
0x81: {  	_ =	shalt  }
0x82: {  	_ =	shalt  }
0x83: {  	_ =	shalt  }
0x84: {  	_ =	shalt  }
0x85: {  	_ =	shalt  }
0x86: {  	_ =	shalt  }
0x87: {  	_ =	shalt  }
.Lfunc_end0:
.L_simem_size_0:
called_computation.3_lowered:
.L_overlay_start_0:
0x88: {  	s2 =	sld [smem:$0x3FD9]  }
0x89: {  	s3 =	sld [smem:$0x3FFE];
	_ =	sdelay $0x1  }
0x8a: {  	s1 =	srdreg.scid  }
0x8b: {  	s0 =	sand.u32 $0x1, s1  }
0x8c: {  	s17 =	sshll.u32 s0, $0xA;
	s2 =	sadd.s32 s3, s2  }
0x8d: {  	s2 =	sadd.s32 s2, s17  }
0x8e: {  	[smem:$0x3FC3] =	sst s2  }
0x8f: {  	_ = 	snop  }
0x90: {  	s2 =	sld [smem:$0x3FD0];
	(tm) =	ssettm $0x1  }
0x91: {  	s18 =	sld [smem:$0x3FFB];
	_ =	sdelay $0x3  }
0x92: {  	_ =	strace s18  }
0x93: {  	s3 =	sld [smem:$0x3FFC];
	_ =	sdelay $0x3  }
0x94: {  	_ =	strace s3  }
0x95: {  	s3 =	sld [smem:$0x3FFD];
	_ =	sdelay $0x3  }
0x96: {  	_ =	strace s3  }
0x97: {  	_ =	strace $0x8FFFFFFF  }
0x98: {  	s19 =	sld [smem:$0x3FDB];
	_ =	sdelay $0x1  }
0x99: {  	s4 =	simm.s32 $_scs_section_size  }
0x9a: {  	s5 =	simm.s32 $_size__tile_overlayer_lowered;
	s6 =	simm.s32 $_tile_overlayer_lowered  }
0x9b: {  	s22 =	simm.s32 $0x1BFF;
	s21 =	sshll.u32 s6, $0x1;
	s3 =	sadd.s32 s4, s19  }
0x9c: {  	s7 =	simm.s32 $0x0;
	s20 =	sshll.u32 s5, $0x1;
	s5 =	sadd.s32 s21, s3  }
0x9d: {  	[timem:s7], [sflag:s22] =	dma.local [hbm:s5], s20  }
0x9e: {  	_ =	swait.ge [sflag:s22], s20  }
0x9f: {  	s4 =	ssub.s32 $0x0, s20;
	[sflag:s22] =	ssyncset.done $0x0  }
0xa0: {  	[sflag:s22] =	ssyncadd.s32 s4;
	_ =	sdelay $0x1  }
0xa1: {  	s23 =	simm.s32 $0x1B8B  }
0xa2: {  	_ =	swait.ge [sflag:s23], $0x1  }
0xa3: {  	[sflag:s23] =	ssyncset.done $0x0  }
0xa4: {  	s25 =	simm.s32 $0x1B8E;
	s24 =	sld [smem:$0x3FFE];
	[sflag:s23] =	ssyncadd.s32 $0xFFFFFFFF  }
0xa5: {  	s26 =	simm.s32 $execute0_lowered;
	[smem:$0x3FD2] =	sst s25  }
0xa6: {  	s5 =	sshll.u32 s26, $0x1;
	_ =	strace $0x8000004F;
	[dreg:$0x1] =	wrdreg $0xFFFFFFFF  }
0xa7: {  	s28 =	simm.s32 $_size_execute0_lowered;
	s3 =	sadd.s32 s3, s5;
	[dreg:$0x0] =	wrdreg $0x0  }
0xa8: {  	s5 =	sshll.u32 s28, $0x1;
	[dreg:$0x2] =	wrdreg s3  }
0xa9: {  	[dreg:$0x3] =	wrdreg s5  }
0xaa: {  	[dreg:$0x4] =	wrdreg $0xC0  }
0xab: {  	_ =	task [dreg:s7], $0x5FFFF  }
0xac: {  	[dreg:$0x1] =	wrdreg $0xFFFFFFFF  }
0xad: {  	[dreg:$0x0] =	wrdreg $0x60  }
0xae: {  	[dreg:$0x2] =	wrdreg s24  }
0xaf: {  	[dreg:$0x3] =	wrdreg s2  }
0xb0: {  	[dreg:$0x4] =	wrdreg $0xB0000  }
0xb1: {  	[dreg:$0x5] =	wrdreg $0x9  }
0xb2: {  	_ =	task.clear_ibuf [dreg:s7], $0x6FFFF;
	_ =	strace $0x9000004F  }
0xb3: {  	s29 =	simm.s32 $0x9;
	_ =	strace $0x80000051  }
0xb4: {  	_ =	swait.ge [sflag:s29], $0x1  }
0xb5: {  	[sflag:s29] =	ssyncadd.s32 $0xFFFFFFFF  }
0xb6: {  	_ =	strace $0x90000051  }
0xb7: {  	_ =	sfence  }
0xb8: {  	s30 =	sld [smem:$0x0];
	_ =	sdelay $0x2  }
0xb9: {  	s31 =	sshll.u32 s1, $0xD;
	s1 =	sshrl.u32 s1, $0x2  }
0xba: {  	s3 =	sand.u32 $0x4000, s31;
	s1 =	sadd.s32 s1, s30  }
0xbb: {  	s0 =	sor.u32 s3, s0;
	s1 =	sshll.u32 s1, $0x11  }
0xbc: {  	s0 =	sor.u32 s1, s0  }
0xbd: {  	s0 =	sadd.s32 $0x8F2B, s0  }
0xbe: {  	[sflag:s0] =	ssyncadd.remote.s32 $0x1  }
0xbf: {  	_ =	sfence.sel $0xFFFF  }
0xc0: {  	[dreg:$0x0] =	wrdreg $0xFFFFFFFF;
	(pc) =	sbr.abs _section_cstart, $3  }
0xc1: {  	[dreg:$0x1] =	wrdreg $0xFFFFFFFF  }
0xc2: {  	_ =	task.clear_ibuf [dreg:s7], $0x2FFFF;
	_ =	strace $0x9FFFFFFF  }
0xc3: {  	(tm) =	ssettm $0x7FFFFFFF  }
tec
execute0_lowered:
.L_overlay_start_1:
0x0: {  	(tag) =	ssettag $0x1  }
0x1: {  	s5 =	rddreg [dreg:$0x0]  }
0x2: {  	s6 =	rddreg [dreg:$0x1]  }
0x3: {  	s2 =	rddreg [dreg:$0x2]  }
0x4: {  	s0 =	srdreg.scid;
	s1 =	rddreg [dreg:$0x3]  }
0x5: {  	s3 =	simm.s32 $0x0;
	s19 =	simm.s32 $0x2;
	s7 =	sand.u32 $0x1, s0  }
0x6: {  	s20 =	simm.s32 $0x2800;
	s0 =	stileid.u32;
	s4 =	smul.u32 $0x28000, s7  }
0x7: {  	s21 =	simm.s32 $0x9000;
	s22 =	simm.s32 $0x80;
	s8 =	smul.u32 $0x2800, s0  }
0x8: {  	s23 =	simm.s32 $0x5000;
	s24 =	simm.s32 $0x1;
	s9 =	smul.u32 $0x140000, s7  }
0x9: {  	s25 =	simm.s32 $0x0;
	[smem:$0x7FF] =	sst s3;
	s10 =	smul.u32 $0x14000, s0  }
0xa: {  	_ =	strace $0x80000050;
	s7 =	ssub.s32 $0x2, s7;
	s30 =	smul.u32 $0x50000, s0  }
0xb: {  	s12 =	sshrl.u32 s7, $0x1;
	s8 =	sadd.s32 s8, s4;
	s4 =	sadd.s32 $0x11E00, s5  }
0xc: {  	s9 =	sadd.s32 s10, s9;
	s12 =	ssub.s32 s7, s12;
	s31 =	sshrl.u32 s30, $0x2  }
0xd: {  	s8 =	sshrl.u32 s8, $0x3;
	s9 =	sshrl.u32 s9, $0x3;
	s7 =	sadd.s32 s31, s2  }
0xe: {  	s11 =	sadd.s32 s8, s5;
	s9 =	sadd.s32 s9, s5;
	s5 =	sadd.s32 s6, s8  }
0xf: {  	s10 =	sadd.s32 $0x2000, s7;
	s13 =	sadd.s32 $0x8000, s7;
	s14 =	sadd.s32 $0xA000, s7  }
0x10: {  	s15 =	sadd.s32 $0xC000, s7;
	s16 =	sadd.s32 $0xE000, s7;
	s17 =	sadd.s32 $0x10000, s7  }
0x11: {  	s18 =	sadd.s32 $0x12000, s7;
	s6 =	sadd.s32 $0x7E00, s11;
	s8 =	sadd.s32 $0x8A600, s9  }
0x12: {  	v0 =	vimm.f32 $0.0e+00;
	s9 =	smax.u32 s12, $0x1;
	s11 =	sadd.s32 $0x4000, s7;
	s12 =	sadd.s32 $0x6000, s7  }
.LBB2_1:
0x13: {  	[tilespmem:s3], [sflag:$0x2] =	stream.linear.gather [hbm4b:s5+s3], $0x2780, $0x38;
	[tilespmem:$0x1F000] =	vst v63  }
0x14: {  	_ =	swait.ge [sflag:s19], $0x2780  }
0x15: {  	[sflag:s19] =	ssyncset.done $0x0  }
0x16: {  	[sflag:s19] =	ssyncadd.s32 $0xFFFFD880  }
0x17: {  	[tilespmem:s20], [sflag:$0x2] =	stream.linear.gather [hbm4b:s6+s3], $0x2780, $0x38;
	[tilespmem:$0x1F000] =	vst v63  }
0x18: {  	_ =	swait.ge [sflag:s19], $0x2780  }
0x19: {  	[sflag:s19] =	ssyncset.done $0x0  }
0x1a: {  	s26 =	simm.s32 $0x0;
	s28 =	simm.s32 $0x200;
	[sflag:s19] =	ssyncadd.s32 $0xFFFFD880  }
.LBB2_2:
0x1b: {  	p0 =	sne.s32 s28, $0x7E00;
	[tilespmem:s26+$0x9070] =	vst v0  }
0x1c: {  	[tilespmem:s26+$0x9000] =	vst v0  }
0x1d: {  	[tilespmem:s26+$0x9010] =	vst v0  }
.Ltmp0:
0x1e: {  	[tilespmem:s26+$0x9020] =	vst v0;
	(pc) =	sbr.rel @p0 .LBB2_2-.Ltmp0, $4  }
0x1f: {  	[tilespmem:s26+$0x9030] =	vst v0  }
0x20: {  	[tilespmem:s26+$0x9040] =	vst v0  }
0x21: {  	[tilespmem:s26+$0x9050] =	vst v0  }
0x22: {  	[tilespmem:s26+$0x9060] =	vst v0;
	s26 =	sshra.s32 s28, $0x2;
	s28 =	sadd.s32 $0x200, s28  }
0x23: {  	[tilespmem:s26+$0x9070] =	vst v0  }
0x24: {  	[tilespmem:s26+$0x9000] =	vst v0  }
0x25: {  	[tilespmem:s26+$0x9010] =	vst v0  }
0x26: {  	[tilespmem:s26+$0x9020] =	vst v0  }
0x27: {  	[tilespmem:s26+$0x9030] =	vst v0  }
0x28: {  	[tilespmem:s26+$0x9040] =	vst v0  }
0x29: {  	[tilespmem:s26+$0x9050] =	vst v0  }
0x2a: {  	[tilespmem:s26+$0x9060] =	vst v0  }
0x2b: {  	[spmem:s7] =	stream.linear.scatter [tilespmem:s21], [sflag:$0x2], $0x2000, $0x38;
	[tilespmem:$0x1F000] =	vst v63  }
0x2c: {  	_ =	swait.ge [sflag:s19], $0x2000  }
0x2d: {  	[sflag:s19] =	ssyncset.done $0x0  }
0x2e: {  	[sflag:s19] =	ssyncadd.s32 $0xFFFFE000  }
0x2f: {  	[spmem:s10] =	stream.linear.scatter [tilespmem:s21], [sflag:$0x2], $0x2000, $0x38;
	[tilespmem:$0x1F000] =	vst v63  }
0x30: {  	_ =	swait.ge [sflag:s19], $0x2000  }
0x31: {  	[sflag:s19] =	ssyncset.done $0x0  }
0x32: {  	[sflag:s19] =	ssyncadd.s32 $0xFFFFE000  }
0x33: {  	[spmem:s11] =	stream.linear.scatter [tilespmem:s21], [sflag:$0x2], $0x2000, $0x38;
	[tilespmem:$0x1F000] =	vst v63  }
0x34: {  	_ =	swait.ge [sflag:s19], $0x2000  }
0x35: {  	[sflag:s19] =	ssyncset.done $0x0  }
0x36: {  	[sflag:s19] =	ssyncadd.s32 $0xFFFFE000  }
0x37: {  	[spmem:s12] =	stream.linear.scatter [tilespmem:s21], [sflag:$0x2], $0x2000, $0x38;
	[tilespmem:$0x1F000] =	vst v63  }
0x38: {  	_ =	swait.ge [sflag:s19], $0x2000  }
0x39: {  	[sflag:s19] =	ssyncset.done $0x0  }
0x3a: {  	[sflag:s19] =	ssyncadd.s32 $0xFFFFE000  }
0x3b: {  	[spmem:s13] =	stream.linear.scatter [tilespmem:s21], [sflag:$0x2], $0x2000, $0x38;
	[tilespmem:$0x1F000] =	vst v63  }
0x3c: {  	_ =	swait.ge [sflag:s19], $0x2000  }
0x3d: {  	[sflag:s19] =	ssyncset.done $0x0  }
0x3e: {  	[sflag:s19] =	ssyncadd.s32 $0xFFFFE000  }
0x3f: {  	[spmem:s14] =	stream.linear.scatter [tilespmem:s21], [sflag:$0x2], $0x2000, $0x38;
	[tilespmem:$0x1F000] =	vst v63  }
0x40: {  	_ =	swait.ge [sflag:s19], $0x2000  }
0x41: {  	[sflag:s19] =	ssyncset.done $0x0  }
0x42: {  	[sflag:s19] =	ssyncadd.s32 $0xFFFFE000  }
0x43: {  	[spmem:s15] =	stream.linear.scatter [tilespmem:s21], [sflag:$0x2], $0x2000, $0x38;
	[tilespmem:$0x1F000] =	vst v63  }
0x44: {  	_ =	swait.ge [sflag:s19], $0x2000  }
0x45: {  	[sflag:s19] =	ssyncset.done $0x0  }
0x46: {  	[sflag:s19] =	ssyncadd.s32 $0xFFFFE000  }
0x47: {  	[spmem:s16] =	stream.linear.scatter [tilespmem:s21], [sflag:$0x2], $0x2000, $0x38;
	[tilespmem:$0x1F000] =	vst v63  }
0x48: {  	_ =	swait.ge [sflag:s19], $0x2000  }
0x49: {  	[sflag:s19] =	ssyncset.done $0x0  }
0x4a: {  	[sflag:s19] =	ssyncadd.s32 $0xFFFFE000  }
0x4b: {  	[spmem:s17] =	stream.linear.scatter [tilespmem:s21], [sflag:$0x2], $0x2000, $0x38;
	[tilespmem:$0x1F000] =	vst v63  }
0x4c: {  	_ =	swait.ge [sflag:s19], $0x2000  }
0x4d: {  	[sflag:s19] =	ssyncset.done $0x0  }
0x4e: {  	[sflag:s19] =	ssyncadd.s32 $0xFFFFE000  }
0x4f: {  	[spmem:s18] =	stream.linear.scatter [tilespmem:s21], [sflag:$0x2], $0x2000, $0x38;
	[tilespmem:$0x1F000] =	vst v63  }
0x50: {  	_ =	swait.ge [sflag:s19], $0x2000  }
0x51: {  	[sflag:s19] =	ssyncset.done $0x0  }
0x52: {  	[sflag:s19] =	ssyncadd.s32 $0xFFFFE000  }
0x53: {  	s30 =	simm.s32 $0x0;
	[bflag:$0x0] =	sbarrier.arrive $0xFFFF  }
0x54: {  	[tilespmem:s23], [sflag:$0x1] =	stream.indirect.gather [hbm4b:s4+s22], $0x80, s30, s22, $0xb8;
	[tilespmem:$0x1F000] =	vst v63  }
0x55: {  	_ =	swait.ge [sflag:s24], $0x4000  }
0x56: {  	[sflag:s24] =	ssyncset.done $0x0  }
0x57: {  	s31 =	simm.s32 $0x2800;
	[sflag:s24] =	ssyncadd.s32 $0xFFFFC000  }
0x58: {  	[spmem:s2] =	stream.indirect.scatter.add.f32 [tilespmem:s23], [sflag:$0x2], $0x80, s31, s22, $0xb8;
	[tilespmem:$0x1F000] =	vst v63  }
0x59: {  	_ =	swait.ge [sflag:s19], $0x4000  }
0x5a: {  	s26 =	simm.s32 $0x200;
	s28 =	simm.s32 $0x400;
	[sflag:s19] =	ssyncset.done $0x0  }
.LBB2_4:
0x5b: {  	s29 =	sshra.s32 s26, $0x2  }
0x5c: {  	[sflag:s19] =	ssyncadd.s32 $0xFFFFC000;
	s26 =	smov.u32 s28;
	s30 =	sadd.s32 $0x200, s28  }
0x5d: {  	[tilespmem:s23], [sflag:$0x1] =	stream.indirect.gather [hbm4b:s4+s22], $0x80, s29, s22, $0xb8;
	[tilespmem:$0x1F000] =	vst v63  }
0x5e: {  	p0 =	sne.s32 s28, $0x9C00;
	_ =	swait.ge [sflag:s24], $0x4000  }
.Ltmp1:
0x5f: {  	[sflag:s24] =	ssyncset.done $0x0;
	(pc) =	sbr.rel @p0 .LBB2_4-.Ltmp1, $4  }
0x60: {  	s28 =	sadd.s32 $0x2800, s29;
	[sflag:s24] =	ssyncadd.s32 $0xFFFFC000  }
0x61: {  	[spmem:s2] =	stream.indirect.scatter.add.f32 [tilespmem:s23], [sflag:$0x2], $0x80, s28, s22, $0xb8;
	[tilespmem:$0x1F000] =	vst v63  }
0x62: {  	_ =	swait.ge [sflag:s19], $0x4000  }
0x63: {  	s28 =	smov.u32 s30;
	[sflag:s19] =	ssyncset.done $0x0  }
0x64: {  	s26 =	sshra.s32 s26, $0x2;
	[sflag:s19] =	ssyncadd.s32 $0xFFFFC000  }
0x65: {  	[tilespmem:s23], [sflag:$0x1] =	stream.indirect.gather [hbm4b:s4+s22], $0x80, s26, s22, $0xb8;
	[tilespmem:$0x1F000] =	vst v63  }
0x66: {  	_ =	swait.ge [sflag:s24], $0x4000  }
0x67: {  	[sflag:s24] =	ssyncset.done $0x0  }
0x68: {  	s26 =	sadd.s32 $0x2800, s26;
	[sflag:s24] =	ssyncadd.s32 $0xFFFFC000  }
0x69: {  	[spmem:s2] =	stream.indirect.scatter.add.f32 [tilespmem:s23], [sflag:$0x2], $0x80, s26, s22, $0xb8;
	[tilespmem:$0x1F000] =	vst v63  }
0x6a: {  	_ =	swait.ge [sflag:s19], $0x4000  }
0x6b: {  	s31 =	sshll.u32 s0, $0x6;
	s25 =	sadd.s32 $0x1, s25;
	[sflag:s19] =	ssyncset.done $0x0  }
0x6c: {  	s28 =	sshrl.u32 s7, $0x3;
	p0 =	sne.s32 s25, s9;
	[sflag:s19] =	ssyncadd.s32 $0xFFFFC000  }
.Ltmp2:
0x6d: {  	s26 =	sor.u32 $0x1C02, s31;
	[bflag:$0x0] =	sbarrier.arrive $0xFFFF;
	(pc) =	sbr.rel @p0 .LBB2_1-.Ltmp2, $4  }
0x6e: {  	[hbm:s8], [sflag:s26] =	dma.local [spmem:s28], $0x2800  }
0x6f: {  	_ =	swait.ge [sflag:s19], $0x2800  }
0x70: {  	[sflag:s19] =	ssyncset.done $0x0  }
0x71: {  	[sflag:s19] =	ssyncadd.s32 $0xFFFFD800  }
0x72: {  	_ =	sfence.sel $0x180000  }
0x73: {  	[bflag:$0x0] =	sbarrier.arrive $0xFFFF  }
0x74: {  	p0 =	sne.s32 s0, $0x0;
	_ =	strace $0x90000050  }
0x75: {  	s0 =	sadd.s32 @!p0 $0x100000, s1;
	[bflag:$0x2] =	sbarrier.arrive $0xFFFF  }
0x76: {  	[sflag:s0] =	ssyncadd.tile.s32 @!p0 $0x1;
	_ =	shalt  }
.Lfunc_end2:
_tile_overlayer_lowered:
.L_overlay_start_2:
0x77: {  	(tag) =	ssettag $0x2  }
0x78: {  	s0 =	rddreg [dreg:$0x0];
	s2 =	stileid.u32  }
0x79: {  	s1 =	rddreg [dreg:$0x1];
	p0 =	sne.s32 s2, $0x0  }
0x7a: {  	s3 =	rddreg [dreg:$0x2];
	[bflag:$0x3] =	sbarrier.arrive $0xFFFF;
	s2 =	simm.s32 @!p0 $0x1C02  }
0x7b: {  	[timem:s3], [sflag:s2] =	dma.local @!p0 [hbm:s0], s1  }
0x7c: {  	s0 =	simm.s32 @!p0 $0x2  }
0x7d: {  	_ =	swait.ge @!p0 [sflag:s0], s1  }
0x7e: {  	s1 =	ssub.s32 @!p0 $0x0, s1;
	[sflag:s0] =	ssyncset.done @!p0 $0x0  }
0x7f: {  	[sflag:s0] =	ssyncadd.s32 @!p0 s1  }
0x80: {  	[bflag:$0x3] =	sbarrier.arrive $0xFFFF  }
0x81: {  	_ =	shalt  }

// kernel: kernel.35.cloned.1.call-start
scs
__scs_entry_jumppad:
0x0: {  	(pc) =	sbr.rel $0x88, $3  }
0x1: {  	(tag) =	ssettag $0x0;
	lr =	simm.s32 $0x1  }
0x2: {  	[smem:$0x3F9C] =	sst lr;
	_ =	strace $0xD0000000  }
0x3: {  	_ = 	snop  }
0x4: {  	_ = 	snop  }
0x5: {  	_ = 	snop  }
0x6: {  	_ = 	snop  }
0x7: {  	_ = 	snop  }
__scs_overlays_trampoline_lowered:
0x8: {  	[smem:$0x3FAB] =	sst s0  }
0x9: {  	[smem:$0x3FAC] =	sst s1  }
0xa: {  	[smem:$0x3FAD] =	sst s2  }
0xb: {  	[smem:$0x3FAE] =	sst s3  }
0xc: {  	[smem:$0x3FAF] =	sst s4  }
0xd: {  	[smem:$0x3FB0] =	sst s5  }
0xe: {  	[smem:$0x3FB1] =	sst s6  }
0xf: {  	[smem:$0x3FB2] =	sst s7  }
0x10: {  	[smem:$0x3FB3] =	sst s8  }
0x11: {  	[smem:$0x3FB4] =	sst s9;
	s0 =	simm.s32 @!p0 $0x0  }
0x12: {  	s1 =	sld [smem:$0x3F9A];
	s0 =	simm.s32 @p0 $0x1  }
0x13: {  	[smem:$0x3FB5] =	sst s0;
	s0 =	simm.s32 @!p1 $0x0  }
0x14: {  	s2 =	sld [smem:$0x3F99];
	s0 =	simm.s32 @p1 $0x1  }
0x15: {  	[smem:$0x3FB6] =	sst s0;
	s0 =	simm.s32 @!p2 $0x0  }
0x16: {  	s3 =	sld [smem:$0x3FDB];
	s0 =	simm.s32 @p2 $0x1  }
0x17: {  	s4 =	simm.s32 $0x1BF5;
	[smem:$0x3FB8] =	sst s0  }
0x18: {  	s0 =	sld [smem:$0x3F9B];
	_ =	swait.ge [sflag:s4], $0x0  }
0x19: {  	s7 =	sld [smem:$0x3F9C]  }
0x1a: {  	s8 =	sadd.s32 $0xFFFFE003, lr  }
0x1b: {  	s9 =	sadd.s32 $0xFFFFFEF7, lr;
	s5 =	simm.s32 $0xFFFFFFFF;
	p2 =	slt.u32 s8, $0xFFFFF086  }
0x1c: {  	p1 =	slt.u32 s9, $0xF7A;
	s5 =	simm.s32 @!p2 $0x0  }
0x1d: {  	s5 =	simm.s32 @p1 $0x1;
	p0 =	seq.s32 s7, s2  }
0x1e: {  	s7 =	smul.u32 @!p0 $0xF7A, s2;
	p2 =	seq.s32 @!p0 s5, $0x0  }
0x1f: {  	s9 =	smul.u32 $0xF7A, s1;
	s8 =	simm.s32 @!p0 $0x1BF5;
	p2 =	por !p2, p0  }
0x20: {  	[sflag:s8] =	ssyncset.s32 @!p0 $0xFFFFF086;
	s6 =	sadd.s32 @!p0 s3, s7;
	s7 =	simm.s32 @!p0 $0x108  }
0x21: {  	s3 =	sadd.s32 s3, s9;
	s6 =	sadd.s32 @!p0 $0x88, s6;
	s7 =	simm.s32 @p2 $0x1082  }
0x22: {  	[simem:s7], [sflag:s8] =	dma.local @!p0 [hbm:s6], $0xF7A  }
0x23: {  	s9 =	sor.u32 $0xD0000000, s2;
	s6 =	simm.s32 $0x108;
	_ =	swait.ge @!p0 [sflag:s8], $0x0  }
0x24: {  	s3 =	sadd.s32 $0x88, s3;
	s6 =	simm.s32 @!p1 $0x1082;
	[sflag:s4] =	ssyncset.s32 $0xFFFFF086  }
0x25: {  	[simem:s6], [sflag:s4] =	dma.local [hbm:s3], $0xF7A  }
0x26: {  	[smem:$0x3F9C] =	sst s1;
	(tag) =	ssettag s2;
	_ =	strace s9  }
0x27: {  	s1 =	sld [smem:$0x3FAC]  }
0x28: {  	s2 =	sld [smem:$0x3FAD]  }
0x29: {  	s4 =	sld [smem:$0x3FAF]  }
0x2a: {  	p0 =	seq.s32 s5, $0x0;
	s5 =	sld [smem:$0x3FB0]  }
0x2b: {  	s6 =	sld [smem:$0x3FB1]  }
0x2c: {  	s7 =	sld [smem:$0x3FB2]  }
0x2d: {  	s3 =	simm.s32 $0x108;
	s8 =	sld [smem:$0x3FB3]  }
0x2e: {  	s3 =	simm.s32 @!p0 $0x1082;
	s9 =	sld [smem:$0x3FB4]  }
0x2f: {  	lr =	sadd.s32 s0, s3;
	s0 =	sld [smem:$0x3FAB]  }
0x30: {  	s3 =	sld [smem:$0x3FAE]  }
0x31: {  	[smem:$0x3FB7] =	sst s10  }
0x32: {  	s10 =	sld [smem:$0x3FB5];
	_ =	sdelay $0x3  }
0x33: {  	p0 =	seq.s32 s10, $0x1;
	s10 =	sld [smem:$0x3FB7];
	_ =	sdelay $0x3  }
0x34: {  	[smem:$0x3FB7] =	sst s10  }
0x35: {  	s10 =	sld [smem:$0x3FB6];
	_ =	sdelay $0x3  }
0x36: {  	p1 =	seq.s32 s10, $0x1;
	s10 =	sld [smem:$0x3FB7];
	_ =	sdelay $0x3  }
0x37: {  	[smem:$0x3FB7] =	sst s10  }
0x38: {  	s10 =	sld [smem:$0x3FB8]  }
0x39: {  	_ = 	snop;
	(pc) =	sbr.ind lr, $3  }
0x3a: {  	_ = 	snop  }
0x3b: {  	_ = 	snop  }
0x3c: {  	p2 =	seq.s32 s10, $0x1;
	s10 =	sld [smem:$0x3FB7]  }
0x3d: {  	_ =	shalt  }
0x3e: {  	_ =	shalt  }
0x3f: {  	_ =	shalt  }
0x40: {  	_ =	shalt  }
0x41: {  	_ =	shalt  }
0x42: {  	_ =	shalt  }
0x43: {  	_ =	shalt  }
0x44: {  	_ =	shalt  }
0x45: {  	_ =	shalt  }
0x46: {  	_ =	shalt  }
0x47: {  	_ =	shalt  }
0x48: {  	_ =	shalt  }
0x49: {  	_ =	shalt  }
0x4a: {  	_ =	shalt  }
0x4b: {  	_ =	shalt  }
0x4c: {  	_ =	shalt  }
0x4d: {  	_ =	shalt  }
0x4e: {  	_ =	shalt  }
0x4f: {  	_ =	shalt  }
0x50: {  	_ =	shalt  }
0x51: {  	_ =	shalt  }
0x52: {  	_ =	shalt  }
0x53: {  	_ =	shalt  }
0x54: {  	_ =	shalt  }
0x55: {  	_ =	shalt  }
0x56: {  	_ =	shalt  }
0x57: {  	_ =	shalt  }
0x58: {  	_ =	shalt  }
0x59: {  	_ =	shalt  }
0x5a: {  	_ =	shalt  }
0x5b: {  	_ =	shalt  }
0x5c: {  	_ =	shalt  }
0x5d: {  	_ =	shalt  }
0x5e: {  	_ =	shalt  }
0x5f: {  	_ =	shalt  }
0x60: {  	_ =	shalt  }
0x61: {  	_ =	shalt  }
0x62: {  	_ =	shalt  }
0x63: {  	_ =	shalt  }
0x64: {  	_ =	shalt  }
0x65: {  	_ =	shalt  }
0x66: {  	_ =	shalt  }
0x67: {  	_ =	shalt  }
0x68: {  	_ =	shalt  }
0x69: {  	_ =	shalt  }
0x6a: {  	_ =	shalt  }
0x6b: {  	_ =	shalt  }
0x6c: {  	_ =	shalt  }
0x6d: {  	_ =	shalt  }
0x6e: {  	_ =	shalt  }
0x6f: {  	_ =	shalt  }
0x70: {  	_ =	shalt  }
0x71: {  	_ =	shalt  }
0x72: {  	_ =	shalt  }
0x73: {  	_ =	shalt  }
0x74: {  	_ =	shalt  }
0x75: {  	_ =	shalt  }
0x76: {  	_ =	shalt  }
0x77: {  	_ =	shalt  }
0x78: {  	_ =	shalt  }
0x79: {  	_ =	shalt  }
0x7a: {  	_ =	shalt  }
0x7b: {  	_ =	shalt  }
0x7c: {  	_ =	shalt  }
0x7d: {  	_ =	shalt  }
0x7e: {  	_ =	shalt  }
0x7f: {  	_ =	shalt  }
0x80: {  	_ =	shalt  }
0x81: {  	_ =	shalt  }
0x82: {  	_ =	shalt  }
0x83: {  	_ =	shalt  }
0x84: {  	_ =	shalt  }
0x85: {  	_ =	shalt  }
0x86: {  	_ =	shalt  }
0x87: {  	_ =	shalt  }
.Lfunc_end0:
.L_simem_size_0:
called_computation.4_lowered:
.L_overlay_start_0:
0x88: {  	s2 =	sld [smem:$0x3FD9]  }
0x89: {  	s3 =	sld [smem:$0x3FFE];
	_ =	sdelay $0x1  }
0x8a: {  	s1 =	srdreg.scid  }
0x8b: {  	s0 =	sand.u32 $0x1, s1  }
0x8c: {  	s17 =	sshll.u32 s0, $0xA;
	s2 =	sadd.s32 s3, s2  }
0x8d: {  	s2 =	sadd.s32 s2, s17  }
0x8e: {  	[smem:$0x3FC3] =	sst s2  }
0x8f: {  	_ = 	snop  }
0x90: {  	s2 =	sld [smem:$0x3FD0];
	(tm) =	ssettm $0x1  }
0x91: {  	s18 =	sld [smem:$0x3FFB];
	_ =	sdelay $0x3  }
0x92: {  	_ =	strace s18  }
0x93: {  	s3 =	sld [smem:$0x3FFC];
	_ =	sdelay $0x3  }
0x94: {  	_ =	strace s3  }
0x95: {  	s3 =	sld [smem:$0x3FFD];
	_ =	sdelay $0x3  }
0x96: {  	_ =	strace s3  }
0x97: {  	_ =	strace $0x8FFFFFFF  }
0x98: {  	s19 =	sld [smem:$0x3FDB];
	_ =	sdelay $0x1  }
0x99: {  	s4 =	simm.s32 $_scs_section_size  }
0x9a: {  	s5 =	simm.s32 $_size__tile_overlayer_lowered;
	s6 =	simm.s32 $_tile_overlayer_lowered  }
0x9b: {  	s22 =	simm.s32 $0x1BFF;
	s21 =	sshll.u32 s6, $0x1;
	s3 =	sadd.s32 s4, s19  }
0x9c: {  	s7 =	simm.s32 $0x0;
	s20 =	sshll.u32 s5, $0x1;
	s5 =	sadd.s32 s21, s3  }
0x9d: {  	[timem:s7], [sflag:s22] =	dma.local [hbm:s5], s20  }
0x9e: {  	_ =	swait.ge [sflag:s22], s20  }
0x9f: {  	s4 =	ssub.s32 $0x0, s20;
	[sflag:s22] =	ssyncset.done $0x0  }
0xa0: {  	[sflag:s22] =	ssyncadd.s32 s4;
	_ =	sdelay $0x1  }
0xa1: {  	s23 =	simm.s32 $0x1B8B  }
0xa2: {  	_ =	swait.ge [sflag:s23], $0x1  }
0xa3: {  	[sflag:s23] =	ssyncset.done $0x0  }
0xa4: {  	s25 =	simm.s32 $0x1B8E;
	s24 =	sld [smem:$0x3FFE];
	[sflag:s23] =	ssyncadd.s32 $0xFFFFFFFF  }
0xa5: {  	s26 =	simm.s32 $execute0_lowered;
	[smem:$0x3FD2] =	sst s25  }
0xa6: {  	s5 =	sshll.u32 s26, $0x1;
	_ =	strace $0x80000052;
	[dreg:$0x1] =	wrdreg $0xFFFFFFFF  }
0xa7: {  	s28 =	simm.s32 $_size_execute0_lowered;
	s3 =	sadd.s32 s3, s5;
	[dreg:$0x0] =	wrdreg $0x0  }
0xa8: {  	s5 =	sshll.u32 s28, $0x1;
	[dreg:$0x2] =	wrdreg s3  }
0xa9: {  	[dreg:$0x3] =	wrdreg s5  }
0xaa: {  	[dreg:$0x4] =	wrdreg $0xC0  }
0xab: {  	_ =	task [dreg:s7], $0x5FFFF  }
0xac: {  	[dreg:$0x1] =	wrdreg $0xFFFFFFFF  }
0xad: {  	[dreg:$0x0] =	wrdreg $0x60  }
0xae: {  	[dreg:$0x2] =	wrdreg s24  }
0xaf: {  	[dreg:$0x3] =	wrdreg s2  }
0xb0: {  	[dreg:$0x4] =	wrdreg $0xB0000  }
0xb1: {  	[dreg:$0x5] =	wrdreg $0x9  }
0xb2: {  	_ =	task.clear_ibuf [dreg:s7], $0x6FFFF;
	_ =	strace $0x90000052  }
0xb3: {  	s29 =	simm.s32 $0x9;
	_ =	strace $0x80000054  }
0xb4: {  	_ =	swait.ge [sflag:s29], $0x1  }
0xb5: {  	[sflag:s29] =	ssyncadd.s32 $0xFFFFFFFF  }
0xb6: {  	_ =	strace $0x90000054  }
0xb7: {  	_ =	sfence  }
0xb8: {  	s30 =	sld [smem:$0x0];
	_ =	sdelay $0x2  }
0xb9: {  	s31 =	sshll.u32 s1, $0xD;
	s1 =	sshrl.u32 s1, $0x2  }
0xba: {  	s3 =	sand.u32 $0x4000, s31;
	s1 =	sadd.s32 s1, s30  }
0xbb: {  	s0 =	sor.u32 s3, s0;
	s1 =	sshll.u32 s1, $0x11  }
0xbc: {  	s0 =	sor.u32 s1, s0  }
0xbd: {  	s0 =	sadd.s32 $0x8F2B, s0  }
0xbe: {  	[sflag:s0] =	ssyncadd.remote.s32 $0x1  }
0xbf: {  	_ =	sfence.sel $0xFFFF  }
0xc0: {  	[dreg:$0x0] =	wrdreg $0xFFFFFFFF;
	(pc) =	sbr.abs _section_cstart, $3  }
0xc1: {  	[dreg:$0x1] =	wrdreg $0xFFFFFFFF  }
0xc2: {  	_ =	task.clear_ibuf [dreg:s7], $0x2FFFF;
	_ =	strace $0x9FFFFFFF  }
0xc3: {  	(tm) =	ssettm $0x7FFFFFFF  }
tec
execute0_lowered:
.L_overlay_start_1:
0x0: {  	(tag) =	ssettag $0x1  }
0x1: {  	s5 =	rddreg [dreg:$0x0]  }
0x2: {  	s6 =	rddreg [dreg:$0x1]  }
0x3: {  	s2 =	rddreg [dreg:$0x2]  }
0x4: {  	s0 =	srdreg.scid;
	s1 =	rddreg [dreg:$0x3]  }
0x5: {  	s3 =	simm.s32 $0x0;
	s19 =	simm.s32 $0x2;
	s7 =	sand.u32 $0x1, s0  }
0x6: {  	s20 =	simm.s32 $0x2800;
	s0 =	stileid.u32;
	s4 =	smul.u32 $0x28000, s7  }
0x7: {  	s21 =	simm.s32 $0x9000;
	s22 =	simm.s32 $0x80;
	s8 =	smul.u32 $0x2800, s0  }
0x8: {  	s23 =	simm.s32 $0x5000;
	s24 =	simm.s32 $0x1;
	s9 =	smul.u32 $0x140000, s7  }
0x9: {  	s25 =	simm.s32 $0x0;
	[smem:$0x7FF] =	sst s3;
	s10 =	smul.u32 $0x14000, s0  }
0xa: {  	_ =	strace $0x80000053;
	s7 =	ssub.s32 $0x2, s7;
	s30 =	smul.u32 $0x50000, s0  }
0xb: {  	s12 =	sshrl.u32 s7, $0x1;
	s8 =	sadd.s32 s8, s4;
	s4 =	sadd.s32 $0x11E00, s5  }
0xc: {  	s9 =	sadd.s32 s10, s9;
	s12 =	ssub.s32 s7, s12;
	s31 =	sshrl.u32 s30, $0x2  }
0xd: {  	s8 =	sshrl.u32 s8, $0x3;
	s9 =	sshrl.u32 s9, $0x3;
	s7 =	sadd.s32 s31, s2  }
0xe: {  	s11 =	sadd.s32 s8, s5;
	s9 =	sadd.s32 s9, s5;
	s5 =	sadd.s32 s6, s8  }
0xf: {  	s10 =	sadd.s32 $0x2000, s7;
	s13 =	sadd.s32 $0x8000, s7;
	s14 =	sadd.s32 $0xA000, s7  }
0x10: {  	s15 =	sadd.s32 $0xC000, s7;
	s16 =	sadd.s32 $0xE000, s7;
	s17 =	sadd.s32 $0x10000, s7  }
0x11: {  	s18 =	sadd.s32 $0x12000, s7;
	s6 =	sadd.s32 $0x7E00, s11;
	s8 =	sadd.s32 $0x8A600, s9  }
0x12: {  	v0 =	vimm.f32 $0.0e+00;
	s9 =	smax.u32 s12, $0x1;
	s11 =	sadd.s32 $0x4000, s7;
	s12 =	sadd.s32 $0x6000, s7  }
.LBB2_1:
0x13: {  	[tilespmem:s3], [sflag:$0x2] =	stream.linear.gather [hbm4b:s5+s3], $0x2780, $0x38;
	[tilespmem:$0x1F000] =	vst v63  }
0x14: {  	_ =	swait.ge [sflag:s19], $0x2780  }
0x15: {  	[sflag:s19] =	ssyncset.done $0x0  }
0x16: {  	[sflag:s19] =	ssyncadd.s32 $0xFFFFD880  }
0x17: {  	[tilespmem:s20], [sflag:$0x2] =	stream.linear.gather [hbm4b:s6+s3], $0x2780, $0x38;
	[tilespmem:$0x1F000] =	vst v63  }
0x18: {  	_ =	swait.ge [sflag:s19], $0x2780  }
0x19: {  	[sflag:s19] =	ssyncset.done $0x0  }
0x1a: {  	s26 =	simm.s32 $0x0;
	s28 =	simm.s32 $0x200;
	[sflag:s19] =	ssyncadd.s32 $0xFFFFD880  }
.LBB2_2:
0x1b: {  	p0 =	sne.s32 s28, $0x7E00;
	[tilespmem:s26+$0x9070] =	vst v0  }
0x1c: {  	[tilespmem:s26+$0x9000] =	vst v0  }
0x1d: {  	[tilespmem:s26+$0x9010] =	vst v0  }
.Ltmp0:
0x1e: {  	[tilespmem:s26+$0x9020] =	vst v0;
	(pc) =	sbr.rel @p0 .LBB2_2-.Ltmp0, $4  }
0x1f: {  	[tilespmem:s26+$0x9030] =	vst v0  }
0x20: {  	[tilespmem:s26+$0x9040] =	vst v0  }
0x21: {  	[tilespmem:s26+$0x9050] =	vst v0  }
0x22: {  	[tilespmem:s26+$0x9060] =	vst v0;
	s26 =	sshra.s32 s28, $0x2;
	s28 =	sadd.s32 $0x200, s28  }
0x23: {  	[tilespmem:s26+$0x9070] =	vst v0  }
0x24: {  	[tilespmem:s26+$0x9000] =	vst v0  }
0x25: {  	[tilespmem:s26+$0x9010] =	vst v0  }
0x26: {  	[tilespmem:s26+$0x9020] =	vst v0  }
0x27: {  	[tilespmem:s26+$0x9030] =	vst v0  }
0x28: {  	[tilespmem:s26+$0x9040] =	vst v0  }
0x29: {  	[tilespmem:s26+$0x9050] =	vst v0  }
0x2a: {  	[tilespmem:s26+$0x9060] =	vst v0  }
0x2b: {  	[spmem:s7] =	stream.linear.scatter [tilespmem:s21], [sflag:$0x2], $0x2000, $0x38;
	[tilespmem:$0x1F000] =	vst v63  }
0x2c: {  	_ =	swait.ge [sflag:s19], $0x2000  }
0x2d: {  	[sflag:s19] =	ssyncset.done $0x0  }
0x2e: {  	[sflag:s19] =	ssyncadd.s32 $0xFFFFE000  }
0x2f: {  	[spmem:s10] =	stream.linear.scatter [tilespmem:s21], [sflag:$0x2], $0x2000, $0x38;
	[tilespmem:$0x1F000] =	vst v63  }
0x30: {  	_ =	swait.ge [sflag:s19], $0x2000  }
0x31: {  	[sflag:s19] =	ssyncset.done $0x0  }
0x32: {  	[sflag:s19] =	ssyncadd.s32 $0xFFFFE000  }
0x33: {  	[spmem:s11] =	stream.linear.scatter [tilespmem:s21], [sflag:$0x2], $0x2000, $0x38;
	[tilespmem:$0x1F000] =	vst v63  }
0x34: {  	_ =	swait.ge [sflag:s19], $0x2000  }
0x35: {  	[sflag:s19] =	ssyncset.done $0x0  }
0x36: {  	[sflag:s19] =	ssyncadd.s32 $0xFFFFE000  }
0x37: {  	[spmem:s12] =	stream.linear.scatter [tilespmem:s21], [sflag:$0x2], $0x2000, $0x38;
	[tilespmem:$0x1F000] =	vst v63  }
0x38: {  	_ =	swait.ge [sflag:s19], $0x2000  }
0x39: {  	[sflag:s19] =	ssyncset.done $0x0  }
0x3a: {  	[sflag:s19] =	ssyncadd.s32 $0xFFFFE000  }
0x3b: {  	[spmem:s13] =	stream.linear.scatter [tilespmem:s21], [sflag:$0x2], $0x2000, $0x38;
	[tilespmem:$0x1F000] =	vst v63  }
0x3c: {  	_ =	swait.ge [sflag:s19], $0x2000  }
0x3d: {  	[sflag:s19] =	ssyncset.done $0x0  }
0x3e: {  	[sflag:s19] =	ssyncadd.s32 $0xFFFFE000  }
0x3f: {  	[spmem:s14] =	stream.linear.scatter [tilespmem:s21], [sflag:$0x2], $0x2000, $0x38;
	[tilespmem:$0x1F000] =	vst v63  }
0x40: {  	_ =	swait.ge [sflag:s19], $0x2000  }
0x41: {  	[sflag:s19] =	ssyncset.done $0x0  }
0x42: {  	[sflag:s19] =	ssyncadd.s32 $0xFFFFE000  }
0x43: {  	[spmem:s15] =	stream.linear.scatter [tilespmem:s21], [sflag:$0x2], $0x2000, $0x38;
	[tilespmem:$0x1F000] =	vst v63  }
0x44: {  	_ =	swait.ge [sflag:s19], $0x2000  }
0x45: {  	[sflag:s19] =	ssyncset.done $0x0  }
0x46: {  	[sflag:s19] =	ssyncadd.s32 $0xFFFFE000  }
0x47: {  	[spmem:s16] =	stream.linear.scatter [tilespmem:s21], [sflag:$0x2], $0x2000, $0x38;
	[tilespmem:$0x1F000] =	vst v63  }
0x48: {  	_ =	swait.ge [sflag:s19], $0x2000  }
0x49: {  	[sflag:s19] =	ssyncset.done $0x0  }
0x4a: {  	[sflag:s19] =	ssyncadd.s32 $0xFFFFE000  }
0x4b: {  	[spmem:s17] =	stream.linear.scatter [tilespmem:s21], [sflag:$0x2], $0x2000, $0x38;
	[tilespmem:$0x1F000] =	vst v63  }
0x4c: {  	_ =	swait.ge [sflag:s19], $0x2000  }
0x4d: {  	[sflag:s19] =	ssyncset.done $0x0  }
0x4e: {  	[sflag:s19] =	ssyncadd.s32 $0xFFFFE000  }
0x4f: {  	[spmem:s18] =	stream.linear.scatter [tilespmem:s21], [sflag:$0x2], $0x2000, $0x38;
	[tilespmem:$0x1F000] =	vst v63  }
0x50: {  	_ =	swait.ge [sflag:s19], $0x2000  }
0x51: {  	[sflag:s19] =	ssyncset.done $0x0  }
0x52: {  	[sflag:s19] =	ssyncadd.s32 $0xFFFFE000  }
0x53: {  	s30 =	simm.s32 $0x0;
	[bflag:$0x0] =	sbarrier.arrive $0xFFFF  }
0x54: {  	[tilespmem:s23], [sflag:$0x1] =	stream.indirect.gather [hbm4b:s4+s22], $0x80, s30, s22, $0xb8;
	[tilespmem:$0x1F000] =	vst v63  }
0x55: {  	_ =	swait.ge [sflag:s24], $0x4000  }
0x56: {  	[sflag:s24] =	ssyncset.done $0x0  }
0x57: {  	s31 =	simm.s32 $0x2800;
	[sflag:s24] =	ssyncadd.s32 $0xFFFFC000  }
0x58: {  	[spmem:s2] =	stream.indirect.scatter.add.f32 [tilespmem:s23], [sflag:$0x2], $0x80, s31, s22, $0xb8;
	[tilespmem:$0x1F000] =	vst v63  }
0x59: {  	_ =	swait.ge [sflag:s19], $0x4000  }
0x5a: {  	s26 =	simm.s32 $0x200;
	s28 =	simm.s32 $0x400;
	[sflag:s19] =	ssyncset.done $0x0  }
.LBB2_4:
0x5b: {  	s29 =	sshra.s32 s26, $0x2  }
0x5c: {  	[sflag:s19] =	ssyncadd.s32 $0xFFFFC000;
	s26 =	smov.u32 s28;
	s30 =	sadd.s32 $0x200, s28  }
0x5d: {  	[tilespmem:s23], [sflag:$0x1] =	stream.indirect.gather [hbm4b:s4+s22], $0x80, s29, s22, $0xb8;
	[tilespmem:$0x1F000] =	vst v63  }
0x5e: {  	p0 =	sne.s32 s28, $0x9C00;
	_ =	swait.ge [sflag:s24], $0x4000  }
.Ltmp1:
0x5f: {  	[sflag:s24] =	ssyncset.done $0x0;
	(pc) =	sbr.rel @p0 .LBB2_4-.Ltmp1, $4  }
0x60: {  	s28 =	sadd.s32 $0x2800, s29;
	[sflag:s24] =	ssyncadd.s32 $0xFFFFC000  }
0x61: {  	[spmem:s2] =	stream.indirect.scatter.add.f32 [tilespmem:s23], [sflag:$0x2], $0x80, s28, s22, $0xb8;
	[tilespmem:$0x1F000] =	vst v63  }
0x62: {  	_ =	swait.ge [sflag:s19], $0x4000  }
0x63: {  	s28 =	smov.u32 s30;
	[sflag:s19] =	ssyncset.done $0x0  }
0x64: {  	s26 =	sshra.s32 s26, $0x2;
	[sflag:s19] =	ssyncadd.s32 $0xFFFFC000  }
0x65: {  	[tilespmem:s23], [sflag:$0x1] =	stream.indirect.gather [hbm4b:s4+s22], $0x80, s26, s22, $0xb8;
	[tilespmem:$0x1F000] =	vst v63  }
0x66: {  	_ =	swait.ge [sflag:s24], $0x4000  }
0x67: {  	[sflag:s24] =	ssyncset.done $0x0  }
0x68: {  	s26 =	sadd.s32 $0x2800, s26;
	[sflag:s24] =	ssyncadd.s32 $0xFFFFC000  }
0x69: {  	[spmem:s2] =	stream.indirect.scatter.add.f32 [tilespmem:s23], [sflag:$0x2], $0x80, s26, s22, $0xb8;
	[tilespmem:$0x1F000] =	vst v63  }
0x6a: {  	_ =	swait.ge [sflag:s19], $0x4000  }
0x6b: {  	s31 =	sshll.u32 s0, $0x6;
	s25 =	sadd.s32 $0x1, s25;
	[sflag:s19] =	ssyncset.done $0x0  }
0x6c: {  	s28 =	sshrl.u32 s7, $0x3;
	p0 =	sne.s32 s25, s9;
	[sflag:s19] =	ssyncadd.s32 $0xFFFFC000  }
.Ltmp2:
0x6d: {  	s26 =	sor.u32 $0x1C02, s31;
	[bflag:$0x0] =	sbarrier.arrive $0xFFFF;
	(pc) =	sbr.rel @p0 .LBB2_1-.Ltmp2, $4  }
0x6e: {  	[hbm:s8], [sflag:s26] =	dma.local [spmem:s28], $0x2800  }
0x6f: {  	_ =	swait.ge [sflag:s19], $0x2800  }
0x70: {  	[sflag:s19] =	ssyncset.done $0x0  }
0x71: {  	[sflag:s19] =	ssyncadd.s32 $0xFFFFD800  }
0x72: {  	_ =	sfence.sel $0x180000  }
0x73: {  	[bflag:$0x0] =	sbarrier.arrive $0xFFFF  }
0x74: {  	p0 =	sne.s32 s0, $0x0;
	_ =	strace $0x90000053  }
0x75: {  	s0 =	sadd.s32 @!p0 $0x100000, s1;
	[bflag:$0x2] =	sbarrier.arrive $0xFFFF  }
0x76: {  	[sflag:s0] =	ssyncadd.tile.s32 @!p0 $0x1;
	_ =	shalt  }
.Lfunc_end2:
_tile_overlayer_lowered:
.L_overlay_start_2:
0x77: {  	(tag) =	ssettag $0x2  }
0x78: {  	s0 =	rddreg [dreg:$0x0];
	s2 =	stileid.u32  }
0x79: {  	s1 =	rddreg [dreg:$0x1];
	p0 =	sne.s32 s2, $0x0  }
0x7a: {  	s3 =	rddreg [dreg:$0x2];
	[bflag:$0x3] =	sbarrier.arrive $0xFFFF;
	s2 =	simm.s32 @!p0 $0x1C02  }
0x7b: {  	[timem:s3], [sflag:s2] =	dma.local @!p0 [hbm:s0], s1  }
0x7c: {  	s0 =	simm.s32 @!p0 $0x2  }
0x7d: {  	_ =	swait.ge @!p0 [sflag:s0], s1  }
0x7e: {  	s1 =	ssub.s32 @!p0 $0x0, s1;
	[sflag:s0] =	ssyncset.done @!p0 $0x0  }
0x7f: {  	[sflag:s0] =	ssyncadd.s32 @!p0 s1  }
0x80: {  	[bflag:$0x3] =	sbarrier.arrive $0xFFFF  }
0x81: {  	_ =	shalt  }

// kernel: kernel.38.cloned.1.call-start
scs
__scs_entry_jumppad:
0x0: {  	(pc) =	sbr.rel $0x88, $3  }
0x1: {  	(tag) =	ssettag $0x0;
	lr =	simm.s32 $0x1  }
0x2: {  	[smem:$0x3F9C] =	sst lr;
	_ =	strace $0xD0000000  }
0x3: {  	_ = 	snop  }
0x4: {  	_ = 	snop  }
0x5: {  	_ = 	snop  }
0x6: {  	_ = 	snop  }
0x7: {  	_ = 	snop  }
__scs_overlays_trampoline_lowered:
0x8: {  	[smem:$0x3FAB] =	sst s0  }
0x9: {  	[smem:$0x3FAC] =	sst s1  }
0xa: {  	[smem:$0x3FAD] =	sst s2  }
0xb: {  	[smem:$0x3FAE] =	sst s3  }
0xc: {  	[smem:$0x3FAF] =	sst s4  }
0xd: {  	[smem:$0x3FB0] =	sst s5  }
0xe: {  	[smem:$0x3FB1] =	sst s6  }
0xf: {  	[smem:$0x3FB2] =	sst s7  }
0x10: {  	[smem:$0x3FB3] =	sst s8  }
0x11: {  	[smem:$0x3FB4] =	sst s9;
	s0 =	simm.s32 @!p0 $0x0  }
0x12: {  	s1 =	sld [smem:$0x3F9A];
	s0 =	simm.s32 @p0 $0x1  }
0x13: {  	[smem:$0x3FB5] =	sst s0;
	s0 =	simm.s32 @!p1 $0x0  }
0x14: {  	s2 =	sld [smem:$0x3F99];
	s0 =	simm.s32 @p1 $0x1  }
0x15: {  	[smem:$0x3FB6] =	sst s0;
	s0 =	simm.s32 @!p2 $0x0  }
0x16: {  	s3 =	sld [smem:$0x3FDB];
	s0 =	simm.s32 @p2 $0x1  }
0x17: {  	s4 =	simm.s32 $0x1BF5;
	[smem:$0x3FB8] =	sst s0  }
0x18: {  	s0 =	sld [smem:$0x3F9B];
	_ =	swait.ge [sflag:s4], $0x0  }
0x19: {  	s7 =	sld [smem:$0x3F9C]  }
0x1a: {  	s8 =	sadd.s32 $0xFFFFE003, lr  }
0x1b: {  	s9 =	sadd.s32 $0xFFFFFEF7, lr;
	s5 =	simm.s32 $0xFFFFFFFF;
	p2 =	slt.u32 s8, $0xFFFFF086  }
0x1c: {  	p1 =	slt.u32 s9, $0xF7A;
	s5 =	simm.s32 @!p2 $0x0  }
0x1d: {  	s5 =	simm.s32 @p1 $0x1;
	p0 =	seq.s32 s7, s2  }
0x1e: {  	s7 =	smul.u32 @!p0 $0xF7A, s2;
	p2 =	seq.s32 @!p0 s5, $0x0  }
0x1f: {  	s9 =	smul.u32 $0xF7A, s1;
	s8 =	simm.s32 @!p0 $0x1BF5;
	p2 =	por !p2, p0  }
0x20: {  	[sflag:s8] =	ssyncset.s32 @!p0 $0xFFFFF086;
	s6 =	sadd.s32 @!p0 s3, s7;
	s7 =	simm.s32 @!p0 $0x108  }
0x21: {  	s3 =	sadd.s32 s3, s9;
	s6 =	sadd.s32 @!p0 $0x88, s6;
	s7 =	simm.s32 @p2 $0x1082  }
0x22: {  	[simem:s7], [sflag:s8] =	dma.local @!p0 [hbm:s6], $0xF7A  }
0x23: {  	s9 =	sor.u32 $0xD0000000, s2;
	s6 =	simm.s32 $0x108;
	_ =	swait.ge @!p0 [sflag:s8], $0x0  }
0x24: {  	s3 =	sadd.s32 $0x88, s3;
	s6 =	simm.s32 @!p1 $0x1082;
	[sflag:s4] =	ssyncset.s32 $0xFFFFF086  }
0x25: {  	[simem:s6], [sflag:s4] =	dma.local [hbm:s3], $0xF7A  }
0x26: {  	[smem:$0x3F9C] =	sst s1;
	(tag) =	ssettag s2;
	_ =	strace s9  }
0x27: {  	s1 =	sld [smem:$0x3FAC]  }
0x28: {  	s2 =	sld [smem:$0x3FAD]  }
0x29: {  	s4 =	sld [smem:$0x3FAF]  }
0x2a: {  	p0 =	seq.s32 s5, $0x0;
	s5 =	sld [smem:$0x3FB0]  }
0x2b: {  	s6 =	sld [smem:$0x3FB1]  }
0x2c: {  	s7 =	sld [smem:$0x3FB2]  }
0x2d: {  	s3 =	simm.s32 $0x108;
	s8 =	sld [smem:$0x3FB3]  }
0x2e: {  	s3 =	simm.s32 @!p0 $0x1082;
	s9 =	sld [smem:$0x3FB4]  }
0x2f: {  	lr =	sadd.s32 s0, s3;
	s0 =	sld [smem:$0x3FAB]  }
0x30: {  	s3 =	sld [smem:$0x3FAE]  }
0x31: {  	[smem:$0x3FB7] =	sst s10  }
0x32: {  	s10 =	sld [smem:$0x3FB5];
	_ =	sdelay $0x3  }
0x33: {  	p0 =	seq.s32 s10, $0x1;
	s10 =	sld [smem:$0x3FB7];
	_ =	sdelay $0x3  }
0x34: {  	[smem:$0x3FB7] =	sst s10  }
0x35: {  	s10 =	sld [smem:$0x3FB6];
	_ =	sdelay $0x3  }
0x36: {  	p1 =	seq.s32 s10, $0x1;
	s10 =	sld [smem:$0x3FB7];
	_ =	sdelay $0x3  }
0x37: {  	[smem:$0x3FB7] =	sst s10  }
0x38: {  	s10 =	sld [smem:$0x3FB8]  }
0x39: {  	_ = 	snop;
	(pc) =	sbr.ind lr, $3  }
0x3a: {  	_ = 	snop  }
0x3b: {  	_ = 	snop  }
0x3c: {  	p2 =	seq.s32 s10, $0x1;
	s10 =	sld [smem:$0x3FB7]  }
0x3d: {  	_ =	shalt  }
0x3e: {  	_ =	shalt  }
0x3f: {  	_ =	shalt  }
0x40: {  	_ =	shalt  }
0x41: {  	_ =	shalt  }
0x42: {  	_ =	shalt  }
0x43: {  	_ =	shalt  }
0x44: {  	_ =	shalt  }
0x45: {  	_ =	shalt  }
0x46: {  	_ =	shalt  }
0x47: {  	_ =	shalt  }
0x48: {  	_ =	shalt  }
0x49: {  	_ =	shalt  }
0x4a: {  	_ =	shalt  }
0x4b: {  	_ =	shalt  }
0x4c: {  	_ =	shalt  }
0x4d: {  	_ =	shalt  }
0x4e: {  	_ =	shalt  }
0x4f: {  	_ =	shalt  }
0x50: {  	_ =	shalt  }
0x51: {  	_ =	shalt  }
0x52: {  	_ =	shalt  }
0x53: {  	_ =	shalt  }
0x54: {  	_ =	shalt  }
0x55: {  	_ =	shalt  }
0x56: {  	_ =	shalt  }
0x57: {  	_ =	shalt  }
0x58: {  	_ =	shalt  }
0x59: {  	_ =	shalt  }
0x5a: {  	_ =	shalt  }
0x5b: {  	_ =	shalt  }
0x5c: {  	_ =	shalt  }
0x5d: {  	_ =	shalt  }
0x5e: {  	_ =	shalt  }
0x5f: {  	_ =	shalt  }
0x60: {  	_ =	shalt  }
0x61: {  	_ =	shalt  }
0x62: {  	_ =	shalt  }
0x63: {  	_ =	shalt  }
0x64: {  	_ =	shalt  }
0x65: {  	_ =	shalt  }
0x66: {  	_ =	shalt  }
0x67: {  	_ =	shalt  }
0x68: {  	_ =	shalt  }
0x69: {  	_ =	shalt  }
0x6a: {  	_ =	shalt  }
0x6b: {  	_ =	shalt  }
0x6c: {  	_ =	shalt  }
0x6d: {  	_ =	shalt  }
0x6e: {  	_ =	shalt  }
0x6f: {  	_ =	shalt  }
0x70: {  	_ =	shalt  }
0x71: {  	_ =	shalt  }
0x72: {  	_ =	shalt  }
0x73: {  	_ =	shalt  }
0x74: {  	_ =	shalt  }
0x75: {  	_ =	shalt  }
0x76: {  	_ =	shalt  }
0x77: {  	_ =	shalt  }
0x78: {  	_ =	shalt  }
0x79: {  	_ =	shalt  }
0x7a: {  	_ =	shalt  }
0x7b: {  	_ =	shalt  }
0x7c: {  	_ =	shalt  }
0x7d: {  	_ =	shalt  }
0x7e: {  	_ =	shalt  }
0x7f: {  	_ =	shalt  }
0x80: {  	_ =	shalt  }
0x81: {  	_ =	shalt  }
0x82: {  	_ =	shalt  }
0x83: {  	_ =	shalt  }
0x84: {  	_ =	shalt  }
0x85: {  	_ =	shalt  }
0x86: {  	_ =	shalt  }
0x87: {  	_ =	shalt  }
.Lfunc_end0:
.L_simem_size_0:
called_computation.5_lowered:
.L_overlay_start_0:
0x88: {  	s2 =	sld [smem:$0x3FD9]  }
0x89: {  	s3 =	sld [smem:$0x3FFE];
	_ =	sdelay $0x1  }
0x8a: {  	s1 =	srdreg.scid  }
0x8b: {  	s0 =	sand.u32 $0x1, s1  }
0x8c: {  	s17 =	sshll.u32 s0, $0xA;
	s2 =	sadd.s32 s3, s2  }
0x8d: {  	s2 =	sadd.s32 s2, s17  }
0x8e: {  	[smem:$0x3FC3] =	sst s2  }
0x8f: {  	_ = 	snop  }
0x90: {  	s2 =	sld [smem:$0x3FD0];
	(tm) =	ssettm $0x1  }
0x91: {  	s18 =	sld [smem:$0x3FFB];
	_ =	sdelay $0x3  }
0x92: {  	_ =	strace s18  }
0x93: {  	s3 =	sld [smem:$0x3FFC];
	_ =	sdelay $0x3  }
0x94: {  	_ =	strace s3  }
0x95: {  	s3 =	sld [smem:$0x3FFD];
	_ =	sdelay $0x3  }
0x96: {  	_ =	strace s3  }
0x97: {  	_ =	strace $0x8FFFFFFF  }
0x98: {  	s19 =	sld [smem:$0x3FDB];
	_ =	sdelay $0x1  }
0x99: {  	s4 =	simm.s32 $_scs_section_size  }
0x9a: {  	s5 =	simm.s32 $_size__tile_overlayer_lowered;
	s6 =	simm.s32 $_tile_overlayer_lowered  }
0x9b: {  	s22 =	simm.s32 $0x1BFF;
	s21 =	sshll.u32 s6, $0x1;
	s3 =	sadd.s32 s4, s19  }
0x9c: {  	s7 =	simm.s32 $0x0;
	s20 =	sshll.u32 s5, $0x1;
	s5 =	sadd.s32 s21, s3  }
0x9d: {  	[timem:s7], [sflag:s22] =	dma.local [hbm:s5], s20  }
0x9e: {  	_ =	swait.ge [sflag:s22], s20  }
0x9f: {  	s4 =	ssub.s32 $0x0, s20;
	[sflag:s22] =	ssyncset.done $0x0  }
0xa0: {  	[sflag:s22] =	ssyncadd.s32 s4;
	_ =	sdelay $0x1  }
0xa1: {  	s23 =	simm.s32 $0x1B8B  }
0xa2: {  	_ =	swait.ge [sflag:s23], $0x1  }
0xa3: {  	[sflag:s23] =	ssyncset.done $0x0  }
0xa4: {  	s25 =	simm.s32 $0x1B8E;
	s24 =	sld [smem:$0x3FFE];
	[sflag:s23] =	ssyncadd.s32 $0xFFFFFFFF  }
0xa5: {  	s26 =	simm.s32 $execute0_lowered;
	[smem:$0x3FD2] =	sst s25  }
0xa6: {  	s5 =	sshll.u32 s26, $0x1;
	_ =	strace $0x80000055;
	[dreg:$0x1] =	wrdreg $0xFFFFFFFF  }
0xa7: {  	s28 =	simm.s32 $_size_execute0_lowered;
	s3 =	sadd.s32 s3, s5;
	[dreg:$0x0] =	wrdreg $0x0  }
0xa8: {  	s5 =	sshll.u32 s28, $0x1;
	[dreg:$0x2] =	wrdreg s3  }
0xa9: {  	[dreg:$0x3] =	wrdreg s5  }
0xaa: {  	[dreg:$0x4] =	wrdreg $0xC0  }
0xab: {  	_ =	task [dreg:s7], $0x5FFFF  }
0xac: {  	[dreg:$0x1] =	wrdreg $0xFFFFFFFF  }
0xad: {  	[dreg:$0x0] =	wrdreg $0x60  }
0xae: {  	[dreg:$0x2] =	wrdreg s24  }
0xaf: {  	[dreg:$0x3] =	wrdreg s2  }
0xb0: {  	[dreg:$0x4] =	wrdreg $0xB0000  }
0xb1: {  	[dreg:$0x5] =	wrdreg $0x9  }
0xb2: {  	_ =	task.clear_ibuf [dreg:s7], $0x6FFFF;
	_ =	strace $0x90000055  }
0xb3: {  	s29 =	simm.s32 $0x9;
	_ =	strace $0x80000057  }
0xb4: {  	_ =	swait.ge [sflag:s29], $0x1  }
0xb5: {  	[sflag:s29] =	ssyncadd.s32 $0xFFFFFFFF  }
0xb6: {  	_ =	strace $0x90000057  }
0xb7: {  	_ =	sfence  }
0xb8: {  	s30 =	sld [smem:$0x0];
	_ =	sdelay $0x2  }
0xb9: {  	s31 =	sshll.u32 s1, $0xD;
	s1 =	sshrl.u32 s1, $0x2  }
0xba: {  	s3 =	sand.u32 $0x4000, s31;
	s1 =	sadd.s32 s1, s30  }
0xbb: {  	s0 =	sor.u32 s3, s0;
	s1 =	sshll.u32 s1, $0x11  }
0xbc: {  	s0 =	sor.u32 s1, s0  }
0xbd: {  	s0 =	sadd.s32 $0x8F2B, s0  }
0xbe: {  	[sflag:s0] =	ssyncadd.remote.s32 $0x1  }
0xbf: {  	_ =	sfence.sel $0xFFFF  }
0xc0: {  	[dreg:$0x0] =	wrdreg $0xFFFFFFFF;
	(pc) =	sbr.abs _section_cstart, $3  }
0xc1: {  	[dreg:$0x1] =	wrdreg $0xFFFFFFFF  }
0xc2: {  	_ =	task.clear_ibuf [dreg:s7], $0x2FFFF;
	_ =	strace $0x9FFFFFFF  }
0xc3: {  	(tm) =	ssettm $0x7FFFFFFF  }
tec
execute0_lowered:
.L_overlay_start_1:
0x0: {  	(tag) =	ssettag $0x1  }
0x1: {  	s5 =	rddreg [dreg:$0x0]  }
0x2: {  	s6 =	rddreg [dreg:$0x1]  }
0x3: {  	s2 =	rddreg [dreg:$0x2]  }
0x4: {  	s0 =	srdreg.scid;
	s1 =	rddreg [dreg:$0x3]  }
0x5: {  	s3 =	simm.s32 $0x0;
	s19 =	simm.s32 $0x2;
	s7 =	sand.u32 $0x1, s0  }
0x6: {  	s20 =	simm.s32 $0x2800;
	s0 =	stileid.u32;
	s4 =	smul.u32 $0x28000, s7  }
0x7: {  	s21 =	simm.s32 $0x9000;
	s22 =	simm.s32 $0x80;
	s8 =	smul.u32 $0x2800, s0  }
0x8: {  	s23 =	simm.s32 $0x5000;
	s24 =	simm.s32 $0x1;
	s9 =	smul.u32 $0x140000, s7  }
0x9: {  	s25 =	simm.s32 $0x0;
	[smem:$0x7FF] =	sst s3;
	s10 =	smul.u32 $0x14000, s0  }
0xa: {  	_ =	strace $0x80000056;
	s7 =	ssub.s32 $0x2, s7;
	s30 =	smul.u32 $0x50000, s0  }
0xb: {  	s12 =	sshrl.u32 s7, $0x1;
	s8 =	sadd.s32 s8, s4;
	s4 =	sadd.s32 $0x11E00, s5  }
0xc: {  	s9 =	sadd.s32 s10, s9;
	s12 =	ssub.s32 s7, s12;
	s31 =	sshrl.u32 s30, $0x2  }
0xd: {  	s8 =	sshrl.u32 s8, $0x3;
	s9 =	sshrl.u32 s9, $0x3;
	s7 =	sadd.s32 s31, s2  }
0xe: {  	s11 =	sadd.s32 s8, s5;
	s9 =	sadd.s32 s9, s5;
	s5 =	sadd.s32 s6, s8  }
0xf: {  	s10 =	sadd.s32 $0x2000, s7;
	s13 =	sadd.s32 $0x8000, s7;
	s14 =	sadd.s32 $0xA000, s7  }
0x10: {  	s15 =	sadd.s32 $0xC000, s7;
	s16 =	sadd.s32 $0xE000, s7;
	s17 =	sadd.s32 $0x10000, s7  }
0x11: {  	s18 =	sadd.s32 $0x12000, s7;
	s6 =	sadd.s32 $0x7E00, s11;
	s8 =	sadd.s32 $0x8A600, s9  }
0x12: {  	v0 =	vimm.f32 $0.0e+00;
	s9 =	smax.u32 s12, $0x1;
	s11 =	sadd.s32 $0x4000, s7;
	s12 =	sadd.s32 $0x6000, s7  }
.LBB2_1:
0x13: {  	[tilespmem:s3], [sflag:$0x2] =	stream.linear.gather [hbm4b:s5+s3], $0x2780, $0x38;
	[tilespmem:$0x1F000] =	vst v63  }
0x14: {  	_ =	swait.ge [sflag:s19], $0x2780  }
0x15: {  	[sflag:s19] =	ssyncset.done $0x0  }
0x16: {  	[sflag:s19] =	ssyncadd.s32 $0xFFFFD880  }
0x17: {  	[tilespmem:s20], [sflag:$0x2] =	stream.linear.gather [hbm4b:s6+s3], $0x2780, $0x38;
	[tilespmem:$0x1F000] =	vst v63  }
0x18: {  	_ =	swait.ge [sflag:s19], $0x2780  }
0x19: {  	[sflag:s19] =	ssyncset.done $0x0  }
0x1a: {  	s26 =	simm.s32 $0x0;
	s28 =	simm.s32 $0x200;
	[sflag:s19] =	ssyncadd.s32 $0xFFFFD880  }
.LBB2_2:
0x1b: {  	p0 =	sne.s32 s28, $0x7E00;
	[tilespmem:s26+$0x9070] =	vst v0  }
0x1c: {  	[tilespmem:s26+$0x9000] =	vst v0  }
0x1d: {  	[tilespmem:s26+$0x9010] =	vst v0  }
.Ltmp0:
0x1e: {  	[tilespmem:s26+$0x9020] =	vst v0;
	(pc) =	sbr.rel @p0 .LBB2_2-.Ltmp0, $4  }
0x1f: {  	[tilespmem:s26+$0x9030] =	vst v0  }
0x20: {  	[tilespmem:s26+$0x9040] =	vst v0  }
0x21: {  	[tilespmem:s26+$0x9050] =	vst v0  }
0x22: {  	[tilespmem:s26+$0x9060] =	vst v0;
	s26 =	sshra.s32 s28, $0x2;
	s28 =	sadd.s32 $0x200, s28  }
0x23: {  	[tilespmem:s26+$0x9070] =	vst v0  }
0x24: {  	[tilespmem:s26+$0x9000] =	vst v0  }
0x25: {  	[tilespmem:s26+$0x9010] =	vst v0  }
0x26: {  	[tilespmem:s26+$0x9020] =	vst v0  }
0x27: {  	[tilespmem:s26+$0x9030] =	vst v0  }
0x28: {  	[tilespmem:s26+$0x9040] =	vst v0  }
0x29: {  	[tilespmem:s26+$0x9050] =	vst v0  }
0x2a: {  	[tilespmem:s26+$0x9060] =	vst v0  }
0x2b: {  	[spmem:s7] =	stream.linear.scatter [tilespmem:s21], [sflag:$0x2], $0x2000, $0x38;
	[tilespmem:$0x1F000] =	vst v63  }
0x2c: {  	_ =	swait.ge [sflag:s19], $0x2000  }
0x2d: {  	[sflag:s19] =	ssyncset.done $0x0  }
0x2e: {  	[sflag:s19] =	ssyncadd.s32 $0xFFFFE000  }
0x2f: {  	[spmem:s10] =	stream.linear.scatter [tilespmem:s21], [sflag:$0x2], $0x2000, $0x38;
	[tilespmem:$0x1F000] =	vst v63  }
0x30: {  	_ =	swait.ge [sflag:s19], $0x2000  }
0x31: {  	[sflag:s19] =	ssyncset.done $0x0  }
0x32: {  	[sflag:s19] =	ssyncadd.s32 $0xFFFFE000  }
0x33: {  	[spmem:s11] =	stream.linear.scatter [tilespmem:s21], [sflag:$0x2], $0x2000, $0x38;
	[tilespmem:$0x1F000] =	vst v63  }
0x34: {  	_ =	swait.ge [sflag:s19], $0x2000  }
0x35: {  	[sflag:s19] =	ssyncset.done $0x0  }
0x36: {  	[sflag:s19] =	ssyncadd.s32 $0xFFFFE000  }
0x37: {  	[spmem:s12] =	stream.linear.scatter [tilespmem:s21], [sflag:$0x2], $0x2000, $0x38;
	[tilespmem:$0x1F000] =	vst v63  }
0x38: {  	_ =	swait.ge [sflag:s19], $0x2000  }
0x39: {  	[sflag:s19] =	ssyncset.done $0x0  }
0x3a: {  	[sflag:s19] =	ssyncadd.s32 $0xFFFFE000  }
0x3b: {  	[spmem:s13] =	stream.linear.scatter [tilespmem:s21], [sflag:$0x2], $0x2000, $0x38;
	[tilespmem:$0x1F000] =	vst v63  }
0x3c: {  	_ =	swait.ge [sflag:s19], $0x2000  }
0x3d: {  	[sflag:s19] =	ssyncset.done $0x0  }
0x3e: {  	[sflag:s19] =	ssyncadd.s32 $0xFFFFE000  }
0x3f: {  	[spmem:s14] =	stream.linear.scatter [tilespmem:s21], [sflag:$0x2], $0x2000, $0x38;
	[tilespmem:$0x1F000] =	vst v63  }
0x40: {  	_ =	swait.ge [sflag:s19], $0x2000  }
0x41: {  	[sflag:s19] =	ssyncset.done $0x0  }
0x42: {  	[sflag:s19] =	ssyncadd.s32 $0xFFFFE000  }
0x43: {  	[spmem:s15] =	stream.linear.scatter [tilespmem:s21], [sflag:$0x2], $0x2000, $0x38;
	[tilespmem:$0x1F000] =	vst v63  }
0x44: {  	_ =	swait.ge [sflag:s19], $0x2000  }
0x45: {  	[sflag:s19] =	ssyncset.done $0x0  }
0x46: {  	[sflag:s19] =	ssyncadd.s32 $0xFFFFE000  }
0x47: {  	[spmem:s16] =	stream.linear.scatter [tilespmem:s21], [sflag:$0x2], $0x2000, $0x38;
	[tilespmem:$0x1F000] =	vst v63  }
0x48: {  	_ =	swait.ge [sflag:s19], $0x2000  }
0x49: {  	[sflag:s19] =	ssyncset.done $0x0  }
0x4a: {  	[sflag:s19] =	ssyncadd.s32 $0xFFFFE000  }
0x4b: {  	[spmem:s17] =	stream.linear.scatter [tilespmem:s21], [sflag:$0x2], $0x2000, $0x38;
	[tilespmem:$0x1F000] =	vst v63  }
0x4c: {  	_ =	swait.ge [sflag:s19], $0x2000  }
0x4d: {  	[sflag:s19] =	ssyncset.done $0x0  }
0x4e: {  	[sflag:s19] =	ssyncadd.s32 $0xFFFFE000  }
0x4f: {  	[spmem:s18] =	stream.linear.scatter [tilespmem:s21], [sflag:$0x2], $0x2000, $0x38;
	[tilespmem:$0x1F000] =	vst v63  }
0x50: {  	_ =	swait.ge [sflag:s19], $0x2000  }
0x51: {  	[sflag:s19] =	ssyncset.done $0x0  }
0x52: {  	[sflag:s19] =	ssyncadd.s32 $0xFFFFE000  }
0x53: {  	s30 =	simm.s32 $0x0;
	[bflag:$0x0] =	sbarrier.arrive $0xFFFF  }
0x54: {  	[tilespmem:s23], [sflag:$0x1] =	stream.indirect.gather [hbm4b:s4+s22], $0x80, s30, s22, $0xb8;
	[tilespmem:$0x1F000] =	vst v63  }
0x55: {  	_ =	swait.ge [sflag:s24], $0x4000  }
0x56: {  	[sflag:s24] =	ssyncset.done $0x0  }
0x57: {  	s31 =	simm.s32 $0x2800;
	[sflag:s24] =	ssyncadd.s32 $0xFFFFC000  }
0x58: {  	[spmem:s2] =	stream.indirect.scatter.add.f32 [tilespmem:s23], [sflag:$0x2], $0x80, s31, s22, $0xb8;
	[tilespmem:$0x1F000] =	vst v63  }
0x59: {  	_ =	swait.ge [sflag:s19], $0x4000  }
0x5a: {  	s26 =	simm.s32 $0x200;
	s28 =	simm.s32 $0x400;
	[sflag:s19] =	ssyncset.done $0x0  }
.LBB2_4:
0x5b: {  	s29 =	sshra.s32 s26, $0x2  }
0x5c: {  	[sflag:s19] =	ssyncadd.s32 $0xFFFFC000;
	s26 =	smov.u32 s28;
	s30 =	sadd.s32 $0x200, s28  }
0x5d: {  	[tilespmem:s23], [sflag:$0x1] =	stream.indirect.gather [hbm4b:s4+s22], $0x80, s29, s22, $0xb8;
	[tilespmem:$0x1F000] =	vst v63  }
0x5e: {  	p0 =	sne.s32 s28, $0x9C00;
	_ =	swait.ge [sflag:s24], $0x4000  }
.Ltmp1:
0x5f: {  	[sflag:s24] =	ssyncset.done $0x0;
	(pc) =	sbr.rel @p0 .LBB2_4-.Ltmp1, $4  }
0x60: {  	s28 =	sadd.s32 $0x2800, s29;
	[sflag:s24] =	ssyncadd.s32 $0xFFFFC000  }
0x61: {  	[spmem:s2] =	stream.indirect.scatter.add.f32 [tilespmem:s23], [sflag:$0x2], $0x80, s28, s22, $0xb8;
	[tilespmem:$0x1F000] =	vst v63  }
0x62: {  	_ =	swait.ge [sflag:s19], $0x4000  }
0x63: {  	s28 =	smov.u32 s30;
	[sflag:s19] =	ssyncset.done $0x0  }
0x64: {  	s26 =	sshra.s32 s26, $0x2;
	[sflag:s19] =	ssyncadd.s32 $0xFFFFC000  }
0x65: {  	[tilespmem:s23], [sflag:$0x1] =	stream.indirect.gather [hbm4b:s4+s22], $0x80, s26, s22, $0xb8;
	[tilespmem:$0x1F000] =	vst v63  }
0x66: {  	_ =	swait.ge [sflag:s24], $0x4000  }
0x67: {  	[sflag:s24] =	ssyncset.done $0x0  }
0x68: {  	s26 =	sadd.s32 $0x2800, s26;
	[sflag:s24] =	ssyncadd.s32 $0xFFFFC000  }
0x69: {  	[spmem:s2] =	stream.indirect.scatter.add.f32 [tilespmem:s23], [sflag:$0x2], $0x80, s26, s22, $0xb8;
	[tilespmem:$0x1F000] =	vst v63  }
0x6a: {  	_ =	swait.ge [sflag:s19], $0x4000  }
0x6b: {  	s31 =	sshll.u32 s0, $0x6;
	s25 =	sadd.s32 $0x1, s25;
	[sflag:s19] =	ssyncset.done $0x0  }
0x6c: {  	s28 =	sshrl.u32 s7, $0x3;
	p0 =	sne.s32 s25, s9;
	[sflag:s19] =	ssyncadd.s32 $0xFFFFC000  }
.Ltmp2:
0x6d: {  	s26 =	sor.u32 $0x1C02, s31;
	[bflag:$0x0] =	sbarrier.arrive $0xFFFF;
	(pc) =	sbr.rel @p0 .LBB2_1-.Ltmp2, $4  }
0x6e: {  	[hbm:s8], [sflag:s26] =	dma.local [spmem:s28], $0x2800  }
0x6f: {  	_ =	swait.ge [sflag:s19], $0x2800  }
0x70: {  	[sflag:s19] =	ssyncset.done $0x0  }
0x71: {  	[sflag:s19] =	ssyncadd.s32 $0xFFFFD800  }
0x72: {  	_ =	sfence.sel $0x180000  }
0x73: {  	[bflag:$0x0] =	sbarrier.arrive $0xFFFF  }
0x74: {  	p0 =	sne.s32 s0, $0x0;
	_ =	strace $0x90000056  }
0x75: {  	s0 =	sadd.s32 @!p0 $0x100000, s1;
	[bflag:$0x2] =	sbarrier.arrive $0xFFFF  }
0x76: {  	[sflag:s0] =	ssyncadd.tile.s32 @!p0 $0x1;
	_ =	shalt  }
.Lfunc_end2:
_tile_overlayer_lowered:
.L_overlay_start_2:
0x77: {  	(tag) =	ssettag $0x2  }
0x78: {  	s0 =	rddreg [dreg:$0x0];
	s2 =	stileid.u32  }
0x79: {  	s1 =	rddreg [dreg:$0x1];
	p0 =	sne.s32 s2, $0x0  }
0x7a: {  	s3 =	rddreg [dreg:$0x2];
	[bflag:$0x3] =	sbarrier.arrive $0xFFFF;
	s2 =	simm.s32 @!p0 $0x1C02  }
0x7b: {  	[timem:s3], [sflag:s2] =	dma.local @!p0 [hbm:s0], s1  }
0x7c: {  	s0 =	simm.s32 @!p0 $0x2  }
0x7d: {  	_ =	swait.ge @!p0 [sflag:s0], s1  }
0x7e: {  	s1 =	ssub.s32 @!p0 $0x0, s1;
	[sflag:s0] =	ssyncset.done @!p0 $0x0  }
0x7f: {  	[sflag:s0] =	ssyncadd.s32 @!p0 s1  }
0x80: {  	[bflag:$0x3] =	sbarrier.arrive $0xFFFF  }
0x81: {  	_ =	shalt  }

// kernel: kernel.41.cloned.1.call-start
scs
__scs_entry_jumppad:
0x0: {  	(pc) =	sbr.rel $0x88, $3  }
0x1: {  	(tag) =	ssettag $0x0;
	lr =	simm.s32 $0x1  }
0x2: {  	[smem:$0x3F9C] =	sst lr;
	_ =	strace $0xD0000000  }
0x3: {  	_ = 	snop  }
0x4: {  	_ = 	snop  }
0x5: {  	_ = 	snop  }
0x6: {  	_ = 	snop  }
0x7: {  	_ = 	snop  }
__scs_overlays_trampoline_lowered:
0x8: {  	[smem:$0x3FAB] =	sst s0  }
0x9: {  	[smem:$0x3FAC] =	sst s1  }
0xa: {  	[smem:$0x3FAD] =	sst s2  }
0xb: {  	[smem:$0x3FAE] =	sst s3  }
0xc: {  	[smem:$0x3FAF] =	sst s4  }
0xd: {  	[smem:$0x3FB0] =	sst s5  }
0xe: {  	[smem:$0x3FB1] =	sst s6  }
0xf: {  	[smem:$0x3FB2] =	sst s7  }
0x10: {  	[smem:$0x3FB3] =	sst s8  }
0x11: {  	[smem:$0x3FB4] =	sst s9;
	s0 =	simm.s32 @!p0 $0x0  }
0x12: {  	s1 =	sld [smem:$0x3F9A];
	s0 =	simm.s32 @p0 $0x1  }
0x13: {  	[smem:$0x3FB5] =	sst s0;
	s0 =	simm.s32 @!p1 $0x0  }
0x14: {  	s2 =	sld [smem:$0x3F99];
	s0 =	simm.s32 @p1 $0x1  }
0x15: {  	[smem:$0x3FB6] =	sst s0;
	s0 =	simm.s32 @!p2 $0x0  }
0x16: {  	s3 =	sld [smem:$0x3FDB];
	s0 =	simm.s32 @p2 $0x1  }
0x17: {  	s4 =	simm.s32 $0x1BF5;
	[smem:$0x3FB8] =	sst s0  }
0x18: {  	s0 =	sld [smem:$0x3F9B];
	_ =	swait.ge [sflag:s4], $0x0  }
0x19: {  	s7 =	sld [smem:$0x3F9C]  }
0x1a: {  	s8 =	sadd.s32 $0xFFFFE003, lr  }
0x1b: {  	s9 =	sadd.s32 $0xFFFFFEF7, lr;
	s5 =	simm.s32 $0xFFFFFFFF;
	p2 =	slt.u32 s8, $0xFFFFF086  }
0x1c: {  	p1 =	slt.u32 s9, $0xF7A;
	s5 =	simm.s32 @!p2 $0x0  }
0x1d: {  	s5 =	simm.s32 @p1 $0x1;
	p0 =	seq.s32 s7, s2  }
0x1e: {  	s7 =	smul.u32 @!p0 $0xF7A, s2;
	p2 =	seq.s32 @!p0 s5, $0x0  }
0x1f: {  	s9 =	smul.u32 $0xF7A, s1;
	s8 =	simm.s32 @!p0 $0x1BF5;
	p2 =	por !p2, p0  }
0x20: {  	[sflag:s8] =	ssyncset.s32 @!p0 $0xFFFFF086;
	s6 =	sadd.s32 @!p0 s3, s7;
	s7 =	simm.s32 @!p0 $0x108  }
0x21: {  	s3 =	sadd.s32 s3, s9;
	s6 =	sadd.s32 @!p0 $0x88, s6;
	s7 =	simm.s32 @p2 $0x1082  }
0x22: {  	[simem:s7], [sflag:s8] =	dma.local @!p0 [hbm:s6], $0xF7A  }
0x23: {  	s9 =	sor.u32 $0xD0000000, s2;
	s6 =	simm.s32 $0x108;
	_ =	swait.ge @!p0 [sflag:s8], $0x0  }
0x24: {  	s3 =	sadd.s32 $0x88, s3;
	s6 =	simm.s32 @!p1 $0x1082;
	[sflag:s4] =	ssyncset.s32 $0xFFFFF086  }
0x25: {  	[simem:s6], [sflag:s4] =	dma.local [hbm:s3], $0xF7A  }
0x26: {  	[smem:$0x3F9C] =	sst s1;
	(tag) =	ssettag s2;
	_ =	strace s9  }
0x27: {  	s1 =	sld [smem:$0x3FAC]  }
0x28: {  	s2 =	sld [smem:$0x3FAD]  }
0x29: {  	s4 =	sld [smem:$0x3FAF]  }
0x2a: {  	p0 =	seq.s32 s5, $0x0;
	s5 =	sld [smem:$0x3FB0]  }
0x2b: {  	s6 =	sld [smem:$0x3FB1]  }
0x2c: {  	s7 =	sld [smem:$0x3FB2]  }
0x2d: {  	s3 =	simm.s32 $0x108;
	s8 =	sld [smem:$0x3FB3]  }
0x2e: {  	s3 =	simm.s32 @!p0 $0x1082;
	s9 =	sld [smem:$0x3FB4]  }
0x2f: {  	lr =	sadd.s32 s0, s3;
	s0 =	sld [smem:$0x3FAB]  }
0x30: {  	s3 =	sld [smem:$0x3FAE]  }
0x31: {  	[smem:$0x3FB7] =	sst s10  }
0x32: {  	s10 =	sld [smem:$0x3FB5];
	_ =	sdelay $0x3  }
0x33: {  	p0 =	seq.s32 s10, $0x1;
	s10 =	sld [smem:$0x3FB7];
	_ =	sdelay $0x3  }
0x34: {  	[smem:$0x3FB7] =	sst s10  }
0x35: {  	s10 =	sld [smem:$0x3FB6];
	_ =	sdelay $0x3  }
0x36: {  	p1 =	seq.s32 s10, $0x1;
	s10 =	sld [smem:$0x3FB7];
	_ =	sdelay $0x3  }
0x37: {  	[smem:$0x3FB7] =	sst s10  }
0x38: {  	s10 =	sld [smem:$0x3FB8]  }
0x39: {  	_ = 	snop;
	(pc) =	sbr.ind lr, $3  }
0x3a: {  	_ = 	snop  }
0x3b: {  	_ = 	snop  }
0x3c: {  	p2 =	seq.s32 s10, $0x1;
	s10 =	sld [smem:$0x3FB7]  }
0x3d: {  	_ =	shalt  }
0x3e: {  	_ =	shalt  }
0x3f: {  	_ =	shalt  }
0x40: {  	_ =	shalt  }
0x41: {  	_ =	shalt  }
0x42: {  	_ =	shalt  }
0x43: {  	_ =	shalt  }
0x44: {  	_ =	shalt  }
0x45: {  	_ =	shalt  }
0x46: {  	_ =	shalt  }
0x47: {  	_ =	shalt  }
0x48: {  	_ =	shalt  }
0x49: {  	_ =	shalt  }
0x4a: {  	_ =	shalt  }
0x4b: {  	_ =	shalt  }
0x4c: {  	_ =	shalt  }
0x4d: {  	_ =	shalt  }
0x4e: {  	_ =	shalt  }
0x4f: {  	_ =	shalt  }
0x50: {  	_ =	shalt  }
0x51: {  	_ =	shalt  }
0x52: {  	_ =	shalt  }
0x53: {  	_ =	shalt  }
0x54: {  	_ =	shalt  }
0x55: {  	_ =	shalt  }
0x56: {  	_ =	shalt  }
0x57: {  	_ =	shalt  }
0x58: {  	_ =	shalt  }
0x59: {  	_ =	shalt  }
0x5a: {  	_ =	shalt  }
0x5b: {  	_ =	shalt  }
0x5c: {  	_ =	shalt  }
0x5d: {  	_ =	shalt  }
0x5e: {  	_ =	shalt  }
0x5f: {  	_ =	shalt  }
0x60: {  	_ =	shalt  }
0x61: {  	_ =	shalt  }
0x62: {  	_ =	shalt  }
0x63: {  	_ =	shalt  }
0x64: {  	_ =	shalt  }
0x65: {  	_ =	shalt  }
0x66: {  	_ =	shalt  }
0x67: {  	_ =	shalt  }
0x68: {  	_ =	shalt  }
0x69: {  	_ =	shalt  }
0x6a: {  	_ =	shalt  }
0x6b: {  	_ =	shalt  }
0x6c: {  	_ =	shalt  }
0x6d: {  	_ =	shalt  }
0x6e: {  	_ =	shalt  }
0x6f: {  	_ =	shalt  }
0x70: {  	_ =	shalt  }
0x71: {  	_ =	shalt  }
0x72: {  	_ =	shalt  }
0x73: {  	_ =	shalt  }
0x74: {  	_ =	shalt  }
0x75: {  	_ =	shalt  }
0x76: {  	_ =	shalt  }
0x77: {  	_ =	shalt  }
0x78: {  	_ =	shalt  }
0x79: {  	_ =	shalt  }
0x7a: {  	_ =	shalt  }
0x7b: {  	_ =	shalt  }
0x7c: {  	_ =	shalt  }
0x7d: {  	_ =	shalt  }
0x7e: {  	_ =	shalt  }
0x7f: {  	_ =	shalt  }
0x80: {  	_ =	shalt  }
0x81: {  	_ =	shalt  }
0x82: {  	_ =	shalt  }
0x83: {  	_ =	shalt  }
0x84: {  	_ =	shalt  }
0x85: {  	_ =	shalt  }
0x86: {  	_ =	shalt  }
0x87: {  	_ =	shalt  }
.Lfunc_end0:
.L_simem_size_0:
called_computation.6_lowered:
.L_overlay_start_0:
0x88: {  	s2 =	sld [smem:$0x3FD9]  }
0x89: {  	s3 =	sld [smem:$0x3FFE];
	_ =	sdelay $0x1  }
0x8a: {  	s1 =	srdreg.scid  }
0x8b: {  	s0 =	sand.u32 $0x1, s1  }
0x8c: {  	s17 =	sshll.u32 s0, $0xA;
	s2 =	sadd.s32 s3, s2  }
0x8d: {  	s2 =	sadd.s32 s2, s17  }
0x8e: {  	[smem:$0x3FC3] =	sst s2  }
0x8f: {  	_ = 	snop  }
0x90: {  	s2 =	sld [smem:$0x3FD0];
	(tm) =	ssettm $0x1  }
0x91: {  	s18 =	sld [smem:$0x3FFB];
	_ =	sdelay $0x3  }
0x92: {  	_ =	strace s18  }
0x93: {  	s3 =	sld [smem:$0x3FFC];
	_ =	sdelay $0x3  }
0x94: {  	_ =	strace s3  }
0x95: {  	s3 =	sld [smem:$0x3FFD];
	_ =	sdelay $0x3  }
0x96: {  	_ =	strace s3  }
0x97: {  	_ =	strace $0x8FFFFFFF  }
0x98: {  	s19 =	sld [smem:$0x3FDB];
	_ =	sdelay $0x1  }
0x99: {  	s4 =	simm.s32 $_scs_section_size  }
0x9a: {  	s5 =	simm.s32 $_size__tile_overlayer_lowered;
	s6 =	simm.s32 $_tile_overlayer_lowered  }
0x9b: {  	s22 =	simm.s32 $0x1BFF;
	s21 =	sshll.u32 s6, $0x1;
	s3 =	sadd.s32 s4, s19  }
0x9c: {  	s7 =	simm.s32 $0x0;
	s20 =	sshll.u32 s5, $0x1;
	s5 =	sadd.s32 s21, s3  }
0x9d: {  	[timem:s7], [sflag:s22] =	dma.local [hbm:s5], s20  }
0x9e: {  	_ =	swait.ge [sflag:s22], s20  }
0x9f: {  	s4 =	ssub.s32 $0x0, s20;
	[sflag:s22] =	ssyncset.done $0x0  }
0xa0: {  	[sflag:s22] =	ssyncadd.s32 s4;
	_ =	sdelay $0x1  }
0xa1: {  	s23 =	simm.s32 $0x1B8B  }
0xa2: {  	_ =	swait.ge [sflag:s23], $0x1  }
0xa3: {  	[sflag:s23] =	ssyncset.done $0x0  }
0xa4: {  	s25 =	simm.s32 $0x1B8E;
	s24 =	sld [smem:$0x3FFE];
	[sflag:s23] =	ssyncadd.s32 $0xFFFFFFFF  }
0xa5: {  	s26 =	simm.s32 $execute0_lowered;
	[smem:$0x3FD2] =	sst s25  }
0xa6: {  	s5 =	sshll.u32 s26, $0x1;
	_ =	strace $0x80000058;
	[dreg:$0x1] =	wrdreg $0xFFFFFFFF  }
0xa7: {  	s28 =	simm.s32 $_size_execute0_lowered;
	s3 =	sadd.s32 s3, s5;
	[dreg:$0x0] =	wrdreg $0x0  }
0xa8: {  	s5 =	sshll.u32 s28, $0x1;
	[dreg:$0x2] =	wrdreg s3  }
0xa9: {  	[dreg:$0x3] =	wrdreg s5  }
0xaa: {  	[dreg:$0x4] =	wrdreg $0xC0  }
0xab: {  	_ =	task [dreg:s7], $0x5FFFF  }
0xac: {  	[dreg:$0x1] =	wrdreg $0xFFFFFFFF  }
0xad: {  	[dreg:$0x0] =	wrdreg $0x60  }
0xae: {  	[dreg:$0x2] =	wrdreg s24  }
0xaf: {  	[dreg:$0x3] =	wrdreg s2  }
0xb0: {  	[dreg:$0x4] =	wrdreg $0xB0000  }
0xb1: {  	[dreg:$0x5] =	wrdreg $0x9  }
0xb2: {  	_ =	task.clear_ibuf [dreg:s7], $0x6FFFF;
	_ =	strace $0x90000058  }
0xb3: {  	s29 =	simm.s32 $0x9;
	_ =	strace $0x8000005A  }
0xb4: {  	_ =	swait.ge [sflag:s29], $0x1  }
0xb5: {  	[sflag:s29] =	ssyncadd.s32 $0xFFFFFFFF  }
0xb6: {  	_ =	strace $0x9000005A  }
0xb7: {  	_ =	sfence  }
0xb8: {  	s30 =	sld [smem:$0x0];
	_ =	sdelay $0x2  }
0xb9: {  	s31 =	sshll.u32 s1, $0xD;
	s1 =	sshrl.u32 s1, $0x2  }
0xba: {  	s3 =	sand.u32 $0x4000, s31;
	s1 =	sadd.s32 s1, s30  }
0xbb: {  	s0 =	sor.u32 s3, s0;
	s1 =	sshll.u32 s1, $0x11  }
0xbc: {  	s0 =	sor.u32 s1, s0  }
0xbd: {  	s0 =	sadd.s32 $0x8F2B, s0  }
0xbe: {  	[sflag:s0] =	ssyncadd.remote.s32 $0x1  }
0xbf: {  	_ =	sfence.sel $0xFFFF  }
0xc0: {  	[dreg:$0x0] =	wrdreg $0xFFFFFFFF;
	(pc) =	sbr.abs _section_cstart, $3  }
0xc1: {  	[dreg:$0x1] =	wrdreg $0xFFFFFFFF  }
0xc2: {  	_ =	task.clear_ibuf [dreg:s7], $0x2FFFF;
	_ =	strace $0x9FFFFFFF  }
0xc3: {  	(tm) =	ssettm $0x7FFFFFFF  }
tec
execute0_lowered:
.L_overlay_start_1:
0x0: {  	(tag) =	ssettag $0x1  }
0x1: {  	s5 =	rddreg [dreg:$0x0]  }
0x2: {  	s6 =	rddreg [dreg:$0x1]  }
0x3: {  	s2 =	rddreg [dreg:$0x2]  }
0x4: {  	s0 =	srdreg.scid;
	s1 =	rddreg [dreg:$0x3]  }
0x5: {  	s3 =	simm.s32 $0x0;
	s19 =	simm.s32 $0x2;
	s7 =	sand.u32 $0x1, s0  }
0x6: {  	s20 =	simm.s32 $0x2800;
	s0 =	stileid.u32;
	s4 =	smul.u32 $0x28000, s7  }
0x7: {  	s21 =	simm.s32 $0x9000;
	s22 =	simm.s32 $0x80;
	s8 =	smul.u32 $0x2800, s0  }
0x8: {  	s23 =	simm.s32 $0x5000;
	s24 =	simm.s32 $0x1;
	s9 =	smul.u32 $0x140000, s7  }
0x9: {  	s25 =	simm.s32 $0x0;
	[smem:$0x7FF] =	sst s3;
	s10 =	smul.u32 $0x14000, s0  }
0xa: {  	_ =	strace $0x80000059;
	s7 =	ssub.s32 $0x2, s7;
	s30 =	smul.u32 $0x50000, s0  }
0xb: {  	s12 =	sshrl.u32 s7, $0x1;
	s8 =	sadd.s32 s8, s4;
	s4 =	sadd.s32 $0x11E00, s5  }
0xc: {  	s9 =	sadd.s32 s10, s9;
	s12 =	ssub.s32 s7, s12;
	s31 =	sshrl.u32 s30, $0x2  }
0xd: {  	s8 =	sshrl.u32 s8, $0x3;
	s9 =	sshrl.u32 s9, $0x3;
	s7 =	sadd.s32 s31, s2  }
0xe: {  	s11 =	sadd.s32 s8, s5;
	s9 =	sadd.s32 s9, s5;
	s5 =	sadd.s32 s6, s8  }
0xf: {  	s10 =	sadd.s32 $0x2000, s7;
	s13 =	sadd.s32 $0x8000, s7;
	s14 =	sadd.s32 $0xA000, s7  }
0x10: {  	s15 =	sadd.s32 $0xC000, s7;
	s16 =	sadd.s32 $0xE000, s7;
	s17 =	sadd.s32 $0x10000, s7  }
0x11: {  	s18 =	sadd.s32 $0x12000, s7;
	s6 =	sadd.s32 $0x7E00, s11;
	s8 =	sadd.s32 $0x8A600, s9  }
0x12: {  	v0 =	vimm.f32 $0.0e+00;
	s9 =	smax.u32 s12, $0x1;
	s11 =	sadd.s32 $0x4000, s7;
	s12 =	sadd.s32 $0x6000, s7  }
.LBB2_1:
0x13: {  	[tilespmem:s3], [sflag:$0x2] =	stream.linear.gather [hbm4b:s5+s3], $0x2780, $0x38;
	[tilespmem:$0x1F000] =	vst v63  }
0x14: {  	_ =	swait.ge [sflag:s19], $0x2780  }
0x15: {  	[sflag:s19] =	ssyncset.done $0x0  }
0x16: {  	[sflag:s19] =	ssyncadd.s32 $0xFFFFD880  }
0x17: {  	[tilespmem:s20], [sflag:$0x2] =	stream.linear.gather [hbm4b:s6+s3], $0x2780, $0x38;
	[tilespmem:$0x1F000] =	vst v63  }
0x18: {  	_ =	swait.ge [sflag:s19], $0x2780  }
0x19: {  	[sflag:s19] =	ssyncset.done $0x0  }
0x1a: {  	s26 =	simm.s32 $0x0;
	s28 =	simm.s32 $0x200;
	[sflag:s19] =	ssyncadd.s32 $0xFFFFD880  }
.LBB2_2:
0x1b: {  	p0 =	sne.s32 s28, $0x7E00;
	[tilespmem:s26+$0x9070] =	vst v0  }
0x1c: {  	[tilespmem:s26+$0x9000] =	vst v0  }
0x1d: {  	[tilespmem:s26+$0x9010] =	vst v0  }
.Ltmp0:
0x1e: {  	[tilespmem:s26+$0x9020] =	vst v0;
	(pc) =	sbr.rel @p0 .LBB2_2-.Ltmp0, $4  }
0x1f: {  	[tilespmem:s26+$0x9030] =	vst v0  }
0x20: {  	[tilespmem:s26+$0x9040] =	vst v0  }
0x21: {  	[tilespmem:s26+$0x9050] =	vst v0  }
0x22: {  	[tilespmem:s26+$0x9060] =	vst v0;
	s26 =	sshra.s32 s28, $0x2;
	s28 =	sadd.s32 $0x200, s28  }
0x23: {  	[tilespmem:s26+$0x9070] =	vst v0  }
0x24: {  	[tilespmem:s26+$0x9000] =	vst v0  }
0x25: {  	[tilespmem:s26+$0x9010] =	vst v0  }
0x26: {  	[tilespmem:s26+$0x9020] =	vst v0  }
0x27: {  	[tilespmem:s26+$0x9030] =	vst v0  }
0x28: {  	[tilespmem:s26+$0x9040] =	vst v0  }
0x29: {  	[tilespmem:s26+$0x9050] =	vst v0  }
0x2a: {  	[tilespmem:s26+$0x9060] =	vst v0  }
0x2b: {  	[spmem:s7] =	stream.linear.scatter [tilespmem:s21], [sflag:$0x2], $0x2000, $0x38;
	[tilespmem:$0x1F000] =	vst v63  }
0x2c: {  	_ =	swait.ge [sflag:s19], $0x2000  }
0x2d: {  	[sflag:s19] =	ssyncset.done $0x0  }
0x2e: {  	[sflag:s19] =	ssyncadd.s32 $0xFFFFE000  }
0x2f: {  	[spmem:s10] =	stream.linear.scatter [tilespmem:s21], [sflag:$0x2], $0x2000, $0x38;
	[tilespmem:$0x1F000] =	vst v63  }
0x30: {  	_ =	swait.ge [sflag:s19], $0x2000  }
0x31: {  	[sflag:s19] =	ssyncset.done $0x0  }
0x32: {  	[sflag:s19] =	ssyncadd.s32 $0xFFFFE000  }
0x33: {  	[spmem:s11] =	stream.linear.scatter [tilespmem:s21], [sflag:$0x2], $0x2000, $0x38;
	[tilespmem:$0x1F000] =	vst v63  }
0x34: {  	_ =	swait.ge [sflag:s19], $0x2000  }
0x35: {  	[sflag:s19] =	ssyncset.done $0x0  }
0x36: {  	[sflag:s19] =	ssyncadd.s32 $0xFFFFE000  }
0x37: {  	[spmem:s12] =	stream.linear.scatter [tilespmem:s21], [sflag:$0x2], $0x2000, $0x38;
	[tilespmem:$0x1F000] =	vst v63  }
0x38: {  	_ =	swait.ge [sflag:s19], $0x2000  }
0x39: {  	[sflag:s19] =	ssyncset.done $0x0  }
0x3a: {  	[sflag:s19] =	ssyncadd.s32 $0xFFFFE000  }
0x3b: {  	[spmem:s13] =	stream.linear.scatter [tilespmem:s21], [sflag:$0x2], $0x2000, $0x38;
	[tilespmem:$0x1F000] =	vst v63  }
0x3c: {  	_ =	swait.ge [sflag:s19], $0x2000  }
0x3d: {  	[sflag:s19] =	ssyncset.done $0x0  }
0x3e: {  	[sflag:s19] =	ssyncadd.s32 $0xFFFFE000  }
0x3f: {  	[spmem:s14] =	stream.linear.scatter [tilespmem:s21], [sflag:$0x2], $0x2000, $0x38;
	[tilespmem:$0x1F000] =	vst v63  }
0x40: {  	_ =	swait.ge [sflag:s19], $0x2000  }
0x41: {  	[sflag:s19] =	ssyncset.done $0x0  }
0x42: {  	[sflag:s19] =	ssyncadd.s32 $0xFFFFE000  }
0x43: {  	[spmem:s15] =	stream.linear.scatter [tilespmem:s21], [sflag:$0x2], $0x2000, $0x38;
	[tilespmem:$0x1F000] =	vst v63  }
0x44: {  	_ =	swait.ge [sflag:s19], $0x2000  }
0x45: {  	[sflag:s19] =	ssyncset.done $0x0  }
0x46: {  	[sflag:s19] =	ssyncadd.s32 $0xFFFFE000  }
0x47: {  	[spmem:s16] =	stream.linear.scatter [tilespmem:s21], [sflag:$0x2], $0x2000, $0x38;
	[tilespmem:$0x1F000] =	vst v63  }
0x48: {  	_ =	swait.ge [sflag:s19], $0x2000  }
0x49: {  	[sflag:s19] =	ssyncset.done $0x0  }
0x4a: {  	[sflag:s19] =	ssyncadd.s32 $0xFFFFE000  }
0x4b: {  	[spmem:s17] =	stream.linear.scatter [tilespmem:s21], [sflag:$0x2], $0x2000, $0x38;
	[tilespmem:$0x1F000] =	vst v63  }
0x4c: {  	_ =	swait.ge [sflag:s19], $0x2000  }
0x4d: {  	[sflag:s19] =	ssyncset.done $0x0  }
0x4e: {  	[sflag:s19] =	ssyncadd.s32 $0xFFFFE000  }
0x4f: {  	[spmem:s18] =	stream.linear.scatter [tilespmem:s21], [sflag:$0x2], $0x2000, $0x38;
	[tilespmem:$0x1F000] =	vst v63  }
0x50: {  	_ =	swait.ge [sflag:s19], $0x2000  }
0x51: {  	[sflag:s19] =	ssyncset.done $0x0  }
0x52: {  	[sflag:s19] =	ssyncadd.s32 $0xFFFFE000  }
0x53: {  	s30 =	simm.s32 $0x0;
	[bflag:$0x0] =	sbarrier.arrive $0xFFFF  }
0x54: {  	[tilespmem:s23], [sflag:$0x1] =	stream.indirect.gather [hbm4b:s4+s22], $0x80, s30, s22, $0xb8;
	[tilespmem:$0x1F000] =	vst v63  }
0x55: {  	_ =	swait.ge [sflag:s24], $0x4000  }
0x56: {  	[sflag:s24] =	ssyncset.done $0x0  }
0x57: {  	s31 =	simm.s32 $0x2800;
	[sflag:s24] =	ssyncadd.s32 $0xFFFFC000  }
0x58: {  	[spmem:s2] =	stream.indirect.scatter.add.f32 [tilespmem:s23], [sflag:$0x2], $0x80, s31, s22, $0xb8;
	[tilespmem:$0x1F000] =	vst v63  }
0x59: {  	_ =	swait.ge [sflag:s19], $0x4000  }
0x5a: {  	s26 =	simm.s32 $0x200;
	s28 =	simm.s32 $0x400;
	[sflag:s19] =	ssyncset.done $0x0  }
.LBB2_4:
0x5b: {  	s29 =	sshra.s32 s26, $0x2  }
0x5c: {  	[sflag:s19] =	ssyncadd.s32 $0xFFFFC000;
	s26 =	smov.u32 s28;
	s30 =	sadd.s32 $0x200, s28  }
0x5d: {  	[tilespmem:s23], [sflag:$0x1] =	stream.indirect.gather [hbm4b:s4+s22], $0x80, s29, s22, $0xb8;
	[tilespmem:$0x1F000] =	vst v63  }
0x5e: {  	p0 =	sne.s32 s28, $0x9C00;
	_ =	swait.ge [sflag:s24], $0x4000  }
.Ltmp1:
0x5f: {  	[sflag:s24] =	ssyncset.done $0x0;
	(pc) =	sbr.rel @p0 .LBB2_4-.Ltmp1, $4  }
0x60: {  	s28 =	sadd.s32 $0x2800, s29;
	[sflag:s24] =	ssyncadd.s32 $0xFFFFC000  }
0x61: {  	[spmem:s2] =	stream.indirect.scatter.add.f32 [tilespmem:s23], [sflag:$0x2], $0x80, s28, s22, $0xb8;
	[tilespmem:$0x1F000] =	vst v63  }
0x62: {  	_ =	swait.ge [sflag:s19], $0x4000  }
0x63: {  	s28 =	smov.u32 s30;
	[sflag:s19] =	ssyncset.done $0x0  }
0x64: {  	s26 =	sshra.s32 s26, $0x2;
	[sflag:s19] =	ssyncadd.s32 $0xFFFFC000  }
0x65: {  	[tilespmem:s23], [sflag:$0x1] =	stream.indirect.gather [hbm4b:s4+s22], $0x80, s26, s22, $0xb8;
	[tilespmem:$0x1F000] =	vst v63  }
0x66: {  	_ =	swait.ge [sflag:s24], $0x4000  }
0x67: {  	[sflag:s24] =	ssyncset.done $0x0  }
0x68: {  	s26 =	sadd.s32 $0x2800, s26;
	[sflag:s24] =	ssyncadd.s32 $0xFFFFC000  }
0x69: {  	[spmem:s2] =	stream.indirect.scatter.add.f32 [tilespmem:s23], [sflag:$0x2], $0x80, s26, s22, $0xb8;
	[tilespmem:$0x1F000] =	vst v63  }
0x6a: {  	_ =	swait.ge [sflag:s19], $0x4000  }
0x6b: {  	s31 =	sshll.u32 s0, $0x6;
	s25 =	sadd.s32 $0x1, s25;
	[sflag:s19] =	ssyncset.done $0x0  }
0x6c: {  	s28 =	sshrl.u32 s7, $0x3;
	p0 =	sne.s32 s25, s9;
	[sflag:s19] =	ssyncadd.s32 $0xFFFFC000  }
.Ltmp2:
0x6d: {  	s26 =	sor.u32 $0x1C02, s31;
	[bflag:$0x0] =	sbarrier.arrive $0xFFFF;
	(pc) =	sbr.rel @p0 .LBB2_1-.Ltmp2, $4  }
0x6e: {  	[hbm:s8], [sflag:s26] =	dma.local [spmem:s28], $0x2800  }
0x6f: {  	_ =	swait.ge [sflag:s19], $0x2800  }
0x70: {  	[sflag:s19] =	ssyncset.done $0x0  }
0x71: {  	[sflag:s19] =	ssyncadd.s32 $0xFFFFD800  }
0x72: {  	_ =	sfence.sel $0x180000  }
0x73: {  	[bflag:$0x0] =	sbarrier.arrive $0xFFFF  }
0x74: {  	p0 =	sne.s32 s0, $0x0;
	_ =	strace $0x90000059  }
0x75: {  	s0 =	sadd.s32 @!p0 $0x100000, s1;
	[bflag:$0x2] =	sbarrier.arrive $0xFFFF  }
0x76: {  	[sflag:s0] =	ssyncadd.tile.s32 @!p0 $0x1;
	_ =	shalt  }
.Lfunc_end2:
_tile_overlayer_lowered:
.L_overlay_start_2:
0x77: {  	(tag) =	ssettag $0x2  }
0x78: {  	s0 =	rddreg [dreg:$0x0];
	s2 =	stileid.u32  }
0x79: {  	s1 =	rddreg [dreg:$0x1];
	p0 =	sne.s32 s2, $0x0  }
0x7a: {  	s3 =	rddreg [dreg:$0x2];
	[bflag:$0x3] =	sbarrier.arrive $0xFFFF;
	s2 =	simm.s32 @!p0 $0x1C02  }
0x7b: {  	[timem:s3], [sflag:s2] =	dma.local @!p0 [hbm:s0], s1  }
0x7c: {  	s0 =	simm.s32 @!p0 $0x2  }
0x7d: {  	_ =	swait.ge @!p0 [sflag:s0], s1  }
0x7e: {  	s1 =	ssub.s32 @!p0 $0x0, s1;
	[sflag:s0] =	ssyncset.done @!p0 $0x0  }
0x7f: {  	[sflag:s0] =	ssyncadd.s32 @!p0 s1  }
0x80: {  	[bflag:$0x3] =	sbarrier.arrive $0xFFFF  }
0x81: {  	_ =	shalt  }

// kernel: kernel.44.cloned.1.call-start
scs
__scs_entry_jumppad:
0x0: {  	(pc) =	sbr.rel $0x88, $3  }
0x1: {  	(tag) =	ssettag $0x0;
	lr =	simm.s32 $0x1  }
0x2: {  	[smem:$0x3F9C] =	sst lr;
	_ =	strace $0xD0000000  }
0x3: {  	_ = 	snop  }
0x4: {  	_ = 	snop  }
0x5: {  	_ = 	snop  }
0x6: {  	_ = 	snop  }
0x7: {  	_ = 	snop  }
__scs_overlays_trampoline_lowered:
0x8: {  	[smem:$0x3FAB] =	sst s0  }
0x9: {  	[smem:$0x3FAC] =	sst s1  }
0xa: {  	[smem:$0x3FAD] =	sst s2  }
0xb: {  	[smem:$0x3FAE] =	sst s3  }
0xc: {  	[smem:$0x3FAF] =	sst s4  }
0xd: {  	[smem:$0x3FB0] =	sst s5  }
0xe: {  	[smem:$0x3FB1] =	sst s6  }
0xf: {  	[smem:$0x3FB2] =	sst s7  }
0x10: {  	[smem:$0x3FB3] =	sst s8  }
0x11: {  	[smem:$0x3FB4] =	sst s9;
	s0 =	simm.s32 @!p0 $0x0  }
0x12: {  	s1 =	sld [smem:$0x3F9A];
	s0 =	simm.s32 @p0 $0x1  }
0x13: {  	[smem:$0x3FB5] =	sst s0;
	s0 =	simm.s32 @!p1 $0x0  }
0x14: {  	s2 =	sld [smem:$0x3F99];
	s0 =	simm.s32 @p1 $0x1  }
0x15: {  	[smem:$0x3FB6] =	sst s0;
	s0 =	simm.s32 @!p2 $0x0  }
0x16: {  	s3 =	sld [smem:$0x3FDB];
	s0 =	simm.s32 @p2 $0x1  }
0x17: {  	s4 =	simm.s32 $0x1BF5;
	[smem:$0x3FB8] =	sst s0  }
0x18: {  	s0 =	sld [smem:$0x3F9B];
	_ =	swait.ge [sflag:s4], $0x0  }
0x19: {  	s7 =	sld [smem:$0x3F9C]  }
0x1a: {  	s8 =	sadd.s32 $0xFFFFE003, lr  }
0x1b: {  	s9 =	sadd.s32 $0xFFFFFEF7, lr;
	s5 =	simm.s32 $0xFFFFFFFF;
	p2 =	slt.u32 s8, $0xFFFFF086  }
0x1c: {  	p1 =	slt.u32 s9, $0xF7A;
	s5 =	simm.s32 @!p2 $0x0  }
0x1d: {  	s5 =	simm.s32 @p1 $0x1;
	p0 =	seq.s32 s7, s2  }
0x1e: {  	s7 =	smul.u32 @!p0 $0xF7A, s2;
	p2 =	seq.s32 @!p0 s5, $0x0  }
0x1f: {  	s9 =	smul.u32 $0xF7A, s1;
	s8 =	simm.s32 @!p0 $0x1BF5;
	p2 =	por !p2, p0  }
0x20: {  	[sflag:s8] =	ssyncset.s32 @!p0 $0xFFFFF086;
	s6 =	sadd.s32 @!p0 s3, s7;
	s7 =	simm.s32 @!p0 $0x108  }
0x21: {  	s3 =	sadd.s32 s3, s9;
	s6 =	sadd.s32 @!p0 $0x88, s6;
	s7 =	simm.s32 @p2 $0x1082  }
0x22: {  	[simem:s7], [sflag:s8] =	dma.local @!p0 [hbm:s6], $0xF7A  }
0x23: {  	s9 =	sor.u32 $0xD0000000, s2;
	s6 =	simm.s32 $0x108;
	_ =	swait.ge @!p0 [sflag:s8], $0x0  }
0x24: {  	s3 =	sadd.s32 $0x88, s3;
	s6 =	simm.s32 @!p1 $0x1082;
	[sflag:s4] =	ssyncset.s32 $0xFFFFF086  }
0x25: {  	[simem:s6], [sflag:s4] =	dma.local [hbm:s3], $0xF7A  }
0x26: {  	[smem:$0x3F9C] =	sst s1;
	(tag) =	ssettag s2;
	_ =	strace s9  }
0x27: {  	s1 =	sld [smem:$0x3FAC]  }
0x28: {  	s2 =	sld [smem:$0x3FAD]  }
0x29: {  	s4 =	sld [smem:$0x3FAF]  }
0x2a: {  	p0 =	seq.s32 s5, $0x0;
	s5 =	sld [smem:$0x3FB0]  }
0x2b: {  	s6 =	sld [smem:$0x3FB1]  }
0x2c: {  	s7 =	sld [smem:$0x3FB2]  }
0x2d: {  	s3 =	simm.s32 $0x108;
	s8 =	sld [smem:$0x3FB3]  }
0x2e: {  	s3 =	simm.s32 @!p0 $0x1082;
	s9 =	sld [smem:$0x3FB4]  }
0x2f: {  	lr =	sadd.s32 s0, s3;
	s0 =	sld [smem:$0x3FAB]  }
0x30: {  	s3 =	sld [smem:$0x3FAE]  }
0x31: {  	[smem:$0x3FB7] =	sst s10  }
0x32: {  	s10 =	sld [smem:$0x3FB5];
	_ =	sdelay $0x3  }
0x33: {  	p0 =	seq.s32 s10, $0x1;
	s10 =	sld [smem:$0x3FB7];
	_ =	sdelay $0x3  }
0x34: {  	[smem:$0x3FB7] =	sst s10  }
0x35: {  	s10 =	sld [smem:$0x3FB6];
	_ =	sdelay $0x3  }
0x36: {  	p1 =	seq.s32 s10, $0x1;
	s10 =	sld [smem:$0x3FB7];
	_ =	sdelay $0x3  }
0x37: {  	[smem:$0x3FB7] =	sst s10  }
0x38: {  	s10 =	sld [smem:$0x3FB8]  }
0x39: {  	_ = 	snop;
	(pc) =	sbr.ind lr, $3  }
0x3a: {  	_ = 	snop  }
0x3b: {  	_ = 	snop  }
0x3c: {  	p2 =	seq.s32 s10, $0x1;
	s10 =	sld [smem:$0x3FB7]  }
0x3d: {  	_ =	shalt  }
0x3e: {  	_ =	shalt  }
0x3f: {  	_ =	shalt  }
0x40: {  	_ =	shalt  }
0x41: {  	_ =	shalt  }
0x42: {  	_ =	shalt  }
0x43: {  	_ =	shalt  }
0x44: {  	_ =	shalt  }
0x45: {  	_ =	shalt  }
0x46: {  	_ =	shalt  }
0x47: {  	_ =	shalt  }
0x48: {  	_ =	shalt  }
0x49: {  	_ =	shalt  }
0x4a: {  	_ =	shalt  }
0x4b: {  	_ =	shalt  }
0x4c: {  	_ =	shalt  }
0x4d: {  	_ =	shalt  }
0x4e: {  	_ =	shalt  }
0x4f: {  	_ =	shalt  }
0x50: {  	_ =	shalt  }
0x51: {  	_ =	shalt  }
0x52: {  	_ =	shalt  }
0x53: {  	_ =	shalt  }
0x54: {  	_ =	shalt  }
0x55: {  	_ =	shalt  }
0x56: {  	_ =	shalt  }
0x57: {  	_ =	shalt  }
0x58: {  	_ =	shalt  }
0x59: {  	_ =	shalt  }
0x5a: {  	_ =	shalt  }
0x5b: {  	_ =	shalt  }
0x5c: {  	_ =	shalt  }
0x5d: {  	_ =	shalt  }
0x5e: {  	_ =	shalt  }
0x5f: {  	_ =	shalt  }
0x60: {  	_ =	shalt  }
0x61: {  	_ =	shalt  }
0x62: {  	_ =	shalt  }
0x63: {  	_ =	shalt  }
0x64: {  	_ =	shalt  }
0x65: {  	_ =	shalt  }
0x66: {  	_ =	shalt  }
0x67: {  	_ =	shalt  }
0x68: {  	_ =	shalt  }
0x69: {  	_ =	shalt  }
0x6a: {  	_ =	shalt  }
0x6b: {  	_ =	shalt  }
0x6c: {  	_ =	shalt  }
0x6d: {  	_ =	shalt  }
0x6e: {  	_ =	shalt  }
0x6f: {  	_ =	shalt  }
0x70: {  	_ =	shalt  }
0x71: {  	_ =	shalt  }
0x72: {  	_ =	shalt  }
0x73: {  	_ =	shalt  }
0x74: {  	_ =	shalt  }
0x75: {  	_ =	shalt  }
0x76: {  	_ =	shalt  }
0x77: {  	_ =	shalt  }
0x78: {  	_ =	shalt  }
0x79: {  	_ =	shalt  }
0x7a: {  	_ =	shalt  }
0x7b: {  	_ =	shalt  }
0x7c: {  	_ =	shalt  }
0x7d: {  	_ =	shalt  }
0x7e: {  	_ =	shalt  }
0x7f: {  	_ =	shalt  }
0x80: {  	_ =	shalt  }
0x81: {  	_ =	shalt  }
0x82: {  	_ =	shalt  }
0x83: {  	_ =	shalt  }
0x84: {  	_ =	shalt  }
0x85: {  	_ =	shalt  }
0x86: {  	_ =	shalt  }
0x87: {  	_ =	shalt  }
.Lfunc_end0:
.L_simem_size_0:
called_computation.7_lowered:
.L_overlay_start_0:
0x88: {  	s2 =	sld [smem:$0x3FD9]  }
0x89: {  	s3 =	sld [smem:$0x3FFE];
	_ =	sdelay $0x1  }
0x8a: {  	s1 =	srdreg.scid  }
0x8b: {  	s0 =	sand.u32 $0x1, s1  }
0x8c: {  	s17 =	sshll.u32 s0, $0xA;
	s2 =	sadd.s32 s3, s2  }
0x8d: {  	s2 =	sadd.s32 s2, s17  }
0x8e: {  	[smem:$0x3FC3] =	sst s2  }
0x8f: {  	_ = 	snop  }
0x90: {  	s2 =	sld [smem:$0x3FD0];
	(tm) =	ssettm $0x1  }
0x91: {  	s18 =	sld [smem:$0x3FFB];
	_ =	sdelay $0x3  }
0x92: {  	_ =	strace s18  }
0x93: {  	s3 =	sld [smem:$0x3FFC];
	_ =	sdelay $0x3  }
0x94: {  	_ =	strace s3  }
0x95: {  	s3 =	sld [smem:$0x3FFD];
	_ =	sdelay $0x3  }
0x96: {  	_ =	strace s3  }
0x97: {  	_ =	strace $0x8FFFFFFF  }
0x98: {  	s19 =	sld [smem:$0x3FDB];
	_ =	sdelay $0x1  }
0x99: {  	s4 =	simm.s32 $_scs_section_size  }
0x9a: {  	s5 =	simm.s32 $_size__tile_overlayer_lowered;
	s6 =	simm.s32 $_tile_overlayer_lowered  }
0x9b: {  	s22 =	simm.s32 $0x1BFF;
	s21 =	sshll.u32 s6, $0x1;
	s3 =	sadd.s32 s4, s19  }
0x9c: {  	s7 =	simm.s32 $0x0;
	s20 =	sshll.u32 s5, $0x1;
	s5 =	sadd.s32 s21, s3  }
0x9d: {  	[timem:s7], [sflag:s22] =	dma.local [hbm:s5], s20  }
0x9e: {  	_ =	swait.ge [sflag:s22], s20  }
0x9f: {  	s4 =	ssub.s32 $0x0, s20;
	[sflag:s22] =	ssyncset.done $0x0  }
0xa0: {  	[sflag:s22] =	ssyncadd.s32 s4;
	_ =	sdelay $0x1  }
0xa1: {  	s23 =	simm.s32 $0x1B8B  }
0xa2: {  	_ =	swait.ge [sflag:s23], $0x1  }
0xa3: {  	[sflag:s23] =	ssyncset.done $0x0  }
0xa4: {  	s25 =	simm.s32 $0x1B8E;
	s24 =	sld [smem:$0x3FFE];
	[sflag:s23] =	ssyncadd.s32 $0xFFFFFFFF  }
0xa5: {  	s26 =	simm.s32 $execute0_lowered;
	[smem:$0x3FD2] =	sst s25  }
0xa6: {  	s5 =	sshll.u32 s26, $0x1;
	_ =	strace $0x8000005B;
	[dreg:$0x1] =	wrdreg $0xFFFFFFFF  }
0xa7: {  	s28 =	simm.s32 $_size_execute0_lowered;
	s3 =	sadd.s32 s3, s5;
	[dreg:$0x0] =	wrdreg $0x0  }
0xa8: {  	s5 =	sshll.u32 s28, $0x1;
	[dreg:$0x2] =	wrdreg s3  }
0xa9: {  	[dreg:$0x3] =	wrdreg s5  }
0xaa: {  	[dreg:$0x4] =	wrdreg $0xC0  }
0xab: {  	_ =	task [dreg:s7], $0x5FFFF  }
0xac: {  	[dreg:$0x1] =	wrdreg $0xFFFFFFFF  }
0xad: {  	[dreg:$0x0] =	wrdreg $0x60  }
0xae: {  	[dreg:$0x2] =	wrdreg s24  }
0xaf: {  	[dreg:$0x3] =	wrdreg s2  }
0xb0: {  	[dreg:$0x4] =	wrdreg $0xB0000  }
0xb1: {  	[dreg:$0x5] =	wrdreg $0x9  }
0xb2: {  	_ =	task.clear_ibuf [dreg:s7], $0x6FFFF;
	_ =	strace $0x9000005B  }
0xb3: {  	s29 =	simm.s32 $0x9;
	_ =	strace $0x8000005D  }
0xb4: {  	_ =	swait.ge [sflag:s29], $0x1  }
0xb5: {  	[sflag:s29] =	ssyncadd.s32 $0xFFFFFFFF  }
0xb6: {  	_ =	strace $0x9000005D  }
0xb7: {  	_ =	sfence  }
0xb8: {  	s30 =	sld [smem:$0x0];
	_ =	sdelay $0x2  }
0xb9: {  	s31 =	sshll.u32 s1, $0xD;
	s1 =	sshrl.u32 s1, $0x2  }
0xba: {  	s3 =	sand.u32 $0x4000, s31;
	s1 =	sadd.s32 s1, s30  }
0xbb: {  	s0 =	sor.u32 s3, s0;
	s1 =	sshll.u32 s1, $0x11  }
0xbc: {  	s0 =	sor.u32 s1, s0  }
0xbd: {  	s0 =	sadd.s32 $0x8F2B, s0  }
0xbe: {  	[sflag:s0] =	ssyncadd.remote.s32 $0x1  }
0xbf: {  	_ =	sfence.sel $0xFFFF  }
0xc0: {  	[dreg:$0x0] =	wrdreg $0xFFFFFFFF;
	(pc) =	sbr.abs _section_cstart, $3  }
0xc1: {  	[dreg:$0x1] =	wrdreg $0xFFFFFFFF  }
0xc2: {  	_ =	task.clear_ibuf [dreg:s7], $0x2FFFF;
	_ =	strace $0x9FFFFFFF  }
0xc3: {  	(tm) =	ssettm $0x7FFFFFFF  }
tec
execute0_lowered:
.L_overlay_start_1:
0x0: {  	(tag) =	ssettag $0x1  }
0x1: {  	s5 =	rddreg [dreg:$0x0]  }
0x2: {  	s6 =	rddreg [dreg:$0x1]  }
0x3: {  	s2 =	rddreg [dreg:$0x2]  }
0x4: {  	s0 =	srdreg.scid;
	s1 =	rddreg [dreg:$0x3]  }
0x5: {  	s3 =	simm.s32 $0x0;
	s19 =	simm.s32 $0x2;
	s7 =	sand.u32 $0x1, s0  }
0x6: {  	s20 =	simm.s32 $0x2800;
	s0 =	stileid.u32;
	s4 =	smul.u32 $0x28000, s7  }
0x7: {  	s21 =	simm.s32 $0x9000;
	s22 =	simm.s32 $0x80;
	s8 =	smul.u32 $0x2800, s0  }
0x8: {  	s23 =	simm.s32 $0x5000;
	s24 =	simm.s32 $0x1;
	s9 =	smul.u32 $0x140000, s7  }
0x9: {  	s25 =	simm.s32 $0x0;
	[smem:$0x7FF] =	sst s3;
	s10 =	smul.u32 $0x14000, s0  }
0xa: {  	_ =	strace $0x8000005C;
	s7 =	ssub.s32 $0x2, s7;
	s30 =	smul.u32 $0x50000, s0  }
0xb: {  	s12 =	sshrl.u32 s7, $0x1;
	s8 =	sadd.s32 s8, s4;
	s4 =	sadd.s32 $0x11E00, s5  }
0xc: {  	s9 =	sadd.s32 s10, s9;
	s12 =	ssub.s32 s7, s12;
	s31 =	sshrl.u32 s30, $0x2  }
0xd: {  	s8 =	sshrl.u32 s8, $0x3;
	s9 =	sshrl.u32 s9, $0x3;
	s7 =	sadd.s32 s31, s2  }
0xe: {  	s11 =	sadd.s32 s8, s5;
	s9 =	sadd.s32 s9, s5;
	s5 =	sadd.s32 s6, s8  }
0xf: {  	s10 =	sadd.s32 $0x2000, s7;
	s13 =	sadd.s32 $0x8000, s7;
	s14 =	sadd.s32 $0xA000, s7  }
0x10: {  	s15 =	sadd.s32 $0xC000, s7;
	s16 =	sadd.s32 $0xE000, s7;
	s17 =	sadd.s32 $0x10000, s7  }
0x11: {  	s18 =	sadd.s32 $0x12000, s7;
	s6 =	sadd.s32 $0x7E00, s11;
	s8 =	sadd.s32 $0x8A600, s9  }
0x12: {  	v0 =	vimm.f32 $0.0e+00;
	s9 =	smax.u32 s12, $0x1;
	s11 =	sadd.s32 $0x4000, s7;
	s12 =	sadd.s32 $0x6000, s7  }
.LBB2_1:
0x13: {  	[tilespmem:s3], [sflag:$0x2] =	stream.linear.gather [hbm4b:s5+s3], $0x2780, $0x38;
	[tilespmem:$0x1F000] =	vst v63  }
0x14: {  	_ =	swait.ge [sflag:s19], $0x2780  }
0x15: {  	[sflag:s19] =	ssyncset.done $0x0  }
0x16: {  	[sflag:s19] =	ssyncadd.s32 $0xFFFFD880  }
0x17: {  	[tilespmem:s20], [sflag:$0x2] =	stream.linear.gather [hbm4b:s6+s3], $0x2780, $0x38;
	[tilespmem:$0x1F000] =	vst v63  }
0x18: {  	_ =	swait.ge [sflag:s19], $0x2780  }
0x19: {  	[sflag:s19] =	ssyncset.done $0x0  }
0x1a: {  	s26 =	simm.s32 $0x0;
	s28 =	simm.s32 $0x200;
	[sflag:s19] =	ssyncadd.s32 $0xFFFFD880  }
.LBB2_2:
0x1b: {  	p0 =	sne.s32 s28, $0x7E00;
	[tilespmem:s26+$0x9070] =	vst v0  }
0x1c: {  	[tilespmem:s26+$0x9000] =	vst v0  }
0x1d: {  	[tilespmem:s26+$0x9010] =	vst v0  }
.Ltmp0:
0x1e: {  	[tilespmem:s26+$0x9020] =	vst v0;
	(pc) =	sbr.rel @p0 .LBB2_2-.Ltmp0, $4  }
0x1f: {  	[tilespmem:s26+$0x9030] =	vst v0  }
0x20: {  	[tilespmem:s26+$0x9040] =	vst v0  }
0x21: {  	[tilespmem:s26+$0x9050] =	vst v0  }
0x22: {  	[tilespmem:s26+$0x9060] =	vst v0;
	s26 =	sshra.s32 s28, $0x2;
	s28 =	sadd.s32 $0x200, s28  }
0x23: {  	[tilespmem:s26+$0x9070] =	vst v0  }
0x24: {  	[tilespmem:s26+$0x9000] =	vst v0  }
0x25: {  	[tilespmem:s26+$0x9010] =	vst v0  }
0x26: {  	[tilespmem:s26+$0x9020] =	vst v0  }
0x27: {  	[tilespmem:s26+$0x9030] =	vst v0  }
0x28: {  	[tilespmem:s26+$0x9040] =	vst v0  }
0x29: {  	[tilespmem:s26+$0x9050] =	vst v0  }
0x2a: {  	[tilespmem:s26+$0x9060] =	vst v0  }
0x2b: {  	[spmem:s7] =	stream.linear.scatter [tilespmem:s21], [sflag:$0x2], $0x2000, $0x38;
	[tilespmem:$0x1F000] =	vst v63  }
0x2c: {  	_ =	swait.ge [sflag:s19], $0x2000  }
0x2d: {  	[sflag:s19] =	ssyncset.done $0x0  }
0x2e: {  	[sflag:s19] =	ssyncadd.s32 $0xFFFFE000  }
0x2f: {  	[spmem:s10] =	stream.linear.scatter [tilespmem:s21], [sflag:$0x2], $0x2000, $0x38;
	[tilespmem:$0x1F000] =	vst v63  }
0x30: {  	_ =	swait.ge [sflag:s19], $0x2000  }
0x31: {  	[sflag:s19] =	ssyncset.done $0x0  }
0x32: {  	[sflag:s19] =	ssyncadd.s32 $0xFFFFE000  }
0x33: {  	[spmem:s11] =	stream.linear.scatter [tilespmem:s21], [sflag:$0x2], $0x2000, $0x38;
	[tilespmem:$0x1F000] =	vst v63  }
0x34: {  	_ =	swait.ge [sflag:s19], $0x2000  }
0x35: {  	[sflag:s19] =	ssyncset.done $0x0  }
0x36: {  	[sflag:s19] =	ssyncadd.s32 $0xFFFFE000  }
0x37: {  	[spmem:s12] =	stream.linear.scatter [tilespmem:s21], [sflag:$0x2], $0x2000, $0x38;
	[tilespmem:$0x1F000] =	vst v63  }
0x38: {  	_ =	swait.ge [sflag:s19], $0x2000  }
0x39: {  	[sflag:s19] =	ssyncset.done $0x0  }
0x3a: {  	[sflag:s19] =	ssyncadd.s32 $0xFFFFE000  }
0x3b: {  	[spmem:s13] =	stream.linear.scatter [tilespmem:s21], [sflag:$0x2], $0x2000, $0x38;
	[tilespmem:$0x1F000] =	vst v63  }
0x3c: {  	_ =	swait.ge [sflag:s19], $0x2000  }
0x3d: {  	[sflag:s19] =	ssyncset.done $0x0  }
0x3e: {  	[sflag:s19] =	ssyncadd.s32 $0xFFFFE000  }
0x3f: {  	[spmem:s14] =	stream.linear.scatter [tilespmem:s21], [sflag:$0x2], $0x2000, $0x38;
	[tilespmem:$0x1F000] =	vst v63  }
0x40: {  	_ =	swait.ge [sflag:s19], $0x2000  }
0x41: {  	[sflag:s19] =	ssyncset.done $0x0  }
0x42: {  	[sflag:s19] =	ssyncadd.s32 $0xFFFFE000  }
0x43: {  	[spmem:s15] =	stream.linear.scatter [tilespmem:s21], [sflag:$0x2], $0x2000, $0x38;
	[tilespmem:$0x1F000] =	vst v63  }
0x44: {  	_ =	swait.ge [sflag:s19], $0x2000  }
0x45: {  	[sflag:s19] =	ssyncset.done $0x0  }
0x46: {  	[sflag:s19] =	ssyncadd.s32 $0xFFFFE000  }
0x47: {  	[spmem:s16] =	stream.linear.scatter [tilespmem:s21], [sflag:$0x2], $0x2000, $0x38;
	[tilespmem:$0x1F000] =	vst v63  }
0x48: {  	_ =	swait.ge [sflag:s19], $0x2000  }
0x49: {  	[sflag:s19] =	ssyncset.done $0x0  }
0x4a: {  	[sflag:s19] =	ssyncadd.s32 $0xFFFFE000  }
0x4b: {  	[spmem:s17] =	stream.linear.scatter [tilespmem:s21], [sflag:$0x2], $0x2000, $0x38;
	[tilespmem:$0x1F000] =	vst v63  }
0x4c: {  	_ =	swait.ge [sflag:s19], $0x2000  }
0x4d: {  	[sflag:s19] =	ssyncset.done $0x0  }
0x4e: {  	[sflag:s19] =	ssyncadd.s32 $0xFFFFE000  }
0x4f: {  	[spmem:s18] =	stream.linear.scatter [tilespmem:s21], [sflag:$0x2], $0x2000, $0x38;
	[tilespmem:$0x1F000] =	vst v63  }
0x50: {  	_ =	swait.ge [sflag:s19], $0x2000  }
0x51: {  	[sflag:s19] =	ssyncset.done $0x0  }
0x52: {  	[sflag:s19] =	ssyncadd.s32 $0xFFFFE000  }
0x53: {  	s30 =	simm.s32 $0x0;
	[bflag:$0x0] =	sbarrier.arrive $0xFFFF  }
0x54: {  	[tilespmem:s23], [sflag:$0x1] =	stream.indirect.gather [hbm4b:s4+s22], $0x80, s30, s22, $0xb8;
	[tilespmem:$0x1F000] =	vst v63  }
0x55: {  	_ =	swait.ge [sflag:s24], $0x4000  }
0x56: {  	[sflag:s24] =	ssyncset.done $0x0  }
0x57: {  	s31 =	simm.s32 $0x2800;
	[sflag:s24] =	ssyncadd.s32 $0xFFFFC000  }
0x58: {  	[spmem:s2] =	stream.indirect.scatter.add.f32 [tilespmem:s23], [sflag:$0x2], $0x80, s31, s22, $0xb8;
	[tilespmem:$0x1F000] =	vst v63  }
0x59: {  	_ =	swait.ge [sflag:s19], $0x4000  }
0x5a: {  	s26 =	simm.s32 $0x200;
	s28 =	simm.s32 $0x400;
	[sflag:s19] =	ssyncset.done $0x0  }
.LBB2_4:
0x5b: {  	s29 =	sshra.s32 s26, $0x2  }
0x5c: {  	[sflag:s19] =	ssyncadd.s32 $0xFFFFC000;
	s26 =	smov.u32 s28;
	s30 =	sadd.s32 $0x200, s28  }
0x5d: {  	[tilespmem:s23], [sflag:$0x1] =	stream.indirect.gather [hbm4b:s4+s22], $0x80, s29, s22, $0xb8;
	[tilespmem:$0x1F000] =	vst v63  }
0x5e: {  	p0 =	sne.s32 s28, $0x9C00;
	_ =	swait.ge [sflag:s24], $0x4000  }
.Ltmp1:
0x5f: {  	[sflag:s24] =	ssyncset.done $0x0;
	(pc) =	sbr.rel @p0 .LBB2_4-.Ltmp1, $4  }
0x60: {  	s28 =	sadd.s32 $0x2800, s29;
	[sflag:s24] =	ssyncadd.s32 $0xFFFFC000  }
0x61: {  	[spmem:s2] =	stream.indirect.scatter.add.f32 [tilespmem:s23], [sflag:$0x2], $0x80, s28, s22, $0xb8;
	[tilespmem:$0x1F000] =	vst v63  }
0x62: {  	_ =	swait.ge [sflag:s19], $0x4000  }
0x63: {  	s28 =	smov.u32 s30;
	[sflag:s19] =	ssyncset.done $0x0  }
0x64: {  	s26 =	sshra.s32 s26, $0x2;
	[sflag:s19] =	ssyncadd.s32 $0xFFFFC000  }
0x65: {  	[tilespmem:s23], [sflag:$0x1] =	stream.indirect.gather [hbm4b:s4+s22], $0x80, s26, s22, $0xb8;
	[tilespmem:$0x1F000] =	vst v63  }
0x66: {  	_ =	swait.ge [sflag:s24], $0x4000  }
0x67: {  	[sflag:s24] =	ssyncset.done $0x0  }
0x68: {  	s26 =	sadd.s32 $0x2800, s26;
	[sflag:s24] =	ssyncadd.s32 $0xFFFFC000  }
0x69: {  	[spmem:s2] =	stream.indirect.scatter.add.f32 [tilespmem:s23], [sflag:$0x2], $0x80, s26, s22, $0xb8;
	[tilespmem:$0x1F000] =	vst v63  }
0x6a: {  	_ =	swait.ge [sflag:s19], $0x4000  }
0x6b: {  	s31 =	sshll.u32 s0, $0x6;
	s25 =	sadd.s32 $0x1, s25;
	[sflag:s19] =	ssyncset.done $0x0  }
0x6c: {  	s28 =	sshrl.u32 s7, $0x3;
	p0 =	sne.s32 s25, s9;
	[sflag:s19] =	ssyncadd.s32 $0xFFFFC000  }
.Ltmp2:
0x6d: {  	s26 =	sor.u32 $0x1C02, s31;
	[bflag:$0x0] =	sbarrier.arrive $0xFFFF;
	(pc) =	sbr.rel @p0 .LBB2_1-.Ltmp2, $4  }
0x6e: {  	[hbm:s8], [sflag:s26] =	dma.local [spmem:s28], $0x2800  }
0x6f: {  	_ =	swait.ge [sflag:s19], $0x2800  }
0x70: {  	[sflag:s19] =	ssyncset.done $0x0  }
0x71: {  	[sflag:s19] =	ssyncadd.s32 $0xFFFFD800  }
0x72: {  	_ =	sfence.sel $0x180000  }
0x73: {  	[bflag:$0x0] =	sbarrier.arrive $0xFFFF  }
0x74: {  	p0 =	sne.s32 s0, $0x0;
	_ =	strace $0x9000005C  }
0x75: {  	s0 =	sadd.s32 @!p0 $0x100000, s1;
	[bflag:$0x2] =	sbarrier.arrive $0xFFFF  }
0x76: {  	[sflag:s0] =	ssyncadd.tile.s32 @!p0 $0x1;
	_ =	shalt  }
.Lfunc_end2:
_tile_overlayer_lowered:
.L_overlay_start_2:
0x77: {  	(tag) =	ssettag $0x2  }
0x78: {  	s0 =	rddreg [dreg:$0x0];
	s2 =	stileid.u32  }
0x79: {  	s1 =	rddreg [dreg:$0x1];
	p0 =	sne.s32 s2, $0x0  }
0x7a: {  	s3 =	rddreg [dreg:$0x2];
	[bflag:$0x3] =	sbarrier.arrive $0xFFFF;
	s2 =	simm.s32 @!p0 $0x1C02  }
0x7b: {  	[timem:s3], [sflag:s2] =	dma.local @!p0 [hbm:s0], s1  }
0x7c: {  	s0 =	simm.s32 @!p0 $0x2  }
0x7d: {  	_ =	swait.ge @!p0 [sflag:s0], s1  }
0x7e: {  	s1 =	ssub.s32 @!p0 $0x0, s1;
	[sflag:s0] =	ssyncset.done @!p0 $0x0  }
0x7f: {  	[sflag:s0] =	ssyncadd.s32 @!p0 s1  }
0x80: {  	[bflag:$0x3] =	sbarrier.arrive $0xFFFF  }
0x81: {  	_ =	shalt  }

// kernel: kernel.47.cloned.1.call-start
scs
__scs_entry_jumppad:
0x0: {  	(pc) =	sbr.rel $0x88, $3  }
0x1: {  	(tag) =	ssettag $0x0;
	lr =	simm.s32 $0x1  }
0x2: {  	[smem:$0x3F9C] =	sst lr;
	_ =	strace $0xD0000000  }
0x3: {  	_ = 	snop  }
0x4: {  	_ = 	snop  }
0x5: {  	_ = 	snop  }
0x6: {  	_ = 	snop  }
0x7: {  	_ = 	snop  }
__scs_overlays_trampoline_lowered:
0x8: {  	[smem:$0x3FAB] =	sst s0  }
0x9: {  	[smem:$0x3FAC] =	sst s1  }
0xa: {  	[smem:$0x3FAD] =	sst s2  }
0xb: {  	[smem:$0x3FAE] =	sst s3  }
0xc: {  	[smem:$0x3FAF] =	sst s4  }
0xd: {  	[smem:$0x3FB0] =	sst s5  }
0xe: {  	[smem:$0x3FB1] =	sst s6  }
0xf: {  	[smem:$0x3FB2] =	sst s7  }
0x10: {  	[smem:$0x3FB3] =	sst s8  }
0x11: {  	[smem:$0x3FB4] =	sst s9;
	s0 =	simm.s32 @!p0 $0x0  }
0x12: {  	s1 =	sld [smem:$0x3F9A];
	s0 =	simm.s32 @p0 $0x1  }
0x13: {  	[smem:$0x3FB5] =	sst s0;
	s0 =	simm.s32 @!p1 $0x0  }
0x14: {  	s2 =	sld [smem:$0x3F99];
	s0 =	simm.s32 @p1 $0x1  }
0x15: {  	[smem:$0x3FB6] =	sst s0;
	s0 =	simm.s32 @!p2 $0x0  }
0x16: {  	s3 =	sld [smem:$0x3FDB];
	s0 =	simm.s32 @p2 $0x1  }
0x17: {  	s4 =	simm.s32 $0x1BF5;
	[smem:$0x3FB8] =	sst s0  }
0x18: {  	s0 =	sld [smem:$0x3F9B];
	_ =	swait.ge [sflag:s4], $0x0  }
0x19: {  	s7 =	sld [smem:$0x3F9C]  }
0x1a: {  	s8 =	sadd.s32 $0xFFFFE003, lr  }
0x1b: {  	s9 =	sadd.s32 $0xFFFFFEF7, lr;
	s5 =	simm.s32 $0xFFFFFFFF;
	p2 =	slt.u32 s8, $0xFFFFF086  }
0x1c: {  	p1 =	slt.u32 s9, $0xF7A;
	s5 =	simm.s32 @!p2 $0x0  }
0x1d: {  	s5 =	simm.s32 @p1 $0x1;
	p0 =	seq.s32 s7, s2  }
0x1e: {  	s7 =	smul.u32 @!p0 $0xF7A, s2;
	p2 =	seq.s32 @!p0 s5, $0x0  }
0x1f: {  	s9 =	smul.u32 $0xF7A, s1;
	s8 =	simm.s32 @!p0 $0x1BF5;
	p2 =	por !p2, p0  }
0x20: {  	[sflag:s8] =	ssyncset.s32 @!p0 $0xFFFFF086;
	s6 =	sadd.s32 @!p0 s3, s7;
	s7 =	simm.s32 @!p0 $0x108  }
0x21: {  	s3 =	sadd.s32 s3, s9;
	s6 =	sadd.s32 @!p0 $0x88, s6;
	s7 =	simm.s32 @p2 $0x1082  }
0x22: {  	[simem:s7], [sflag:s8] =	dma.local @!p0 [hbm:s6], $0xF7A  }
0x23: {  	s9 =	sor.u32 $0xD0000000, s2;
	s6 =	simm.s32 $0x108;
	_ =	swait.ge @!p0 [sflag:s8], $0x0  }
0x24: {  	s3 =	sadd.s32 $0x88, s3;
	s6 =	simm.s32 @!p1 $0x1082;
	[sflag:s4] =	ssyncset.s32 $0xFFFFF086  }
0x25: {  	[simem:s6], [sflag:s4] =	dma.local [hbm:s3], $0xF7A  }
0x26: {  	[smem:$0x3F9C] =	sst s1;
	(tag) =	ssettag s2;
	_ =	strace s9  }
0x27: {  	s1 =	sld [smem:$0x3FAC]  }
0x28: {  	s2 =	sld [smem:$0x3FAD]  }
0x29: {  	s4 =	sld [smem:$0x3FAF]  }
0x2a: {  	p0 =	seq.s32 s5, $0x0;
	s5 =	sld [smem:$0x3FB0]  }
0x2b: {  	s6 =	sld [smem:$0x3FB1]  }
0x2c: {  	s7 =	sld [smem:$0x3FB2]  }
0x2d: {  	s3 =	simm.s32 $0x108;
	s8 =	sld [smem:$0x3FB3]  }
0x2e: {  	s3 =	simm.s32 @!p0 $0x1082;
	s9 =	sld [smem:$0x3FB4]  }
0x2f: {  	lr =	sadd.s32 s0, s3;
	s0 =	sld [smem:$0x3FAB]  }
0x30: {  	s3 =	sld [smem:$0x3FAE]  }
0x31: {  	[smem:$0x3FB7] =	sst s10  }
0x32: {  	s10 =	sld [smem:$0x3FB5];
	_ =	sdelay $0x3  }
0x33: {  	p0 =	seq.s32 s10, $0x1;
	s10 =	sld [smem:$0x3FB7];
	_ =	sdelay $0x3  }
0x34: {  	[smem:$0x3FB7] =	sst s10  }
0x35: {  	s10 =	sld [smem:$0x3FB6];
	_ =	sdelay $0x3  }
0x36: {  	p1 =	seq.s32 s10, $0x1;
	s10 =	sld [smem:$0x3FB7];
	_ =	sdelay $0x3  }
0x37: {  	[smem:$0x3FB7] =	sst s10  }
0x38: {  	s10 =	sld [smem:$0x3FB8]  }
0x39: {  	_ = 	snop;
	(pc) =	sbr.ind lr, $3  }
0x3a: {  	_ = 	snop  }
0x3b: {  	_ = 	snop  }
0x3c: {  	p2 =	seq.s32 s10, $0x1;
	s10 =	sld [smem:$0x3FB7]  }
0x3d: {  	_ =	shalt  }
0x3e: {  	_ =	shalt  }
0x3f: {  	_ =	shalt  }
0x40: {  	_ =	shalt  }
0x41: {  	_ =	shalt  }
0x42: {  	_ =	shalt  }
0x43: {  	_ =	shalt  }
0x44: {  	_ =	shalt  }
0x45: {  	_ =	shalt  }
0x46: {  	_ =	shalt  }
0x47: {  	_ =	shalt  }
0x48: {  	_ =	shalt  }
0x49: {  	_ =	shalt  }
0x4a: {  	_ =	shalt  }
0x4b: {  	_ =	shalt  }
0x4c: {  	_ =	shalt  }
0x4d: {  	_ =	shalt  }
0x4e: {  	_ =	shalt  }
0x4f: {  	_ =	shalt  }
0x50: {  	_ =	shalt  }
0x51: {  	_ =	shalt  }
0x52: {  	_ =	shalt  }
0x53: {  	_ =	shalt  }
0x54: {  	_ =	shalt  }
0x55: {  	_ =	shalt  }
0x56: {  	_ =	shalt  }
0x57: {  	_ =	shalt  }
0x58: {  	_ =	shalt  }
0x59: {  	_ =	shalt  }
0x5a: {  	_ =	shalt  }
0x5b: {  	_ =	shalt  }
0x5c: {  	_ =	shalt  }
0x5d: {  	_ =	shalt  }
0x5e: {  	_ =	shalt  }
0x5f: {  	_ =	shalt  }
0x60: {  	_ =	shalt  }
0x61: {  	_ =	shalt  }
0x62: {  	_ =	shalt  }
0x63: {  	_ =	shalt  }
0x64: {  	_ =	shalt  }
0x65: {  	_ =	shalt  }
0x66: {  	_ =	shalt  }
0x67: {  	_ =	shalt  }
0x68: {  	_ =	shalt  }
0x69: {  	_ =	shalt  }
0x6a: {  	_ =	shalt  }
0x6b: {  	_ =	shalt  }
0x6c: {  	_ =	shalt  }
0x6d: {  	_ =	shalt  }
0x6e: {  	_ =	shalt  }
0x6f: {  	_ =	shalt  }
0x70: {  	_ =	shalt  }
0x71: {  	_ =	shalt  }
0x72: {  	_ =	shalt  }
0x73: {  	_ =	shalt  }
0x74: {  	_ =	shalt  }
0x75: {  	_ =	shalt  }
0x76: {  	_ =	shalt  }
0x77: {  	_ =	shalt  }
0x78: {  	_ =	shalt  }
0x79: {  	_ =	shalt  }
0x7a: {  	_ =	shalt  }
0x7b: {  	_ =	shalt  }
0x7c: {  	_ =	shalt  }
0x7d: {  	_ =	shalt  }
0x7e: {  	_ =	shalt  }
0x7f: {  	_ =	shalt  }
0x80: {  	_ =	shalt  }
0x81: {  	_ =	shalt  }
0x82: {  	_ =	shalt  }
0x83: {  	_ =	shalt  }
0x84: {  	_ =	shalt  }
0x85: {  	_ =	shalt  }
0x86: {  	_ =	shalt  }
0x87: {  	_ =	shalt  }
.Lfunc_end0:
.L_simem_size_0:
called_computation.8_lowered:
.L_overlay_start_0:
0x88: {  	s2 =	sld [smem:$0x3FD9]  }
0x89: {  	s3 =	sld [smem:$0x3FFE];
	_ =	sdelay $0x1  }
0x8a: {  	s1 =	srdreg.scid  }
0x8b: {  	s0 =	sand.u32 $0x1, s1  }
0x8c: {  	s17 =	sshll.u32 s0, $0xA;
	s2 =	sadd.s32 s3, s2  }
0x8d: {  	s2 =	sadd.s32 s2, s17  }
0x8e: {  	[smem:$0x3FC3] =	sst s2  }
0x8f: {  	_ = 	snop  }
0x90: {  	s2 =	sld [smem:$0x3FD0];
	(tm) =	ssettm $0x1  }
0x91: {  	s18 =	sld [smem:$0x3FFB];
	_ =	sdelay $0x3  }
0x92: {  	_ =	strace s18  }
0x93: {  	s3 =	sld [smem:$0x3FFC];
	_ =	sdelay $0x3  }
0x94: {  	_ =	strace s3  }
0x95: {  	s3 =	sld [smem:$0x3FFD];
	_ =	sdelay $0x3  }
0x96: {  	_ =	strace s3  }
0x97: {  	_ =	strace $0x8FFFFFFF  }
0x98: {  	s19 =	sld [smem:$0x3FDB];
	_ =	sdelay $0x1  }
0x99: {  	s4 =	simm.s32 $_scs_section_size  }
0x9a: {  	s5 =	simm.s32 $_size__tile_overlayer_lowered;
	s6 =	simm.s32 $_tile_overlayer_lowered  }
0x9b: {  	s22 =	simm.s32 $0x1BFF;
	s21 =	sshll.u32 s6, $0x1;
	s3 =	sadd.s32 s4, s19  }
0x9c: {  	s7 =	simm.s32 $0x0;
	s20 =	sshll.u32 s5, $0x1;
	s5 =	sadd.s32 s21, s3  }
0x9d: {  	[timem:s7], [sflag:s22] =	dma.local [hbm:s5], s20  }
0x9e: {  	_ =	swait.ge [sflag:s22], s20  }
0x9f: {  	s4 =	ssub.s32 $0x0, s20;
	[sflag:s22] =	ssyncset.done $0x0  }
0xa0: {  	[sflag:s22] =	ssyncadd.s32 s4;
	_ =	sdelay $0x1  }
0xa1: {  	s23 =	simm.s32 $0x1B8B  }
0xa2: {  	_ =	swait.ge [sflag:s23], $0x1  }
0xa3: {  	[sflag:s23] =	ssyncset.done $0x0  }
0xa4: {  	s25 =	simm.s32 $0x1B8E;
	s24 =	sld [smem:$0x3FFE];
	[sflag:s23] =	ssyncadd.s32 $0xFFFFFFFF  }
0xa5: {  	s26 =	simm.s32 $execute0_lowered;
	[smem:$0x3FD2] =	sst s25  }
0xa6: {  	s5 =	sshll.u32 s26, $0x1;
	_ =	strace $0x8000005E;
	[dreg:$0x1] =	wrdreg $0xFFFFFFFF  }
0xa7: {  	s28 =	simm.s32 $_size_execute0_lowered;
	s3 =	sadd.s32 s3, s5;
	[dreg:$0x0] =	wrdreg $0x0  }
0xa8: {  	s5 =	sshll.u32 s28, $0x1;
	[dreg:$0x2] =	wrdreg s3  }
0xa9: {  	[dreg:$0x3] =	wrdreg s5  }
0xaa: {  	[dreg:$0x4] =	wrdreg $0xC0  }
0xab: {  	_ =	task [dreg:s7], $0x5FFFF  }
0xac: {  	[dreg:$0x1] =	wrdreg $0xFFFFFFFF  }
0xad: {  	[dreg:$0x0] =	wrdreg $0x60  }
0xae: {  	[dreg:$0x2] =	wrdreg s24  }
0xaf: {  	[dreg:$0x3] =	wrdreg s2  }
0xb0: {  	[dreg:$0x4] =	wrdreg $0xB0000  }
0xb1: {  	[dreg:$0x5] =	wrdreg $0x9  }
0xb2: {  	_ =	task.clear_ibuf [dreg:s7], $0x6FFFF;
	_ =	strace $0x9000005E  }
0xb3: {  	s29 =	simm.s32 $0x9;
	_ =	strace $0x80000060  }
0xb4: {  	_ =	swait.ge [sflag:s29], $0x1  }
0xb5: {  	[sflag:s29] =	ssyncadd.s32 $0xFFFFFFFF  }
0xb6: {  	_ =	strace $0x90000060  }
0xb7: {  	_ =	sfence  }
0xb8: {  	s30 =	sld [smem:$0x0];
	_ =	sdelay $0x2  }
0xb9: {  	s31 =	sshll.u32 s1, $0xD;
	s1 =	sshrl.u32 s1, $0x2  }
0xba: {  	s3 =	sand.u32 $0x4000, s31;
	s1 =	sadd.s32 s1, s30  }
0xbb: {  	s0 =	sor.u32 s3, s0;
	s1 =	sshll.u32 s1, $0x11  }
0xbc: {  	s0 =	sor.u32 s1, s0  }
0xbd: {  	s0 =	sadd.s32 $0x8F2B, s0  }
0xbe: {  	[sflag:s0] =	ssyncadd.remote.s32 $0x1  }
0xbf: {  	_ =	sfence.sel $0xFFFF  }
0xc0: {  	[dreg:$0x0] =	wrdreg $0xFFFFFFFF;
	(pc) =	sbr.abs _section_cstart, $3  }
0xc1: {  	[dreg:$0x1] =	wrdreg $0xFFFFFFFF  }
0xc2: {  	_ =	task.clear_ibuf [dreg:s7], $0x2FFFF;
	_ =	strace $0x9FFFFFFF  }
0xc3: {  	(tm) =	ssettm $0x7FFFFFFF  }
tec
execute0_lowered:
.L_overlay_start_1:
0x0: {  	(tag) =	ssettag $0x1  }
0x1: {  	s5 =	rddreg [dreg:$0x0]  }
0x2: {  	s6 =	rddreg [dreg:$0x1]  }
0x3: {  	s2 =	rddreg [dreg:$0x2]  }
0x4: {  	s0 =	srdreg.scid;
	s1 =	rddreg [dreg:$0x3]  }
0x5: {  	s3 =	simm.s32 $0x0;
	s19 =	simm.s32 $0x2;
	s7 =	sand.u32 $0x1, s0  }
0x6: {  	s20 =	simm.s32 $0x2800;
	s0 =	stileid.u32;
	s4 =	smul.u32 $0x28000, s7  }
0x7: {  	s21 =	simm.s32 $0x9000;
	s22 =	simm.s32 $0x80;
	s8 =	smul.u32 $0x2800, s0  }
0x8: {  	s23 =	simm.s32 $0x5000;
	s24 =	simm.s32 $0x1;
	s9 =	smul.u32 $0x140000, s7  }
0x9: {  	s25 =	simm.s32 $0x0;
	[smem:$0x7FF] =	sst s3;
	s10 =	smul.u32 $0x14000, s0  }
0xa: {  	_ =	strace $0x8000005F;
	s7 =	ssub.s32 $0x2, s7;
	s30 =	smul.u32 $0x50000, s0  }
0xb: {  	s12 =	sshrl.u32 s7, $0x1;
	s8 =	sadd.s32 s8, s4;
	s4 =	sadd.s32 $0x11E00, s5  }
0xc: {  	s9 =	sadd.s32 s10, s9;
	s12 =	ssub.s32 s7, s12;
	s31 =	sshrl.u32 s30, $0x2  }
0xd: {  	s8 =	sshrl.u32 s8, $0x3;
	s9 =	sshrl.u32 s9, $0x3;
	s7 =	sadd.s32 s31, s2  }
0xe: {  	s11 =	sadd.s32 s8, s5;
	s9 =	sadd.s32 s9, s5;
	s5 =	sadd.s32 s6, s8  }
0xf: {  	s10 =	sadd.s32 $0x2000, s7;
	s13 =	sadd.s32 $0x8000, s7;
	s14 =	sadd.s32 $0xA000, s7  }
0x10: {  	s15 =	sadd.s32 $0xC000, s7;
	s16 =	sadd.s32 $0xE000, s7;
	s17 =	sadd.s32 $0x10000, s7  }
0x11: {  	s18 =	sadd.s32 $0x12000, s7;
	s6 =	sadd.s32 $0x7E00, s11;
	s8 =	sadd.s32 $0x8A600, s9  }
0x12: {  	v0 =	vimm.f32 $0.0e+00;
	s9 =	smax.u32 s12, $0x1;
	s11 =	sadd.s32 $0x4000, s7;
	s12 =	sadd.s32 $0x6000, s7  }
.LBB2_1:
0x13: {  	[tilespmem:s3], [sflag:$0x2] =	stream.linear.gather [hbm4b:s5+s3], $0x2780, $0x38;
	[tilespmem:$0x1F000] =	vst v63  }
0x14: {  	_ =	swait.ge [sflag:s19], $0x2780  }
0x15: {  	[sflag:s19] =	ssyncset.done $0x0  }
0x16: {  	[sflag:s19] =	ssyncadd.s32 $0xFFFFD880  }
0x17: {  	[tilespmem:s20], [sflag:$0x2] =	stream.linear.gather [hbm4b:s6+s3], $0x2780, $0x38;
	[tilespmem:$0x1F000] =	vst v63  }
0x18: {  	_ =	swait.ge [sflag:s19], $0x2780  }
0x19: {  	[sflag:s19] =	ssyncset.done $0x0  }
0x1a: {  	s26 =	simm.s32 $0x0;
	s28 =	simm.s32 $0x200;
	[sflag:s19] =	ssyncadd.s32 $0xFFFFD880  }
.LBB2_2:
0x1b: {  	p0 =	sne.s32 s28, $0x7E00;
	[tilespmem:s26+$0x9070] =	vst v0  }
0x1c: {  	[tilespmem:s26+$0x9000] =	vst v0  }
0x1d: {  	[tilespmem:s26+$0x9010] =	vst v0  }
.Ltmp0:
0x1e: {  	[tilespmem:s26+$0x9020] =	vst v0;
	(pc) =	sbr.rel @p0 .LBB2_2-.Ltmp0, $4  }
0x1f: {  	[tilespmem:s26+$0x9030] =	vst v0  }
0x20: {  	[tilespmem:s26+$0x9040] =	vst v0  }
0x21: {  	[tilespmem:s26+$0x9050] =	vst v0  }
0x22: {  	[tilespmem:s26+$0x9060] =	vst v0;
	s26 =	sshra.s32 s28, $0x2;
	s28 =	sadd.s32 $0x200, s28  }
0x23: {  	[tilespmem:s26+$0x9070] =	vst v0  }
0x24: {  	[tilespmem:s26+$0x9000] =	vst v0  }
0x25: {  	[tilespmem:s26+$0x9010] =	vst v0  }
0x26: {  	[tilespmem:s26+$0x9020] =	vst v0  }
0x27: {  	[tilespmem:s26+$0x9030] =	vst v0  }
0x28: {  	[tilespmem:s26+$0x9040] =	vst v0  }
0x29: {  	[tilespmem:s26+$0x9050] =	vst v0  }
0x2a: {  	[tilespmem:s26+$0x9060] =	vst v0  }
0x2b: {  	[spmem:s7] =	stream.linear.scatter [tilespmem:s21], [sflag:$0x2], $0x2000, $0x38;
	[tilespmem:$0x1F000] =	vst v63  }
0x2c: {  	_ =	swait.ge [sflag:s19], $0x2000  }
0x2d: {  	[sflag:s19] =	ssyncset.done $0x0  }
0x2e: {  	[sflag:s19] =	ssyncadd.s32 $0xFFFFE000  }
0x2f: {  	[spmem:s10] =	stream.linear.scatter [tilespmem:s21], [sflag:$0x2], $0x2000, $0x38;
	[tilespmem:$0x1F000] =	vst v63  }
0x30: {  	_ =	swait.ge [sflag:s19], $0x2000  }
0x31: {  	[sflag:s19] =	ssyncset.done $0x0  }
0x32: {  	[sflag:s19] =	ssyncadd.s32 $0xFFFFE000  }
0x33: {  	[spmem:s11] =	stream.linear.scatter [tilespmem:s21], [sflag:$0x2], $0x2000, $0x38;
	[tilespmem:$0x1F000] =	vst v63  }
0x34: {  	_ =	swait.ge [sflag:s19], $0x2000  }
0x35: {  	[sflag:s19] =	ssyncset.done $0x0  }
0x36: {  	[sflag:s19] =	ssyncadd.s32 $0xFFFFE000  }
0x37: {  	[spmem:s12] =	stream.linear.scatter [tilespmem:s21], [sflag:$0x2], $0x2000, $0x38;
	[tilespmem:$0x1F000] =	vst v63  }
0x38: {  	_ =	swait.ge [sflag:s19], $0x2000  }
0x39: {  	[sflag:s19] =	ssyncset.done $0x0  }
0x3a: {  	[sflag:s19] =	ssyncadd.s32 $0xFFFFE000  }
0x3b: {  	[spmem:s13] =	stream.linear.scatter [tilespmem:s21], [sflag:$0x2], $0x2000, $0x38;
	[tilespmem:$0x1F000] =	vst v63  }
0x3c: {  	_ =	swait.ge [sflag:s19], $0x2000  }
0x3d: {  	[sflag:s19] =	ssyncset.done $0x0  }
0x3e: {  	[sflag:s19] =	ssyncadd.s32 $0xFFFFE000  }
0x3f: {  	[spmem:s14] =	stream.linear.scatter [tilespmem:s21], [sflag:$0x2], $0x2000, $0x38;
	[tilespmem:$0x1F000] =	vst v63  }
0x40: {  	_ =	swait.ge [sflag:s19], $0x2000  }
0x41: {  	[sflag:s19] =	ssyncset.done $0x0  }
0x42: {  	[sflag:s19] =	ssyncadd.s32 $0xFFFFE000  }
0x43: {  	[spmem:s15] =	stream.linear.scatter [tilespmem:s21], [sflag:$0x2], $0x2000, $0x38;
	[tilespmem:$0x1F000] =	vst v63  }
0x44: {  	_ =	swait.ge [sflag:s19], $0x2000  }
0x45: {  	[sflag:s19] =	ssyncset.done $0x0  }
0x46: {  	[sflag:s19] =	ssyncadd.s32 $0xFFFFE000  }
0x47: {  	[spmem:s16] =	stream.linear.scatter [tilespmem:s21], [sflag:$0x2], $0x2000, $0x38;
	[tilespmem:$0x1F000] =	vst v63  }
0x48: {  	_ =	swait.ge [sflag:s19], $0x2000  }
0x49: {  	[sflag:s19] =	ssyncset.done $0x0  }
0x4a: {  	[sflag:s19] =	ssyncadd.s32 $0xFFFFE000  }
0x4b: {  	[spmem:s17] =	stream.linear.scatter [tilespmem:s21], [sflag:$0x2], $0x2000, $0x38;
	[tilespmem:$0x1F000] =	vst v63  }
0x4c: {  	_ =	swait.ge [sflag:s19], $0x2000  }
0x4d: {  	[sflag:s19] =	ssyncset.done $0x0  }
0x4e: {  	[sflag:s19] =	ssyncadd.s32 $0xFFFFE000  }
0x4f: {  	[spmem:s18] =	stream.linear.scatter [tilespmem:s21], [sflag:$0x2], $0x2000, $0x38;
	[tilespmem:$0x1F000] =	vst v63  }
0x50: {  	_ =	swait.ge [sflag:s19], $0x2000  }
0x51: {  	[sflag:s19] =	ssyncset.done $0x0  }
0x52: {  	[sflag:s19] =	ssyncadd.s32 $0xFFFFE000  }
0x53: {  	s30 =	simm.s32 $0x0;
	[bflag:$0x0] =	sbarrier.arrive $0xFFFF  }
0x54: {  	[tilespmem:s23], [sflag:$0x1] =	stream.indirect.gather [hbm4b:s4+s22], $0x80, s30, s22, $0xb8;
	[tilespmem:$0x1F000] =	vst v63  }
0x55: {  	_ =	swait.ge [sflag:s24], $0x4000  }
0x56: {  	[sflag:s24] =	ssyncset.done $0x0  }
0x57: {  	s31 =	simm.s32 $0x2800;
	[sflag:s24] =	ssyncadd.s32 $0xFFFFC000  }
0x58: {  	[spmem:s2] =	stream.indirect.scatter.add.f32 [tilespmem:s23], [sflag:$0x2], $0x80, s31, s22, $0xb8;
	[tilespmem:$0x1F000] =	vst v63  }
0x59: {  	_ =	swait.ge [sflag:s19], $0x4000  }
0x5a: {  	s26 =	simm.s32 $0x200;
	s28 =	simm.s32 $0x400;
	[sflag:s19] =	ssyncset.done $0x0  }
.LBB2_4:
0x5b: {  	s29 =	sshra.s32 s26, $0x2  }
0x5c: {  	[sflag:s19] =	ssyncadd.s32 $0xFFFFC000;
	s26 =	smov.u32 s28;
	s30 =	sadd.s32 $0x200, s28  }
0x5d: {  	[tilespmem:s23], [sflag:$0x1] =	stream.indirect.gather [hbm4b:s4+s22], $0x80, s29, s22, $0xb8;
	[tilespmem:$0x1F000] =	vst v63  }
0x5e: {  	p0 =	sne.s32 s28, $0x9C00;
	_ =	swait.ge [sflag:s24], $0x4000  }
.Ltmp1:
0x5f: {  	[sflag:s24] =	ssyncset.done $0x0;
	(pc) =	sbr.rel @p0 .LBB2_4-.Ltmp1, $4  }
0x60: {  	s28 =	sadd.s32 $0x2800, s29;
	[sflag:s24] =	ssyncadd.s32 $0xFFFFC000  }
0x61: {  	[spmem:s2] =	stream.indirect.scatter.add.f32 [tilespmem:s23], [sflag:$0x2], $0x80, s28, s22, $0xb8;
	[tilespmem:$0x1F000] =	vst v63  }
0x62: {  	_ =	swait.ge [sflag:s19], $0x4000  }
0x63: {  	s28 =	smov.u32 s30;
	[sflag:s19] =	ssyncset.done $0x0  }
0x64: {  	s26 =	sshra.s32 s26, $0x2;
	[sflag:s19] =	ssyncadd.s32 $0xFFFFC000  }
0x65: {  	[tilespmem:s23], [sflag:$0x1] =	stream.indirect.gather [hbm4b:s4+s22], $0x80, s26, s22, $0xb8;
	[tilespmem:$0x1F000] =	vst v63  }
0x66: {  	_ =	swait.ge [sflag:s24], $0x4000  }
0x67: {  	[sflag:s24] =	ssyncset.done $0x0  }
0x68: {  	s26 =	sadd.s32 $0x2800, s26;
	[sflag:s24] =	ssyncadd.s32 $0xFFFFC000  }
0x69: {  	[spmem:s2] =	stream.indirect.scatter.add.f32 [tilespmem:s23], [sflag:$0x2], $0x80, s26, s22, $0xb8;
	[tilespmem:$0x1F000] =	vst v63  }
0x6a: {  	_ =	swait.ge [sflag:s19], $0x4000  }
0x6b: {  	s31 =	sshll.u32 s0, $0x6;
	s25 =	sadd.s32 $0x1, s25;
	[sflag:s19] =	ssyncset.done $0x0  }
0x6c: {  	s28 =	sshrl.u32 s7, $0x3;
	p0 =	sne.s32 s25, s9;
	[sflag:s19] =	ssyncadd.s32 $0xFFFFC000  }
.Ltmp2:
0x6d: {  	s26 =	sor.u32 $0x1C02, s31;
	[bflag:$0x0] =	sbarrier.arrive $0xFFFF;
	(pc) =	sbr.rel @p0 .LBB2_1-.Ltmp2, $4  }
0x6e: {  	[hbm:s8], [sflag:s26] =	dma.local [spmem:s28], $0x2800  }
0x6f: {  	_ =	swait.ge [sflag:s19], $0x2800  }
0x70: {  	[sflag:s19] =	ssyncset.done $0x0  }
0x71: {  	[sflag:s19] =	ssyncadd.s32 $0xFFFFD800  }
0x72: {  	_ =	sfence.sel $0x180000  }
0x73: {  	[bflag:$0x0] =	sbarrier.arrive $0xFFFF  }
0x74: {  	p0 =	sne.s32 s0, $0x0;
	_ =	strace $0x9000005F  }
0x75: {  	s0 =	sadd.s32 @!p0 $0x100000, s1;
	[bflag:$0x2] =	sbarrier.arrive $0xFFFF  }
0x76: {  	[sflag:s0] =	ssyncadd.tile.s32 @!p0 $0x1;
	_ =	shalt  }
.Lfunc_end2:
_tile_overlayer_lowered:
.L_overlay_start_2:
0x77: {  	(tag) =	ssettag $0x2  }
0x78: {  	s0 =	rddreg [dreg:$0x0];
	s2 =	stileid.u32  }
0x79: {  	s1 =	rddreg [dreg:$0x1];
	p0 =	sne.s32 s2, $0x0  }
0x7a: {  	s3 =	rddreg [dreg:$0x2];
	[bflag:$0x3] =	sbarrier.arrive $0xFFFF;
	s2 =	simm.s32 @!p0 $0x1C02  }
0x7b: {  	[timem:s3], [sflag:s2] =	dma.local @!p0 [hbm:s0], s1  }
0x7c: {  	s0 =	simm.s32 @!p0 $0x2  }
0x7d: {  	_ =	swait.ge @!p0 [sflag:s0], s1  }
0x7e: {  	s1 =	ssub.s32 @!p0 $0x0, s1;
	[sflag:s0] =	ssyncset.done @!p0 $0x0  }
0x7f: {  	[sflag:s0] =	ssyncadd.s32 @!p0 s1  }
0x80: {  	[bflag:$0x3] =	sbarrier.arrive $0xFFFF  }
0x81: {  	_ =	shalt  }

// kernel: kernel.50.cloned.1.call-start
scs
__scs_entry_jumppad:
0x0: {  	(pc) =	sbr.rel $0x88, $3  }
0x1: {  	(tag) =	ssettag $0x0;
	lr =	simm.s32 $0x1  }
0x2: {  	[smem:$0x3F9C] =	sst lr;
	_ =	strace $0xD0000000  }
0x3: {  	_ = 	snop  }
0x4: {  	_ = 	snop  }
0x5: {  	_ = 	snop  }
0x6: {  	_ = 	snop  }
0x7: {  	_ = 	snop  }
__scs_overlays_trampoline_lowered:
0x8: {  	[smem:$0x3FAB] =	sst s0  }
0x9: {  	[smem:$0x3FAC] =	sst s1  }
0xa: {  	[smem:$0x3FAD] =	sst s2  }
0xb: {  	[smem:$0x3FAE] =	sst s3  }
0xc: {  	[smem:$0x3FAF] =	sst s4  }
0xd: {  	[smem:$0x3FB0] =	sst s5  }
0xe: {  	[smem:$0x3FB1] =	sst s6  }
0xf: {  	[smem:$0x3FB2] =	sst s7  }
0x10: {  	[smem:$0x3FB3] =	sst s8  }
0x11: {  	[smem:$0x3FB4] =	sst s9;
	s0 =	simm.s32 @!p0 $0x0  }
0x12: {  	s1 =	sld [smem:$0x3F9A];
	s0 =	simm.s32 @p0 $0x1  }
0x13: {  	[smem:$0x3FB5] =	sst s0;
	s0 =	simm.s32 @!p1 $0x0  }
0x14: {  	s2 =	sld [smem:$0x3F99];
	s0 =	simm.s32 @p1 $0x1  }
0x15: {  	[smem:$0x3FB6] =	sst s0;
	s0 =	simm.s32 @!p2 $0x0  }
0x16: {  	s3 =	sld [smem:$0x3FDB];
	s0 =	simm.s32 @p2 $0x1  }
0x17: {  	s4 =	simm.s32 $0x1BF5;
	[smem:$0x3FB8] =	sst s0  }
0x18: {  	s0 =	sld [smem:$0x3F9B];
	_ =	swait.ge [sflag:s4], $0x0  }
0x19: {  	s7 =	sld [smem:$0x3F9C]  }
0x1a: {  	s8 =	sadd.s32 $0xFFFFE003, lr  }
0x1b: {  	s9 =	sadd.s32 $0xFFFFFEF7, lr;
	s5 =	simm.s32 $0xFFFFFFFF;
	p2 =	slt.u32 s8, $0xFFFFF086  }
0x1c: {  	p1 =	slt.u32 s9, $0xF7A;
	s5 =	simm.s32 @!p2 $0x0  }
0x1d: {  	s5 =	simm.s32 @p1 $0x1;
	p0 =	seq.s32 s7, s2  }
0x1e: {  	s7 =	smul.u32 @!p0 $0xF7A, s2;
	p2 =	seq.s32 @!p0 s5, $0x0  }
0x1f: {  	s9 =	smul.u32 $0xF7A, s1;
	s8 =	simm.s32 @!p0 $0x1BF5;
	p2 =	por !p2, p0  }
0x20: {  	[sflag:s8] =	ssyncset.s32 @!p0 $0xFFFFF086;
	s6 =	sadd.s32 @!p0 s3, s7;
	s7 =	simm.s32 @!p0 $0x108  }
0x21: {  	s3 =	sadd.s32 s3, s9;
	s6 =	sadd.s32 @!p0 $0x88, s6;
	s7 =	simm.s32 @p2 $0x1082  }
0x22: {  	[simem:s7], [sflag:s8] =	dma.local @!p0 [hbm:s6], $0xF7A  }
0x23: {  	s9 =	sor.u32 $0xD0000000, s2;
	s6 =	simm.s32 $0x108;
	_ =	swait.ge @!p0 [sflag:s8], $0x0  }
0x24: {  	s3 =	sadd.s32 $0x88, s3;
	s6 =	simm.s32 @!p1 $0x1082;
	[sflag:s4] =	ssyncset.s32 $0xFFFFF086  }
0x25: {  	[simem:s6], [sflag:s4] =	dma.local [hbm:s3], $0xF7A  }
0x26: {  	[smem:$0x3F9C] =	sst s1;
	(tag) =	ssettag s2;
	_ =	strace s9  }
0x27: {  	s1 =	sld [smem:$0x3FAC]  }
0x28: {  	s2 =	sld [smem:$0x3FAD]  }
0x29: {  	s4 =	sld [smem:$0x3FAF]  }
0x2a: {  	p0 =	seq.s32 s5, $0x0;
	s5 =	sld [smem:$0x3FB0]  }
0x2b: {  	s6 =	sld [smem:$0x3FB1]  }
0x2c: {  	s7 =	sld [smem:$0x3FB2]  }
0x2d: {  	s3 =	simm.s32 $0x108;
	s8 =	sld [smem:$0x3FB3]  }
0x2e: {  	s3 =	simm.s32 @!p0 $0x1082;
	s9 =	sld [smem:$0x3FB4]  }
0x2f: {  	lr =	sadd.s32 s0, s3;
	s0 =	sld [smem:$0x3FAB]  }
0x30: {  	s3 =	sld [smem:$0x3FAE]  }
0x31: {  	[smem:$0x3FB7] =	sst s10  }
0x32: {  	s10 =	sld [smem:$0x3FB5];
	_ =	sdelay $0x3  }
0x33: {  	p0 =	seq.s32 s10, $0x1;
	s10 =	sld [smem:$0x3FB7];
	_ =	sdelay $0x3  }
0x34: {  	[smem:$0x3FB7] =	sst s10  }
0x35: {  	s10 =	sld [smem:$0x3FB6];
	_ =	sdelay $0x3  }
0x36: {  	p1 =	seq.s32 s10, $0x1;
	s10 =	sld [smem:$0x3FB7];
	_ =	sdelay $0x3  }
0x37: {  	[smem:$0x3FB7] =	sst s10  }
0x38: {  	s10 =	sld [smem:$0x3FB8]  }
0x39: {  	_ = 	snop;
	(pc) =	sbr.ind lr, $3  }
0x3a: {  	_ = 	snop  }
0x3b: {  	_ = 	snop  }
0x3c: {  	p2 =	seq.s32 s10, $0x1;
	s10 =	sld [smem:$0x3FB7]  }
0x3d: {  	_ =	shalt  }
0x3e: {  	_ =	shalt  }
0x3f: {  	_ =	shalt  }
0x40: {  	_ =	shalt  }
0x41: {  	_ =	shalt  }
0x42: {  	_ =	shalt  }
0x43: {  	_ =	shalt  }
0x44: {  	_ =	shalt  }
0x45: {  	_ =	shalt  }
0x46: {  	_ =	shalt  }
0x47: {  	_ =	shalt  }
0x48: {  	_ =	shalt  }
0x49: {  	_ =	shalt  }
0x4a: {  	_ =	shalt  }
0x4b: {  	_ =	shalt  }
0x4c: {  	_ =	shalt  }
0x4d: {  	_ =	shalt  }
0x4e: {  	_ =	shalt  }
0x4f: {  	_ =	shalt  }
0x50: {  	_ =	shalt  }
0x51: {  	_ =	shalt  }
0x52: {  	_ =	shalt  }
0x53: {  	_ =	shalt  }
0x54: {  	_ =	shalt  }
0x55: {  	_ =	shalt  }
0x56: {  	_ =	shalt  }
0x57: {  	_ =	shalt  }
0x58: {  	_ =	shalt  }
0x59: {  	_ =	shalt  }
0x5a: {  	_ =	shalt  }
0x5b: {  	_ =	shalt  }
0x5c: {  	_ =	shalt  }
0x5d: {  	_ =	shalt  }
0x5e: {  	_ =	shalt  }
0x5f: {  	_ =	shalt  }
0x60: {  	_ =	shalt  }
0x61: {  	_ =	shalt  }
0x62: {  	_ =	shalt  }
0x63: {  	_ =	shalt  }
0x64: {  	_ =	shalt  }
0x65: {  	_ =	shalt  }
0x66: {  	_ =	shalt  }
0x67: {  	_ =	shalt  }
0x68: {  	_ =	shalt  }
0x69: {  	_ =	shalt  }
0x6a: {  	_ =	shalt  }
0x6b: {  	_ =	shalt  }
0x6c: {  	_ =	shalt  }
0x6d: {  	_ =	shalt  }
0x6e: {  	_ =	shalt  }
0x6f: {  	_ =	shalt  }
0x70: {  	_ =	shalt  }
0x71: {  	_ =	shalt  }
0x72: {  	_ =	shalt  }
0x73: {  	_ =	shalt  }
0x74: {  	_ =	shalt  }
0x75: {  	_ =	shalt  }
0x76: {  	_ =	shalt  }
0x77: {  	_ =	shalt  }
0x78: {  	_ =	shalt  }
0x79: {  	_ =	shalt  }
0x7a: {  	_ =	shalt  }
0x7b: {  	_ =	shalt  }
0x7c: {  	_ =	shalt  }
0x7d: {  	_ =	shalt  }
0x7e: {  	_ =	shalt  }
0x7f: {  	_ =	shalt  }
0x80: {  	_ =	shalt  }
0x81: {  	_ =	shalt  }
0x82: {  	_ =	shalt  }
0x83: {  	_ =	shalt  }
0x84: {  	_ =	shalt  }
0x85: {  	_ =	shalt  }
0x86: {  	_ =	shalt  }
0x87: {  	_ =	shalt  }
.Lfunc_end0:
.L_simem_size_0:
called_computation.9_lowered:
.L_overlay_start_0:
0x88: {  	s2 =	sld [smem:$0x3FD9]  }
0x89: {  	s3 =	sld [smem:$0x3FFE];
	_ =	sdelay $0x1  }
0x8a: {  	s1 =	srdreg.scid  }
0x8b: {  	s0 =	sand.u32 $0x1, s1  }
0x8c: {  	s17 =	sshll.u32 s0, $0xA;
	s2 =	sadd.s32 s3, s2  }
0x8d: {  	s2 =	sadd.s32 s2, s17  }
0x8e: {  	[smem:$0x3FC3] =	sst s2  }
0x8f: {  	_ = 	snop  }
0x90: {  	s2 =	sld [smem:$0x3FD0];
	(tm) =	ssettm $0x1  }
0x91: {  	s18 =	sld [smem:$0x3FFB];
	_ =	sdelay $0x3  }
0x92: {  	_ =	strace s18  }
0x93: {  	s3 =	sld [smem:$0x3FFC];
	_ =	sdelay $0x3  }
0x94: {  	_ =	strace s3  }
0x95: {  	s3 =	sld [smem:$0x3FFD];
	_ =	sdelay $0x3  }
0x96: {  	_ =	strace s3  }
0x97: {  	_ =	strace $0x8FFFFFFF  }
0x98: {  	s19 =	sld [smem:$0x3FDB];
	_ =	sdelay $0x1  }
0x99: {  	s4 =	simm.s32 $_scs_section_size  }
0x9a: {  	s5 =	simm.s32 $_size__tile_overlayer_lowered;
	s6 =	simm.s32 $_tile_overlayer_lowered  }
0x9b: {  	s22 =	simm.s32 $0x1BFF;
	s21 =	sshll.u32 s6, $0x1;
	s3 =	sadd.s32 s4, s19  }
0x9c: {  	s7 =	simm.s32 $0x0;
	s20 =	sshll.u32 s5, $0x1;
	s5 =	sadd.s32 s21, s3  }
0x9d: {  	[timem:s7], [sflag:s22] =	dma.local [hbm:s5], s20  }
0x9e: {  	_ =	swait.ge [sflag:s22], s20  }
0x9f: {  	s4 =	ssub.s32 $0x0, s20;
	[sflag:s22] =	ssyncset.done $0x0  }
0xa0: {  	[sflag:s22] =	ssyncadd.s32 s4;
	_ =	sdelay $0x1  }
0xa1: {  	s23 =	simm.s32 $0x1B8B  }
0xa2: {  	_ =	swait.ge [sflag:s23], $0x1  }
0xa3: {  	[sflag:s23] =	ssyncset.done $0x0  }
0xa4: {  	s25 =	simm.s32 $0x1B8E;
	s24 =	sld [smem:$0x3FFE];
	[sflag:s23] =	ssyncadd.s32 $0xFFFFFFFF  }
0xa5: {  	s26 =	simm.s32 $execute0_lowered;
	[smem:$0x3FD2] =	sst s25  }
0xa6: {  	s5 =	sshll.u32 s26, $0x1;
	_ =	strace $0x80000061;
	[dreg:$0x1] =	wrdreg $0xFFFFFFFF  }
0xa7: {  	s28 =	simm.s32 $_size_execute0_lowered;
	s3 =	sadd.s32 s3, s5;
	[dreg:$0x0] =	wrdreg $0x0  }
0xa8: {  	s5 =	sshll.u32 s28, $0x1;
	[dreg:$0x2] =	wrdreg s3  }
0xa9: {  	[dreg:$0x3] =	wrdreg s5  }
0xaa: {  	[dreg:$0x4] =	wrdreg $0xC0  }
0xab: {  	_ =	task [dreg:s7], $0x5FFFF  }
0xac: {  	[dreg:$0x1] =	wrdreg $0xFFFFFFFF  }
0xad: {  	[dreg:$0x0] =	wrdreg $0x60  }
0xae: {  	[dreg:$0x2] =	wrdreg s24  }
0xaf: {  	[dreg:$0x3] =	wrdreg s2  }
0xb0: {  	[dreg:$0x4] =	wrdreg $0xB0000  }
0xb1: {  	[dreg:$0x5] =	wrdreg $0x9  }
0xb2: {  	_ =	task.clear_ibuf [dreg:s7], $0x6FFFF;
	_ =	strace $0x90000061  }
0xb3: {  	s29 =	simm.s32 $0x9;
	_ =	strace $0x80000063  }
0xb4: {  	_ =	swait.ge [sflag:s29], $0x1  }
0xb5: {  	[sflag:s29] =	ssyncadd.s32 $0xFFFFFFFF  }
0xb6: {  	_ =	strace $0x90000063  }
0xb7: {  	_ =	sfence  }
0xb8: {  	s30 =	sld [smem:$0x0];
	_ =	sdelay $0x2  }
0xb9: {  	s31 =	sshll.u32 s1, $0xD;
	s1 =	sshrl.u32 s1, $0x2  }
0xba: {  	s3 =	sand.u32 $0x4000, s31;
	s1 =	sadd.s32 s1, s30  }
0xbb: {  	s0 =	sor.u32 s3, s0;
	s1 =	sshll.u32 s1, $0x11  }
0xbc: {  	s0 =	sor.u32 s1, s0  }
0xbd: {  	s0 =	sadd.s32 $0x8F2B, s0  }
0xbe: {  	[sflag:s0] =	ssyncadd.remote.s32 $0x1  }
0xbf: {  	_ =	sfence.sel $0xFFFF  }
0xc0: {  	[dreg:$0x0] =	wrdreg $0xFFFFFFFF;
	(pc) =	sbr.abs _section_cstart, $3  }
0xc1: {  	[dreg:$0x1] =	wrdreg $0xFFFFFFFF  }
0xc2: {  	_ =	task.clear_ibuf [dreg:s7], $0x2FFFF;
	_ =	strace $0x9FFFFFFF  }
0xc3: {  	(tm) =	ssettm $0x7FFFFFFF  }
tec
execute0_lowered:
.L_overlay_start_1:
0x0: {  	(tag) =	ssettag $0x1  }
0x1: {  	s5 =	rddreg [dreg:$0x0]  }
0x2: {  	s6 =	rddreg [dreg:$0x1]  }
0x3: {  	s2 =	rddreg [dreg:$0x2]  }
0x4: {  	s0 =	srdreg.scid;
	s1 =	rddreg [dreg:$0x3]  }
0x5: {  	s3 =	simm.s32 $0x0;
	s19 =	simm.s32 $0x2;
	s7 =	sand.u32 $0x1, s0  }
0x6: {  	s20 =	simm.s32 $0x2800;
	s0 =	stileid.u32;
	s4 =	smul.u32 $0x28000, s7  }
0x7: {  	s21 =	simm.s32 $0x9000;
	s22 =	simm.s32 $0x80;
	s8 =	smul.u32 $0x2800, s0  }
0x8: {  	s23 =	simm.s32 $0x5000;
	s24 =	simm.s32 $0x1;
	s9 =	smul.u32 $0x140000, s7  }
0x9: {  	s25 =	simm.s32 $0x0;
	[smem:$0x7FF] =	sst s3;
	s10 =	smul.u32 $0x14000, s0  }
0xa: {  	_ =	strace $0x80000062;
	s7 =	ssub.s32 $0x2, s7;
	s30 =	smul.u32 $0x50000, s0  }
0xb: {  	s12 =	sshrl.u32 s7, $0x1;
	s8 =	sadd.s32 s8, s4;
	s4 =	sadd.s32 $0x11E00, s5  }
0xc: {  	s9 =	sadd.s32 s10, s9;
	s12 =	ssub.s32 s7, s12;
	s31 =	sshrl.u32 s30, $0x2  }
0xd: {  	s8 =	sshrl.u32 s8, $0x3;
	s9 =	sshrl.u32 s9, $0x3;
	s7 =	sadd.s32 s31, s2  }
0xe: {  	s11 =	sadd.s32 s8, s5;
	s9 =	sadd.s32 s9, s5;
	s5 =	sadd.s32 s6, s8  }
0xf: {  	s10 =	sadd.s32 $0x2000, s7;
	s13 =	sadd.s32 $0x8000, s7;
	s14 =	sadd.s32 $0xA000, s7  }
0x10: {  	s15 =	sadd.s32 $0xC000, s7;
	s16 =	sadd.s32 $0xE000, s7;
	s17 =	sadd.s32 $0x10000, s7  }
0x11: {  	s18 =	sadd.s32 $0x12000, s7;
	s6 =	sadd.s32 $0x7E00, s11;
	s8 =	sadd.s32 $0x39E00, s9  }
0x12: {  	v0 =	vimm.f32 $0.0e+00;
	s9 =	smax.u32 s12, $0x1;
	s11 =	sadd.s32 $0x4000, s7;
	s12 =	sadd.s32 $0x6000, s7  }
.LBB2_1:
0x13: {  	[tilespmem:s3], [sflag:$0x2] =	stream.linear.gather [hbm4b:s5+s3], $0x2780, $0x38;
	[tilespmem:$0x1F000] =	vst v63  }
0x14: {  	_ =	swait.ge [sflag:s19], $0x2780  }
0x15: {  	[sflag:s19] =	ssyncset.done $0x0  }
0x16: {  	[sflag:s19] =	ssyncadd.s32 $0xFFFFD880  }
0x17: {  	[tilespmem:s20], [sflag:$0x2] =	stream.linear.gather [hbm4b:s6+s3], $0x2780, $0x38;
	[tilespmem:$0x1F000] =	vst v63  }
0x18: {  	_ =	swait.ge [sflag:s19], $0x2780  }
0x19: {  	[sflag:s19] =	ssyncset.done $0x0  }
0x1a: {  	s26 =	simm.s32 $0x0;
	s28 =	simm.s32 $0x200;
	[sflag:s19] =	ssyncadd.s32 $0xFFFFD880  }
.LBB2_2:
0x1b: {  	p0 =	sne.s32 s28, $0x7E00;
	[tilespmem:s26+$0x9070] =	vst v0  }
0x1c: {  	[tilespmem:s26+$0x9000] =	vst v0  }
0x1d: {  	[tilespmem:s26+$0x9010] =	vst v0  }
.Ltmp0:
0x1e: {  	[tilespmem:s26+$0x9020] =	vst v0;
	(pc) =	sbr.rel @p0 .LBB2_2-.Ltmp0, $4  }
0x1f: {  	[tilespmem:s26+$0x9030] =	vst v0  }
0x20: {  	[tilespmem:s26+$0x9040] =	vst v0  }
0x21: {  	[tilespmem:s26+$0x9050] =	vst v0  }
0x22: {  	[tilespmem:s26+$0x9060] =	vst v0;
	s26 =	sshra.s32 s28, $0x2;
	s28 =	sadd.s32 $0x200, s28  }
0x23: {  	[tilespmem:s26+$0x9070] =	vst v0  }
0x24: {  	[tilespmem:s26+$0x9000] =	vst v0  }
0x25: {  	[tilespmem:s26+$0x9010] =	vst v0  }
0x26: {  	[tilespmem:s26+$0x9020] =	vst v0  }
0x27: {  	[tilespmem:s26+$0x9030] =	vst v0  }
0x28: {  	[tilespmem:s26+$0x9040] =	vst v0  }
0x29: {  	[tilespmem:s26+$0x9050] =	vst v0  }
0x2a: {  	[tilespmem:s26+$0x9060] =	vst v0  }
0x2b: {  	[spmem:s7] =	stream.linear.scatter [tilespmem:s21], [sflag:$0x2], $0x2000, $0x38;
	[tilespmem:$0x1F000] =	vst v63  }
0x2c: {  	_ =	swait.ge [sflag:s19], $0x2000  }
0x2d: {  	[sflag:s19] =	ssyncset.done $0x0  }
0x2e: {  	[sflag:s19] =	ssyncadd.s32 $0xFFFFE000  }
0x2f: {  	[spmem:s10] =	stream.linear.scatter [tilespmem:s21], [sflag:$0x2], $0x2000, $0x38;
	[tilespmem:$0x1F000] =	vst v63  }
0x30: {  	_ =	swait.ge [sflag:s19], $0x2000  }
0x31: {  	[sflag:s19] =	ssyncset.done $0x0  }
0x32: {  	[sflag:s19] =	ssyncadd.s32 $0xFFFFE000  }
0x33: {  	[spmem:s11] =	stream.linear.scatter [tilespmem:s21], [sflag:$0x2], $0x2000, $0x38;
	[tilespmem:$0x1F000] =	vst v63  }
0x34: {  	_ =	swait.ge [sflag:s19], $0x2000  }
0x35: {  	[sflag:s19] =	ssyncset.done $0x0  }
0x36: {  	[sflag:s19] =	ssyncadd.s32 $0xFFFFE000  }
0x37: {  	[spmem:s12] =	stream.linear.scatter [tilespmem:s21], [sflag:$0x2], $0x2000, $0x38;
	[tilespmem:$0x1F000] =	vst v63  }
0x38: {  	_ =	swait.ge [sflag:s19], $0x2000  }
0x39: {  	[sflag:s19] =	ssyncset.done $0x0  }
0x3a: {  	[sflag:s19] =	ssyncadd.s32 $0xFFFFE000  }
0x3b: {  	[spmem:s13] =	stream.linear.scatter [tilespmem:s21], [sflag:$0x2], $0x2000, $0x38;
	[tilespmem:$0x1F000] =	vst v63  }
0x3c: {  	_ =	swait.ge [sflag:s19], $0x2000  }
0x3d: {  	[sflag:s19] =	ssyncset.done $0x0  }
0x3e: {  	[sflag:s19] =	ssyncadd.s32 $0xFFFFE000  }
0x3f: {  	[spmem:s14] =	stream.linear.scatter [tilespmem:s21], [sflag:$0x2], $0x2000, $0x38;
	[tilespmem:$0x1F000] =	vst v63  }
0x40: {  	_ =	swait.ge [sflag:s19], $0x2000  }
0x41: {  	[sflag:s19] =	ssyncset.done $0x0  }
0x42: {  	[sflag:s19] =	ssyncadd.s32 $0xFFFFE000  }
0x43: {  	[spmem:s15] =	stream.linear.scatter [tilespmem:s21], [sflag:$0x2], $0x2000, $0x38;
	[tilespmem:$0x1F000] =	vst v63  }
0x44: {  	_ =	swait.ge [sflag:s19], $0x2000  }
0x45: {  	[sflag:s19] =	ssyncset.done $0x0  }
0x46: {  	[sflag:s19] =	ssyncadd.s32 $0xFFFFE000  }
0x47: {  	[spmem:s16] =	stream.linear.scatter [tilespmem:s21], [sflag:$0x2], $0x2000, $0x38;
	[tilespmem:$0x1F000] =	vst v63  }
0x48: {  	_ =	swait.ge [sflag:s19], $0x2000  }
0x49: {  	[sflag:s19] =	ssyncset.done $0x0  }
0x4a: {  	[sflag:s19] =	ssyncadd.s32 $0xFFFFE000  }
0x4b: {  	[spmem:s17] =	stream.linear.scatter [tilespmem:s21], [sflag:$0x2], $0x2000, $0x38;
	[tilespmem:$0x1F000] =	vst v63  }
0x4c: {  	_ =	swait.ge [sflag:s19], $0x2000  }
0x4d: {  	[sflag:s19] =	ssyncset.done $0x0  }
0x4e: {  	[sflag:s19] =	ssyncadd.s32 $0xFFFFE000  }
0x4f: {  	[spmem:s18] =	stream.linear.scatter [tilespmem:s21], [sflag:$0x2], $0x2000, $0x38;
	[tilespmem:$0x1F000] =	vst v63  }
0x50: {  	_ =	swait.ge [sflag:s19], $0x2000  }
0x51: {  	[sflag:s19] =	ssyncset.done $0x0  }
0x52: {  	[sflag:s19] =	ssyncadd.s32 $0xFFFFE000  }
0x53: {  	s30 =	simm.s32 $0x0;
	[bflag:$0x0] =	sbarrier.arrive $0xFFFF  }
0x54: {  	[tilespmem:s23], [sflag:$0x1] =	stream.indirect.gather [hbm4b:s4+s22], $0x80, s30, s22, $0xb8;
	[tilespmem:$0x1F000] =	vst v63  }
0x55: {  	_ =	swait.ge [sflag:s24], $0x4000  }
0x56: {  	[sflag:s24] =	ssyncset.done $0x0  }
0x57: {  	s31 =	simm.s32 $0x2800;
	[sflag:s24] =	ssyncadd.s32 $0xFFFFC000  }
0x58: {  	[spmem:s2] =	stream.indirect.scatter.add.f32 [tilespmem:s23], [sflag:$0x2], $0x80, s31, s22, $0xb8;
	[tilespmem:$0x1F000] =	vst v63  }
0x59: {  	_ =	swait.ge [sflag:s19], $0x4000  }
0x5a: {  	s26 =	simm.s32 $0x200;
	s28 =	simm.s32 $0x400;
	[sflag:s19] =	ssyncset.done $0x0  }
.LBB2_4:
0x5b: {  	s29 =	sshra.s32 s26, $0x2  }
0x5c: {  	[sflag:s19] =	ssyncadd.s32 $0xFFFFC000;
	s26 =	smov.u32 s28;
	s30 =	sadd.s32 $0x200, s28  }
0x5d: {  	[tilespmem:s23], [sflag:$0x1] =	stream.indirect.gather [hbm4b:s4+s22], $0x80, s29, s22, $0xb8;
	[tilespmem:$0x1F000] =	vst v63  }
0x5e: {  	p0 =	sne.s32 s28, $0x9C00;
	_ =	swait.ge [sflag:s24], $0x4000  }
.Ltmp1:
0x5f: {  	[sflag:s24] =	ssyncset.done $0x0;
	(pc) =	sbr.rel @p0 .LBB2_4-.Ltmp1, $4  }
0x60: {  	s28 =	sadd.s32 $0x2800, s29;
	[sflag:s24] =	ssyncadd.s32 $0xFFFFC000  }
0x61: {  	[spmem:s2] =	stream.indirect.scatter.add.f32 [tilespmem:s23], [sflag:$0x2], $0x80, s28, s22, $0xb8;
	[tilespmem:$0x1F000] =	vst v63  }
0x62: {  	_ =	swait.ge [sflag:s19], $0x4000  }
0x63: {  	s28 =	smov.u32 s30;
	[sflag:s19] =	ssyncset.done $0x0  }
0x64: {  	s26 =	sshra.s32 s26, $0x2;
	[sflag:s19] =	ssyncadd.s32 $0xFFFFC000  }
0x65: {  	[tilespmem:s23], [sflag:$0x1] =	stream.indirect.gather [hbm4b:s4+s22], $0x80, s26, s22, $0xb8;
	[tilespmem:$0x1F000] =	vst v63  }
0x66: {  	_ =	swait.ge [sflag:s24], $0x4000  }
0x67: {  	[sflag:s24] =	ssyncset.done $0x0  }
0x68: {  	s26 =	sadd.s32 $0x2800, s26;
	[sflag:s24] =	ssyncadd.s32 $0xFFFFC000  }
0x69: {  	[spmem:s2] =	stream.indirect.scatter.add.f32 [tilespmem:s23], [sflag:$0x2], $0x80, s26, s22, $0xb8;
	[tilespmem:$0x1F000] =	vst v63  }
0x6a: {  	_ =	swait.ge [sflag:s19], $0x4000  }
0x6b: {  	s31 =	sshll.u32 s0, $0x6;
	s25 =	sadd.s32 $0x1, s25;
	[sflag:s19] =	ssyncset.done $0x0  }
0x6c: {  	s28 =	sshrl.u32 s7, $0x3;
	p0 =	sne.s32 s25, s9;
	[sflag:s19] =	ssyncadd.s32 $0xFFFFC000  }
.Ltmp2:
0x6d: {  	s26 =	sor.u32 $0x1C02, s31;
	[bflag:$0x0] =	sbarrier.arrive $0xFFFF;
	(pc) =	sbr.rel @p0 .LBB2_1-.Ltmp2, $4  }
0x6e: {  	[hbm:s8], [sflag:s26] =	dma.local [spmem:s28], $0x2800  }
0x6f: {  	_ =	swait.ge [sflag:s19], $0x2800  }
0x70: {  	[sflag:s19] =	ssyncset.done $0x0  }
0x71: {  	[sflag:s19] =	ssyncadd.s32 $0xFFFFD800  }
0x72: {  	_ =	sfence.sel $0x180000  }
0x73: {  	[bflag:$0x0] =	sbarrier.arrive $0xFFFF  }
0x74: {  	p0 =	sne.s32 s0, $0x0;
	_ =	strace $0x90000062  }
0x75: {  	s0 =	sadd.s32 @!p0 $0x100000, s1;
	[bflag:$0x2] =	sbarrier.arrive $0xFFFF  }
0x76: {  	[sflag:s0] =	ssyncadd.tile.s32 @!p0 $0x1;
	_ =	shalt  }
.Lfunc_end2:
_tile_overlayer_lowered:
.L_overlay_start_2:
0x77: {  	(tag) =	ssettag $0x2  }
0x78: {  	s0 =	rddreg [dreg:$0x0];
	s2 =	stileid.u32  }
0x79: {  	s1 =	rddreg [dreg:$0x1];
	p0 =	sne.s32 s2, $0x0  }
0x7a: {  	s3 =	rddreg [dreg:$0x2];
	[bflag:$0x3] =	sbarrier.arrive $0xFFFF;
	s2 =	simm.s32 @!p0 $0x1C02  }
0x7b: {  	[timem:s3], [sflag:s2] =	dma.local @!p0 [hbm:s0], s1  }
0x7c: {  	s0 =	simm.s32 @!p0 $0x2  }
0x7d: {  	_ =	swait.ge @!p0 [sflag:s0], s1  }
0x7e: {  	s1 =	ssub.s32 @!p0 $0x0, s1;
	[sflag:s0] =	ssyncset.done @!p0 $0x0  }
0x7f: {  	[sflag:s0] =	ssyncadd.s32 @!p0 s1  }
0x80: {  	[bflag:$0x3] =	sbarrier.arrive $0xFFFF  }
0x81: {  	_ =	shalt  }

</sc_bundles>
